<compile_context>
chip_gen: v7x
topology: tpu7x:2x2x1
jax: 0.10.2.dev20260603
libtpu: 0.0.44.dev20260713+nightly
codegen_flags: <defaults>
</compile_context>

<pallas_src>
import functools

import jax
import jax.numpy as jnp
from jax import lax
from jax.experimental import pallas as pl
from jax.experimental.pallas import tpu as pltpu
from jax.experimental.pallas import tpu_sc as plsc


def kernel(tokens, wte_weight, learned_embedding):
    B, S = tokens.shape
    V, D = wte_weight.shape
    NT = learned_embedding.shape[0]
    G = S - NT
    GP = (G + 7) // 8 * 8

    info = plsc.get_sparse_core_info()
    NC, NS = info.num_cores, info.num_subcores
    NW = NC * NS
    RPW = B // NW

    C0 = (G // 2 + 7) // 8 * 8
    C1 = G - C0

    NBUF = 4
    LOOK = 2

    ids = jnp.pad(tokens[:, NT:].astype(jnp.int32), ((0, 0), (0, GP - G)))
    ids = ids.reshape(B * GP)

    mesh = plsc.VectorSubcoreMesh(core_axis_name="c", subcore_axis_name="s")

    @functools.partial(
        pl.kernel,
        mesh=mesh,
        out_type=jax.ShapeDtypeStruct((B * S, D), jnp.float32),
        scratch_types=[
            pltpu.VMEM((RPW * GP,), jnp.int32),
            pltpu.VMEM((NBUF, S, D), jnp.float32),
            pltpu.SemaphoreType.DMA((NBUF,)),
            pltpu.SemaphoreType.DMA((NBUF,)),
            pltpu.SemaphoreType.DMA,
        ],
    )
    def sc_embed(ids_hbm, wte_hbm, lrn_hbm, out_hbm, ids_v, rows_v, gsem,
                 osem, lsem):
        wid = lax.axis_index("s") * NC + lax.axis_index("c")
        base = wid * RPW
        pltpu.sync_copy(ids_hbm.at[pl.ds(base * GP, RPW * GP)], ids_v)
        lrn_copies = [
            pltpu.make_async_copy(lrn_hbm, rows_v.at[p, pl.ds(0, NT)], lsem)
            for p in range(NBUF)
        ]

        def gathers(r, p):
            i0 = r * GP
            return (
                pltpu.make_async_copy(
                    wte_hbm.at[ids_v.at[pl.ds(i0, C0)]],
                    rows_v.at[p, pl.ds(NT, C0)], gsem.at[p]),
                pltpu.make_async_copy(
                    wte_hbm.at[ids_v.at[pl.ds(i0 + C0, C1)]],
                    rows_v.at[p, pl.ds(NT + C0, C1)], gsem.at[p]),
            )

        def out_copy(r, p):
            return pltpu.make_async_copy(
                rows_v.at[p], out_hbm.at[pl.ds((base + r) * S, S)],
                osem.at[p])

        for c in lrn_copies:
            c.start()
        for r in range(LOOK):
            for g in gathers(r, r % NBUF):
                g.start()
        for r in range(RPW):
            p = r % NBUF
            for g in gathers(r, p):
                g.wait()
            if r < NBUF:
                lrn_copies[p].wait()
            out_copy(r, p).start()
            if r - (NBUF - LOOK) >= 0:
                out_copy(r - (NBUF - LOOK), (r + LOOK) % NBUF).wait()
            if r + LOOK < RPW:
                for g in gathers(r + LOOK, (r + LOOK) % NBUF):
                    g.start()
        for r in range(RPW - (NBUF - LOOK), RPW):
            out_copy(r, r % NBUF).wait()

    out = sc_embed(ids, wte_weight, learned_embedding)
    return out.reshape(B, S, D)

# --- scband reference (transcript-rebuilt; emitter-appended) ---
"""Pipeline reference for scband-soft-prompt-embedder-82884278878930 (READ-ONLY COPY).

The authoritative reference and input builder live on the scoring server;
editing this copy changes nothing except your own understanding.
"""

import jax, jax.numpy as jnp
import numpy as np

VOCAB = 100000
EMBED_DIM = 128
N_TOKENS = 10
BATCH = 1024
SEQ = 200


def setup_inputs(seed: int = 0) -> dict:
    key = jax.random.key(seed)
    k_tok, k_wte = jax.random.split(key)
    tokens = jax.random.randint(k_tok, (BATCH, SEQ), 0, VOCAB)
    wte_weight = jax.random.normal(k_wte, (VOCAB, EMBED_DIM), dtype=jnp.float32)
    # initialize_from_vocab=True: learned embedding is a detached copy of first n_tokens rows
    learned_embedding = wte_weight[:N_TOKENS]
    return {"tokens": tokens, "wte_weight": wte_weight, "learned_embedding": learned_embedding}


def reference(tokens, wte_weight, learned_embedding):
    # tokens: int[B, S] with S >= n_tokens and ndim == 2, so we take the main branch
    input_embedding = jnp.take(wte_weight, tokens[:, N_TOKENS:], axis=0)  # [B, S - n_tokens, D]
    b = input_embedding.shape[0]
    learned = jnp.broadcast_to(learned_embedding[None, :, :], (b, N_TOKENS, EMBED_DIM))
    return jnp.concatenate([learned, input_embedding], axis=1)  # [B, S, D]

if __name__ == "__main__":
    import jax
    _d = setup_inputs()
    print(jax.jit(kernel)(*tuple(_d.values())))

</pallas_src>

<mosaic_0001>
#map = affine_map<(d0, d1) -> (0)>
#map1 = affine_map<(d0, d1) -> (0, 0)>
module attributes {stable_mosaic.version = 14 : i64} {
  func.func @sc_embed(%arg0: i32, %arg1: i32, %arg2: memref<196608xi32, #tpu.memory_space<hbm>>, %arg3: memref<100000x128xf32, #tpu.memory_space<hbm>>, %arg4: memref<10x128xf32, #tpu.memory_space<hbm>>, %arg5: memref<204800x128xf32, #tpu.memory_space<hbm>>, %arg6: memref<6144xi32, #tpu.memory_space<vmem>>, %arg7: memref<4x200x128xf32, #tpu.memory_space<vmem>>, %arg8: memref<4x!tpu.dma_semaphore, #tpu.memory_space<semaphore_mem>>, %arg9: memref<4x!tpu.dma_semaphore, #tpu.memory_space<semaphore_mem>>, %arg10: memref<!tpu.dma_semaphore, #tpu.memory_space<semaphore_mem>>) attributes {dimension_semantics = [#tpu.dimension_semantics<core_parallel>, #tpu.dimension_semantics<subcore_parallel>], iteration_bounds = array<i64: 2, 16>, scalar_prefetch = 0 : i64, scratch_operands = 5 : i64, tpu.core_type = #tpu.core_type<sc_vector_subcore>, window_params = [{transform_indices = #map}, {transform_indices = #map1}, {transform_indices = #map1}, {transform_indices = #map1}]} {
    %mul3A = arith.constant 2 : i32
    %mul3A_0 = arith.muli %arg1, %mul3A : i32
    %add3A = arith.addi %mul3A_0, %arg0 : i32
    %mul3A_1 = arith.constant 32 : i32
    %mul3A_2 = arith.muli %add3A, %mul3A_1 : i32
    %mul3A_3 = arith.constant 192 : i32
    %mul3A_4 = arith.muli %mul3A_2, %mul3A_3 : i32
    "tpu.region"() ({
      %run_scoped3A = tpu.sem_alloc : memref<!tpu.dma_semaphore, #tpu.memory_space<semaphore_mem>>
      %dma_start3A_3019 = tpu.memref_slice %arg2[%mul3A_4] : memref<196608xi32, #tpu.memory_space<hbm>> -> memref<6144xi32, #tpu.memory_space<hbm>>
      %dma_start3A_3020 = tpu.memref_slice %arg2[%mul3A_4] : memref<196608xi32, #tpu.memory_space<hbm>> -> memref<6144xi32, #tpu.memory_space<hbm>>
      tpu.enqueue_dma source(%dma_start3A_3020 : memref<6144xi32, #tpu.memory_space<hbm>>) target(%arg6 : memref<6144xi32, #tpu.memory_space<vmem>>) target_semaphore(%run_scoped3A : memref<!tpu.dma_semaphore, #tpu.memory_space<semaphore_mem>>)
      %dma_wait3A_3021 = tpu.memref_slice %arg2[%mul3A_4] : memref<196608xi32, #tpu.memory_space<hbm>> -> memref<6144xi32, #tpu.memory_space<hbm>>
      %dma_wait3A_3022 = tpu.memref_slice %arg2[%mul3A_4] : memref<196608xi32, #tpu.memory_space<hbm>> -> memref<6144xi32, #tpu.memory_space<hbm>>
      tpu.wait_dma2 semaphore(%run_scoped3A : memref<!tpu.dma_semaphore, #tpu.memory_space<semaphore_mem>>) src(%dma_wait3A_3022 : memref<6144xi32, #tpu.memory_space<hbm>>) dst(%arg6 : memref<6144xi32, #tpu.memory_space<vmem>>)
      tpu.yield
    }) : () -> ()
    %dma_start3A = arith.constant 0 : i32
    %dma_start3A_5 = arith.constant 0 : i32
    %dma_start3A_6 = arith.constant 0 : i32
    %dma_start3A_7 = tpu.memref_slice %arg7[%dma_start3A, %dma_start3A_5, %dma_start3A_6] : memref<4x200x128xf32, #tpu.memory_space<vmem>> -> memref<1x10x128xf32, #tpu.memory_space<vmem>>
    %dma_start3A_8 = tpu.memref_squeeze %dma_start3A_7 : memref<1x10x128xf32, #tpu.memory_space<vmem>> -> memref<10x128xf32, #tpu.memory_space<vmem>>
    %dma_start3A_9 = arith.constant 0 : i32
    %dma_start3A_10 = arith.constant 0 : i32
    %dma_start3A_11 = tpu.memref_slice %arg7[%dma_start3A, %dma_start3A_9, %dma_start3A_10] : memref<4x200x128xf32, #tpu.memory_space<vmem>> -> memref<1x10x128xf32, #tpu.memory_space<vmem>>
    %dma_start3A_12 = tpu.memref_squeeze %dma_start3A_11 : memref<1x10x128xf32, #tpu.memory_space<vmem>> -> memref<10x128xf32, #tpu.memory_space<vmem>>
    tpu.enqueue_dma source(%arg4 : memref<10x128xf32, #tpu.memory_space<hbm>>) target(%dma_start3A_12 : memref<10x128xf32, #tpu.memory_space<vmem>>) target_semaphore(%arg10 : memref<!tpu.dma_semaphore, #tpu.memory_space<semaphore_mem>>)
    %dma_start3A_13 = arith.constant 1 : i32
    %dma_start3A_14 = arith.constant 0 : i32
    %dma_start3A_15 = arith.constant 0 : i32
    %dma_start3A_16 = tpu.memref_slice %arg7[%dma_start3A_13, %dma_start3A_14, %dma_start3A_15] : memref<4x200x128xf32, #tpu.memory_space<vmem>> -> memref<1x10x128xf32, #tpu.memory_space<vmem>>
    %dma_start3A_17 = tpu.memref_squeeze %dma_start3A_16 : memref<1x10x128xf32, #tpu.memory_space<vmem>> -> memref<10x128xf32, #tpu.memory_space<vmem>>
    %dma_start3A_18 = arith.constant 0 : i32
    %dma_start3A_19 = arith.constant 0 : i32
    %dma_start3A_20 = tpu.memref_slice %arg7[%dma_start3A_13, %dma_start3A_18, %dma_start3A_19] : memref<4x200x128xf32, #tpu.memory_space<vmem>> -> memref<1x10x128xf32, #tpu.memory_space<vmem>>
    %dma_start3A_21 = tpu.memref_squeeze %dma_start3A_20 : memref<1x10x128xf32, #tpu.memory_space<vmem>> -> memref<10x128xf32, #tpu.memory_space<vmem>>
    tpu.enqueue_dma source(%arg4 : memref<10x128xf32, #tpu.memory_space<hbm>>) target(%dma_start3A_21 : memref<10x128xf32, #tpu.memory_space<vmem>>) target_semaphore(%arg10 : memref<!tpu.dma_semaphore, #tpu.memory_space<semaphore_mem>>)
    %dma_start3A_22 = arith.constant 2 : i32
    %dma_start3A_23 = arith.constant 0 : i32
    %dma_start3A_24 = arith.constant 0 : i32
    %dma_start3A_25 = tpu.memref_slice %arg7[%dma_start3A_22, %dma_start3A_23, %dma_start3A_24] : memref<4x200x128xf32, #tpu.memory_space<vmem>> -> memref<1x10x128xf32, #tpu.memory_space<vmem>>
    %dma_start3A_26 = tpu.memref_squeeze %dma_start3A_25 : memref<1x10x128xf32, #tpu.memory_space<vmem>> -> memref<10x128xf32, #tpu.memory_space<vmem>>
    %dma_start3A_27 = arith.constant 0 : i32
    %dma_start3A_28 = arith.constant 0 : i32
    %dma_start3A_29 = tpu.memref_slice %arg7[%dma_start3A_22, %dma_start3A_27, %dma_start3A_28] : memref<4x200x128xf32, #tpu.memory_space<vmem>> -> memref<1x10x128xf32, #tpu.memory_space<vmem>>
    %dma_start3A_30 = tpu.memref_squeeze %dma_start3A_29 : memref<1x10x128xf32, #tpu.memory_space<vmem>> -> memref<10x128xf32, #tpu.memory_space<vmem>>
    tpu.enqueue_dma source(%arg4 : memref<10x128xf32, #tpu.memory_space<hbm>>) target(%dma_start3A_30 : memref<10x128xf32, #tpu.memory_space<vmem>>) target_semaphore(%arg10 : memref<!tpu.dma_semaphore, #tpu.memory_space<semaphore_mem>>)
    %dma_start3A_31 = arith.constant 3 : i32
    %dma_start3A_32 = arith.constant 0 : i32
    %dma_start3A_33 = arith.constant 0 : i32
    %dma_start3A_34 = tpu.memref_slice %arg7[%dma_start3A_31, %dma_start3A_32, %dma_start3A_33] : memref<4x200x128xf32, #tpu.memory_space<vmem>> -> memref<1x10x128xf32, #tpu.memory_space<vmem>>
    %dma_start3A_35 = tpu.memref_squeeze %dma_start3A_34 : memref<1x10x128xf32, #tpu.memory_space<vmem>> -> memref<10x128xf32, #tpu.memory_space<vmem>>
    %dma_start3A_36 = arith.constant 0 : i32
    %dma_start3A_37 = arith.constant 0 : i32
    %dma_start3A_38 = tpu.memref_slice %arg7[%dma_start3A_31, %dma_start3A_36, %dma_start3A_37] : memref<4x200x128xf32, #tpu.memory_space<vmem>> -> memref<1x10x128xf32, #tpu.memory_space<vmem>>
    %dma_start3A_39 = tpu.memref_squeeze %dma_start3A_38 : memref<1x10x128xf32, #tpu.memory_space<vmem>> -> memref<10x128xf32, #tpu.memory_space<vmem>>
    tpu.enqueue_dma source(%arg4 : memref<10x128xf32, #tpu.memory_space<hbm>>) target(%dma_start3A_39 : memref<10x128xf32, #tpu.memory_space<vmem>>) target_semaphore(%arg10 : memref<!tpu.dma_semaphore, #tpu.memory_space<semaphore_mem>>)
    %dma_start3A_40 = arith.constant 0 : i32
    %dma_start3A_41 = arith.constant 0 : i32
    %dma_start3A_42 = arith.constant 10 : i32
    %dma_start3A_43 = arith.constant 0 : i32
    %dma_start3A_44 = tpu.memref_slice %arg7[%dma_start3A_40, %dma_start3A_42, %dma_start3A_43] : memref<4x200x128xf32, #tpu.memory_space<vmem>> -> memref<1x96x128xf32, #tpu.memory_space<vmem>>
    %dma_start3A_45 = tpu.memref_squeeze %dma_start3A_44 : memref<1x96x128xf32, #tpu.memory_space<vmem>> -> memref<96x128xf32, #tpu.memory_space<vmem>>
    %dma_start3A_46 = arith.constant 0 : i32
    %dma_start3A_47 = tpu.memref_slice %arg6[%dma_start3A_46] : memref<6144xi32, #tpu.memory_space<vmem>> -> memref<96xi32, #tpu.memory_space<vmem>>
    %dma_start3A_48 = arith.constant 0 : i32
    %dma_start3A_49 = arith.constant 0 : i32
    %dma_start3A_50 = tpu.memref_slice %arg3[%dma_start3A_48, %dma_start3A_49] : memref<100000x128xf32, #tpu.memory_space<hbm>> -> memref<100000x128xf32, #tpu.memory_space<hbm>>
    %dma_start3A_51 = tpu.memref_slice %arg8[%dma_start3A_41] : memref<4x!tpu.dma_semaphore, #tpu.memory_space<semaphore_mem>> -> memref<1x!tpu.dma_semaphore, #tpu.memory_space<semaphore_mem>>
    %dma_start3A_52 = tpu.memref_squeeze %dma_start3A_51 : memref<1x!tpu.dma_semaphore, #tpu.memory_space<semaphore_mem>> -> memref<!tpu.dma_semaphore, #tpu.memory_space<semaphore_mem>>
    tpu.enqueue_indirect_dma source(%dma_start3A_50 : memref<100000x128xf32, #tpu.memory_space<hbm>>) target(%dma_start3A_45 : memref<96x128xf32, #tpu.memory_space<vmem>>) offsets(%dma_start3A_47 : memref<96xi32, #tpu.memory_space<vmem>>) semaphore(%dma_start3A_52 : memref<!tpu.dma_semaphore, #tpu.memory_space<semaphore_mem>>)
    %dma_start3A_53 = arith.constant 0 : i32
    %dma_start3A_54 = arith.constant 0 : i32
    %dma_start3A_55 = arith.constant 106 : i32
    %dma_start3A_56 = arith.constant 0 : i32
    %dma_start3A_57 = tpu.memref_slice %arg7[%dma_start3A_53, %dma_start3A_55, %dma_start3A_56] : memref<4x200x128xf32, #tpu.memory_space<vmem>> -> memref<1x94x128xf32, #tpu.memory_space<vmem>>
    %dma_start3A_58 = tpu.memref_squeeze %dma_start3A_57 : memref<1x94x128xf32, #tpu.memory_space<vmem>> -> memref<94x128xf32, #tpu.memory_space<vmem>>
    %dma_start3A_59 = arith.constant 96 : i32
    %dma_start3A_60 = tpu.memref_slice %arg6[%dma_start3A_59] : memref<6144xi32, #tpu.memory_space<vmem>> -> memref<94xi32, #tpu.memory_space<vmem>>
    %dma_start3A_61 = arith.constant 0 : i32
    %dma_start3A_62 = arith.constant 0 : i32
    %dma_start3A_63 = tpu.memref_slice %arg3[%dma_start3A_61, %dma_start3A_62] : memref<100000x128xf32, #tpu.memory_space<hbm>> -> memref<100000x128xf32, #tpu.memory_space<hbm>>
    %dma_start3A_64 = tpu.memref_slice %arg8[%dma_start3A_54] : memref<4x!tpu.dma_semaphore, #tpu.memory_space<semaphore_mem>> -> memref<1x!tpu.dma_semaphore, #tpu.memory_space<semaphore_mem>>
    %dma_start3A_65 = tpu.memref_squeeze %dma_start3A_64 : memref<1x!tpu.dma_semaphore, #tpu.memory_space<semaphore_mem>> -> memref<!tpu.dma_semaphore, #tpu.memory_space<semaphore_mem>>
    tpu.enqueue_indirect_dma source(%dma_start3A_63 : memref<100000x128xf32, #tpu.memory_space<hbm>>) target(%dma_start3A_58 : memref<94x128xf32, #tpu.memory_space<vmem>>) offsets(%dma_start3A_60 : memref<94xi32, #tpu.memory_space<vmem>>) semaphore(%dma_start3A_65 : memref<!tpu.dma_semaphore, #tpu.memory_space<semaphore_mem>>)
    %dma_start3A_66 = arith.constant 1 : i32
    %dma_start3A_67 = arith.constant 1 : i32
    %dma_start3A_68 = arith.constant 10 : i32
    %dma_start3A_69 = arith.constant 0 : i32
    %dma_start3A_70 = tpu.memref_slice %arg7[%dma_start3A_66, %dma_start3A_68, %dma_start3A_69] : memref<4x200x128xf32, #tpu.memory_space<vmem>> -> memref<1x96x128xf32, #tpu.memory_space<vmem>>
    %dma_start3A_71 = tpu.memref_squeeze %dma_start3A_70 : memref<1x96x128xf32, #tpu.memory_space<vmem>> -> memref<96x128xf32, #tpu.memory_space<vmem>>
    %dma_start3A_72 = arith.constant 192 : i32
    %dma_start3A_73 = tpu.memref_slice %arg6[%dma_start3A_72] : memref<6144xi32, #tpu.memory_space<vmem>> -> memref<96xi32, #tpu.memory_space<vmem>>
    %dma_start3A_74 = arith.constant 0 : i32
    %dma_start3A_75 = arith.constant 0 : i32
    %dma_start3A_76 = tpu.memref_slice %arg3[%dma_start3A_74, %dma_start3A_75] : memref<100000x128xf32, #tpu.memory_space<hbm>> -> memref<100000x128xf32, #tpu.memory_space<hbm>>
    %dma_start3A_77 = tpu.memref_slice %arg8[%dma_start3A_67] : memref<4x!tpu.dma_semaphore, #tpu.memory_space<semaphore_mem>> -> memref<1x!tpu.dma_semaphore, #tpu.memory_space<semaphore_mem>>
    %dma_start3A_78 = tpu.memref_squeeze %dma_start3A_77 : memref<1x!tpu.dma_semaphore, #tpu.memory_space<semaphore_mem>> -> memref<!tpu.dma_semaphore, #tpu.memory_space<semaphore_mem>>
    tpu.enqueue_indirect_dma source(%dma_start3A_76 : memref<100000x128xf32, #tpu.memory_space<hbm>>) target(%dma_start3A_71 : memref<96x128xf32, #tpu.memory_space<vmem>>) offsets(%dma_start3A_73 : memref<96xi32, #tpu.memory_space<vmem>>) semaphore(%dma_start3A_78 : memref<!tpu.dma_semaphore, #tpu.memory_space<semaphore_mem>>)
    %dma_start3A_79 = arith.constant 1 : i32
    %dma_start3A_80 = arith.constant 1 : i32
    %dma_start3A_81 = arith.constant 106 : i32
    %dma_start3A_82 = arith.constant 0 : i32
    %dma_start3A_83 = tpu.memref_slice %arg7[%dma_start3A_79, %dma_start3A_81, %dma_start3A_82] : memref<4x200x128xf32, #tpu.memory_space<vmem>> -> memref<1x94x128xf32, #tpu.memory_space<vmem>>
    %dma_start3A_84 = tpu.memref_squeeze %dma_start3A_83 : memref<1x94x128xf32, #tpu.memory_space<vmem>> -> memref<94x128xf32, #tpu.memory_space<vmem>>
    %dma_start3A_85 = arith.constant 288 : i32
    %dma_start3A_86 = tpu.memref_slice %arg6[%dma_start3A_85] : memref<6144xi32, #tpu.memory_space<vmem>> -> memref<94xi32, #tpu.memory_space<vmem>>
    %dma_start3A_87 = arith.constant 0 : i32
    %dma_start3A_88 = arith.constant 0 : i32
    %dma_start3A_89 = tpu.memref_slice %arg3[%dma_start3A_87, %dma_start3A_88] : memref<100000x128xf32, #tpu.memory_space<hbm>> -> memref<100000x128xf32, #tpu.memory_space<hbm>>
    %dma_start3A_90 = tpu.memref_slice %arg8[%dma_start3A_80] : memref<4x!tpu.dma_semaphore, #tpu.memory_space<semaphore_mem>> -> memref<1x!tpu.dma_semaphore, #tpu.memory_space<semaphore_mem>>
    %dma_start3A_91 = tpu.memref_squeeze %dma_start3A_90 : memref<1x!tpu.dma_semaphore, #tpu.memory_space<semaphore_mem>> -> memref<!tpu.dma_semaphore, #tpu.memory_space<semaphore_mem>>
    tpu.enqueue_indirect_dma source(%dma_start3A_89 : memref<100000x128xf32, #tpu.memory_space<hbm>>) target(%dma_start3A_84 : memref<94x128xf32, #tpu.memory_space<vmem>>) offsets(%dma_start3A_86 : memref<94xi32, #tpu.memory_space<vmem>>) semaphore(%dma_start3A_91 : memref<!tpu.dma_semaphore, #tpu.memory_space<semaphore_mem>>)
    %dma_wait3A = arith.constant 0 : i32
    %dma_wait3A_92 = arith.constant 0 : i32
    %dma_wait3A_93 = arith.constant 10 : i32
    %dma_wait3A_94 = arith.constant 0 : i32
    %dma_wait3A_95 = tpu.memref_slice %arg7[%dma_wait3A, %dma_wait3A_93, %dma_wait3A_94] : memref<4x200x128xf32, #tpu.memory_space<vmem>> -> memref<1x96x128xf32, #tpu.memory_space<vmem>>
    %dma_wait3A_96 = tpu.memref_squeeze %dma_wait3A_95 : memref<1x96x128xf32, #tpu.memory_space<vmem>> -> memref<96x128xf32, #tpu.memory_space<vmem>>
    %dma_wait3A_97 = arith.constant 0 : i32
    %dma_wait3A_98 = tpu.memref_slice %arg6[%dma_wait3A_97] : memref<6144xi32, #tpu.memory_space<vmem>> -> memref<96xi32, #tpu.memory_space<vmem>>
    %dma_wait3A_99 = arith.constant 0 : i32
    %dma_wait3A_100 = arith.constant 0 : i32
    %dma_wait3A_101 = tpu.memref_slice %arg3[%dma_wait3A_99, %dma_wait3A_100] : memref<100000x128xf32, #tpu.memory_space<hbm>> -> memref<100000x128xf32, #tpu.memory_space<hbm>>
    %dma_wait3A_102 = tpu.memref_slice %arg8[%dma_wait3A_92] : memref<4x!tpu.dma_semaphore, #tpu.memory_space<semaphore_mem>> -> memref<1x!tpu.dma_semaphore, #tpu.memory_space<semaphore_mem>>
    %dma_wait3A_103 = tpu.memref_squeeze %dma_wait3A_102 : memref<1x!tpu.dma_semaphore, #tpu.memory_space<semaphore_mem>> -> memref<!tpu.dma_semaphore, #tpu.memory_space<semaphore_mem>>
    tpu.wait_indirect_dma semaphore(%dma_wait3A_103 : memref<!tpu.dma_semaphore, #tpu.memory_space<semaphore_mem>>) src(%dma_wait3A_101 : memref<100000x128xf32, #tpu.memory_space<hbm>>) dst(%dma_wait3A_96 : memref<96x128xf32, #tpu.memory_space<vmem>>)
    %dma_wait3A_104 = arith.constant 0 : i32
    %dma_wait3A_105 = arith.constant 0 : i32
    %dma_wait3A_106 = arith.constant 106 : i32
    %dma_wait3A_107 = arith.constant 0 : i32
    %dma_wait3A_108 = tpu.memref_slice %arg7[%dma_wait3A_104, %dma_wait3A_106, %dma_wait3A_107] : memref<4x200x128xf32, #tpu.memory_space<vmem>> -> memref<1x94x128xf32, #tpu.memory_space<vmem>>
    %dma_wait3A_109 = tpu.memref_squeeze %dma_wait3A_108 : memref<1x94x128xf32, #tpu.memory_space<vmem>> -> memref<94x128xf32, #tpu.memory_space<vmem>>
    %dma_wait3A_110 = arith.constant 96 : i32
    %dma_wait3A_111 = tpu.memref_slice %arg6[%dma_wait3A_110] : memref<6144xi32, #tpu.memory_space<vmem>> -> memref<94xi32, #tpu.memory_space<vmem>>
    %dma_wait3A_112 = arith.constant 0 : i32
    %dma_wait3A_113 = arith.constant 0 : i32
    %dma_wait3A_114 = tpu.memref_slice %arg3[%dma_wait3A_112, %dma_wait3A_113] : memref<100000x128xf32, #tpu.memory_space<hbm>> -> memref<100000x128xf32, #tpu.memory_space<hbm>>
    %dma_wait3A_115 = tpu.memref_slice %arg8[%dma_wait3A_105] : memref<4x!tpu.dma_semaphore, #tpu.memory_space<semaphore_mem>> -> memref<1x!tpu.dma_semaphore, #tpu.memory_space<semaphore_mem>>
    %dma_wait3A_116 = tpu.memref_squeeze %dma_wait3A_115 : memref<1x!tpu.dma_semaphore, #tpu.memory_space<semaphore_mem>> -> memref<!tpu.dma_semaphore, #tpu.memory_space<semaphore_mem>>
    tpu.wait_indirect_dma semaphore(%dma_wait3A_116 : memref<!tpu.dma_semaphore, #tpu.memory_space<semaphore_mem>>) src(%dma_wait3A_114 : memref<100000x128xf32, #tpu.memory_space<hbm>>) dst(%dma_wait3A_109 : memref<94x128xf32, #tpu.memory_space<vmem>>)
    %dma_wait3A_117 = arith.constant 0 : i32
    %dma_wait3A_118 = arith.constant 0 : i32
    %dma_wait3A_119 = arith.constant 0 : i32
    %dma_wait3A_120 = tpu.memref_slice %arg7[%dma_wait3A_117, %dma_wait3A_118, %dma_wait3A_119] : memref<4x200x128xf32, #tpu.memory_space<vmem>> -> memref<1x10x128xf32, #tpu.memory_space<vmem>>
    %dma_wait3A_121 = tpu.memref_squeeze %dma_wait3A_120 : memref<1x10x128xf32, #tpu.memory_space<vmem>> -> memref<10x128xf32, #tpu.memory_space<vmem>>
    %dma_wait3A_122 = arith.constant 0 : i32
    %dma_wait3A_123 = arith.constant 0 : i32
    %dma_wait3A_124 = tpu.memref_slice %arg7[%dma_wait3A_117, %dma_wait3A_122, %dma_wait3A_123] : memref<4x200x128xf32, #tpu.memory_space<vmem>> -> memref<1x10x128xf32, #tpu.memory_space<vmem>>
    %dma_wait3A_125 = tpu.memref_squeeze %dma_wait3A_124 : memref<1x10x128xf32, #tpu.memory_space<vmem>> -> memref<10x128xf32, #tpu.memory_space<vmem>>
    tpu.wait_dma2 semaphore(%arg10 : memref<!tpu.dma_semaphore, #tpu.memory_space<semaphore_mem>>) src(%arg4 : memref<10x128xf32, #tpu.memory_space<hbm>>) dst(%dma_wait3A_125 : memref<10x128xf32, #tpu.memory_space<vmem>>)
    %add3A_126 = arith.constant 0 : i32
    %add3A_127 = arith.addi %mul3A_2, %add3A_126 : i32
    %mul3A_128 = arith.constant 200 : i32
    %mul3A_129 = arith.muli %add3A_127, %mul3A_128 : i32
    %dma_start3A_130 = arith.constant 0 : i32
    %dma_start3A_131 = arith.constant 0 : i32
    %dma_start3A_132 = arith.constant 0 : i32
    %dma_start3A_133 = arith.constant 0 : i32
    %dma_start3A_134 = tpu.memref_slice %arg7[%dma_start3A_130, %dma_start3A_132, %dma_start3A_133] : memref<4x200x128xf32, #tpu.memory_space<vmem>> -> memref<1x200x128xf32, #tpu.memory_space<vmem>>
    %dma_start3A_135 = tpu.memref_squeeze %dma_start3A_134 : memref<1x200x128xf32, #tpu.memory_space<vmem>> -> memref<200x128xf32, #tpu.memory_space<vmem>>
    %dma_start3A_136 = arith.constant 0 : i32
    %dma_start3A_137 = tpu.memref_slice %arg5[%mul3A_129, %dma_start3A_136] : memref<204800x128xf32, #tpu.memory_space<hbm>> -> memref<200x128xf32, #tpu.memory_space<hbm>>
    %dma_start3A_138 = tpu.memref_slice %arg9[%dma_start3A_131] : memref<4x!tpu.dma_semaphore, #tpu.memory_space<semaphore_mem>> -> memref<1x!tpu.dma_semaphore, #tpu.memory_space<semaphore_mem>>
    %dma_start3A_139 = tpu.memref_squeeze %dma_start3A_138 : memref<1x!tpu.dma_semaphore, #tpu.memory_space<semaphore_mem>> -> memref<!tpu.dma_semaphore, #tpu.memory_space<semaphore_mem>>
    %dma_start3A_140 = arith.constant 0 : i32
    %dma_start3A_141 = tpu.memref_slice %arg5[%mul3A_129, %dma_start3A_140] : memref<204800x128xf32, #tpu.memory_space<hbm>> -> memref<200x128xf32, #tpu.memory_space<hbm>>
    %dma_start3A_142 = arith.constant 0 : i32
    %dma_start3A_143 = arith.constant 0 : i32
    %dma_start3A_144 = tpu.memref_slice %arg7[%dma_start3A_130, %dma_start3A_142, %dma_start3A_143] : memref<4x200x128xf32, #tpu.memory_space<vmem>> -> memref<1x200x128xf32, #tpu.memory_space<vmem>>
    %dma_start3A_145 = tpu.memref_squeeze %dma_start3A_144 : memref<1x200x128xf32, #tpu.memory_space<vmem>> -> memref<200x128xf32, #tpu.memory_space<vmem>>
    tpu.enqueue_dma source(%dma_start3A_145 : memref<200x128xf32, #tpu.memory_space<vmem>>) target(%dma_start3A_141 : memref<200x128xf32, #tpu.memory_space<hbm>>) target_semaphore(%dma_start3A_139 : memref<!tpu.dma_semaphore, #tpu.memory_space<semaphore_mem>>)
    %dma_start3A_146 = arith.constant 2 : i32
    %dma_start3A_147 = arith.constant 2 : i32
    %dma_start3A_148 = arith.constant 10 : i32
    %dma_start3A_149 = arith.constant 0 : i32
    %dma_start3A_150 = tpu.memref_slice %arg7[%dma_start3A_146, %dma_start3A_148, %dma_start3A_149] : memref<4x200x128xf32, #tpu.memory_space<vmem>> -> memref<1x96x128xf32, #tpu.memory_space<vmem>>
    %dma_start3A_151 = tpu.memref_squeeze %dma_start3A_150 : memref<1x96x128xf32, #tpu.memory_space<vmem>> -> memref<96x128xf32, #tpu.memory_space<vmem>>
    %dma_start3A_152 = arith.constant 384 : i32
    %dma_start3A_153 = tpu.memref_slice %arg6[%dma_start3A_152] : memref<6144xi32, #tpu.memory_space<vmem>> -> memref<96xi32, #tpu.memory_space<vmem>>
    %dma_start3A_154 = arith.constant 0 : i32
    %dma_start3A_155 = arith.constant 0 : i32
    %dma_start3A_156 = tpu.memref_slice %arg3[%dma_start3A_154, %dma_start3A_155] : memref<100000x128xf32, #tpu.memory_space<hbm>> -> memref<100000x128xf32, #tpu.memory_space<hbm>>
    %dma_start3A_157 = tpu.memref_slice %arg8[%dma_start3A_147] : memref<4x!tpu.dma_semaphore, #tpu.memory_space<semaphore_mem>> -> memref<1x!tpu.dma_semaphore, #tpu.memory_space<semaphore_mem>>
    %dma_start3A_158 = tpu.memref_squeeze %dma_start3A_157 : memref<1x!tpu.dma_semaphore, #tpu.memory_space<semaphore_mem>> -> memref<!tpu.dma_semaphore, #tpu.memory_space<semaphore_mem>>
    tpu.enqueue_indirect_dma source(%dma_start3A_156 : memref<100000x128xf32, #tpu.memory_space<hbm>>) target(%dma_start3A_151 : memref<96x128xf32, #tpu.memory_space<vmem>>) offsets(%dma_start3A_153 : memref<96xi32, #tpu.memory_space<vmem>>) semaphore(%dma_start3A_158 : memref<!tpu.dma_semaphore, #tpu.memory_space<semaphore_mem>>)
    %dma_start3A_159 = arith.constant 2 : i32
    %dma_start3A_160 = arith.constant 2 : i32
    %dma_start3A_161 = arith.constant 106 : i32
    %dma_start3A_162 = arith.constant 0 : i32
    %dma_start3A_163 = tpu.memref_slice %arg7[%dma_start3A_159, %dma_start3A_161, %dma_start3A_162] : memref<4x200x128xf32, #tpu.memory_space<vmem>> -> memref<1x94x128xf32, #tpu.memory_space<vmem>>
    %dma_start3A_164 = tpu.memref_squeeze %dma_start3A_163 : memref<1x94x128xf32, #tpu.memory_space<vmem>> -> memref<94x128xf32, #tpu.memory_space<vmem>>
    %dma_start3A_165 = arith.constant 480 : i32
    %dma_start3A_166 = tpu.memref_slice %arg6[%dma_start3A_165] : memref<6144xi32, #tpu.memory_space<vmem>> -> memref<94xi32, #tpu.memory_space<vmem>>
    %dma_start3A_167 = arith.constant 0 : i32
    %dma_start3A_168 = arith.constant 0 : i32
    %dma_start3A_169 = tpu.memref_slice %arg3[%dma_start3A_167, %dma_start3A_168] : memref<100000x128xf32, #tpu.memory_space<hbm>> -> memref<100000x128xf32, #tpu.memory_space<hbm>>
    %dma_start3A_170 = tpu.memref_slice %arg8[%dma_start3A_160] : memref<4x!tpu.dma_semaphore, #tpu.memory_space<semaphore_mem>> -> memref<1x!tpu.dma_semaphore, #tpu.memory_space<semaphore_mem>>
    %dma_start3A_171 = tpu.memref_squeeze %dma_start3A_170 : memref<1x!tpu.dma_semaphore, #tpu.memory_space<semaphore_mem>> -> memref<!tpu.dma_semaphore, #tpu.memory_space<semaphore_mem>>
    tpu.enqueue_indirect_dma source(%dma_start3A_169 : memref<100000x128xf32, #tpu.memory_space<hbm>>) target(%dma_start3A_164 : memref<94x128xf32, #tpu.memory_space<vmem>>) offsets(%dma_start3A_166 : memref<94xi32, #tpu.memory_space<vmem>>) semaphore(%dma_start3A_171 : memref<!tpu.dma_semaphore, #tpu.memory_space<semaphore_mem>>)
    %dma_wait3A_172 = arith.constant 1 : i32
    %dma_wait3A_173 = arith.constant 1 : i32
    %dma_wait3A_174 = arith.constant 10 : i32
    %dma_wait3A_175 = arith.constant 0 : i32
    %dma_wait3A_176 = tpu.memref_slice %arg7[%dma_wait3A_172, %dma_wait3A_174, %dma_wait3A_175] : memref<4x200x128xf32, #tpu.memory_space<vmem>> -> memref<1x96x128xf32, #tpu.memory_space<vmem>>
    %dma_wait3A_177 = tpu.memref_squeeze %dma_wait3A_176 : memref<1x96x128xf32, #tpu.memory_space<vmem>> -> memref<96x128xf32, #tpu.memory_space<vmem>>
    %dma_wait3A_178 = arith.constant 192 : i32
    %dma_wait3A_179 = tpu.memref_slice %arg6[%dma_wait3A_178] : memref<6144xi32, #tpu.memory_space<vmem>> -> memref<96xi32, #tpu.memory_space<vmem>>
    %dma_wait3A_180 = arith.constant 0 : i32
    %dma_wait3A_181 = arith.constant 0 : i32
    %dma_wait3A_182 = tpu.memref_slice %arg3[%dma_wait3A_180, %dma_wait3A_181] : memref<100000x128xf32, #tpu.memory_space<hbm>> -> memref<100000x128xf32, #tpu.memory_space<hbm>>
    %dma_wait3A_183 = tpu.memref_slice %arg8[%dma_wait3A_173] : memref<4x!tpu.dma_semaphore, #tpu.memory_space<semaphore_mem>> -> memref<1x!tpu.dma_semaphore, #tpu.memory_space<semaphore_mem>>
    %dma_wait3A_184 = tpu.memref_squeeze %dma_wait3A_183 : memref<1x!tpu.dma_semaphore, #tpu.memory_space<semaphore_mem>> -> memref<!tpu.dma_semaphore, #tpu.memory_space<semaphore_mem>>
    tpu.wait_indirect_dma semaphore(%dma_wait3A_184 : memref<!tpu.dma_semaphore, #tpu.memory_space<semaphore_mem>>) src(%dma_wait3A_182 : memref<100000x128xf32, #tpu.memory_space<hbm>>) dst(%dma_wait3A_177 : memref<96x128xf32, #tpu.memory_space<vmem>>)
    %dma_wait3A_185 = arith.constant 1 : i32
    %dma_wait3A_186 = arith.constant 1 : i32
    %dma_wait3A_187 = arith.constant 106 : i32
    %dma_wait3A_188 = arith.constant 0 : i32
    %dma_wait3A_189 = tpu.memref_slice %arg7[%dma_wait3A_185, %dma_wait3A_187, %dma_wait3A_188] : memref<4x200x128xf32, #tpu.memory_space<vmem>> -> memref<1x94x128xf32, #tpu.memory_space<vmem>>
    %dma_wait3A_190 = tpu.memref_squeeze %dma_wait3A_189 : memref<1x94x128xf32, #tpu.memory_space<vmem>> -> memref<94x128xf32, #tpu.memory_space<vmem>>
    %dma_wait3A_191 = arith.constant 288 : i32
    %dma_wait3A_192 = tpu.memref_slice %arg6[%dma_wait3A_191] : memref<6144xi32, #tpu.memory_space<vmem>> -> memref<94xi32, #tpu.memory_space<vmem>>
    %dma_wait3A_193 = arith.constant 0 : i32
    %dma_wait3A_194 = arith.constant 0 : i32
    %dma_wait3A_195 = tpu.memref_slice %arg3[%dma_wait3A_193, %dma_wait3A_194] : memref<100000x128xf32, #tpu.memory_space<hbm>> -> memref<100000x128xf32, #tpu.memory_space<hbm>>
    %dma_wait3A_196 = tpu.memref_slice %arg8[%dma_wait3A_186] : memref<4x!tpu.dma_semaphore, #tpu.memory_space<semaphore_mem>> -> memref<1x!tpu.dma_semaphore, #tpu.memory_space<semaphore_mem>>
    %dma_wait3A_197 = tpu.memref_squeeze %dma_wait3A_196 : memref<1x!tpu.dma_semaphore, #tpu.memory_space<semaphore_mem>> -> memref<!tpu.dma_semaphore, #tpu.memory_space<semaphore_mem>>
    tpu.wait_indirect_dma semaphore(%dma_wait3A_197 : memref<!tpu.dma_semaphore, #tpu.memory_space<semaphore_mem>>) src(%dma_wait3A_195 : memref<100000x128xf32, #tpu.memory_space<hbm>>) dst(%dma_wait3A_190 : memref<94x128xf32, #tpu.memory_space<vmem>>)
    %dma_wait3A_198 = arith.constant 1 : i32
    %dma_wait3A_199 = arith.constant 0 : i32
    %dma_wait3A_200 = arith.constant 0 : i32
    %dma_wait3A_201 = tpu.memref_slice %arg7[%dma_wait3A_198, %dma_wait3A_199, %dma_wait3A_200] : memref<4x200x128xf32, #tpu.memory_space<vmem>> -> memref<1x10x128xf32, #tpu.memory_space<vmem>>
    %dma_wait3A_202 = tpu.memref_squeeze %dma_wait3A_201 : memref<1x10x128xf32, #tpu.memory_space<vmem>> -> memref<10x128xf32, #tpu.memory_space<vmem>>
    %dma_wait3A_203 = arith.constant 0 : i32
    %dma_wait3A_204 = arith.constant 0 : i32
    %dma_wait3A_205 = tpu.memref_slice %arg7[%dma_wait3A_198, %dma_wait3A_203, %dma_wait3A_204] : memref<4x200x128xf32, #tpu.memory_space<vmem>> -> memref<1x10x128xf32, #tpu.memory_space<vmem>>
    %dma_wait3A_206 = tpu.memref_squeeze %dma_wait3A_205 : memref<1x10x128xf32, #tpu.memory_space<vmem>> -> memref<10x128xf32, #tpu.memory_space<vmem>>
    tpu.wait_dma2 semaphore(%arg10 : memref<!tpu.dma_semaphore, #tpu.memory_space<semaphore_mem>>) src(%arg4 : memref<10x128xf32, #tpu.memory_space<hbm>>) dst(%dma_wait3A_206 : memref<10x128xf32, #tpu.memory_space<vmem>>)
    %add3A_207 = arith.constant 1 : i32
    %add3A_208 = arith.addi %mul3A_2, %add3A_207 : i32
    %mul3A_209 = arith.constant 200 : i32
    %mul3A_210 = arith.muli %add3A_208, %mul3A_209 : i32
    %dma_start3A_211 = arith.constant 1 : i32
    %dma_start3A_212 = arith.constant 1 : i32
    %dma_start3A_213 = arith.constant 0 : i32
    %dma_start3A_214 = arith.constant 0 : i32
    %dma_start3A_215 = tpu.memref_slice %arg7[%dma_start3A_211, %dma_start3A_213, %dma_start3A_214] : memref<4x200x128xf32, #tpu.memory_space<vmem>> -> memref<1x200x128xf32, #tpu.memory_space<vmem>>
    %dma_start3A_216 = tpu.memref_squeeze %dma_start3A_215 : memref<1x200x128xf32, #tpu.memory_space<vmem>> -> memref<200x128xf32, #tpu.memory_space<vmem>>
    %dma_start3A_217 = arith.constant 0 : i32
    %dma_start3A_218 = tpu.memref_slice %arg5[%mul3A_210, %dma_start3A_217] : memref<204800x128xf32, #tpu.memory_space<hbm>> -> memref<200x128xf32, #tpu.memory_space<hbm>>
    %dma_start3A_219 = tpu.memref_slice %arg9[%dma_start3A_212] : memref<4x!tpu.dma_semaphore, #tpu.memory_space<semaphore_mem>> -> memref<1x!tpu.dma_semaphore, #tpu.memory_space<semaphore_mem>>
    %dma_start3A_220 = tpu.memref_squeeze %dma_start3A_219 : memref<1x!tpu.dma_semaphore, #tpu.memory_space<semaphore_mem>> -> memref<!tpu.dma_semaphore, #tpu.memory_space<semaphore_mem>>
    %dma_start3A_221 = arith.constant 0 : i32
    %dma_start3A_222 = tpu.memref_slice %arg5[%mul3A_210, %dma_start3A_221] : memref<204800x128xf32, #tpu.memory_space<hbm>> -> memref<200x128xf32, #tpu.memory_space<hbm>>
    %dma_start3A_223 = arith.constant 0 : i32
    %dma_start3A_224 = arith.constant 0 : i32
    %dma_start3A_225 = tpu.memref_slice %arg7[%dma_start3A_211, %dma_start3A_223, %dma_start3A_224] : memref<4x200x128xf32, #tpu.memory_space<vmem>> -> memref<1x200x128xf32, #tpu.memory_space<vmem>>
    %dma_start3A_226 = tpu.memref_squeeze %dma_start3A_225 : memref<1x200x128xf32, #tpu.memory_space<vmem>> -> memref<200x128xf32, #tpu.memory_space<vmem>>
    tpu.enqueue_dma source(%dma_start3A_226 : memref<200x128xf32, #tpu.memory_space<vmem>>) target(%dma_start3A_222 : memref<200x128xf32, #tpu.memory_space<hbm>>) target_semaphore(%dma_start3A_220 : memref<!tpu.dma_semaphore, #tpu.memory_space<semaphore_mem>>)
    %dma_start3A_227 = arith.constant 3 : i32
    %dma_start3A_228 = arith.constant 3 : i32
    %dma_start3A_229 = arith.constant 10 : i32
    %dma_start3A_230 = arith.constant 0 : i32
    %dma_start3A_231 = tpu.memref_slice %arg7[%dma_start3A_227, %dma_start3A_229, %dma_start3A_230] : memref<4x200x128xf32, #tpu.memory_space<vmem>> -> memref<1x96x128xf32, #tpu.memory_space<vmem>>
    %dma_start3A_232 = tpu.memref_squeeze %dma_start3A_231 : memref<1x96x128xf32, #tpu.memory_space<vmem>> -> memref<96x128xf32, #tpu.memory_space<vmem>>
    %dma_start3A_233 = arith.constant 576 : i32
    %dma_start3A_234 = tpu.memref_slice %arg6[%dma_start3A_233] : memref<6144xi32, #tpu.memory_space<vmem>> -> memref<96xi32, #tpu.memory_space<vmem>>
    %dma_start3A_235 = arith.constant 0 : i32
    %dma_start3A_236 = arith.constant 0 : i32
    %dma_start3A_237 = tpu.memref_slice %arg3[%dma_start3A_235, %dma_start3A_236] : memref<100000x128xf32, #tpu.memory_space<hbm>> -> memref<100000x128xf32, #tpu.memory_space<hbm>>
    %dma_start3A_238 = tpu.memref_slice %arg8[%dma_start3A_228] : memref<4x!tpu.dma_semaphore, #tpu.memory_space<semaphore_mem>> -> memref<1x!tpu.dma_semaphore, #tpu.memory_space<semaphore_mem>>
    %dma_start3A_239 = tpu.memref_squeeze %dma_start3A_238 : memref<1x!tpu.dma_semaphore, #tpu.memory_space<semaphore_mem>> -> memref<!tpu.dma_semaphore, #tpu.memory_space<semaphore_mem>>
    tpu.enqueue_indirect_dma source(%dma_start3A_237 : memref<100000x128xf32, #tpu.memory_space<hbm>>) target(%dma_start3A_232 : memref<96x128xf32, #tpu.memory_space<vmem>>) offsets(%dma_start3A_234 : memref<96xi32, #tpu.memory_space<vmem>>) semaphore(%dma_start3A_239 : memref<!tpu.dma_semaphore, #tpu.memory_space<semaphore_mem>>)
    %dma_start3A_240 = arith.constant 3 : i32
    %dma_start3A_241 = arith.constant 3 : i32
    %dma_start3A_242 = arith.constant 106 : i32
    %dma_start3A_243 = arith.constant 0 : i32
    %dma_start3A_244 = tpu.memref_slice %arg7[%dma_start3A_240, %dma_start3A_242, %dma_start3A_243] : memref<4x200x128xf32, #tpu.memory_space<vmem>> -> memref<1x94x128xf32, #tpu.memory_space<vmem>>
    %dma_start3A_245 = tpu.memref_squeeze %dma_start3A_244 : memref<1x94x128xf32, #tpu.memory_space<vmem>> -> memref<94x128xf32, #tpu.memory_space<vmem>>
    %dma_start3A_246 = arith.constant 672 : i32
    %dma_start3A_247 = tpu.memref_slice %arg6[%dma_start3A_246] : memref<6144xi32, #tpu.memory_space<vmem>> -> memref<94xi32, #tpu.memory_space<vmem>>
    %dma_start3A_248 = arith.constant 0 : i32
    %dma_start3A_249 = arith.constant 0 : i32
    %dma_start3A_250 = tpu.memref_slice %arg3[%dma_start3A_248, %dma_start3A_249] : memref<100000x128xf32, #tpu.memory_space<hbm>> -> memref<100000x128xf32, #tpu.memory_space<hbm>>
    %dma_start3A_251 = tpu.memref_slice %arg8[%dma_start3A_241] : memref<4x!tpu.dma_semaphore, #tpu.memory_space<semaphore_mem>> -> memref<1x!tpu.dma_semaphore, #tpu.memory_space<semaphore_mem>>
    %dma_start3A_252 = tpu.memref_squeeze %dma_start3A_251 : memref<1x!tpu.dma_semaphore, #tpu.memory_space<semaphore_mem>> -> memref<!tpu.dma_semaphore, #tpu.memory_space<semaphore_mem>>
    tpu.enqueue_indirect_dma source(%dma_start3A_250 : memref<100000x128xf32, #tpu.memory_space<hbm>>) target(%dma_start3A_245 : memref<94x128xf32, #tpu.memory_space<vmem>>) offsets(%dma_start3A_247 : memref<94xi32, #tpu.memory_space<vmem>>) semaphore(%dma_start3A_252 : memref<!tpu.dma_semaphore, #tpu.memory_space<semaphore_mem>>)
    %dma_wait3A_253 = arith.constant 2 : i32
    %dma_wait3A_254 = arith.constant 2 : i32
    %dma_wait3A_255 = arith.constant 10 : i32
    %dma_wait3A_256 = arith.constant 0 : i32
    %dma_wait3A_257 = tpu.memref_slice %arg7[%dma_wait3A_253, %dma_wait3A_255, %dma_wait3A_256] : memref<4x200x128xf32, #tpu.memory_space<vmem>> -> memref<1x96x128xf32, #tpu.memory_space<vmem>>
    %dma_wait3A_258 = tpu.memref_squeeze %dma_wait3A_257 : memref<1x96x128xf32, #tpu.memory_space<vmem>> -> memref<96x128xf32, #tpu.memory_space<vmem>>
    %dma_wait3A_259 = arith.constant 384 : i32
    %dma_wait3A_260 = tpu.memref_slice %arg6[%dma_wait3A_259] : memref<6144xi32, #tpu.memory_space<vmem>> -> memref<96xi32, #tpu.memory_space<vmem>>
    %dma_wait3A_261 = arith.constant 0 : i32
    %dma_wait3A_262 = arith.constant 0 : i32
    %dma_wait3A_263 = tpu.memref_slice %arg3[%dma_wait3A_261, %dma_wait3A_262] : memref<100000x128xf32, #tpu.memory_space<hbm>> -> memref<100000x128xf32, #tpu.memory_space<hbm>>
    %dma_wait3A_264 = tpu.memref_slice %arg8[%dma_wait3A_254] : memref<4x!tpu.dma_semaphore, #tpu.memory_space<semaphore_mem>> -> memref<1x!tpu.dma_semaphore, #tpu.memory_space<semaphore_mem>>
    %dma_wait3A_265 = tpu.memref_squeeze %dma_wait3A_264 : memref<1x!tpu.dma_semaphore, #tpu.memory_space<semaphore_mem>> -> memref<!tpu.dma_semaphore, #tpu.memory_space<semaphore_mem>>
    tpu.wait_indirect_dma semaphore(%dma_wait3A_265 : memref<!tpu.dma_semaphore, #tpu.memory_space<semaphore_mem>>) src(%dma_wait3A_263 : memref<100000x128xf32, #tpu.memory_space<hbm>>) dst(%dma_wait3A_258 : memref<96x128xf32, #tpu.memory_space<vmem>>)
    %dma_wait3A_266 = arith.constant 2 : i32
    %dma_wait3A_267 = arith.constant 2 : i32
    %dma_wait3A_268 = arith.constant 106 : i32
    %dma_wait3A_269 = arith.constant 0 : i32
    %dma_wait3A_270 = tpu.memref_slice %arg7[%dma_wait3A_266, %dma_wait3A_268, %dma_wait3A_269] : memref<4x200x128xf32, #tpu.memory_space<vmem>> -> memref<1x94x128xf32, #tpu.memory_space<vmem>>
    %dma_wait3A_271 = tpu.memref_squeeze %dma_wait3A_270 : memref<1x94x128xf32, #tpu.memory_space<vmem>> -> memref<94x128xf32, #tpu.memory_space<vmem>>
    %dma_wait3A_272 = arith.constant 480 : i32
    %dma_wait3A_273 = tpu.memref_slice %arg6[%dma_wait3A_272] : memref<6144xi32, #tpu.memory_space<vmem>> -> memref<94xi32, #tpu.memory_space<vmem>>
    %dma_wait3A_274 = arith.constant 0 : i32
    %dma_wait3A_275 = arith.constant 0 : i32
    %dma_wait3A_276 = tpu.memref_slice %arg3[%dma_wait3A_274, %dma_wait3A_275] : memref<100000x128xf32, #tpu.memory_space<hbm>> -> memref<100000x128xf32, #tpu.memory_space<hbm>>
    %dma_wait3A_277 = tpu.memref_slice %arg8[%dma_wait3A_267] : memref<4x!tpu.dma_semaphore, #tpu.memory_space<semaphore_mem>> -> memref<1x!tpu.dma_semaphore, #tpu.memory_space<semaphore_mem>>
    %dma_wait3A_278 = tpu.memref_squeeze %dma_wait3A_277 : memref<1x!tpu.dma_semaphore, #tpu.memory_space<semaphore_mem>> -> memref<!tpu.dma_semaphore, #tpu.memory_space<semaphore_mem>>
    tpu.wait_indirect_dma semaphore(%dma_wait3A_278 : memref<!tpu.dma_semaphore, #tpu.memory_space<semaphore_mem>>) src(%dma_wait3A_276 : memref<100000x128xf32, #tpu.memory_space<hbm>>) dst(%dma_wait3A_271 : memref<94x128xf32, #tpu.memory_space<vmem>>)
    %dma_wait3A_279 = arith.constant 2 : i32
    %dma_wait3A_280 = arith.constant 0 : i32
    %dma_wait3A_281 = arith.constant 0 : i32
    %dma_wait3A_282 = tpu.memref_slice %arg7[%dma_wait3A_279, %dma_wait3A_280, %dma_wait3A_281] : memref<4x200x128xf32, #tpu.memory_space<vmem>> -> memref<1x10x128xf32, #tpu.memory_space<vmem>>
    %dma_wait3A_283 = tpu.memref_squeeze %dma_wait3A_282 : memref<1x10x128xf32, #tpu.memory_space<vmem>> -> memref<10x128xf32, #tpu.memory_space<vmem>>
    %dma_wait3A_284 = arith.constant 0 : i32
    %dma_wait3A_285 = arith.constant 0 : i32
    %dma_wait3A_286 = tpu.memref_slice %arg7[%dma_wait3A_279, %dma_wait3A_284, %dma_wait3A_285] : memref<4x200x128xf32, #tpu.memory_space<vmem>> -> memref<1x10x128xf32, #tpu.memory_space<vmem>>
    %dma_wait3A_287 = tpu.memref_squeeze %dma_wait3A_286 : memref<1x10x128xf32, #tpu.memory_space<vmem>> -> memref<10x128xf32, #tpu.memory_space<vmem>>
    tpu.wait_dma2 semaphore(%arg10 : memref<!tpu.dma_semaphore, #tpu.memory_space<semaphore_mem>>) src(%arg4 : memref<10x128xf32, #tpu.memory_space<hbm>>) dst(%dma_wait3A_287 : memref<10x128xf32, #tpu.memory_space<vmem>>)
    %add3A_288 = arith.constant 2 : i32
    %add3A_289 = arith.addi %mul3A_2, %add3A_288 : i32
    %mul3A_290 = arith.constant 200 : i32
    %mul3A_291 = arith.muli %add3A_289, %mul3A_290 : i32
    %dma_start3A_292 = arith.constant 2 : i32
    %dma_start3A_293 = arith.constant 2 : i32
    %dma_start3A_294 = arith.constant 0 : i32
    %dma_start3A_295 = arith.constant 0 : i32
    %dma_start3A_296 = tpu.memref_slice %arg7[%dma_start3A_292, %dma_start3A_294, %dma_start3A_295] : memref<4x200x128xf32, #tpu.memory_space<vmem>> -> memref<1x200x128xf32, #tpu.memory_space<vmem>>
    %dma_start3A_297 = tpu.memref_squeeze %dma_start3A_296 : memref<1x200x128xf32, #tpu.memory_space<vmem>> -> memref<200x128xf32, #tpu.memory_space<vmem>>
    %dma_start3A_298 = arith.constant 0 : i32
    %dma_start3A_299 = tpu.memref_slice %arg5[%mul3A_291, %dma_start3A_298] : memref<204800x128xf32, #tpu.memory_space<hbm>> -> memref<200x128xf32, #tpu.memory_space<hbm>>
    %dma_start3A_300 = tpu.memref_slice %arg9[%dma_start3A_293] : memref<4x!tpu.dma_semaphore, #tpu.memory_space<semaphore_mem>> -> memref<1x!tpu.dma_semaphore, #tpu.memory_space<semaphore_mem>>
    %dma_start3A_301 = tpu.memref_squeeze %dma_start3A_300 : memref<1x!tpu.dma_semaphore, #tpu.memory_space<semaphore_mem>> -> memref<!tpu.dma_semaphore, #tpu.memory_space<semaphore_mem>>
    %dma_start3A_302 = arith.constant 0 : i32
    %dma_start3A_303 = tpu.memref_slice %arg5[%mul3A_291, %dma_start3A_302] : memref<204800x128xf32, #tpu.memory_space<hbm>> -> memref<200x128xf32, #tpu.memory_space<hbm>>
    %dma_start3A_304 = arith.constant 0 : i32
    %dma_start3A_305 = arith.constant 0 : i32
    %dma_start3A_306 = tpu.memref_slice %arg7[%dma_start3A_292, %dma_start3A_304, %dma_start3A_305] : memref<4x200x128xf32, #tpu.memory_space<vmem>> -> memref<1x200x128xf32, #tpu.memory_space<vmem>>
    %dma_start3A_307 = tpu.memref_squeeze %dma_start3A_306 : memref<1x200x128xf32, #tpu.memory_space<vmem>> -> memref<200x128xf32, #tpu.memory_space<vmem>>
    tpu.enqueue_dma source(%dma_start3A_307 : memref<200x128xf32, #tpu.memory_space<vmem>>) target(%dma_start3A_303 : memref<200x128xf32, #tpu.memory_space<hbm>>) target_semaphore(%dma_start3A_301 : memref<!tpu.dma_semaphore, #tpu.memory_space<semaphore_mem>>)
    %add3A_308 = arith.constant 0 : i32
    %add3A_309 = arith.addi %mul3A_2, %add3A_308 : i32
    %mul3A_310 = arith.constant 200 : i32
    %mul3A_311 = arith.muli %add3A_309, %mul3A_310 : i32
    %dma_wait3A_312 = arith.constant 0 : i32
    %dma_wait3A_313 = arith.constant 0 : i32
    %dma_wait3A_314 = arith.constant 0 : i32
    %dma_wait3A_315 = arith.constant 0 : i32
    %dma_wait3A_316 = tpu.memref_slice %arg7[%dma_wait3A_312, %dma_wait3A_314, %dma_wait3A_315] : memref<4x200x128xf32, #tpu.memory_space<vmem>> -> memref<1x200x128xf32, #tpu.memory_space<vmem>>
    %dma_wait3A_317 = tpu.memref_squeeze %dma_wait3A_316 : memref<1x200x128xf32, #tpu.memory_space<vmem>> -> memref<200x128xf32, #tpu.memory_space<vmem>>
    %dma_wait3A_318 = arith.constant 0 : i32
    %dma_wait3A_319 = tpu.memref_slice %arg5[%mul3A_311, %dma_wait3A_318] : memref<204800x128xf32, #tpu.memory_space<hbm>> -> memref<200x128xf32, #tpu.memory_space<hbm>>
    %dma_wait3A_320 = tpu.memref_slice %arg9[%dma_wait3A_313] : memref<4x!tpu.dma_semaphore, #tpu.memory_space<semaphore_mem>> -> memref<1x!tpu.dma_semaphore, #tpu.memory_space<semaphore_mem>>
    %dma_wait3A_321 = tpu.memref_squeeze %dma_wait3A_320 : memref<1x!tpu.dma_semaphore, #tpu.memory_space<semaphore_mem>> -> memref<!tpu.dma_semaphore, #tpu.memory_space<semaphore_mem>>
    %dma_wait3A_322 = arith.constant 0 : i32
    %dma_wait3A_323 = tpu.memref_slice %arg5[%mul3A_311, %dma_wait3A_322] : memref<204800x128xf32, #tpu.memory_space<hbm>> -> memref<200x128xf32, #tpu.memory_space<hbm>>
    %dma_wait3A_324 = arith.constant 0 : i32
    %dma_wait3A_325 = arith.constant 0 : i32
    %dma_wait3A_326 = tpu.memref_slice %arg7[%dma_wait3A_312, %dma_wait3A_324, %dma_wait3A_325] : memref<4x200x128xf32, #tpu.memory_space<vmem>> -> memref<1x200x128xf32, #tpu.memory_space<vmem>>
    %dma_wait3A_327 = tpu.memref_squeeze %dma_wait3A_326 : memref<1x200x128xf32, #tpu.memory_space<vmem>> -> memref<200x128xf32, #tpu.memory_space<vmem>>
    tpu.wait_dma2 semaphore(%dma_wait3A_321 : memref<!tpu.dma_semaphore, #tpu.memory_space<semaphore_mem>>) src(%dma_wait3A_327 : memref<200x128xf32, #tpu.memory_space<vmem>>) dst(%dma_wait3A_323 : memref<200x128xf32, #tpu.memory_space<hbm>>)
    %dma_start3A_328 = arith.constant 0 : i32
    %dma_start3A_329 = arith.constant 0 : i32
    %dma_start3A_330 = arith.constant 10 : i32
    %dma_start3A_331 = arith.constant 0 : i32
    %dma_start3A_332 = tpu.memref_slice %arg7[%dma_start3A_328, %dma_start3A_330, %dma_start3A_331] : memref<4x200x128xf32, #tpu.memory_space<vmem>> -> memref<1x96x128xf32, #tpu.memory_space<vmem>>
    %dma_start3A_333 = tpu.memref_squeeze %dma_start3A_332 : memref<1x96x128xf32, #tpu.memory_space<vmem>> -> memref<96x128xf32, #tpu.memory_space<vmem>>
    %dma_start3A_334 = arith.constant 768 : i32
    %dma_start3A_335 = tpu.memref_slice %arg6[%dma_start3A_334] : memref<6144xi32, #tpu.memory_space<vmem>> -> memref<96xi32, #tpu.memory_space<vmem>>
    %dma_start3A_336 = arith.constant 0 : i32
    %dma_start3A_337 = arith.constant 0 : i32
    %dma_start3A_338 = tpu.memref_slice %arg3[%dma_start3A_336, %dma_start3A_337] : memref<100000x128xf32, #tpu.memory_space<hbm>> -> memref<100000x128xf32, #tpu.memory_space<hbm>>
    %dma_start3A_339 = tpu.memref_slice %arg8[%dma_start3A_329] : memref<4x!tpu.dma_semaphore, #tpu.memory_space<semaphore_mem>> -> memref<1x!tpu.dma_semaphore, #tpu.memory_space<semaphore_mem>>
    %dma_start3A_340 = tpu.memref_squeeze %dma_start3A_339 : memref<1x!tpu.dma_semaphore, #tpu.memory_space<semaphore_mem>> -> memref<!tpu.dma_semaphore, #tpu.memory_space<semaphore_mem>>
    tpu.enqueue_indirect_dma source(%dma_start3A_338 : memref<100000x128xf32, #tpu.memory_space<hbm>>) target(%dma_start3A_333 : memref<96x128xf32, #tpu.memory_space<vmem>>) offsets(%dma_start3A_335 : memref<96xi32, #tpu.memory_space<vmem>>) semaphore(%dma_start3A_340 : memref<!tpu.dma_semaphore, #tpu.memory_space<semaphore_mem>>)
    %dma_start3A_341 = arith.constant 0 : i32
    %dma_start3A_342 = arith.constant 0 : i32
    %dma_start3A_343 = arith.constant 106 : i32
    %dma_start3A_344 = arith.constant 0 : i32
    %dma_start3A_345 = tpu.memref_slice %arg7[%dma_start3A_341, %dma_start3A_343, %dma_start3A_344] : memref<4x200x128xf32, #tpu.memory_space<vmem>> -> memref<1x94x128xf32, #tpu.memory_space<vmem>>
    %dma_start3A_346 = tpu.memref_squeeze %dma_start3A_345 : memref<1x94x128xf32, #tpu.memory_space<vmem>> -> memref<94x128xf32, #tpu.memory_space<vmem>>
    %dma_start3A_347 = arith.constant 864 : i32
    %dma_start3A_348 = tpu.memref_slice %arg6[%dma_start3A_347] : memref<6144xi32, #tpu.memory_space<vmem>> -> memref<94xi32, #tpu.memory_space<vmem>>
    %dma_start3A_349 = arith.constant 0 : i32
    %dma_start3A_350 = arith.constant 0 : i32
    %dma_start3A_351 = tpu.memref_slice %arg3[%dma_start3A_349, %dma_start3A_350] : memref<100000x128xf32, #tpu.memory_space<hbm>> -> memref<100000x128xf32, #tpu.memory_space<hbm>>
    %dma_start3A_352 = tpu.memref_slice %arg8[%dma_start3A_342] : memref<4x!tpu.dma_semaphore, #tpu.memory_space<semaphore_mem>> -> memref<1x!tpu.dma_semaphore, #tpu.memory_space<semaphore_mem>>
    %dma_start3A_353 = tpu.memref_squeeze %dma_start3A_352 : memref<1x!tpu.dma_semaphore, #tpu.memory_space<semaphore_mem>> -> memref<!tpu.dma_semaphore, #tpu.memory_space<semaphore_mem>>
    tpu.enqueue_indirect_dma source(%dma_start3A_351 : memref<100000x128xf32, #tpu.memory_space<hbm>>) target(%dma_start3A_346 : memref<94x128xf32, #tpu.memory_space<vmem>>) offsets(%dma_start3A_348 : memref<94xi32, #tpu.memory_space<vmem>>) semaphore(%dma_start3A_353 : memref<!tpu.dma_semaphore, #tpu.memory_space<semaphore_mem>>)
    %dma_wait3A_354 = arith.constant 3 : i32
    %dma_wait3A_355 = arith.constant 3 : i32
    %dma_wait3A_356 = arith.constant 10 : i32
    %dma_wait3A_357 = arith.constant 0 : i32
    %dma_wait3A_358 = tpu.memref_slice %arg7[%dma_wait3A_354, %dma_wait3A_356, %dma_wait3A_357] : memref<4x200x128xf32, #tpu.memory_space<vmem>> -> memref<1x96x128xf32, #tpu.memory_space<vmem>>
    %dma_wait3A_359 = tpu.memref_squeeze %dma_wait3A_358 : memref<1x96x128xf32, #tpu.memory_space<vmem>> -> memref<96x128xf32, #tpu.memory_space<vmem>>
    %dma_wait3A_360 = arith.constant 576 : i32
    %dma_wait3A_361 = tpu.memref_slice %arg6[%dma_wait3A_360] : memref<6144xi32, #tpu.memory_space<vmem>> -> memref<96xi32, #tpu.memory_space<vmem>>
    %dma_wait3A_362 = arith.constant 0 : i32
    %dma_wait3A_363 = arith.constant 0 : i32
    %dma_wait3A_364 = tpu.memref_slice %arg3[%dma_wait3A_362, %dma_wait3A_363] : memref<100000x128xf32, #tpu.memory_space<hbm>> -> memref<100000x128xf32, #tpu.memory_space<hbm>>
    %dma_wait3A_365 = tpu.memref_slice %arg8[%dma_wait3A_355] : memref<4x!tpu.dma_semaphore, #tpu.memory_space<semaphore_mem>> -> memref<1x!tpu.dma_semaphore, #tpu.memory_space<semaphore_mem>>
    %dma_wait3A_366 = tpu.memref_squeeze %dma_wait3A_365 : memref<1x!tpu.dma_semaphore, #tpu.memory_space<semaphore_mem>> -> memref<!tpu.dma_semaphore, #tpu.memory_space<semaphore_mem>>
    tpu.wait_indirect_dma semaphore(%dma_wait3A_366 : memref<!tpu.dma_semaphore, #tpu.memory_space<semaphore_mem>>) src(%dma_wait3A_364 : memref<100000x128xf32, #tpu.memory_space<hbm>>) dst(%dma_wait3A_359 : memref<96x128xf32, #tpu.memory_space<vmem>>)
    %dma_wait3A_367 = arith.constant 3 : i32
    %dma_wait3A_368 = arith.constant 3 : i32
    %dma_wait3A_369 = arith.constant 106 : i32
    %dma_wait3A_370 = arith.constant 0 : i32
    %dma_wait3A_371 = tpu.memref_slice %arg7[%dma_wait3A_367, %dma_wait3A_369, %dma_wait3A_370] : memref<4x200x128xf32, #tpu.memory_space<vmem>> -> memref<1x94x128xf32, #tpu.memory_space<vmem>>
    %dma_wait3A_372 = tpu.memref_squeeze %dma_wait3A_371 : memref<1x94x128xf32, #tpu.memory_space<vmem>> -> memref<94x128xf32, #tpu.memory_space<vmem>>
    %dma_wait3A_373 = arith.constant 672 : i32
    %dma_wait3A_374 = tpu.memref_slice %arg6[%dma_wait3A_373] : memref<6144xi32, #tpu.memory_space<vmem>> -> memref<94xi32, #tpu.memory_space<vmem>>
    %dma_wait3A_375 = arith.constant 0 : i32
    %dma_wait3A_376 = arith.constant 0 : i32
    %dma_wait3A_377 = tpu.memref_slice %arg3[%dma_wait3A_375, %dma_wait3A_376] : memref<100000x128xf32, #tpu.memory_space<hbm>> -> memref<100000x128xf32, #tpu.memory_space<hbm>>
    %dma_wait3A_378 = tpu.memref_slice %arg8[%dma_wait3A_368] : memref<4x!tpu.dma_semaphore, #tpu.memory_space<semaphore_mem>> -> memref<1x!tpu.dma_semaphore, #tpu.memory_space<semaphore_mem>>
    %dma_wait3A_379 = tpu.memref_squeeze %dma_wait3A_378 : memref<1x!tpu.dma_semaphore, #tpu.memory_space<semaphore_mem>> -> memref<!tpu.dma_semaphore, #tpu.memory_space<semaphore_mem>>
    tpu.wait_indirect_dma semaphore(%dma_wait3A_379 : memref<!tpu.dma_semaphore, #tpu.memory_space<semaphore_mem>>) src(%dma_wait3A_377 : memref<100000x128xf32, #tpu.memory_space<hbm>>) dst(%dma_wait3A_372 : memref<94x128xf32, #tpu.memory_space<vmem>>)
    %dma_wait3A_380 = arith.constant 3 : i32
    %dma_wait3A_381 = arith.constant 0 : i32
    %dma_wait3A_382 = arith.constant 0 : i32
    %dma_wait3A_383 = tpu.memref_slice %arg7[%dma_wait3A_380, %dma_wait3A_381, %dma_wait3A_382] : memref<4x200x128xf32, #tpu.memory_space<vmem>> -> memref<1x10x128xf32, #tpu.memory_space<vmem>>
    %dma_wait3A_384 = tpu.memref_squeeze %dma_wait3A_383 : memref<1x10x128xf32, #tpu.memory_space<vmem>> -> memref<10x128xf32, #tpu.memory_space<vmem>>
    %dma_wait3A_385 = arith.constant 0 : i32
    %dma_wait3A_386 = arith.constant 0 : i32
    %dma_wait3A_387 = tpu.memref_slice %arg7[%dma_wait3A_380, %dma_wait3A_385, %dma_wait3A_386] : memref<4x200x128xf32, #tpu.memory_space<vmem>> -> memref<1x10x128xf32, #tpu.memory_space<vmem>>
    %dma_wait3A_388 = tpu.memref_squeeze %dma_wait3A_387 : memref<1x10x128xf32, #tpu.memory_space<vmem>> -> memref<10x128xf32, #tpu.memory_space<vmem>>
    tpu.wait_dma2 semaphore(%arg10 : memref<!tpu.dma_semaphore, #tpu.memory_space<semaphore_mem>>) src(%arg4 : memref<10x128xf32, #tpu.memory_space<hbm>>) dst(%dma_wait3A_388 : memref<10x128xf32, #tpu.memory_space<vmem>>)
    %add3A_389 = arith.constant 3 : i32
    %add3A_390 = arith.addi %mul3A_2, %add3A_389 : i32
    %mul3A_391 = arith.constant 200 : i32
    %mul3A_392 = arith.muli %add3A_390, %mul3A_391 : i32
    %dma_start3A_393 = arith.constant 3 : i32
    %dma_start3A_394 = arith.constant 3 : i32
    %dma_start3A_395 = arith.constant 0 : i32
    %dma_start3A_396 = arith.constant 0 : i32
    %dma_start3A_397 = tpu.memref_slice %arg7[%dma_start3A_393, %dma_start3A_395, %dma_start3A_396] : memref<4x200x128xf32, #tpu.memory_space<vmem>> -> memref<1x200x128xf32, #tpu.memory_space<vmem>>
    %dma_start3A_398 = tpu.memref_squeeze %dma_start3A_397 : memref<1x200x128xf32, #tpu.memory_space<vmem>> -> memref<200x128xf32, #tpu.memory_space<vmem>>
    %dma_start3A_399 = arith.constant 0 : i32
    %dma_start3A_400 = tpu.memref_slice %arg5[%mul3A_392, %dma_start3A_399] : memref<204800x128xf32, #tpu.memory_space<hbm>> -> memref<200x128xf32, #tpu.memory_space<hbm>>
    %dma_start3A_401 = tpu.memref_slice %arg9[%dma_start3A_394] : memref<4x!tpu.dma_semaphore, #tpu.memory_space<semaphore_mem>> -> memref<1x!tpu.dma_semaphore, #tpu.memory_space<semaphore_mem>>
    %dma_start3A_402 = tpu.memref_squeeze %dma_start3A_401 : memref<1x!tpu.dma_semaphore, #tpu.memory_space<semaphore_mem>> -> memref<!tpu.dma_semaphore, #tpu.memory_space<semaphore_mem>>
    %dma_start3A_403 = arith.constant 0 : i32
    %dma_start3A_404 = tpu.memref_slice %arg5[%mul3A_392, %dma_start3A_403] : memref<204800x128xf32, #tpu.memory_space<hbm>> -> memref<200x128xf32, #tpu.memory_space<hbm>>
    %dma_start3A_405 = arith.constant 0 : i32
    %dma_start3A_406 = arith.constant 0 : i32
    %dma_start3A_407 = tpu.memref_slice %arg7[%dma_start3A_393, %dma_start3A_405, %dma_start3A_406] : memref<4x200x128xf32, #tpu.memory_space<vmem>> -> memref<1x200x128xf32, #tpu.memory_space<vmem>>
    %dma_start3A_408 = tpu.memref_squeeze %dma_start3A_407 : memref<1x200x128xf32, #tpu.memory_space<vmem>> -> memref<200x128xf32, #tpu.memory_space<vmem>>
    tpu.enqueue_dma source(%dma_start3A_408 : memref<200x128xf32, #tpu.memory_space<vmem>>) target(%dma_start3A_404 : memref<200x128xf32, #tpu.memory_space<hbm>>) target_semaphore(%dma_start3A_402 : memref<!tpu.dma_semaphore, #tpu.memory_space<semaphore_mem>>)
    %add3A_409 = arith.constant 1 : i32
    %add3A_410 = arith.addi %mul3A_2, %add3A_409 : i32
    %mul3A_411 = arith.constant 200 : i32
    %mul3A_412 = arith.muli %add3A_410, %mul3A_411 : i32
    %dma_wait3A_413 = arith.constant 1 : i32
    %dma_wait3A_414 = arith.constant 1 : i32
    %dma_wait3A_415 = arith.constant 0 : i32
    %dma_wait3A_416 = arith.constant 0 : i32
    %dma_wait3A_417 = tpu.memref_slice %arg7[%dma_wait3A_413, %dma_wait3A_415, %dma_wait3A_416] : memref<4x200x128xf32, #tpu.memory_space<vmem>> -> memref<1x200x128xf32, #tpu.memory_space<vmem>>
    %dma_wait3A_418 = tpu.memref_squeeze %dma_wait3A_417 : memref<1x200x128xf32, #tpu.memory_space<vmem>> -> memref<200x128xf32, #tpu.memory_space<vmem>>
    %dma_wait3A_419 = arith.constant 0 : i32
    %dma_wait3A_420 = tpu.memref_slice %arg5[%mul3A_412, %dma_wait3A_419] : memref<204800x128xf32, #tpu.memory_space<hbm>> -> memref<200x128xf32, #tpu.memory_space<hbm>>
    %dma_wait3A_421 = tpu.memref_slice %arg9[%dma_wait3A_414] : memref<4x!tpu.dma_semaphore, #tpu.memory_space<semaphore_mem>> -> memref<1x!tpu.dma_semaphore, #tpu.memory_space<semaphore_mem>>
    %dma_wait3A_422 = tpu.memref_squeeze %dma_wait3A_421 : memref<1x!tpu.dma_semaphore, #tpu.memory_space<semaphore_mem>> -> memref<!tpu.dma_semaphore, #tpu.memory_space<semaphore_mem>>
    %dma_wait3A_423 = arith.constant 0 : i32
    %dma_wait3A_424 = tpu.memref_slice %arg5[%mul3A_412, %dma_wait3A_423] : memref<204800x128xf32, #tpu.memory_space<hbm>> -> memref<200x128xf32, #tpu.memory_space<hbm>>
    %dma_wait3A_425 = arith.constant 0 : i32
    %dma_wait3A_426 = arith.constant 0 : i32
    %dma_wait3A_427 = tpu.memref_slice %arg7[%dma_wait3A_413, %dma_wait3A_425, %dma_wait3A_426] : memref<4x200x128xf32, #tpu.memory_space<vmem>> -> memref<1x200x128xf32, #tpu.memory_space<vmem>>
    %dma_wait3A_428 = tpu.memref_squeeze %dma_wait3A_427 : memref<1x200x128xf32, #tpu.memory_space<vmem>> -> memref<200x128xf32, #tpu.memory_space<vmem>>
    tpu.wait_dma2 semaphore(%dma_wait3A_422 : memref<!tpu.dma_semaphore, #tpu.memory_space<semaphore_mem>>) src(%dma_wait3A_428 : memref<200x128xf32, #tpu.memory_space<vmem>>) dst(%dma_wait3A_424 : memref<200x128xf32, #tpu.memory_space<hbm>>)
    %dma_start3A_429 = arith.constant 1 : i32
    %dma_start3A_430 = arith.constant 1 : i32
    %dma_start3A_431 = arith.constant 10 : i32
    %dma_start3A_432 = arith.constant 0 : i32
    %dma_start3A_433 = tpu.memref_slice %arg7[%dma_start3A_429, %dma_start3A_431, %dma_start3A_432] : memref<4x200x128xf32, #tpu.memory_space<vmem>> -> memref<1x96x128xf32, #tpu.memory_space<vmem>>
    %dma_start3A_434 = tpu.memref_squeeze %dma_start3A_433 : memref<1x96x128xf32, #tpu.memory_space<vmem>> -> memref<96x128xf32, #tpu.memory_space<vmem>>
    %dma_start3A_435 = arith.constant 960 : i32
    %dma_start3A_436 = tpu.memref_slice %arg6[%dma_start3A_435] : memref<6144xi32, #tpu.memory_space<vmem>> -> memref<96xi32, #tpu.memory_space<vmem>>
    %dma_start3A_437 = arith.constant 0 : i32
    %dma_start3A_438 = arith.constant 0 : i32
    %dma_start3A_439 = tpu.memref_slice %arg3[%dma_start3A_437, %dma_start3A_438] : memref<100000x128xf32, #tpu.memory_space<hbm>> -> memref<100000x128xf32, #tpu.memory_space<hbm>>
    %dma_start3A_440 = tpu.memref_slice %arg8[%dma_start3A_430] : memref<4x!tpu.dma_semaphore, #tpu.memory_space<semaphore_mem>> -> memref<1x!tpu.dma_semaphore, #tpu.memory_space<semaphore_mem>>
    %dma_start3A_441 = tpu.memref_squeeze %dma_start3A_440 : memref<1x!tpu.dma_semaphore, #tpu.memory_space<semaphore_mem>> -> memref<!tpu.dma_semaphore, #tpu.memory_space<semaphore_mem>>
    tpu.enqueue_indirect_dma source(%dma_start3A_439 : memref<100000x128xf32, #tpu.memory_space<hbm>>) target(%dma_start3A_434 : memref<96x128xf32, #tpu.memory_space<vmem>>) offsets(%dma_start3A_436 : memref<96xi32, #tpu.memory_space<vmem>>) semaphore(%dma_start3A_441 : memref<!tpu.dma_semaphore, #tpu.memory_space<semaphore_mem>>)
    %dma_start3A_442 = arith.constant 1 : i32
    %dma_start3A_443 = arith.constant 1 : i32
    %dma_start3A_444 = arith.constant 106 : i32
    %dma_start3A_445 = arith.constant 0 : i32
    %dma_start3A_446 = tpu.memref_slice %arg7[%dma_start3A_442, %dma_start3A_444, %dma_start3A_445] : memref<4x200x128xf32, #tpu.memory_space<vmem>> -> memref<1x94x128xf32, #tpu.memory_space<vmem>>
    %dma_start3A_447 = tpu.memref_squeeze %dma_start3A_446 : memref<1x94x128xf32, #tpu.memory_space<vmem>> -> memref<94x128xf32, #tpu.memory_space<vmem>>
    %dma_start3A_448 = arith.constant 1056 : i32
    %dma_start3A_449 = tpu.memref_slice %arg6[%dma_start3A_448] : memref<6144xi32, #tpu.memory_space<vmem>> -> memref<94xi32, #tpu.memory_space<vmem>>
    %dma_start3A_450 = arith.constant 0 : i32
    %dma_start3A_451 = arith.constant 0 : i32
    %dma_start3A_452 = tpu.memref_slice %arg3[%dma_start3A_450, %dma_start3A_451] : memref<100000x128xf32, #tpu.memory_space<hbm>> -> memref<100000x128xf32, #tpu.memory_space<hbm>>
    %dma_start3A_453 = tpu.memref_slice %arg8[%dma_start3A_443] : memref<4x!tpu.dma_semaphore, #tpu.memory_space<semaphore_mem>> -> memref<1x!tpu.dma_semaphore, #tpu.memory_space<semaphore_mem>>
    %dma_start3A_454 = tpu.memref_squeeze %dma_start3A_453 : memref<1x!tpu.dma_semaphore, #tpu.memory_space<semaphore_mem>> -> memref<!tpu.dma_semaphore, #tpu.memory_space<semaphore_mem>>
    tpu.enqueue_indirect_dma source(%dma_start3A_452 : memref<100000x128xf32, #tpu.memory_space<hbm>>) target(%dma_start3A_447 : memref<94x128xf32, #tpu.memory_space<vmem>>) offsets(%dma_start3A_449 : memref<94xi32, #tpu.memory_space<vmem>>) semaphore(%dma_start3A_454 : memref<!tpu.dma_semaphore, #tpu.memory_space<semaphore_mem>>)
    %dma_wait3A_455 = arith.constant 0 : i32
    %dma_wait3A_456 = arith.constant 0 : i32
    %dma_wait3A_457 = arith.constant 10 : i32
    %dma_wait3A_458 = arith.constant 0 : i32
    %dma_wait3A_459 = tpu.memref_slice %arg7[%dma_wait3A_455, %dma_wait3A_457, %dma_wait3A_458] : memref<4x200x128xf32, #tpu.memory_space<vmem>> -> memref<1x96x128xf32, #tpu.memory_space<vmem>>
    %dma_wait3A_460 = tpu.memref_squeeze %dma_wait3A_459 : memref<1x96x128xf32, #tpu.memory_space<vmem>> -> memref<96x128xf32, #tpu.memory_space<vmem>>
    %dma_wait3A_461 = arith.constant 768 : i32
    %dma_wait3A_462 = tpu.memref_slice %arg6[%dma_wait3A_461] : memref<6144xi32, #tpu.memory_space<vmem>> -> memref<96xi32, #tpu.memory_space<vmem>>
    %dma_wait3A_463 = arith.constant 0 : i32
    %dma_wait3A_464 = arith.constant 0 : i32
    %dma_wait3A_465 = tpu.memref_slice %arg3[%dma_wait3A_463, %dma_wait3A_464] : memref<100000x128xf32, #tpu.memory_space<hbm>> -> memref<100000x128xf32, #tpu.memory_space<hbm>>
    %dma_wait3A_466 = tpu.memref_slice %arg8[%dma_wait3A_456] : memref<4x!tpu.dma_semaphore, #tpu.memory_space<semaphore_mem>> -> memref<1x!tpu.dma_semaphore, #tpu.memory_space<semaphore_mem>>
    %dma_wait3A_467 = tpu.memref_squeeze %dma_wait3A_466 : memref<1x!tpu.dma_semaphore, #tpu.memory_space<semaphore_mem>> -> memref<!tpu.dma_semaphore, #tpu.memory_space<semaphore_mem>>
    tpu.wait_indirect_dma semaphore(%dma_wait3A_467 : memref<!tpu.dma_semaphore, #tpu.memory_space<semaphore_mem>>) src(%dma_wait3A_465 : memref<100000x128xf32, #tpu.memory_space<hbm>>) dst(%dma_wait3A_460 : memref<96x128xf32, #tpu.memory_space<vmem>>)
    %dma_wait3A_468 = arith.constant 0 : i32
    %dma_wait3A_469 = arith.constant 0 : i32
    %dma_wait3A_470 = arith.constant 106 : i32
    %dma_wait3A_471 = arith.constant 0 : i32
    %dma_wait3A_472 = tpu.memref_slice %arg7[%dma_wait3A_468, %dma_wait3A_470, %dma_wait3A_471] : memref<4x200x128xf32, #tpu.memory_space<vmem>> -> memref<1x94x128xf32, #tpu.memory_space<vmem>>
    %dma_wait3A_473 = tpu.memref_squeeze %dma_wait3A_472 : memref<1x94x128xf32, #tpu.memory_space<vmem>> -> memref<94x128xf32, #tpu.memory_space<vmem>>
    %dma_wait3A_474 = arith.constant 864 : i32
    %dma_wait3A_475 = tpu.memref_slice %arg6[%dma_wait3A_474] : memref<6144xi32, #tpu.memory_space<vmem>> -> memref<94xi32, #tpu.memory_space<vmem>>
    %dma_wait3A_476 = arith.constant 0 : i32
    %dma_wait3A_477 = arith.constant 0 : i32
    %dma_wait3A_478 = tpu.memref_slice %arg3[%dma_wait3A_476, %dma_wait3A_477] : memref<100000x128xf32, #tpu.memory_space<hbm>> -> memref<100000x128xf32, #tpu.memory_space<hbm>>
    %dma_wait3A_479 = tpu.memref_slice %arg8[%dma_wait3A_469] : memref<4x!tpu.dma_semaphore, #tpu.memory_space<semaphore_mem>> -> memref<1x!tpu.dma_semaphore, #tpu.memory_space<semaphore_mem>>
    %dma_wait3A_480 = tpu.memref_squeeze %dma_wait3A_479 : memref<1x!tpu.dma_semaphore, #tpu.memory_space<semaphore_mem>> -> memref<!tpu.dma_semaphore, #tpu.memory_space<semaphore_mem>>
    tpu.wait_indirect_dma semaphore(%dma_wait3A_480 : memref<!tpu.dma_semaphore, #tpu.memory_space<semaphore_mem>>) src(%dma_wait3A_478 : memref<100000x128xf32, #tpu.memory_space<hbm>>) dst(%dma_wait3A_473 : memref<94x128xf32, #tpu.memory_space<vmem>>)
    %add3A_481 = arith.constant 4 : i32
    %add3A_482 = arith.addi %mul3A_2, %add3A_481 : i32
    %mul3A_483 = arith.constant 200 : i32
    %mul3A_484 = arith.muli %add3A_482, %mul3A_483 : i32
    %dma_start3A_485 = arith.constant 0 : i32
    %dma_start3A_486 = arith.constant 0 : i32
    %dma_start3A_487 = arith.constant 0 : i32
    %dma_start3A_488 = arith.constant 0 : i32
    %dma_start3A_489 = tpu.memref_slice %arg7[%dma_start3A_485, %dma_start3A_487, %dma_start3A_488] : memref<4x200x128xf32, #tpu.memory_space<vmem>> -> memref<1x200x128xf32, #tpu.memory_space<vmem>>
    %dma_start3A_490 = tpu.memref_squeeze %dma_start3A_489 : memref<1x200x128xf32, #tpu.memory_space<vmem>> -> memref<200x128xf32, #tpu.memory_space<vmem>>
    %dma_start3A_491 = arith.constant 0 : i32
    %dma_start3A_492 = tpu.memref_slice %arg5[%mul3A_484, %dma_start3A_491] : memref<204800x128xf32, #tpu.memory_space<hbm>> -> memref<200x128xf32, #tpu.memory_space<hbm>>
    %dma_start3A_493 = tpu.memref_slice %arg9[%dma_start3A_486] : memref<4x!tpu.dma_semaphore, #tpu.memory_space<semaphore_mem>> -> memref<1x!tpu.dma_semaphore, #tpu.memory_space<semaphore_mem>>
    %dma_start3A_494 = tpu.memref_squeeze %dma_start3A_493 : memref<1x!tpu.dma_semaphore, #tpu.memory_space<semaphore_mem>> -> memref<!tpu.dma_semaphore, #tpu.memory_space<semaphore_mem>>
    %dma_start3A_495 = arith.constant 0 : i32
    %dma_start3A_496 = tpu.memref_slice %arg5[%mul3A_484, %dma_start3A_495] : memref<204800x128xf32, #tpu.memory_space<hbm>> -> memref<200x128xf32, #tpu.memory_space<hbm>>
    %dma_start3A_497 = arith.constant 0 : i32
    %dma_start3A_498 = arith.constant 0 : i32
    %dma_start3A_499 = tpu.memref_slice %arg7[%dma_start3A_485, %dma_start3A_497, %dma_start3A_498] : memref<4x200x128xf32, #tpu.memory_space<vmem>> -> memref<1x200x128xf32, #tpu.memory_space<vmem>>
    %dma_start3A_500 = tpu.memref_squeeze %dma_start3A_499 : memref<1x200x128xf32, #tpu.memory_space<vmem>> -> memref<200x128xf32, #tpu.memory_space<vmem>>
    tpu.enqueue_dma source(%dma_start3A_500 : memref<200x128xf32, #tpu.memory_space<vmem>>) target(%dma_start3A_496 : memref<200x128xf32, #tpu.memory_space<hbm>>) target_semaphore(%dma_start3A_494 : memref<!tpu.dma_semaphore, #tpu.memory_space<semaphore_mem>>)
    %add3A_501 = arith.constant 2 : i32
    %add3A_502 = arith.addi %mul3A_2, %add3A_501 : i32
    %mul3A_503 = arith.constant 200 : i32
    %mul3A_504 = arith.muli %add3A_502, %mul3A_503 : i32
    %dma_wait3A_505 = arith.constant 2 : i32
    %dma_wait3A_506 = arith.constant 2 : i32
    %dma_wait3A_507 = arith.constant 0 : i32
    %dma_wait3A_508 = arith.constant 0 : i32
    %dma_wait3A_509 = tpu.memref_slice %arg7[%dma_wait3A_505, %dma_wait3A_507, %dma_wait3A_508] : memref<4x200x128xf32, #tpu.memory_space<vmem>> -> memref<1x200x128xf32, #tpu.memory_space<vmem>>
    %dma_wait3A_510 = tpu.memref_squeeze %dma_wait3A_509 : memref<1x200x128xf32, #tpu.memory_space<vmem>> -> memref<200x128xf32, #tpu.memory_space<vmem>>
    %dma_wait3A_511 = arith.constant 0 : i32
    %dma_wait3A_512 = tpu.memref_slice %arg5[%mul3A_504, %dma_wait3A_511] : memref<204800x128xf32, #tpu.memory_space<hbm>> -> memref<200x128xf32, #tpu.memory_space<hbm>>
    %dma_wait3A_513 = tpu.memref_slice %arg9[%dma_wait3A_506] : memref<4x!tpu.dma_semaphore, #tpu.memory_space<semaphore_mem>> -> memref<1x!tpu.dma_semaphore, #tpu.memory_space<semaphore_mem>>
    %dma_wait3A_514 = tpu.memref_squeeze %dma_wait3A_513 : memref<1x!tpu.dma_semaphore, #tpu.memory_space<semaphore_mem>> -> memref<!tpu.dma_semaphore, #tpu.memory_space<semaphore_mem>>
    %dma_wait3A_515 = arith.constant 0 : i32
    %dma_wait3A_516 = tpu.memref_slice %arg5[%mul3A_504, %dma_wait3A_515] : memref<204800x128xf32, #tpu.memory_space<hbm>> -> memref<200x128xf32, #tpu.memory_space<hbm>>
    %dma_wait3A_517 = arith.constant 0 : i32
    %dma_wait3A_518 = arith.constant 0 : i32
    %dma_wait3A_519 = tpu.memref_slice %arg7[%dma_wait3A_505, %dma_wait3A_517, %dma_wait3A_518] : memref<4x200x128xf32, #tpu.memory_space<vmem>> -> memref<1x200x128xf32, #tpu.memory_space<vmem>>
    %dma_wait3A_520 = tpu.memref_squeeze %dma_wait3A_519 : memref<1x200x128xf32, #tpu.memory_space<vmem>> -> memref<200x128xf32, #tpu.memory_space<vmem>>
    tpu.wait_dma2 semaphore(%dma_wait3A_514 : memref<!tpu.dma_semaphore, #tpu.memory_space<semaphore_mem>>) src(%dma_wait3A_520 : memref<200x128xf32, #tpu.memory_space<vmem>>) dst(%dma_wait3A_516 : memref<200x128xf32, #tpu.memory_space<hbm>>)
    %dma_start3A_521 = arith.constant 2 : i32
    %dma_start3A_522 = arith.constant 2 : i32
    %dma_start3A_523 = arith.constant 10 : i32
    %dma_start3A_524 = arith.constant 0 : i32
    %dma_start3A_525 = tpu.memref_slice %arg7[%dma_start3A_521, %dma_start3A_523, %dma_start3A_524] : memref<4x200x128xf32, #tpu.memory_space<vmem>> -> memref<1x96x128xf32, #tpu.memory_space<vmem>>
    %dma_start3A_526 = tpu.memref_squeeze %dma_start3A_525 : memref<1x96x128xf32, #tpu.memory_space<vmem>> -> memref<96x128xf32, #tpu.memory_space<vmem>>
    %dma_start3A_527 = arith.constant 1152 : i32
    %dma_start3A_528 = tpu.memref_slice %arg6[%dma_start3A_527] : memref<6144xi32, #tpu.memory_space<vmem>> -> memref<96xi32, #tpu.memory_space<vmem>>
    %dma_start3A_529 = arith.constant 0 : i32
    %dma_start3A_530 = arith.constant 0 : i32
    %dma_start3A_531 = tpu.memref_slice %arg3[%dma_start3A_529, %dma_start3A_530] : memref<100000x128xf32, #tpu.memory_space<hbm>> -> memref<100000x128xf32, #tpu.memory_space<hbm>>
    %dma_start3A_532 = tpu.memref_slice %arg8[%dma_start3A_522] : memref<4x!tpu.dma_semaphore, #tpu.memory_space<semaphore_mem>> -> memref<1x!tpu.dma_semaphore, #tpu.memory_space<semaphore_mem>>
    %dma_start3A_533 = tpu.memref_squeeze %dma_start3A_532 : memref<1x!tpu.dma_semaphore, #tpu.memory_space<semaphore_mem>> -> memref<!tpu.dma_semaphore, #tpu.memory_space<semaphore_mem>>
    tpu.enqueue_indirect_dma source(%dma_start3A_531 : memref<100000x128xf32, #tpu.memory_space<hbm>>) target(%dma_start3A_526 : memref<96x128xf32, #tpu.memory_space<vmem>>) offsets(%dma_start3A_528 : memref<96xi32, #tpu.memory_space<vmem>>) semaphore(%dma_start3A_533 : memref<!tpu.dma_semaphore, #tpu.memory_space<semaphore_mem>>)
    %dma_start3A_534 = arith.constant 2 : i32
    %dma_start3A_535 = arith.constant 2 : i32
    %dma_start3A_536 = arith.constant 106 : i32
    %dma_start3A_537 = arith.constant 0 : i32
    %dma_start3A_538 = tpu.memref_slice %arg7[%dma_start3A_534, %dma_start3A_536, %dma_start3A_537] : memref<4x200x128xf32, #tpu.memory_space<vmem>> -> memref<1x94x128xf32, #tpu.memory_space<vmem>>
    %dma_start3A_539 = tpu.memref_squeeze %dma_start3A_538 : memref<1x94x128xf32, #tpu.memory_space<vmem>> -> memref<94x128xf32, #tpu.memory_space<vmem>>
    %dma_start3A_540 = arith.constant 1248 : i32
    %dma_start3A_541 = tpu.memref_slice %arg6[%dma_start3A_540] : memref<6144xi32, #tpu.memory_space<vmem>> -> memref<94xi32, #tpu.memory_space<vmem>>
    %dma_start3A_542 = arith.constant 0 : i32
    %dma_start3A_543 = arith.constant 0 : i32
    %dma_start3A_544 = tpu.memref_slice %arg3[%dma_start3A_542, %dma_start3A_543] : memref<100000x128xf32, #tpu.memory_space<hbm>> -> memref<100000x128xf32, #tpu.memory_space<hbm>>
    %dma_start3A_545 = tpu.memref_slice %arg8[%dma_start3A_535] : memref<4x!tpu.dma_semaphore, #tpu.memory_space<semaphore_mem>> -> memref<1x!tpu.dma_semaphore, #tpu.memory_space<semaphore_mem>>
    %dma_start3A_546 = tpu.memref_squeeze %dma_start3A_545 : memref<1x!tpu.dma_semaphore, #tpu.memory_space<semaphore_mem>> -> memref<!tpu.dma_semaphore, #tpu.memory_space<semaphore_mem>>
    tpu.enqueue_indirect_dma source(%dma_start3A_544 : memref<100000x128xf32, #tpu.memory_space<hbm>>) target(%dma_start3A_539 : memref<94x128xf32, #tpu.memory_space<vmem>>) offsets(%dma_start3A_541 : memref<94xi32, #tpu.memory_space<vmem>>) semaphore(%dma_start3A_546 : memref<!tpu.dma_semaphore, #tpu.memory_space<semaphore_mem>>)
    %dma_wait3A_547 = arith.constant 1 : i32
    %dma_wait3A_548 = arith.constant 1 : i32
    %dma_wait3A_549 = arith.constant 10 : i32
    %dma_wait3A_550 = arith.constant 0 : i32
    %dma_wait3A_551 = tpu.memref_slice %arg7[%dma_wait3A_547, %dma_wait3A_549, %dma_wait3A_550] : memref<4x200x128xf32, #tpu.memory_space<vmem>> -> memref<1x96x128xf32, #tpu.memory_space<vmem>>
    %dma_wait3A_552 = tpu.memref_squeeze %dma_wait3A_551 : memref<1x96x128xf32, #tpu.memory_space<vmem>> -> memref<96x128xf32, #tpu.memory_space<vmem>>
    %dma_wait3A_553 = arith.constant 960 : i32
    %dma_wait3A_554 = tpu.memref_slice %arg6[%dma_wait3A_553] : memref<6144xi32, #tpu.memory_space<vmem>> -> memref<96xi32, #tpu.memory_space<vmem>>
    %dma_wait3A_555 = arith.constant 0 : i32
    %dma_wait3A_556 = arith.constant 0 : i32
    %dma_wait3A_557 = tpu.memref_slice %arg3[%dma_wait3A_555, %dma_wait3A_556] : memref<100000x128xf32, #tpu.memory_space<hbm>> -> memref<100000x128xf32, #tpu.memory_space<hbm>>
    %dma_wait3A_558 = tpu.memref_slice %arg8[%dma_wait3A_548] : memref<4x!tpu.dma_semaphore, #tpu.memory_space<semaphore_mem>> -> memref<1x!tpu.dma_semaphore, #tpu.memory_space<semaphore_mem>>
    %dma_wait3A_559 = tpu.memref_squeeze %dma_wait3A_558 : memref<1x!tpu.dma_semaphore, #tpu.memory_space<semaphore_mem>> -> memref<!tpu.dma_semaphore, #tpu.memory_space<semaphore_mem>>
    tpu.wait_indirect_dma semaphore(%dma_wait3A_559 : memref<!tpu.dma_semaphore, #tpu.memory_space<semaphore_mem>>) src(%dma_wait3A_557 : memref<100000x128xf32, #tpu.memory_space<hbm>>) dst(%dma_wait3A_552 : memref<96x128xf32, #tpu.memory_space<vmem>>)
    %dma_wait3A_560 = arith.constant 1 : i32
    %dma_wait3A_561 = arith.constant 1 : i32
    %dma_wait3A_562 = arith.constant 106 : i32
    %dma_wait3A_563 = arith.constant 0 : i32
    %dma_wait3A_564 = tpu.memref_slice %arg7[%dma_wait3A_560, %dma_wait3A_562, %dma_wait3A_563] : memref<4x200x128xf32, #tpu.memory_space<vmem>> -> memref<1x94x128xf32, #tpu.memory_space<vmem>>
    %dma_wait3A_565 = tpu.memref_squeeze %dma_wait3A_564 : memref<1x94x128xf32, #tpu.memory_space<vmem>> -> memref<94x128xf32, #tpu.memory_space<vmem>>
    %dma_wait3A_566 = arith.constant 1056 : i32
    %dma_wait3A_567 = tpu.memref_slice %arg6[%dma_wait3A_566] : memref<6144xi32, #tpu.memory_space<vmem>> -> memref<94xi32, #tpu.memory_space<vmem>>
    %dma_wait3A_568 = arith.constant 0 : i32
    %dma_wait3A_569 = arith.constant 0 : i32
    %dma_wait3A_570 = tpu.memref_slice %arg3[%dma_wait3A_568, %dma_wait3A_569] : memref<100000x128xf32, #tpu.memory_space<hbm>> -> memref<100000x128xf32, #tpu.memory_space<hbm>>
    %dma_wait3A_571 = tpu.memref_slice %arg8[%dma_wait3A_561] : memref<4x!tpu.dma_semaphore, #tpu.memory_space<semaphore_mem>> -> memref<1x!tpu.dma_semaphore, #tpu.memory_space<semaphore_mem>>
    %dma_wait3A_572 = tpu.memref_squeeze %dma_wait3A_571 : memref<1x!tpu.dma_semaphore, #tpu.memory_space<semaphore_mem>> -> memref<!tpu.dma_semaphore, #tpu.memory_space<semaphore_mem>>
    tpu.wait_indirect_dma semaphore(%dma_wait3A_572 : memref<!tpu.dma_semaphore, #tpu.memory_space<semaphore_mem>>) src(%dma_wait3A_570 : memref<100000x128xf32, #tpu.memory_space<hbm>>) dst(%dma_wait3A_565 : memref<94x128xf32, #tpu.memory_space<vmem>>)
    %add3A_573 = arith.constant 5 : i32
    %add3A_574 = arith.addi %mul3A_2, %add3A_573 : i32
    %mul3A_575 = arith.constant 200 : i32
    %mul3A_576 = arith.muli %add3A_574, %mul3A_575 : i32
    %dma_start3A_577 = arith.constant 1 : i32
    %dma_start3A_578 = arith.constant 1 : i32
    %dma_start3A_579 = arith.constant 0 : i32
    %dma_start3A_580 = arith.constant 0 : i32
    %dma_start3A_581 = tpu.memref_slice %arg7[%dma_start3A_577, %dma_start3A_579, %dma_start3A_580] : memref<4x200x128xf32, #tpu.memory_space<vmem>> -> memref<1x200x128xf32, #tpu.memory_space<vmem>>
    %dma_start3A_582 = tpu.memref_squeeze %dma_start3A_581 : memref<1x200x128xf32, #tpu.memory_space<vmem>> -> memref<200x128xf32, #tpu.memory_space<vmem>>
    %dma_start3A_583 = arith.constant 0 : i32
    %dma_start3A_584 = tpu.memref_slice %arg5[%mul3A_576, %dma_start3A_583] : memref<204800x128xf32, #tpu.memory_space<hbm>> -> memref<200x128xf32, #tpu.memory_space<hbm>>
    %dma_start3A_585 = tpu.memref_slice %arg9[%dma_start3A_578] : memref<4x!tpu.dma_semaphore, #tpu.memory_space<semaphore_mem>> -> memref<1x!tpu.dma_semaphore, #tpu.memory_space<semaphore_mem>>
    %dma_start3A_586 = tpu.memref_squeeze %dma_start3A_585 : memref<1x!tpu.dma_semaphore, #tpu.memory_space<semaphore_mem>> -> memref<!tpu.dma_semaphore, #tpu.memory_space<semaphore_mem>>
    %dma_start3A_587 = arith.constant 0 : i32
    %dma_start3A_588 = tpu.memref_slice %arg5[%mul3A_576, %dma_start3A_587] : memref<204800x128xf32, #tpu.memory_space<hbm>> -> memref<200x128xf32, #tpu.memory_space<hbm>>
    %dma_start3A_589 = arith.constant 0 : i32
    %dma_start3A_590 = arith.constant 0 : i32
    %dma_start3A_591 = tpu.memref_slice %arg7[%dma_start3A_577, %dma_start3A_589, %dma_start3A_590] : memref<4x200x128xf32, #tpu.memory_space<vmem>> -> memref<1x200x128xf32, #tpu.memory_space<vmem>>
    %dma_start3A_592 = tpu.memref_squeeze %dma_start3A_591 : memref<1x200x128xf32, #tpu.memory_space<vmem>> -> memref<200x128xf32, #tpu.memory_space<vmem>>
    tpu.enqueue_dma source(%dma_start3A_592 : memref<200x128xf32, #tpu.memory_space<vmem>>) target(%dma_start3A_588 : memref<200x128xf32, #tpu.memory_space<hbm>>) target_semaphore(%dma_start3A_586 : memref<!tpu.dma_semaphore, #tpu.memory_space<semaphore_mem>>)
    %add3A_593 = arith.constant 3 : i32
    %add3A_594 = arith.addi %mul3A_2, %add3A_593 : i32
    %mul3A_595 = arith.constant 200 : i32
    %mul3A_596 = arith.muli %add3A_594, %mul3A_595 : i32
    %dma_wait3A_597 = arith.constant 3 : i32
    %dma_wait3A_598 = arith.constant 3 : i32
    %dma_wait3A_599 = arith.constant 0 : i32
    %dma_wait3A_600 = arith.constant 0 : i32
    %dma_wait3A_601 = tpu.memref_slice %arg7[%dma_wait3A_597, %dma_wait3A_599, %dma_wait3A_600] : memref<4x200x128xf32, #tpu.memory_space<vmem>> -> memref<1x200x128xf32, #tpu.memory_space<vmem>>
    %dma_wait3A_602 = tpu.memref_squeeze %dma_wait3A_601 : memref<1x200x128xf32, #tpu.memory_space<vmem>> -> memref<200x128xf32, #tpu.memory_space<vmem>>
    %dma_wait3A_603 = arith.constant 0 : i32
    %dma_wait3A_604 = tpu.memref_slice %arg5[%mul3A_596, %dma_wait3A_603] : memref<204800x128xf32, #tpu.memory_space<hbm>> -> memref<200x128xf32, #tpu.memory_space<hbm>>
    %dma_wait3A_605 = tpu.memref_slice %arg9[%dma_wait3A_598] : memref<4x!tpu.dma_semaphore, #tpu.memory_space<semaphore_mem>> -> memref<1x!tpu.dma_semaphore, #tpu.memory_space<semaphore_mem>>
    %dma_wait3A_606 = tpu.memref_squeeze %dma_wait3A_605 : memref<1x!tpu.dma_semaphore, #tpu.memory_space<semaphore_mem>> -> memref<!tpu.dma_semaphore, #tpu.memory_space<semaphore_mem>>
    %dma_wait3A_607 = arith.constant 0 : i32
    %dma_wait3A_608 = tpu.memref_slice %arg5[%mul3A_596, %dma_wait3A_607] : memref<204800x128xf32, #tpu.memory_space<hbm>> -> memref<200x128xf32, #tpu.memory_space<hbm>>
    %dma_wait3A_609 = arith.constant 0 : i32
    %dma_wait3A_610 = arith.constant 0 : i32
    %dma_wait3A_611 = tpu.memref_slice %arg7[%dma_wait3A_597, %dma_wait3A_609, %dma_wait3A_610] : memref<4x200x128xf32, #tpu.memory_space<vmem>> -> memref<1x200x128xf32, #tpu.memory_space<vmem>>
    %dma_wait3A_612 = tpu.memref_squeeze %dma_wait3A_611 : memref<1x200x128xf32, #tpu.memory_space<vmem>> -> memref<200x128xf32, #tpu.memory_space<vmem>>
    tpu.wait_dma2 semaphore(%dma_wait3A_606 : memref<!tpu.dma_semaphore, #tpu.memory_space<semaphore_mem>>) src(%dma_wait3A_612 : memref<200x128xf32, #tpu.memory_space<vmem>>) dst(%dma_wait3A_608 : memref<200x128xf32, #tpu.memory_space<hbm>>)
    %dma_start3A_613 = arith.constant 3 : i32
    %dma_start3A_614 = arith.constant 3 : i32
    %dma_start3A_615 = arith.constant 10 : i32
    %dma_start3A_616 = arith.constant 0 : i32
    %dma_start3A_617 = tpu.memref_slice %arg7[%dma_start3A_613, %dma_start3A_615, %dma_start3A_616] : memref<4x200x128xf32, #tpu.memory_space<vmem>> -> memref<1x96x128xf32, #tpu.memory_space<vmem>>
    %dma_start3A_618 = tpu.memref_squeeze %dma_start3A_617 : memref<1x96x128xf32, #tpu.memory_space<vmem>> -> memref<96x128xf32, #tpu.memory_space<vmem>>
    %dma_start3A_619 = arith.constant 1344 : i32
    %dma_start3A_620 = tpu.memref_slice %arg6[%dma_start3A_619] : memref<6144xi32, #tpu.memory_space<vmem>> -> memref<96xi32, #tpu.memory_space<vmem>>
    %dma_start3A_621 = arith.constant 0 : i32
    %dma_start3A_622 = arith.constant 0 : i32
    %dma_start3A_623 = tpu.memref_slice %arg3[%dma_start3A_621, %dma_start3A_622] : memref<100000x128xf32, #tpu.memory_space<hbm>> -> memref<100000x128xf32, #tpu.memory_space<hbm>>
    %dma_start3A_624 = tpu.memref_slice %arg8[%dma_start3A_614] : memref<4x!tpu.dma_semaphore, #tpu.memory_space<semaphore_mem>> -> memref<1x!tpu.dma_semaphore, #tpu.memory_space<semaphore_mem>>
    %dma_start3A_625 = tpu.memref_squeeze %dma_start3A_624 : memref<1x!tpu.dma_semaphore, #tpu.memory_space<semaphore_mem>> -> memref<!tpu.dma_semaphore, #tpu.memory_space<semaphore_mem>>
    tpu.enqueue_indirect_dma source(%dma_start3A_623 : memref<100000x128xf32, #tpu.memory_space<hbm>>) target(%dma_start3A_618 : memref<96x128xf32, #tpu.memory_space<vmem>>) offsets(%dma_start3A_620 : memref<96xi32, #tpu.memory_space<vmem>>) semaphore(%dma_start3A_625 : memref<!tpu.dma_semaphore, #tpu.memory_space<semaphore_mem>>)
    %dma_start3A_626 = arith.constant 3 : i32
    %dma_start3A_627 = arith.constant 3 : i32
    %dma_start3A_628 = arith.constant 106 : i32
    %dma_start3A_629 = arith.constant 0 : i32
    %dma_start3A_630 = tpu.memref_slice %arg7[%dma_start3A_626, %dma_start3A_628, %dma_start3A_629] : memref<4x200x128xf32, #tpu.memory_space<vmem>> -> memref<1x94x128xf32, #tpu.memory_space<vmem>>
    %dma_start3A_631 = tpu.memref_squeeze %dma_start3A_630 : memref<1x94x128xf32, #tpu.memory_space<vmem>> -> memref<94x128xf32, #tpu.memory_space<vmem>>
    %dma_start3A_632 = arith.constant 1440 : i32
    %dma_start3A_633 = tpu.memref_slice %arg6[%dma_start3A_632] : memref<6144xi32, #tpu.memory_space<vmem>> -> memref<94xi32, #tpu.memory_space<vmem>>
    %dma_start3A_634 = arith.constant 0 : i32
    %dma_start3A_635 = arith.constant 0 : i32
    %dma_start3A_636 = tpu.memref_slice %arg3[%dma_start3A_634, %dma_start3A_635] : memref<100000x128xf32, #tpu.memory_space<hbm>> -> memref<100000x128xf32, #tpu.memory_space<hbm>>
    %dma_start3A_637 = tpu.memref_slice %arg8[%dma_start3A_627] : memref<4x!tpu.dma_semaphore, #tpu.memory_space<semaphore_mem>> -> memref<1x!tpu.dma_semaphore, #tpu.memory_space<semaphore_mem>>
    %dma_start3A_638 = tpu.memref_squeeze %dma_start3A_637 : memref<1x!tpu.dma_semaphore, #tpu.memory_space<semaphore_mem>> -> memref<!tpu.dma_semaphore, #tpu.memory_space<semaphore_mem>>
    tpu.enqueue_indirect_dma source(%dma_start3A_636 : memref<100000x128xf32, #tpu.memory_space<hbm>>) target(%dma_start3A_631 : memref<94x128xf32, #tpu.memory_space<vmem>>) offsets(%dma_start3A_633 : memref<94xi32, #tpu.memory_space<vmem>>) semaphore(%dma_start3A_638 : memref<!tpu.dma_semaphore, #tpu.memory_space<semaphore_mem>>)
    %dma_wait3A_639 = arith.constant 2 : i32
    %dma_wait3A_640 = arith.constant 2 : i32
    %dma_wait3A_641 = arith.constant 10 : i32
    %dma_wait3A_642 = arith.constant 0 : i32
    %dma_wait3A_643 = tpu.memref_slice %arg7[%dma_wait3A_639, %dma_wait3A_641, %dma_wait3A_642] : memref<4x200x128xf32, #tpu.memory_space<vmem>> -> memref<1x96x128xf32, #tpu.memory_space<vmem>>
    %dma_wait3A_644 = tpu.memref_squeeze %dma_wait3A_643 : memref<1x96x128xf32, #tpu.memory_space<vmem>> -> memref<96x128xf32, #tpu.memory_space<vmem>>
    %dma_wait3A_645 = arith.constant 1152 : i32
    %dma_wait3A_646 = tpu.memref_slice %arg6[%dma_wait3A_645] : memref<6144xi32, #tpu.memory_space<vmem>> -> memref<96xi32, #tpu.memory_space<vmem>>
    %dma_wait3A_647 = arith.constant 0 : i32
    %dma_wait3A_648 = arith.constant 0 : i32
    %dma_wait3A_649 = tpu.memref_slice %arg3[%dma_wait3A_647, %dma_wait3A_648] : memref<100000x128xf32, #tpu.memory_space<hbm>> -> memref<100000x128xf32, #tpu.memory_space<hbm>>
    %dma_wait3A_650 = tpu.memref_slice %arg8[%dma_wait3A_640] : memref<4x!tpu.dma_semaphore, #tpu.memory_space<semaphore_mem>> -> memref<1x!tpu.dma_semaphore, #tpu.memory_space<semaphore_mem>>
    %dma_wait3A_651 = tpu.memref_squeeze %dma_wait3A_650 : memref<1x!tpu.dma_semaphore, #tpu.memory_space<semaphore_mem>> -> memref<!tpu.dma_semaphore, #tpu.memory_space<semaphore_mem>>
    tpu.wait_indirect_dma semaphore(%dma_wait3A_651 : memref<!tpu.dma_semaphore, #tpu.memory_space<semaphore_mem>>) src(%dma_wait3A_649 : memref<100000x128xf32, #tpu.memory_space<hbm>>) dst(%dma_wait3A_644 : memref<96x128xf32, #tpu.memory_space<vmem>>)
    %dma_wait3A_652 = arith.constant 2 : i32
    %dma_wait3A_653 = arith.constant 2 : i32
    %dma_wait3A_654 = arith.constant 106 : i32
    %dma_wait3A_655 = arith.constant 0 : i32
    %dma_wait3A_656 = tpu.memref_slice %arg7[%dma_wait3A_652, %dma_wait3A_654, %dma_wait3A_655] : memref<4x200x128xf32, #tpu.memory_space<vmem>> -> memref<1x94x128xf32, #tpu.memory_space<vmem>>
    %dma_wait3A_657 = tpu.memref_squeeze %dma_wait3A_656 : memref<1x94x128xf32, #tpu.memory_space<vmem>> -> memref<94x128xf32, #tpu.memory_space<vmem>>
    %dma_wait3A_658 = arith.constant 1248 : i32
    %dma_wait3A_659 = tpu.memref_slice %arg6[%dma_wait3A_658] : memref<6144xi32, #tpu.memory_space<vmem>> -> memref<94xi32, #tpu.memory_space<vmem>>
    %dma_wait3A_660 = arith.constant 0 : i32
    %dma_wait3A_661 = arith.constant 0 : i32
    %dma_wait3A_662 = tpu.memref_slice %arg3[%dma_wait3A_660, %dma_wait3A_661] : memref<100000x128xf32, #tpu.memory_space<hbm>> -> memref<100000x128xf32, #tpu.memory_space<hbm>>
    %dma_wait3A_663 = tpu.memref_slice %arg8[%dma_wait3A_653] : memref<4x!tpu.dma_semaphore, #tpu.memory_space<semaphore_mem>> -> memref<1x!tpu.dma_semaphore, #tpu.memory_space<semaphore_mem>>
    %dma_wait3A_664 = tpu.memref_squeeze %dma_wait3A_663 : memref<1x!tpu.dma_semaphore, #tpu.memory_space<semaphore_mem>> -> memref<!tpu.dma_semaphore, #tpu.memory_space<semaphore_mem>>
    tpu.wait_indirect_dma semaphore(%dma_wait3A_664 : memref<!tpu.dma_semaphore, #tpu.memory_space<semaphore_mem>>) src(%dma_wait3A_662 : memref<100000x128xf32, #tpu.memory_space<hbm>>) dst(%dma_wait3A_657 : memref<94x128xf32, #tpu.memory_space<vmem>>)
    %add3A_665 = arith.constant 6 : i32
    %add3A_666 = arith.addi %mul3A_2, %add3A_665 : i32
    %mul3A_667 = arith.constant 200 : i32
    %mul3A_668 = arith.muli %add3A_666, %mul3A_667 : i32
    %dma_start3A_669 = arith.constant 2 : i32
    %dma_start3A_670 = arith.constant 2 : i32
    %dma_start3A_671 = arith.constant 0 : i32
    %dma_start3A_672 = arith.constant 0 : i32
    %dma_start3A_673 = tpu.memref_slice %arg7[%dma_start3A_669, %dma_start3A_671, %dma_start3A_672] : memref<4x200x128xf32, #tpu.memory_space<vmem>> -> memref<1x200x128xf32, #tpu.memory_space<vmem>>
    %dma_start3A_674 = tpu.memref_squeeze %dma_start3A_673 : memref<1x200x128xf32, #tpu.memory_space<vmem>> -> memref<200x128xf32, #tpu.memory_space<vmem>>
    %dma_start3A_675 = arith.constant 0 : i32
    %dma_start3A_676 = tpu.memref_slice %arg5[%mul3A_668, %dma_start3A_675] : memref<204800x128xf32, #tpu.memory_space<hbm>> -> memref<200x128xf32, #tpu.memory_space<hbm>>
    %dma_start3A_677 = tpu.memref_slice %arg9[%dma_start3A_670] : memref<4x!tpu.dma_semaphore, #tpu.memory_space<semaphore_mem>> -> memref<1x!tpu.dma_semaphore, #tpu.memory_space<semaphore_mem>>
    %dma_start3A_678 = tpu.memref_squeeze %dma_start3A_677 : memref<1x!tpu.dma_semaphore, #tpu.memory_space<semaphore_mem>> -> memref<!tpu.dma_semaphore, #tpu.memory_space<semaphore_mem>>
    %dma_start3A_679 = arith.constant 0 : i32
    %dma_start3A_680 = tpu.memref_slice %arg5[%mul3A_668, %dma_start3A_679] : memref<204800x128xf32, #tpu.memory_space<hbm>> -> memref<200x128xf32, #tpu.memory_space<hbm>>
    %dma_start3A_681 = arith.constant 0 : i32
    %dma_start3A_682 = arith.constant 0 : i32
    %dma_start3A_683 = tpu.memref_slice %arg7[%dma_start3A_669, %dma_start3A_681, %dma_start3A_682] : memref<4x200x128xf32, #tpu.memory_space<vmem>> -> memref<1x200x128xf32, #tpu.memory_space<vmem>>
    %dma_start3A_684 = tpu.memref_squeeze %dma_start3A_683 : memref<1x200x128xf32, #tpu.memory_space<vmem>> -> memref<200x128xf32, #tpu.memory_space<vmem>>
    tpu.enqueue_dma source(%dma_start3A_684 : memref<200x128xf32, #tpu.memory_space<vmem>>) target(%dma_start3A_680 : memref<200x128xf32, #tpu.memory_space<hbm>>) target_semaphore(%dma_start3A_678 : memref<!tpu.dma_semaphore, #tpu.memory_space<semaphore_mem>>)
    %add3A_685 = arith.constant 4 : i32
    %add3A_686 = arith.addi %mul3A_2, %add3A_685 : i32
    %mul3A_687 = arith.constant 200 : i32
    %mul3A_688 = arith.muli %add3A_686, %mul3A_687 : i32
    %dma_wait3A_689 = arith.constant 0 : i32
    %dma_wait3A_690 = arith.constant 0 : i32
    %dma_wait3A_691 = arith.constant 0 : i32
    %dma_wait3A_692 = arith.constant 0 : i32
    %dma_wait3A_693 = tpu.memref_slice %arg7[%dma_wait3A_689, %dma_wait3A_691, %dma_wait3A_692] : memref<4x200x128xf32, #tpu.memory_space<vmem>> -> memref<1x200x128xf32, #tpu.memory_space<vmem>>
    %dma_wait3A_694 = tpu.memref_squeeze %dma_wait3A_693 : memref<1x200x128xf32, #tpu.memory_space<vmem>> -> memref<200x128xf32, #tpu.memory_space<vmem>>
    %dma_wait3A_695 = arith.constant 0 : i32
    %dma_wait3A_696 = tpu.memref_slice %arg5[%mul3A_688, %dma_wait3A_695] : memref<204800x128xf32, #tpu.memory_space<hbm>> -> memref<200x128xf32, #tpu.memory_space<hbm>>
    %dma_wait3A_697 = tpu.memref_slice %arg9[%dma_wait3A_690] : memref<4x!tpu.dma_semaphore, #tpu.memory_space<semaphore_mem>> -> memref<1x!tpu.dma_semaphore, #tpu.memory_space<semaphore_mem>>
    %dma_wait3A_698 = tpu.memref_squeeze %dma_wait3A_697 : memref<1x!tpu.dma_semaphore, #tpu.memory_space<semaphore_mem>> -> memref<!tpu.dma_semaphore, #tpu.memory_space<semaphore_mem>>
    %dma_wait3A_699 = arith.constant 0 : i32
    %dma_wait3A_700 = tpu.memref_slice %arg5[%mul3A_688, %dma_wait3A_699] : memref<204800x128xf32, #tpu.memory_space<hbm>> -> memref<200x128xf32, #tpu.memory_space<hbm>>
    %dma_wait3A_701 = arith.constant 0 : i32
    %dma_wait3A_702 = arith.constant 0 : i32
    %dma_wait3A_703 = tpu.memref_slice %arg7[%dma_wait3A_689, %dma_wait3A_701, %dma_wait3A_702] : memref<4x200x128xf32, #tpu.memory_space<vmem>> -> memref<1x200x128xf32, #tpu.memory_space<vmem>>
    %dma_wait3A_704 = tpu.memref_squeeze %dma_wait3A_703 : memref<1x200x128xf32, #tpu.memory_space<vmem>> -> memref<200x128xf32, #tpu.memory_space<vmem>>
    tpu.wait_dma2 semaphore(%dma_wait3A_698 : memref<!tpu.dma_semaphore, #tpu.memory_space<semaphore_mem>>) src(%dma_wait3A_704 : memref<200x128xf32, #tpu.memory_space<vmem>>) dst(%dma_wait3A_700 : memref<200x128xf32, #tpu.memory_space<hbm>>)
    %dma_start3A_705 = arith.constant 0 : i32
    %dma_start3A_706 = arith.constant 0 : i32
    %dma_start3A_707 = arith.constant 10 : i32
    %dma_start3A_708 = arith.constant 0 : i32
    %dma_start3A_709 = tpu.memref_slice %arg7[%dma_start3A_705, %dma_start3A_707, %dma_start3A_708] : memref<4x200x128xf32, #tpu.memory_space<vmem>> -> memref<1x96x128xf32, #tpu.memory_space<vmem>>
    %dma_start3A_710 = tpu.memref_squeeze %dma_start3A_709 : memref<1x96x128xf32, #tpu.memory_space<vmem>> -> memref<96x128xf32, #tpu.memory_space<vmem>>
    %dma_start3A_711 = arith.constant 1536 : i32
    %dma_start3A_712 = tpu.memref_slice %arg6[%dma_start3A_711] : memref<6144xi32, #tpu.memory_space<vmem>> -> memref<96xi32, #tpu.memory_space<vmem>>
    %dma_start3A_713 = arith.constant 0 : i32
    %dma_start3A_714 = arith.constant 0 : i32
    %dma_start3A_715 = tpu.memref_slice %arg3[%dma_start3A_713, %dma_start3A_714] : memref<100000x128xf32, #tpu.memory_space<hbm>> -> memref<100000x128xf32, #tpu.memory_space<hbm>>
    %dma_start3A_716 = tpu.memref_slice %arg8[%dma_start3A_706] : memref<4x!tpu.dma_semaphore, #tpu.memory_space<semaphore_mem>> -> memref<1x!tpu.dma_semaphore, #tpu.memory_space<semaphore_mem>>
    %dma_start3A_717 = tpu.memref_squeeze %dma_start3A_716 : memref<1x!tpu.dma_semaphore, #tpu.memory_space<semaphore_mem>> -> memref<!tpu.dma_semaphore, #tpu.memory_space<semaphore_mem>>
    tpu.enqueue_indirect_dma source(%dma_start3A_715 : memref<100000x128xf32, #tpu.memory_space<hbm>>) target(%dma_start3A_710 : memref<96x128xf32, #tpu.memory_space<vmem>>) offsets(%dma_start3A_712 : memref<96xi32, #tpu.memory_space<vmem>>) semaphore(%dma_start3A_717 : memref<!tpu.dma_semaphore, #tpu.memory_space<semaphore_mem>>)
    %dma_start3A_718 = arith.constant 0 : i32
    %dma_start3A_719 = arith.constant 0 : i32
    %dma_start3A_720 = arith.constant 106 : i32
    %dma_start3A_721 = arith.constant 0 : i32
    %dma_start3A_722 = tpu.memref_slice %arg7[%dma_start3A_718, %dma_start3A_720, %dma_start3A_721] : memref<4x200x128xf32, #tpu.memory_space<vmem>> -> memref<1x94x128xf32, #tpu.memory_space<vmem>>
    %dma_start3A_723 = tpu.memref_squeeze %dma_start3A_722 : memref<1x94x128xf32, #tpu.memory_space<vmem>> -> memref<94x128xf32, #tpu.memory_space<vmem>>
    %dma_start3A_724 = arith.constant 1632 : i32
    %dma_start3A_725 = tpu.memref_slice %arg6[%dma_start3A_724] : memref<6144xi32, #tpu.memory_space<vmem>> -> memref<94xi32, #tpu.memory_space<vmem>>
    %dma_start3A_726 = arith.constant 0 : i32
    %dma_start3A_727 = arith.constant 0 : i32
    %dma_start3A_728 = tpu.memref_slice %arg3[%dma_start3A_726, %dma_start3A_727] : memref<100000x128xf32, #tpu.memory_space<hbm>> -> memref<100000x128xf32, #tpu.memory_space<hbm>>
    %dma_start3A_729 = tpu.memref_slice %arg8[%dma_start3A_719] : memref<4x!tpu.dma_semaphore, #tpu.memory_space<semaphore_mem>> -> memref<1x!tpu.dma_semaphore, #tpu.memory_space<semaphore_mem>>
    %dma_start3A_730 = tpu.memref_squeeze %dma_start3A_729 : memref<1x!tpu.dma_semaphore, #tpu.memory_space<semaphore_mem>> -> memref<!tpu.dma_semaphore, #tpu.memory_space<semaphore_mem>>
    tpu.enqueue_indirect_dma source(%dma_start3A_728 : memref<100000x128xf32, #tpu.memory_space<hbm>>) target(%dma_start3A_723 : memref<94x128xf32, #tpu.memory_space<vmem>>) offsets(%dma_start3A_725 : memref<94xi32, #tpu.memory_space<vmem>>) semaphore(%dma_start3A_730 : memref<!tpu.dma_semaphore, #tpu.memory_space<semaphore_mem>>)
    %dma_wait3A_731 = arith.constant 3 : i32
    %dma_wait3A_732 = arith.constant 3 : i32
    %dma_wait3A_733 = arith.constant 10 : i32
    %dma_wait3A_734 = arith.constant 0 : i32
    %dma_wait3A_735 = tpu.memref_slice %arg7[%dma_wait3A_731, %dma_wait3A_733, %dma_wait3A_734] : memref<4x200x128xf32, #tpu.memory_space<vmem>> -> memref<1x96x128xf32, #tpu.memory_space<vmem>>
    %dma_wait3A_736 = tpu.memref_squeeze %dma_wait3A_735 : memref<1x96x128xf32, #tpu.memory_space<vmem>> -> memref<96x128xf32, #tpu.memory_space<vmem>>
    %dma_wait3A_737 = arith.constant 1344 : i32
    %dma_wait3A_738 = tpu.memref_slice %arg6[%dma_wait3A_737] : memref<6144xi32, #tpu.memory_space<vmem>> -> memref<96xi32, #tpu.memory_space<vmem>>
    %dma_wait3A_739 = arith.constant 0 : i32
    %dma_wait3A_740 = arith.constant 0 : i32
    %dma_wait3A_741 = tpu.memref_slice %arg3[%dma_wait3A_739, %dma_wait3A_740] : memref<100000x128xf32, #tpu.memory_space<hbm>> -> memref<100000x128xf32, #tpu.memory_space<hbm>>
    %dma_wait3A_742 = tpu.memref_slice %arg8[%dma_wait3A_732] : memref<4x!tpu.dma_semaphore, #tpu.memory_space<semaphore_mem>> -> memref<1x!tpu.dma_semaphore, #tpu.memory_space<semaphore_mem>>
    %dma_wait3A_743 = tpu.memref_squeeze %dma_wait3A_742 : memref<1x!tpu.dma_semaphore, #tpu.memory_space<semaphore_mem>> -> memref<!tpu.dma_semaphore, #tpu.memory_space<semaphore_mem>>
    tpu.wait_indirect_dma semaphore(%dma_wait3A_743 : memref<!tpu.dma_semaphore, #tpu.memory_space<semaphore_mem>>) src(%dma_wait3A_741 : memref<100000x128xf32, #tpu.memory_space<hbm>>) dst(%dma_wait3A_736 : memref<96x128xf32, #tpu.memory_space<vmem>>)
    %dma_wait3A_744 = arith.constant 3 : i32
    %dma_wait3A_745 = arith.constant 3 : i32
    %dma_wait3A_746 = arith.constant 106 : i32
    %dma_wait3A_747 = arith.constant 0 : i32
    %dma_wait3A_748 = tpu.memref_slice %arg7[%dma_wait3A_744, %dma_wait3A_746, %dma_wait3A_747] : memref<4x200x128xf32, #tpu.memory_space<vmem>> -> memref<1x94x128xf32, #tpu.memory_space<vmem>>
    %dma_wait3A_749 = tpu.memref_squeeze %dma_wait3A_748 : memref<1x94x128xf32, #tpu.memory_space<vmem>> -> memref<94x128xf32, #tpu.memory_space<vmem>>
    %dma_wait3A_750 = arith.constant 1440 : i32
    %dma_wait3A_751 = tpu.memref_slice %arg6[%dma_wait3A_750] : memref<6144xi32, #tpu.memory_space<vmem>> -> memref<94xi32, #tpu.memory_space<vmem>>
    %dma_wait3A_752 = arith.constant 0 : i32
    %dma_wait3A_753 = arith.constant 0 : i32
    %dma_wait3A_754 = tpu.memref_slice %arg3[%dma_wait3A_752, %dma_wait3A_753] : memref<100000x128xf32, #tpu.memory_space<hbm>> -> memref<100000x128xf32, #tpu.memory_space<hbm>>
    %dma_wait3A_755 = tpu.memref_slice %arg8[%dma_wait3A_745] : memref<4x!tpu.dma_semaphore, #tpu.memory_space<semaphore_mem>> -> memref<1x!tpu.dma_semaphore, #tpu.memory_space<semaphore_mem>>
    %dma_wait3A_756 = tpu.memref_squeeze %dma_wait3A_755 : memref<1x!tpu.dma_semaphore, #tpu.memory_space<semaphore_mem>> -> memref<!tpu.dma_semaphore, #tpu.memory_space<semaphore_mem>>
    tpu.wait_indirect_dma semaphore(%dma_wait3A_756 : memref<!tpu.dma_semaphore, #tpu.memory_space<semaphore_mem>>) src(%dma_wait3A_754 : memref<100000x128xf32, #tpu.memory_space<hbm>>) dst(%dma_wait3A_749 : memref<94x128xf32, #tpu.memory_space<vmem>>)
    %add3A_757 = arith.constant 7 : i32
    %add3A_758 = arith.addi %mul3A_2, %add3A_757 : i32
    %mul3A_759 = arith.constant 200 : i32
    %mul3A_760 = arith.muli %add3A_758, %mul3A_759 : i32
    %dma_start3A_761 = arith.constant 3 : i32
    %dma_start3A_762 = arith.constant 3 : i32
    %dma_start3A_763 = arith.constant 0 : i32
    %dma_start3A_764 = arith.constant 0 : i32
    %dma_start3A_765 = tpu.memref_slice %arg7[%dma_start3A_761, %dma_start3A_763, %dma_start3A_764] : memref<4x200x128xf32, #tpu.memory_space<vmem>> -> memref<1x200x128xf32, #tpu.memory_space<vmem>>
    %dma_start3A_766 = tpu.memref_squeeze %dma_start3A_765 : memref<1x200x128xf32, #tpu.memory_space<vmem>> -> memref<200x128xf32, #tpu.memory_space<vmem>>
    %dma_start3A_767 = arith.constant 0 : i32
    %dma_start3A_768 = tpu.memref_slice %arg5[%mul3A_760, %dma_start3A_767] : memref<204800x128xf32, #tpu.memory_space<hbm>> -> memref<200x128xf32, #tpu.memory_space<hbm>>
    %dma_start3A_769 = tpu.memref_slice %arg9[%dma_start3A_762] : memref<4x!tpu.dma_semaphore, #tpu.memory_space<semaphore_mem>> -> memref<1x!tpu.dma_semaphore, #tpu.memory_space<semaphore_mem>>
    %dma_start3A_770 = tpu.memref_squeeze %dma_start3A_769 : memref<1x!tpu.dma_semaphore, #tpu.memory_space<semaphore_mem>> -> memref<!tpu.dma_semaphore, #tpu.memory_space<semaphore_mem>>
    %dma_start3A_771 = arith.constant 0 : i32
    %dma_start3A_772 = tpu.memref_slice %arg5[%mul3A_760, %dma_start3A_771] : memref<204800x128xf32, #tpu.memory_space<hbm>> -> memref<200x128xf32, #tpu.memory_space<hbm>>
    %dma_start3A_773 = arith.constant 0 : i32
    %dma_start3A_774 = arith.constant 0 : i32
    %dma_start3A_775 = tpu.memref_slice %arg7[%dma_start3A_761, %dma_start3A_773, %dma_start3A_774] : memref<4x200x128xf32, #tpu.memory_space<vmem>> -> memref<1x200x128xf32, #tpu.memory_space<vmem>>
    %dma_start3A_776 = tpu.memref_squeeze %dma_start3A_775 : memref<1x200x128xf32, #tpu.memory_space<vmem>> -> memref<200x128xf32, #tpu.memory_space<vmem>>
    tpu.enqueue_dma source(%dma_start3A_776 : memref<200x128xf32, #tpu.memory_space<vmem>>) target(%dma_start3A_772 : memref<200x128xf32, #tpu.memory_space<hbm>>) target_semaphore(%dma_start3A_770 : memref<!tpu.dma_semaphore, #tpu.memory_space<semaphore_mem>>)
    %add3A_777 = arith.constant 5 : i32
    %add3A_778 = arith.addi %mul3A_2, %add3A_777 : i32
    %mul3A_779 = arith.constant 200 : i32
    %mul3A_780 = arith.muli %add3A_778, %mul3A_779 : i32
    %dma_wait3A_781 = arith.constant 1 : i32
    %dma_wait3A_782 = arith.constant 1 : i32
    %dma_wait3A_783 = arith.constant 0 : i32
    %dma_wait3A_784 = arith.constant 0 : i32
    %dma_wait3A_785 = tpu.memref_slice %arg7[%dma_wait3A_781, %dma_wait3A_783, %dma_wait3A_784] : memref<4x200x128xf32, #tpu.memory_space<vmem>> -> memref<1x200x128xf32, #tpu.memory_space<vmem>>
    %dma_wait3A_786 = tpu.memref_squeeze %dma_wait3A_785 : memref<1x200x128xf32, #tpu.memory_space<vmem>> -> memref<200x128xf32, #tpu.memory_space<vmem>>
    %dma_wait3A_787 = arith.constant 0 : i32
    %dma_wait3A_788 = tpu.memref_slice %arg5[%mul3A_780, %dma_wait3A_787] : memref<204800x128xf32, #tpu.memory_space<hbm>> -> memref<200x128xf32, #tpu.memory_space<hbm>>
    %dma_wait3A_789 = tpu.memref_slice %arg9[%dma_wait3A_782] : memref<4x!tpu.dma_semaphore, #tpu.memory_space<semaphore_mem>> -> memref<1x!tpu.dma_semaphore, #tpu.memory_space<semaphore_mem>>
    %dma_wait3A_790 = tpu.memref_squeeze %dma_wait3A_789 : memref<1x!tpu.dma_semaphore, #tpu.memory_space<semaphore_mem>> -> memref<!tpu.dma_semaphore, #tpu.memory_space<semaphore_mem>>
    %dma_wait3A_791 = arith.constant 0 : i32
    %dma_wait3A_792 = tpu.memref_slice %arg5[%mul3A_780, %dma_wait3A_791] : memref<204800x128xf32, #tpu.memory_space<hbm>> -> memref<200x128xf32, #tpu.memory_space<hbm>>
    %dma_wait3A_793 = arith.constant 0 : i32
    %dma_wait3A_794 = arith.constant 0 : i32
    %dma_wait3A_795 = tpu.memref_slice %arg7[%dma_wait3A_781, %dma_wait3A_793, %dma_wait3A_794] : memref<4x200x128xf32, #tpu.memory_space<vmem>> -> memref<1x200x128xf32, #tpu.memory_space<vmem>>
    %dma_wait3A_796 = tpu.memref_squeeze %dma_wait3A_795 : memref<1x200x128xf32, #tpu.memory_space<vmem>> -> memref<200x128xf32, #tpu.memory_space<vmem>>
    tpu.wait_dma2 semaphore(%dma_wait3A_790 : memref<!tpu.dma_semaphore, #tpu.memory_space<semaphore_mem>>) src(%dma_wait3A_796 : memref<200x128xf32, #tpu.memory_space<vmem>>) dst(%dma_wait3A_792 : memref<200x128xf32, #tpu.memory_space<hbm>>)
    %dma_start3A_797 = arith.constant 1 : i32
    %dma_start3A_798 = arith.constant 1 : i32
    %dma_start3A_799 = arith.constant 10 : i32
    %dma_start3A_800 = arith.constant 0 : i32
    %dma_start3A_801 = tpu.memref_slice %arg7[%dma_start3A_797, %dma_start3A_799, %dma_start3A_800] : memref<4x200x128xf32, #tpu.memory_space<vmem>> -> memref<1x96x128xf32, #tpu.memory_space<vmem>>
    %dma_start3A_802 = tpu.memref_squeeze %dma_start3A_801 : memref<1x96x128xf32, #tpu.memory_space<vmem>> -> memref<96x128xf32, #tpu.memory_space<vmem>>
    %dma_start3A_803 = arith.constant 1728 : i32
    %dma_start3A_804 = tpu.memref_slice %arg6[%dma_start3A_803] : memref<6144xi32, #tpu.memory_space<vmem>> -> memref<96xi32, #tpu.memory_space<vmem>>
    %dma_start3A_805 = arith.constant 0 : i32
    %dma_start3A_806 = arith.constant 0 : i32
    %dma_start3A_807 = tpu.memref_slice %arg3[%dma_start3A_805, %dma_start3A_806] : memref<100000x128xf32, #tpu.memory_space<hbm>> -> memref<100000x128xf32, #tpu.memory_space<hbm>>
    %dma_start3A_808 = tpu.memref_slice %arg8[%dma_start3A_798] : memref<4x!tpu.dma_semaphore, #tpu.memory_space<semaphore_mem>> -> memref<1x!tpu.dma_semaphore, #tpu.memory_space<semaphore_mem>>
    %dma_start3A_809 = tpu.memref_squeeze %dma_start3A_808 : memref<1x!tpu.dma_semaphore, #tpu.memory_space<semaphore_mem>> -> memref<!tpu.dma_semaphore, #tpu.memory_space<semaphore_mem>>
    tpu.enqueue_indirect_dma source(%dma_start3A_807 : memref<100000x128xf32, #tpu.memory_space<hbm>>) target(%dma_start3A_802 : memref<96x128xf32, #tpu.memory_space<vmem>>) offsets(%dma_start3A_804 : memref<96xi32, #tpu.memory_space<vmem>>) semaphore(%dma_start3A_809 : memref<!tpu.dma_semaphore, #tpu.memory_space<semaphore_mem>>)
    %dma_start3A_810 = arith.constant 1 : i32
    %dma_start3A_811 = arith.constant 1 : i32
    %dma_start3A_812 = arith.constant 106 : i32
    %dma_start3A_813 = arith.constant 0 : i32
    %dma_start3A_814 = tpu.memref_slice %arg7[%dma_start3A_810, %dma_start3A_812, %dma_start3A_813] : memref<4x200x128xf32, #tpu.memory_space<vmem>> -> memref<1x94x128xf32, #tpu.memory_space<vmem>>
    %dma_start3A_815 = tpu.memref_squeeze %dma_start3A_814 : memref<1x94x128xf32, #tpu.memory_space<vmem>> -> memref<94x128xf32, #tpu.memory_space<vmem>>
    %dma_start3A_816 = arith.constant 1824 : i32
    %dma_start3A_817 = tpu.memref_slice %arg6[%dma_start3A_816] : memref<6144xi32, #tpu.memory_space<vmem>> -> memref<94xi32, #tpu.memory_space<vmem>>
    %dma_start3A_818 = arith.constant 0 : i32
    %dma_start3A_819 = arith.constant 0 : i32
    %dma_start3A_820 = tpu.memref_slice %arg3[%dma_start3A_818, %dma_start3A_819] : memref<100000x128xf32, #tpu.memory_space<hbm>> -> memref<100000x128xf32, #tpu.memory_space<hbm>>
    %dma_start3A_821 = tpu.memref_slice %arg8[%dma_start3A_811] : memref<4x!tpu.dma_semaphore, #tpu.memory_space<semaphore_mem>> -> memref<1x!tpu.dma_semaphore, #tpu.memory_space<semaphore_mem>>
    %dma_start3A_822 = tpu.memref_squeeze %dma_start3A_821 : memref<1x!tpu.dma_semaphore, #tpu.memory_space<semaphore_mem>> -> memref<!tpu.dma_semaphore, #tpu.memory_space<semaphore_mem>>
    tpu.enqueue_indirect_dma source(%dma_start3A_820 : memref<100000x128xf32, #tpu.memory_space<hbm>>) target(%dma_start3A_815 : memref<94x128xf32, #tpu.memory_space<vmem>>) offsets(%dma_start3A_817 : memref<94xi32, #tpu.memory_space<vmem>>) semaphore(%dma_start3A_822 : memref<!tpu.dma_semaphore, #tpu.memory_space<semaphore_mem>>)
    %dma_wait3A_823 = arith.constant 0 : i32
    %dma_wait3A_824 = arith.constant 0 : i32
    %dma_wait3A_825 = arith.constant 10 : i32
    %dma_wait3A_826 = arith.constant 0 : i32
    %dma_wait3A_827 = tpu.memref_slice %arg7[%dma_wait3A_823, %dma_wait3A_825, %dma_wait3A_826] : memref<4x200x128xf32, #tpu.memory_space<vmem>> -> memref<1x96x128xf32, #tpu.memory_space<vmem>>
    %dma_wait3A_828 = tpu.memref_squeeze %dma_wait3A_827 : memref<1x96x128xf32, #tpu.memory_space<vmem>> -> memref<96x128xf32, #tpu.memory_space<vmem>>
    %dma_wait3A_829 = arith.constant 1536 : i32
    %dma_wait3A_830 = tpu.memref_slice %arg6[%dma_wait3A_829] : memref<6144xi32, #tpu.memory_space<vmem>> -> memref<96xi32, #tpu.memory_space<vmem>>
    %dma_wait3A_831 = arith.constant 0 : i32
    %dma_wait3A_832 = arith.constant 0 : i32
    %dma_wait3A_833 = tpu.memref_slice %arg3[%dma_wait3A_831, %dma_wait3A_832] : memref<100000x128xf32, #tpu.memory_space<hbm>> -> memref<100000x128xf32, #tpu.memory_space<hbm>>
    %dma_wait3A_834 = tpu.memref_slice %arg8[%dma_wait3A_824] : memref<4x!tpu.dma_semaphore, #tpu.memory_space<semaphore_mem>> -> memref<1x!tpu.dma_semaphore, #tpu.memory_space<semaphore_mem>>
    %dma_wait3A_835 = tpu.memref_squeeze %dma_wait3A_834 : memref<1x!tpu.dma_semaphore, #tpu.memory_space<semaphore_mem>> -> memref<!tpu.dma_semaphore, #tpu.memory_space<semaphore_mem>>
    tpu.wait_indirect_dma semaphore(%dma_wait3A_835 : memref<!tpu.dma_semaphore, #tpu.memory_space<semaphore_mem>>) src(%dma_wait3A_833 : memref<100000x128xf32, #tpu.memory_space<hbm>>) dst(%dma_wait3A_828 : memref<96x128xf32, #tpu.memory_space<vmem>>)
    %dma_wait3A_836 = arith.constant 0 : i32
    %dma_wait3A_837 = arith.constant 0 : i32
    %dma_wait3A_838 = arith.constant 106 : i32
    %dma_wait3A_839 = arith.constant 0 : i32
    %dma_wait3A_840 = tpu.memref_slice %arg7[%dma_wait3A_836, %dma_wait3A_838, %dma_wait3A_839] : memref<4x200x128xf32, #tpu.memory_space<vmem>> -> memref<1x94x128xf32, #tpu.memory_space<vmem>>
    %dma_wait3A_841 = tpu.memref_squeeze %dma_wait3A_840 : memref<1x94x128xf32, #tpu.memory_space<vmem>> -> memref<94x128xf32, #tpu.memory_space<vmem>>
    %dma_wait3A_842 = arith.constant 1632 : i32
    %dma_wait3A_843 = tpu.memref_slice %arg6[%dma_wait3A_842] : memref<6144xi32, #tpu.memory_space<vmem>> -> memref<94xi32, #tpu.memory_space<vmem>>
    %dma_wait3A_844 = arith.constant 0 : i32
    %dma_wait3A_845 = arith.constant 0 : i32
    %dma_wait3A_846 = tpu.memref_slice %arg3[%dma_wait3A_844, %dma_wait3A_845] : memref<100000x128xf32, #tpu.memory_space<hbm>> -> memref<100000x128xf32, #tpu.memory_space<hbm>>
    %dma_wait3A_847 = tpu.memref_slice %arg8[%dma_wait3A_837] : memref<4x!tpu.dma_semaphore, #tpu.memory_space<semaphore_mem>> -> memref<1x!tpu.dma_semaphore, #tpu.memory_space<semaphore_mem>>
    %dma_wait3A_848 = tpu.memref_squeeze %dma_wait3A_847 : memref<1x!tpu.dma_semaphore, #tpu.memory_space<semaphore_mem>> -> memref<!tpu.dma_semaphore, #tpu.memory_space<semaphore_mem>>
    tpu.wait_indirect_dma semaphore(%dma_wait3A_848 : memref<!tpu.dma_semaphore, #tpu.memory_space<semaphore_mem>>) src(%dma_wait3A_846 : memref<100000x128xf32, #tpu.memory_space<hbm>>) dst(%dma_wait3A_841 : memref<94x128xf32, #tpu.memory_space<vmem>>)
    %add3A_849 = arith.constant 8 : i32
    %add3A_850 = arith.addi %mul3A_2, %add3A_849 : i32
    %mul3A_851 = arith.constant 200 : i32
    %mul3A_852 = arith.muli %add3A_850, %mul3A_851 : i32
    %dma_start3A_853 = arith.constant 0 : i32
    %dma_start3A_854 = arith.constant 0 : i32
    %dma_start3A_855 = arith.constant 0 : i32
    %dma_start3A_856 = arith.constant 0 : i32
    %dma_start3A_857 = tpu.memref_slice %arg7[%dma_start3A_853, %dma_start3A_855, %dma_start3A_856] : memref<4x200x128xf32, #tpu.memory_space<vmem>> -> memref<1x200x128xf32, #tpu.memory_space<vmem>>
    %dma_start3A_858 = tpu.memref_squeeze %dma_start3A_857 : memref<1x200x128xf32, #tpu.memory_space<vmem>> -> memref<200x128xf32, #tpu.memory_space<vmem>>
    %dma_start3A_859 = arith.constant 0 : i32
    %dma_start3A_860 = tpu.memref_slice %arg5[%mul3A_852, %dma_start3A_859] : memref<204800x128xf32, #tpu.memory_space<hbm>> -> memref<200x128xf32, #tpu.memory_space<hbm>>
    %dma_start3A_861 = tpu.memref_slice %arg9[%dma_start3A_854] : memref<4x!tpu.dma_semaphore, #tpu.memory_space<semaphore_mem>> -> memref<1x!tpu.dma_semaphore, #tpu.memory_space<semaphore_mem>>
    %dma_start3A_862 = tpu.memref_squeeze %dma_start3A_861 : memref<1x!tpu.dma_semaphore, #tpu.memory_space<semaphore_mem>> -> memref<!tpu.dma_semaphore, #tpu.memory_space<semaphore_mem>>
    %dma_start3A_863 = arith.constant 0 : i32
    %dma_start3A_864 = tpu.memref_slice %arg5[%mul3A_852, %dma_start3A_863] : memref<204800x128xf32, #tpu.memory_space<hbm>> -> memref<200x128xf32, #tpu.memory_space<hbm>>
    %dma_start3A_865 = arith.constant 0 : i32
    %dma_start3A_866 = arith.constant 0 : i32
    %dma_start3A_867 = tpu.memref_slice %arg7[%dma_start3A_853, %dma_start3A_865, %dma_start3A_866] : memref<4x200x128xf32, #tpu.memory_space<vmem>> -> memref<1x200x128xf32, #tpu.memory_space<vmem>>
    %dma_start3A_868 = tpu.memref_squeeze %dma_start3A_867 : memref<1x200x128xf32, #tpu.memory_space<vmem>> -> memref<200x128xf32, #tpu.memory_space<vmem>>
    tpu.enqueue_dma source(%dma_start3A_868 : memref<200x128xf32, #tpu.memory_space<vmem>>) target(%dma_start3A_864 : memref<200x128xf32, #tpu.memory_space<hbm>>) target_semaphore(%dma_start3A_862 : memref<!tpu.dma_semaphore, #tpu.memory_space<semaphore_mem>>)
    %add3A_869 = arith.constant 6 : i32
    %add3A_870 = arith.addi %mul3A_2, %add3A_869 : i32
    %mul3A_871 = arith.constant 200 : i32
    %mul3A_872 = arith.muli %add3A_870, %mul3A_871 : i32
    %dma_wait3A_873 = arith.constant 2 : i32
    %dma_wait3A_874 = arith.constant 2 : i32
    %dma_wait3A_875 = arith.constant 0 : i32
    %dma_wait3A_876 = arith.constant 0 : i32
    %dma_wait3A_877 = tpu.memref_slice %arg7[%dma_wait3A_873, %dma_wait3A_875, %dma_wait3A_876] : memref<4x200x128xf32, #tpu.memory_space<vmem>> -> memref<1x200x128xf32, #tpu.memory_space<vmem>>
    %dma_wait3A_878 = tpu.memref_squeeze %dma_wait3A_877 : memref<1x200x128xf32, #tpu.memory_space<vmem>> -> memref<200x128xf32, #tpu.memory_space<vmem>>
    %dma_wait3A_879 = arith.constant 0 : i32
    %dma_wait3A_880 = tpu.memref_slice %arg5[%mul3A_872, %dma_wait3A_879] : memref<204800x128xf32, #tpu.memory_space<hbm>> -> memref<200x128xf32, #tpu.memory_space<hbm>>
    %dma_wait3A_881 = tpu.memref_slice %arg9[%dma_wait3A_874] : memref<4x!tpu.dma_semaphore, #tpu.memory_space<semaphore_mem>> -> memref<1x!tpu.dma_semaphore, #tpu.memory_space<semaphore_mem>>
    %dma_wait3A_882 = tpu.memref_squeeze %dma_wait3A_881 : memref<1x!tpu.dma_semaphore, #tpu.memory_space<semaphore_mem>> -> memref<!tpu.dma_semaphore, #tpu.memory_space<semaphore_mem>>
    %dma_wait3A_883 = arith.constant 0 : i32
    %dma_wait3A_884 = tpu.memref_slice %arg5[%mul3A_872, %dma_wait3A_883] : memref<204800x128xf32, #tpu.memory_space<hbm>> -> memref<200x128xf32, #tpu.memory_space<hbm>>
    %dma_wait3A_885 = arith.constant 0 : i32
    %dma_wait3A_886 = arith.constant 0 : i32
    %dma_wait3A_887 = tpu.memref_slice %arg7[%dma_wait3A_873, %dma_wait3A_885, %dma_wait3A_886] : memref<4x200x128xf32, #tpu.memory_space<vmem>> -> memref<1x200x128xf32, #tpu.memory_space<vmem>>
    %dma_wait3A_888 = tpu.memref_squeeze %dma_wait3A_887 : memref<1x200x128xf32, #tpu.memory_space<vmem>> -> memref<200x128xf32, #tpu.memory_space<vmem>>
    tpu.wait_dma2 semaphore(%dma_wait3A_882 : memref<!tpu.dma_semaphore, #tpu.memory_space<semaphore_mem>>) src(%dma_wait3A_888 : memref<200x128xf32, #tpu.memory_space<vmem>>) dst(%dma_wait3A_884 : memref<200x128xf32, #tpu.memory_space<hbm>>)
    %dma_start3A_889 = arith.constant 2 : i32
    %dma_start3A_890 = arith.constant 2 : i32
    %dma_start3A_891 = arith.constant 10 : i32
    %dma_start3A_892 = arith.constant 0 : i32
    %dma_start3A_893 = tpu.memref_slice %arg7[%dma_start3A_889, %dma_start3A_891, %dma_start3A_892] : memref<4x200x128xf32, #tpu.memory_space<vmem>> -> memref<1x96x128xf32, #tpu.memory_space<vmem>>
    %dma_start3A_894 = tpu.memref_squeeze %dma_start3A_893 : memref<1x96x128xf32, #tpu.memory_space<vmem>> -> memref<96x128xf32, #tpu.memory_space<vmem>>
    %dma_start3A_895 = arith.constant 1920 : i32
    %dma_start3A_896 = tpu.memref_slice %arg6[%dma_start3A_895] : memref<6144xi32, #tpu.memory_space<vmem>> -> memref<96xi32, #tpu.memory_space<vmem>>
    %dma_start3A_897 = arith.constant 0 : i32
    %dma_start3A_898 = arith.constant 0 : i32
    %dma_start3A_899 = tpu.memref_slice %arg3[%dma_start3A_897, %dma_start3A_898] : memref<100000x128xf32, #tpu.memory_space<hbm>> -> memref<100000x128xf32, #tpu.memory_space<hbm>>
    %dma_start3A_900 = tpu.memref_slice %arg8[%dma_start3A_890] : memref<4x!tpu.dma_semaphore, #tpu.memory_space<semaphore_mem>> -> memref<1x!tpu.dma_semaphore, #tpu.memory_space<semaphore_mem>>
    %dma_start3A_901 = tpu.memref_squeeze %dma_start3A_900 : memref<1x!tpu.dma_semaphore, #tpu.memory_space<semaphore_mem>> -> memref<!tpu.dma_semaphore, #tpu.memory_space<semaphore_mem>>
    tpu.enqueue_indirect_dma source(%dma_start3A_899 : memref<100000x128xf32, #tpu.memory_space<hbm>>) target(%dma_start3A_894 : memref<96x128xf32, #tpu.memory_space<vmem>>) offsets(%dma_start3A_896 : memref<96xi32, #tpu.memory_space<vmem>>) semaphore(%dma_start3A_901 : memref<!tpu.dma_semaphore, #tpu.memory_space<semaphore_mem>>)
    %dma_start3A_902 = arith.constant 2 : i32
    %dma_start3A_903 = arith.constant 2 : i32
    %dma_start3A_904 = arith.constant 106 : i32
    %dma_start3A_905 = arith.constant 0 : i32
    %dma_start3A_906 = tpu.memref_slice %arg7[%dma_start3A_902, %dma_start3A_904, %dma_start3A_905] : memref<4x200x128xf32, #tpu.memory_space<vmem>> -> memref<1x94x128xf32, #tpu.memory_space<vmem>>
    %dma_start3A_907 = tpu.memref_squeeze %dma_start3A_906 : memref<1x94x128xf32, #tpu.memory_space<vmem>> -> memref<94x128xf32, #tpu.memory_space<vmem>>
    %dma_start3A_908 = arith.constant 2016 : i32
    %dma_start3A_909 = tpu.memref_slice %arg6[%dma_start3A_908] : memref<6144xi32, #tpu.memory_space<vmem>> -> memref<94xi32, #tpu.memory_space<vmem>>
    %dma_start3A_910 = arith.constant 0 : i32
    %dma_start3A_911 = arith.constant 0 : i32
    %dma_start3A_912 = tpu.memref_slice %arg3[%dma_start3A_910, %dma_start3A_911] : memref<100000x128xf32, #tpu.memory_space<hbm>> -> memref<100000x128xf32, #tpu.memory_space<hbm>>
    %dma_start3A_913 = tpu.memref_slice %arg8[%dma_start3A_903] : memref<4x!tpu.dma_semaphore, #tpu.memory_space<semaphore_mem>> -> memref<1x!tpu.dma_semaphore, #tpu.memory_space<semaphore_mem>>
    %dma_start3A_914 = tpu.memref_squeeze %dma_start3A_913 : memref<1x!tpu.dma_semaphore, #tpu.memory_space<semaphore_mem>> -> memref<!tpu.dma_semaphore, #tpu.memory_space<semaphore_mem>>
    tpu.enqueue_indirect_dma source(%dma_start3A_912 : memref<100000x128xf32, #tpu.memory_space<hbm>>) target(%dma_start3A_907 : memref<94x128xf32, #tpu.memory_space<vmem>>) offsets(%dma_start3A_909 : memref<94xi32, #tpu.memory_space<vmem>>) semaphore(%dma_start3A_914 : memref<!tpu.dma_semaphore, #tpu.memory_space<semaphore_mem>>)
    %dma_wait3A_915 = arith.constant 1 : i32
    %dma_wait3A_916 = arith.constant 1 : i32
    %dma_wait3A_917 = arith.constant 10 : i32
    %dma_wait3A_918 = arith.constant 0 : i32
    %dma_wait3A_919 = tpu.memref_slice %arg7[%dma_wait3A_915, %dma_wait3A_917, %dma_wait3A_918] : memref<4x200x128xf32, #tpu.memory_space<vmem>> -> memref<1x96x128xf32, #tpu.memory_space<vmem>>
    %dma_wait3A_920 = tpu.memref_squeeze %dma_wait3A_919 : memref<1x96x128xf32, #tpu.memory_space<vmem>> -> memref<96x128xf32, #tpu.memory_space<vmem>>
    %dma_wait3A_921 = arith.constant 1728 : i32
    %dma_wait3A_922 = tpu.memref_slice %arg6[%dma_wait3A_921] : memref<6144xi32, #tpu.memory_space<vmem>> -> memref<96xi32, #tpu.memory_space<vmem>>
    %dma_wait3A_923 = arith.constant 0 : i32
    %dma_wait3A_924 = arith.constant 0 : i32
    %dma_wait3A_925 = tpu.memref_slice %arg3[%dma_wait3A_923, %dma_wait3A_924] : memref<100000x128xf32, #tpu.memory_space<hbm>> -> memref<100000x128xf32, #tpu.memory_space<hbm>>
    %dma_wait3A_926 = tpu.memref_slice %arg8[%dma_wait3A_916] : memref<4x!tpu.dma_semaphore, #tpu.memory_space<semaphore_mem>> -> memref<1x!tpu.dma_semaphore, #tpu.memory_space<semaphore_mem>>
    %dma_wait3A_927 = tpu.memref_squeeze %dma_wait3A_926 : memref<1x!tpu.dma_semaphore, #tpu.memory_space<semaphore_mem>> -> memref<!tpu.dma_semaphore, #tpu.memory_space<semaphore_mem>>
    tpu.wait_indirect_dma semaphore(%dma_wait3A_927 : memref<!tpu.dma_semaphore, #tpu.memory_space<semaphore_mem>>) src(%dma_wait3A_925 : memref<100000x128xf32, #tpu.memory_space<hbm>>) dst(%dma_wait3A_920 : memref<96x128xf32, #tpu.memory_space<vmem>>)
    %dma_wait3A_928 = arith.constant 1 : i32
    %dma_wait3A_929 = arith.constant 1 : i32
    %dma_wait3A_930 = arith.constant 106 : i32
    %dma_wait3A_931 = arith.constant 0 : i32
    %dma_wait3A_932 = tpu.memref_slice %arg7[%dma_wait3A_928, %dma_wait3A_930, %dma_wait3A_931] : memref<4x200x128xf32, #tpu.memory_space<vmem>> -> memref<1x94x128xf32, #tpu.memory_space<vmem>>
    %dma_wait3A_933 = tpu.memref_squeeze %dma_wait3A_932 : memref<1x94x128xf32, #tpu.memory_space<vmem>> -> memref<94x128xf32, #tpu.memory_space<vmem>>
    %dma_wait3A_934 = arith.constant 1824 : i32
    %dma_wait3A_935 = tpu.memref_slice %arg6[%dma_wait3A_934] : memref<6144xi32, #tpu.memory_space<vmem>> -> memref<94xi32, #tpu.memory_space<vmem>>
    %dma_wait3A_936 = arith.constant 0 : i32
    %dma_wait3A_937 = arith.constant 0 : i32
    %dma_wait3A_938 = tpu.memref_slice %arg3[%dma_wait3A_936, %dma_wait3A_937] : memref<100000x128xf32, #tpu.memory_space<hbm>> -> memref<100000x128xf32, #tpu.memory_space<hbm>>
    %dma_wait3A_939 = tpu.memref_slice %arg8[%dma_wait3A_929] : memref<4x!tpu.dma_semaphore, #tpu.memory_space<semaphore_mem>> -> memref<1x!tpu.dma_semaphore, #tpu.memory_space<semaphore_mem>>
    %dma_wait3A_940 = tpu.memref_squeeze %dma_wait3A_939 : memref<1x!tpu.dma_semaphore, #tpu.memory_space<semaphore_mem>> -> memref<!tpu.dma_semaphore, #tpu.memory_space<semaphore_mem>>
    tpu.wait_indirect_dma semaphore(%dma_wait3A_940 : memref<!tpu.dma_semaphore, #tpu.memory_space<semaphore_mem>>) src(%dma_wait3A_938 : memref<100000x128xf32, #tpu.memory_space<hbm>>) dst(%dma_wait3A_933 : memref<94x128xf32, #tpu.memory_space<vmem>>)
    %add3A_941 = arith.constant 9 : i32
    %add3A_942 = arith.addi %mul3A_2, %add3A_941 : i32
    %mul3A_943 = arith.constant 200 : i32
    %mul3A_944 = arith.muli %add3A_942, %mul3A_943 : i32
    %dma_start3A_945 = arith.constant 1 : i32
    %dma_start3A_946 = arith.constant 1 : i32
    %dma_start3A_947 = arith.constant 0 : i32
    %dma_start3A_948 = arith.constant 0 : i32
    %dma_start3A_949 = tpu.memref_slice %arg7[%dma_start3A_945, %dma_start3A_947, %dma_start3A_948] : memref<4x200x128xf32, #tpu.memory_space<vmem>> -> memref<1x200x128xf32, #tpu.memory_space<vmem>>
    %dma_start3A_950 = tpu.memref_squeeze %dma_start3A_949 : memref<1x200x128xf32, #tpu.memory_space<vmem>> -> memref<200x128xf32, #tpu.memory_space<vmem>>
    %dma_start3A_951 = arith.constant 0 : i32
    %dma_start3A_952 = tpu.memref_slice %arg5[%mul3A_944, %dma_start3A_951] : memref<204800x128xf32, #tpu.memory_space<hbm>> -> memref<200x128xf32, #tpu.memory_space<hbm>>
    %dma_start3A_953 = tpu.memref_slice %arg9[%dma_start3A_946] : memref<4x!tpu.dma_semaphore, #tpu.memory_space<semaphore_mem>> -> memref<1x!tpu.dma_semaphore, #tpu.memory_space<semaphore_mem>>
    %dma_start3A_954 = tpu.memref_squeeze %dma_start3A_953 : memref<1x!tpu.dma_semaphore, #tpu.memory_space<semaphore_mem>> -> memref<!tpu.dma_semaphore, #tpu.memory_space<semaphore_mem>>
    %dma_start3A_955 = arith.constant 0 : i32
    %dma_start3A_956 = tpu.memref_slice %arg5[%mul3A_944, %dma_start3A_955] : memref<204800x128xf32, #tpu.memory_space<hbm>> -> memref<200x128xf32, #tpu.memory_space<hbm>>
    %dma_start3A_957 = arith.constant 0 : i32
    %dma_start3A_958 = arith.constant 0 : i32
    %dma_start3A_959 = tpu.memref_slice %arg7[%dma_start3A_945, %dma_start3A_957, %dma_start3A_958] : memref<4x200x128xf32, #tpu.memory_space<vmem>> -> memref<1x200x128xf32, #tpu.memory_space<vmem>>
    %dma_start3A_960 = tpu.memref_squeeze %dma_start3A_959 : memref<1x200x128xf32, #tpu.memory_space<vmem>> -> memref<200x128xf32, #tpu.memory_space<vmem>>
    tpu.enqueue_dma source(%dma_start3A_960 : memref<200x128xf32, #tpu.memory_space<vmem>>) target(%dma_start3A_956 : memref<200x128xf32, #tpu.memory_space<hbm>>) target_semaphore(%dma_start3A_954 : memref<!tpu.dma_semaphore, #tpu.memory_space<semaphore_mem>>)
    %add3A_961 = arith.constant 7 : i32
    %add3A_962 = arith.addi %mul3A_2, %add3A_961 : i32
    %mul3A_963 = arith.constant 200 : i32
    %mul3A_964 = arith.muli %add3A_962, %mul3A_963 : i32
    %dma_wait3A_965 = arith.constant 3 : i32
    %dma_wait3A_966 = arith.constant 3 : i32
    %dma_wait3A_967 = arith.constant 0 : i32
    %dma_wait3A_968 = arith.constant 0 : i32
    %dma_wait3A_969 = tpu.memref_slice %arg7[%dma_wait3A_965, %dma_wait3A_967, %dma_wait3A_968] : memref<4x200x128xf32, #tpu.memory_space<vmem>> -> memref<1x200x128xf32, #tpu.memory_space<vmem>>
    %dma_wait3A_970 = tpu.memref_squeeze %dma_wait3A_969 : memref<1x200x128xf32, #tpu.memory_space<vmem>> -> memref<200x128xf32, #tpu.memory_space<vmem>>
    %dma_wait3A_971 = arith.constant 0 : i32
    %dma_wait3A_972 = tpu.memref_slice %arg5[%mul3A_964, %dma_wait3A_971] : memref<204800x128xf32, #tpu.memory_space<hbm>> -> memref<200x128xf32, #tpu.memory_space<hbm>>
    %dma_wait3A_973 = tpu.memref_slice %arg9[%dma_wait3A_966] : memref<4x!tpu.dma_semaphore, #tpu.memory_space<semaphore_mem>> -> memref<1x!tpu.dma_semaphore, #tpu.memory_space<semaphore_mem>>
    %dma_wait3A_974 = tpu.memref_squeeze %dma_wait3A_973 : memref<1x!tpu.dma_semaphore, #tpu.memory_space<semaphore_mem>> -> memref<!tpu.dma_semaphore, #tpu.memory_space<semaphore_mem>>
    %dma_wait3A_975 = arith.constant 0 : i32
    %dma_wait3A_976 = tpu.memref_slice %arg5[%mul3A_964, %dma_wait3A_975] : memref<204800x128xf32, #tpu.memory_space<hbm>> -> memref<200x128xf32, #tpu.memory_space<hbm>>
    %dma_wait3A_977 = arith.constant 0 : i32
    %dma_wait3A_978 = arith.constant 0 : i32
    %dma_wait3A_979 = tpu.memref_slice %arg7[%dma_wait3A_965, %dma_wait3A_977, %dma_wait3A_978] : memref<4x200x128xf32, #tpu.memory_space<vmem>> -> memref<1x200x128xf32, #tpu.memory_space<vmem>>
    %dma_wait3A_980 = tpu.memref_squeeze %dma_wait3A_979 : memref<1x200x128xf32, #tpu.memory_space<vmem>> -> memref<200x128xf32, #tpu.memory_space<vmem>>
    tpu.wait_dma2 semaphore(%dma_wait3A_974 : memref<!tpu.dma_semaphore, #tpu.memory_space<semaphore_mem>>) src(%dma_wait3A_980 : memref<200x128xf32, #tpu.memory_space<vmem>>) dst(%dma_wait3A_976 : memref<200x128xf32, #tpu.memory_space<hbm>>)
    %dma_start3A_981 = arith.constant 3 : i32
    %dma_start3A_982 = arith.constant 3 : i32
    %dma_start3A_983 = arith.constant 10 : i32
    %dma_start3A_984 = arith.constant 0 : i32
    %dma_start3A_985 = tpu.memref_slice %arg7[%dma_start3A_981, %dma_start3A_983, %dma_start3A_984] : memref<4x200x128xf32, #tpu.memory_space<vmem>> -> memref<1x96x128xf32, #tpu.memory_space<vmem>>
    %dma_start3A_986 = tpu.memref_squeeze %dma_start3A_985 : memref<1x96x128xf32, #tpu.memory_space<vmem>> -> memref<96x128xf32, #tpu.memory_space<vmem>>
    %dma_start3A_987 = arith.constant 2112 : i32
    %dma_start3A_988 = tpu.memref_slice %arg6[%dma_start3A_987] : memref<6144xi32, #tpu.memory_space<vmem>> -> memref<96xi32, #tpu.memory_space<vmem>>
    %dma_start3A_989 = arith.constant 0 : i32
    %dma_start3A_990 = arith.constant 0 : i32
    %dma_start3A_991 = tpu.memref_slice %arg3[%dma_start3A_989, %dma_start3A_990] : memref<100000x128xf32, #tpu.memory_space<hbm>> -> memref<100000x128xf32, #tpu.memory_space<hbm>>
    %dma_start3A_992 = tpu.memref_slice %arg8[%dma_start3A_982] : memref<4x!tpu.dma_semaphore, #tpu.memory_space<semaphore_mem>> -> memref<1x!tpu.dma_semaphore, #tpu.memory_space<semaphore_mem>>
    %dma_start3A_993 = tpu.memref_squeeze %dma_start3A_992 : memref<1x!tpu.dma_semaphore, #tpu.memory_space<semaphore_mem>> -> memref<!tpu.dma_semaphore, #tpu.memory_space<semaphore_mem>>
    tpu.enqueue_indirect_dma source(%dma_start3A_991 : memref<100000x128xf32, #tpu.memory_space<hbm>>) target(%dma_start3A_986 : memref<96x128xf32, #tpu.memory_space<vmem>>) offsets(%dma_start3A_988 : memref<96xi32, #tpu.memory_space<vmem>>) semaphore(%dma_start3A_993 : memref<!tpu.dma_semaphore, #tpu.memory_space<semaphore_mem>>)
    %dma_start3A_994 = arith.constant 3 : i32
    %dma_start3A_995 = arith.constant 3 : i32
    %dma_start3A_996 = arith.constant 106 : i32
    %dma_start3A_997 = arith.constant 0 : i32
    %dma_start3A_998 = tpu.memref_slice %arg7[%dma_start3A_994, %dma_start3A_996, %dma_start3A_997] : memref<4x200x128xf32, #tpu.memory_space<vmem>> -> memref<1x94x128xf32, #tpu.memory_space<vmem>>
    %dma_start3A_999 = tpu.memref_squeeze %dma_start3A_998 : memref<1x94x128xf32, #tpu.memory_space<vmem>> -> memref<94x128xf32, #tpu.memory_space<vmem>>
    %dma_start3A_1000 = arith.constant 2208 : i32
    %dma_start3A_1001 = tpu.memref_slice %arg6[%dma_start3A_1000] : memref<6144xi32, #tpu.memory_space<vmem>> -> memref<94xi32, #tpu.memory_space<vmem>>
    %dma_start3A_1002 = arith.constant 0 : i32
    %dma_start3A_1003 = arith.constant 0 : i32
    %dma_start3A_1004 = tpu.memref_slice %arg3[%dma_start3A_1002, %dma_start3A_1003] : memref<100000x128xf32, #tpu.memory_space<hbm>> -> memref<100000x128xf32, #tpu.memory_space<hbm>>
    %dma_start3A_1005 = tpu.memref_slice %arg8[%dma_start3A_995] : memref<4x!tpu.dma_semaphore, #tpu.memory_space<semaphore_mem>> -> memref<1x!tpu.dma_semaphore, #tpu.memory_space<semaphore_mem>>
    %dma_start3A_1006 = tpu.memref_squeeze %dma_start3A_1005 : memref<1x!tpu.dma_semaphore, #tpu.memory_space<semaphore_mem>> -> memref<!tpu.dma_semaphore, #tpu.memory_space<semaphore_mem>>
    tpu.enqueue_indirect_dma source(%dma_start3A_1004 : memref<100000x128xf32, #tpu.memory_space<hbm>>) target(%dma_start3A_999 : memref<94x128xf32, #tpu.memory_space<vmem>>) offsets(%dma_start3A_1001 : memref<94xi32, #tpu.memory_space<vmem>>) semaphore(%dma_start3A_1006 : memref<!tpu.dma_semaphore, #tpu.memory_space<semaphore_mem>>)
    %dma_wait3A_1007 = arith.constant 2 : i32
    %dma_wait3A_1008 = arith.constant 2 : i32
    %dma_wait3A_1009 = arith.constant 10 : i32
    %dma_wait3A_1010 = arith.constant 0 : i32
    %dma_wait3A_1011 = tpu.memref_slice %arg7[%dma_wait3A_1007, %dma_wait3A_1009, %dma_wait3A_1010] : memref<4x200x128xf32, #tpu.memory_space<vmem>> -> memref<1x96x128xf32, #tpu.memory_space<vmem>>
    %dma_wait3A_1012 = tpu.memref_squeeze %dma_wait3A_1011 : memref<1x96x128xf32, #tpu.memory_space<vmem>> -> memref<96x128xf32, #tpu.memory_space<vmem>>
    %dma_wait3A_1013 = arith.constant 1920 : i32
    %dma_wait3A_1014 = tpu.memref_slice %arg6[%dma_wait3A_1013] : memref<6144xi32, #tpu.memory_space<vmem>> -> memref<96xi32, #tpu.memory_space<vmem>>
    %dma_wait3A_1015 = arith.constant 0 : i32
    %dma_wait3A_1016 = arith.constant 0 : i32
    %dma_wait3A_1017 = tpu.memref_slice %arg3[%dma_wait3A_1015, %dma_wait3A_1016] : memref<100000x128xf32, #tpu.memory_space<hbm>> -> memref<100000x128xf32, #tpu.memory_space<hbm>>
    %dma_wait3A_1018 = tpu.memref_slice %arg8[%dma_wait3A_1008] : memref<4x!tpu.dma_semaphore, #tpu.memory_space<semaphore_mem>> -> memref<1x!tpu.dma_semaphore, #tpu.memory_space<semaphore_mem>>
    %dma_wait3A_1019 = tpu.memref_squeeze %dma_wait3A_1018 : memref<1x!tpu.dma_semaphore, #tpu.memory_space<semaphore_mem>> -> memref<!tpu.dma_semaphore, #tpu.memory_space<semaphore_mem>>
    tpu.wait_indirect_dma semaphore(%dma_wait3A_1019 : memref<!tpu.dma_semaphore, #tpu.memory_space<semaphore_mem>>) src(%dma_wait3A_1017 : memref<100000x128xf32, #tpu.memory_space<hbm>>) dst(%dma_wait3A_1012 : memref<96x128xf32, #tpu.memory_space<vmem>>)
    %dma_wait3A_1020 = arith.constant 2 : i32
    %dma_wait3A_1021 = arith.constant 2 : i32
    %dma_wait3A_1022 = arith.constant 106 : i32
    %dma_wait3A_1023 = arith.constant 0 : i32
    %dma_wait3A_1024 = tpu.memref_slice %arg7[%dma_wait3A_1020, %dma_wait3A_1022, %dma_wait3A_1023] : memref<4x200x128xf32, #tpu.memory_space<vmem>> -> memref<1x94x128xf32, #tpu.memory_space<vmem>>
    %dma_wait3A_1025 = tpu.memref_squeeze %dma_wait3A_1024 : memref<1x94x128xf32, #tpu.memory_space<vmem>> -> memref<94x128xf32, #tpu.memory_space<vmem>>
    %dma_wait3A_1026 = arith.constant 2016 : i32
    %dma_wait3A_1027 = tpu.memref_slice %arg6[%dma_wait3A_1026] : memref<6144xi32, #tpu.memory_space<vmem>> -> memref<94xi32, #tpu.memory_space<vmem>>
    %dma_wait3A_1028 = arith.constant 0 : i32
    %dma_wait3A_1029 = arith.constant 0 : i32
    %dma_wait3A_1030 = tpu.memref_slice %arg3[%dma_wait3A_1028, %dma_wait3A_1029] : memref<100000x128xf32, #tpu.memory_space<hbm>> -> memref<100000x128xf32, #tpu.memory_space<hbm>>
    %dma_wait3A_1031 = tpu.memref_slice %arg8[%dma_wait3A_1021] : memref<4x!tpu.dma_semaphore, #tpu.memory_space<semaphore_mem>> -> memref<1x!tpu.dma_semaphore, #tpu.memory_space<semaphore_mem>>
    %dma_wait3A_1032 = tpu.memref_squeeze %dma_wait3A_1031 : memref<1x!tpu.dma_semaphore, #tpu.memory_space<semaphore_mem>> -> memref<!tpu.dma_semaphore, #tpu.memory_space<semaphore_mem>>
    tpu.wait_indirect_dma semaphore(%dma_wait3A_1032 : memref<!tpu.dma_semaphore, #tpu.memory_space<semaphore_mem>>) src(%dma_wait3A_1030 : memref<100000x128xf32, #tpu.memory_space<hbm>>) dst(%dma_wait3A_1025 : memref<94x128xf32, #tpu.memory_space<vmem>>)
    %add3A_1033 = arith.constant 10 : i32
    %add3A_1034 = arith.addi %mul3A_2, %add3A_1033 : i32
    %mul3A_1035 = arith.constant 200 : i32
    %mul3A_1036 = arith.muli %add3A_1034, %mul3A_1035 : i32
    %dma_start3A_1037 = arith.constant 2 : i32
    %dma_start3A_1038 = arith.constant 2 : i32
    %dma_start3A_1039 = arith.constant 0 : i32
    %dma_start3A_1040 = arith.constant 0 : i32
    %dma_start3A_1041 = tpu.memref_slice %arg7[%dma_start3A_1037, %dma_start3A_1039, %dma_start3A_1040] : memref<4x200x128xf32, #tpu.memory_space<vmem>> -> memref<1x200x128xf32, #tpu.memory_space<vmem>>
    %dma_start3A_1042 = tpu.memref_squeeze %dma_start3A_1041 : memref<1x200x128xf32, #tpu.memory_space<vmem>> -> memref<200x128xf32, #tpu.memory_space<vmem>>
    %dma_start3A_1043 = arith.constant 0 : i32
    %dma_start3A_1044 = tpu.memref_slice %arg5[%mul3A_1036, %dma_start3A_1043] : memref<204800x128xf32, #tpu.memory_space<hbm>> -> memref<200x128xf32, #tpu.memory_space<hbm>>
    %dma_start3A_1045 = tpu.memref_slice %arg9[%dma_start3A_1038] : memref<4x!tpu.dma_semaphore, #tpu.memory_space<semaphore_mem>> -> memref<1x!tpu.dma_semaphore, #tpu.memory_space<semaphore_mem>>
    %dma_start3A_1046 = tpu.memref_squeeze %dma_start3A_1045 : memref<1x!tpu.dma_semaphore, #tpu.memory_space<semaphore_mem>> -> memref<!tpu.dma_semaphore, #tpu.memory_space<semaphore_mem>>
    %dma_start3A_1047 = arith.constant 0 : i32
    %dma_start3A_1048 = tpu.memref_slice %arg5[%mul3A_1036, %dma_start3A_1047] : memref<204800x128xf32, #tpu.memory_space<hbm>> -> memref<200x128xf32, #tpu.memory_space<hbm>>
    %dma_start3A_1049 = arith.constant 0 : i32
    %dma_start3A_1050 = arith.constant 0 : i32
    %dma_start3A_1051 = tpu.memref_slice %arg7[%dma_start3A_1037, %dma_start3A_1049, %dma_start3A_1050] : memref<4x200x128xf32, #tpu.memory_space<vmem>> -> memref<1x200x128xf32, #tpu.memory_space<vmem>>
    %dma_start3A_1052 = tpu.memref_squeeze %dma_start3A_1051 : memref<1x200x128xf32, #tpu.memory_space<vmem>> -> memref<200x128xf32, #tpu.memory_space<vmem>>
    tpu.enqueue_dma source(%dma_start3A_1052 : memref<200x128xf32, #tpu.memory_space<vmem>>) target(%dma_start3A_1048 : memref<200x128xf32, #tpu.memory_space<hbm>>) target_semaphore(%dma_start3A_1046 : memref<!tpu.dma_semaphore, #tpu.memory_space<semaphore_mem>>)
    %add3A_1053 = arith.constant 8 : i32
    %add3A_1054 = arith.addi %mul3A_2, %add3A_1053 : i32
    %mul3A_1055 = arith.constant 200 : i32
    %mul3A_1056 = arith.muli %add3A_1054, %mul3A_1055 : i32
    %dma_wait3A_1057 = arith.constant 0 : i32
    %dma_wait3A_1058 = arith.constant 0 : i32
    %dma_wait3A_1059 = arith.constant 0 : i32
    %dma_wait3A_1060 = arith.constant 0 : i32
    %dma_wait3A_1061 = tpu.memref_slice %arg7[%dma_wait3A_1057, %dma_wait3A_1059, %dma_wait3A_1060] : memref<4x200x128xf32, #tpu.memory_space<vmem>> -> memref<1x200x128xf32, #tpu.memory_space<vmem>>
    %dma_wait3A_1062 = tpu.memref_squeeze %dma_wait3A_1061 : memref<1x200x128xf32, #tpu.memory_space<vmem>> -> memref<200x128xf32, #tpu.memory_space<vmem>>
    %dma_wait3A_1063 = arith.constant 0 : i32
    %dma_wait3A_1064 = tpu.memref_slice %arg5[%mul3A_1056, %dma_wait3A_1063] : memref<204800x128xf32, #tpu.memory_space<hbm>> -> memref<200x128xf32, #tpu.memory_space<hbm>>
    %dma_wait3A_1065 = tpu.memref_slice %arg9[%dma_wait3A_1058] : memref<4x!tpu.dma_semaphore, #tpu.memory_space<semaphore_mem>> -> memref<1x!tpu.dma_semaphore, #tpu.memory_space<semaphore_mem>>
    %dma_wait3A_1066 = tpu.memref_squeeze %dma_wait3A_1065 : memref<1x!tpu.dma_semaphore, #tpu.memory_space<semaphore_mem>> -> memref<!tpu.dma_semaphore, #tpu.memory_space<semaphore_mem>>
    %dma_wait3A_1067 = arith.constant 0 : i32
    %dma_wait3A_1068 = tpu.memref_slice %arg5[%mul3A_1056, %dma_wait3A_1067] : memref<204800x128xf32, #tpu.memory_space<hbm>> -> memref<200x128xf32, #tpu.memory_space<hbm>>
    %dma_wait3A_1069 = arith.constant 0 : i32
    %dma_wait3A_1070 = arith.constant 0 : i32
    %dma_wait3A_1071 = tpu.memref_slice %arg7[%dma_wait3A_1057, %dma_wait3A_1069, %dma_wait3A_1070] : memref<4x200x128xf32, #tpu.memory_space<vmem>> -> memref<1x200x128xf32, #tpu.memory_space<vmem>>
    %dma_wait3A_1072 = tpu.memref_squeeze %dma_wait3A_1071 : memref<1x200x128xf32, #tpu.memory_space<vmem>> -> memref<200x128xf32, #tpu.memory_space<vmem>>
    tpu.wait_dma2 semaphore(%dma_wait3A_1066 : memref<!tpu.dma_semaphore, #tpu.memory_space<semaphore_mem>>) src(%dma_wait3A_1072 : memref<200x128xf32, #tpu.memory_space<vmem>>) dst(%dma_wait3A_1068 : memref<200x128xf32, #tpu.memory_space<hbm>>)
    %dma_start3A_1073 = arith.constant 0 : i32
    %dma_start3A_1074 = arith.constant 0 : i32
    %dma_start3A_1075 = arith.constant 10 : i32
    %dma_start3A_1076 = arith.constant 0 : i32
    %dma_start3A_1077 = tpu.memref_slice %arg7[%dma_start3A_1073, %dma_start3A_1075, %dma_start3A_1076] : memref<4x200x128xf32, #tpu.memory_space<vmem>> -> memref<1x96x128xf32, #tpu.memory_space<vmem>>
    %dma_start3A_1078 = tpu.memref_squeeze %dma_start3A_1077 : memref<1x96x128xf32, #tpu.memory_space<vmem>> -> memref<96x128xf32, #tpu.memory_space<vmem>>
    %dma_start3A_1079 = arith.constant 2304 : i32
    %dma_start3A_1080 = tpu.memref_slice %arg6[%dma_start3A_1079] : memref<6144xi32, #tpu.memory_space<vmem>> -> memref<96xi32, #tpu.memory_space<vmem>>
    %dma_start3A_1081 = arith.constant 0 : i32
    %dma_start3A_1082 = arith.constant 0 : i32
    %dma_start3A_1083 = tpu.memref_slice %arg3[%dma_start3A_1081, %dma_start3A_1082] : memref<100000x128xf32, #tpu.memory_space<hbm>> -> memref<100000x128xf32, #tpu.memory_space<hbm>>
    %dma_start3A_1084 = tpu.memref_slice %arg8[%dma_start3A_1074] : memref<4x!tpu.dma_semaphore, #tpu.memory_space<semaphore_mem>> -> memref<1x!tpu.dma_semaphore, #tpu.memory_space<semaphore_mem>>
    %dma_start3A_1085 = tpu.memref_squeeze %dma_start3A_1084 : memref<1x!tpu.dma_semaphore, #tpu.memory_space<semaphore_mem>> -> memref<!tpu.dma_semaphore, #tpu.memory_space<semaphore_mem>>
    tpu.enqueue_indirect_dma source(%dma_start3A_1083 : memref<100000x128xf32, #tpu.memory_space<hbm>>) target(%dma_start3A_1078 : memref<96x128xf32, #tpu.memory_space<vmem>>) offsets(%dma_start3A_1080 : memref<96xi32, #tpu.memory_space<vmem>>) semaphore(%dma_start3A_1085 : memref<!tpu.dma_semaphore, #tpu.memory_space<semaphore_mem>>)
    %dma_start3A_1086 = arith.constant 0 : i32
    %dma_start3A_1087 = arith.constant 0 : i32
    %dma_start3A_1088 = arith.constant 106 : i32
    %dma_start3A_1089 = arith.constant 0 : i32
    %dma_start3A_1090 = tpu.memref_slice %arg7[%dma_start3A_1086, %dma_start3A_1088, %dma_start3A_1089] : memref<4x200x128xf32, #tpu.memory_space<vmem>> -> memref<1x94x128xf32, #tpu.memory_space<vmem>>
    %dma_start3A_1091 = tpu.memref_squeeze %dma_start3A_1090 : memref<1x94x128xf32, #tpu.memory_space<vmem>> -> memref<94x128xf32, #tpu.memory_space<vmem>>
    %dma_start3A_1092 = arith.constant 2400 : i32
    %dma_start3A_1093 = tpu.memref_slice %arg6[%dma_start3A_1092] : memref<6144xi32, #tpu.memory_space<vmem>> -> memref<94xi32, #tpu.memory_space<vmem>>
    %dma_start3A_1094 = arith.constant 0 : i32
    %dma_start3A_1095 = arith.constant 0 : i32
    %dma_start3A_1096 = tpu.memref_slice %arg3[%dma_start3A_1094, %dma_start3A_1095] : memref<100000x128xf32, #tpu.memory_space<hbm>> -> memref<100000x128xf32, #tpu.memory_space<hbm>>
    %dma_start3A_1097 = tpu.memref_slice %arg8[%dma_start3A_1087] : memref<4x!tpu.dma_semaphore, #tpu.memory_space<semaphore_mem>> -> memref<1x!tpu.dma_semaphore, #tpu.memory_space<semaphore_mem>>
    %dma_start3A_1098 = tpu.memref_squeeze %dma_start3A_1097 : memref<1x!tpu.dma_semaphore, #tpu.memory_space<semaphore_mem>> -> memref<!tpu.dma_semaphore, #tpu.memory_space<semaphore_mem>>
    tpu.enqueue_indirect_dma source(%dma_start3A_1096 : memref<100000x128xf32, #tpu.memory_space<hbm>>) target(%dma_start3A_1091 : memref<94x128xf32, #tpu.memory_space<vmem>>) offsets(%dma_start3A_1093 : memref<94xi32, #tpu.memory_space<vmem>>) semaphore(%dma_start3A_1098 : memref<!tpu.dma_semaphore, #tpu.memory_space<semaphore_mem>>)
    %dma_wait3A_1099 = arith.constant 3 : i32
    %dma_wait3A_1100 = arith.constant 3 : i32
    %dma_wait3A_1101 = arith.constant 10 : i32
    %dma_wait3A_1102 = arith.constant 0 : i32
    %dma_wait3A_1103 = tpu.memref_slice %arg7[%dma_wait3A_1099, %dma_wait3A_1101, %dma_wait3A_1102] : memref<4x200x128xf32, #tpu.memory_space<vmem>> -> memref<1x96x128xf32, #tpu.memory_space<vmem>>
    %dma_wait3A_1104 = tpu.memref_squeeze %dma_wait3A_1103 : memref<1x96x128xf32, #tpu.memory_space<vmem>> -> memref<96x128xf32, #tpu.memory_space<vmem>>
    %dma_wait3A_1105 = arith.constant 2112 : i32
    %dma_wait3A_1106 = tpu.memref_slice %arg6[%dma_wait3A_1105] : memref<6144xi32, #tpu.memory_space<vmem>> -> memref<96xi32, #tpu.memory_space<vmem>>
    %dma_wait3A_1107 = arith.constant 0 : i32
    %dma_wait3A_1108 = arith.constant 0 : i32
    %dma_wait3A_1109 = tpu.memref_slice %arg3[%dma_wait3A_1107, %dma_wait3A_1108] : memref<100000x128xf32, #tpu.memory_space<hbm>> -> memref<100000x128xf32, #tpu.memory_space<hbm>>
    %dma_wait3A_1110 = tpu.memref_slice %arg8[%dma_wait3A_1100] : memref<4x!tpu.dma_semaphore, #tpu.memory_space<semaphore_mem>> -> memref<1x!tpu.dma_semaphore, #tpu.memory_space<semaphore_mem>>
    %dma_wait3A_1111 = tpu.memref_squeeze %dma_wait3A_1110 : memref<1x!tpu.dma_semaphore, #tpu.memory_space<semaphore_mem>> -> memref<!tpu.dma_semaphore, #tpu.memory_space<semaphore_mem>>
    tpu.wait_indirect_dma semaphore(%dma_wait3A_1111 : memref<!tpu.dma_semaphore, #tpu.memory_space<semaphore_mem>>) src(%dma_wait3A_1109 : memref<100000x128xf32, #tpu.memory_space<hbm>>) dst(%dma_wait3A_1104 : memref<96x128xf32, #tpu.memory_space<vmem>>)
    %dma_wait3A_1112 = arith.constant 3 : i32
    %dma_wait3A_1113 = arith.constant 3 : i32
    %dma_wait3A_1114 = arith.constant 106 : i32
    %dma_wait3A_1115 = arith.constant 0 : i32
    %dma_wait3A_1116 = tpu.memref_slice %arg7[%dma_wait3A_1112, %dma_wait3A_1114, %dma_wait3A_1115] : memref<4x200x128xf32, #tpu.memory_space<vmem>> -> memref<1x94x128xf32, #tpu.memory_space<vmem>>
    %dma_wait3A_1117 = tpu.memref_squeeze %dma_wait3A_1116 : memref<1x94x128xf32, #tpu.memory_space<vmem>> -> memref<94x128xf32, #tpu.memory_space<vmem>>
    %dma_wait3A_1118 = arith.constant 2208 : i32
    %dma_wait3A_1119 = tpu.memref_slice %arg6[%dma_wait3A_1118] : memref<6144xi32, #tpu.memory_space<vmem>> -> memref<94xi32, #tpu.memory_space<vmem>>
    %dma_wait3A_1120 = arith.constant 0 : i32
    %dma_wait3A_1121 = arith.constant 0 : i32
    %dma_wait3A_1122 = tpu.memref_slice %arg3[%dma_wait3A_1120, %dma_wait3A_1121] : memref<100000x128xf32, #tpu.memory_space<hbm>> -> memref<100000x128xf32, #tpu.memory_space<hbm>>
    %dma_wait3A_1123 = tpu.memref_slice %arg8[%dma_wait3A_1113] : memref<4x!tpu.dma_semaphore, #tpu.memory_space<semaphore_mem>> -> memref<1x!tpu.dma_semaphore, #tpu.memory_space<semaphore_mem>>
    %dma_wait3A_1124 = tpu.memref_squeeze %dma_wait3A_1123 : memref<1x!tpu.dma_semaphore, #tpu.memory_space<semaphore_mem>> -> memref<!tpu.dma_semaphore, #tpu.memory_space<semaphore_mem>>
    tpu.wait_indirect_dma semaphore(%dma_wait3A_1124 : memref<!tpu.dma_semaphore, #tpu.memory_space<semaphore_mem>>) src(%dma_wait3A_1122 : memref<100000x128xf32, #tpu.memory_space<hbm>>) dst(%dma_wait3A_1117 : memref<94x128xf32, #tpu.memory_space<vmem>>)
    %add3A_1125 = arith.constant 11 : i32
    %add3A_1126 = arith.addi %mul3A_2, %add3A_1125 : i32
    %mul3A_1127 = arith.constant 200 : i32
    %mul3A_1128 = arith.muli %add3A_1126, %mul3A_1127 : i32
    %dma_start3A_1129 = arith.constant 3 : i32
    %dma_start3A_1130 = arith.constant 3 : i32
    %dma_start3A_1131 = arith.constant 0 : i32
    %dma_start3A_1132 = arith.constant 0 : i32
    %dma_start3A_1133 = tpu.memref_slice %arg7[%dma_start3A_1129, %dma_start3A_1131, %dma_start3A_1132] : memref<4x200x128xf32, #tpu.memory_space<vmem>> -> memref<1x200x128xf32, #tpu.memory_space<vmem>>
    %dma_start3A_1134 = tpu.memref_squeeze %dma_start3A_1133 : memref<1x200x128xf32, #tpu.memory_space<vmem>> -> memref<200x128xf32, #tpu.memory_space<vmem>>
    %dma_start3A_1135 = arith.constant 0 : i32
    %dma_start3A_1136 = tpu.memref_slice %arg5[%mul3A_1128, %dma_start3A_1135] : memref<204800x128xf32, #tpu.memory_space<hbm>> -> memref<200x128xf32, #tpu.memory_space<hbm>>
    %dma_start3A_1137 = tpu.memref_slice %arg9[%dma_start3A_1130] : memref<4x!tpu.dma_semaphore, #tpu.memory_space<semaphore_mem>> -> memref<1x!tpu.dma_semaphore, #tpu.memory_space<semaphore_mem>>
    %dma_start3A_1138 = tpu.memref_squeeze %dma_start3A_1137 : memref<1x!tpu.dma_semaphore, #tpu.memory_space<semaphore_mem>> -> memref<!tpu.dma_semaphore, #tpu.memory_space<semaphore_mem>>
    %dma_start3A_1139 = arith.constant 0 : i32
    %dma_start3A_1140 = tpu.memref_slice %arg5[%mul3A_1128, %dma_start3A_1139] : memref<204800x128xf32, #tpu.memory_space<hbm>> -> memref<200x128xf32, #tpu.memory_space<hbm>>
    %dma_start3A_1141 = arith.constant 0 : i32
    %dma_start3A_1142 = arith.constant 0 : i32
    %dma_start3A_1143 = tpu.memref_slice %arg7[%dma_start3A_1129, %dma_start3A_1141, %dma_start3A_1142] : memref<4x200x128xf32, #tpu.memory_space<vmem>> -> memref<1x200x128xf32, #tpu.memory_space<vmem>>
    %dma_start3A_1144 = tpu.memref_squeeze %dma_start3A_1143 : memref<1x200x128xf32, #tpu.memory_space<vmem>> -> memref<200x128xf32, #tpu.memory_space<vmem>>
    tpu.enqueue_dma source(%dma_start3A_1144 : memref<200x128xf32, #tpu.memory_space<vmem>>) target(%dma_start3A_1140 : memref<200x128xf32, #tpu.memory_space<hbm>>) target_semaphore(%dma_start3A_1138 : memref<!tpu.dma_semaphore, #tpu.memory_space<semaphore_mem>>)
    %add3A_1145 = arith.constant 9 : i32
    %add3A_1146 = arith.addi %mul3A_2, %add3A_1145 : i32
    %mul3A_1147 = arith.constant 200 : i32
    %mul3A_1148 = arith.muli %add3A_1146, %mul3A_1147 : i32
    %dma_wait3A_1149 = arith.constant 1 : i32
    %dma_wait3A_1150 = arith.constant 1 : i32
    %dma_wait3A_1151 = arith.constant 0 : i32
    %dma_wait3A_1152 = arith.constant 0 : i32
    %dma_wait3A_1153 = tpu.memref_slice %arg7[%dma_wait3A_1149, %dma_wait3A_1151, %dma_wait3A_1152] : memref<4x200x128xf32, #tpu.memory_space<vmem>> -> memref<1x200x128xf32, #tpu.memory_space<vmem>>
    %dma_wait3A_1154 = tpu.memref_squeeze %dma_wait3A_1153 : memref<1x200x128xf32, #tpu.memory_space<vmem>> -> memref<200x128xf32, #tpu.memory_space<vmem>>
    %dma_wait3A_1155 = arith.constant 0 : i32
    %dma_wait3A_1156 = tpu.memref_slice %arg5[%mul3A_1148, %dma_wait3A_1155] : memref<204800x128xf32, #tpu.memory_space<hbm>> -> memref<200x128xf32, #tpu.memory_space<hbm>>
    %dma_wait3A_1157 = tpu.memref_slice %arg9[%dma_wait3A_1150] : memref<4x!tpu.dma_semaphore, #tpu.memory_space<semaphore_mem>> -> memref<1x!tpu.dma_semaphore, #tpu.memory_space<semaphore_mem>>
    %dma_wait3A_1158 = tpu.memref_squeeze %dma_wait3A_1157 : memref<1x!tpu.dma_semaphore, #tpu.memory_space<semaphore_mem>> -> memref<!tpu.dma_semaphore, #tpu.memory_space<semaphore_mem>>
    %dma_wait3A_1159 = arith.constant 0 : i32
    %dma_wait3A_1160 = tpu.memref_slice %arg5[%mul3A_1148, %dma_wait3A_1159] : memref<204800x128xf32, #tpu.memory_space<hbm>> -> memref<200x128xf32, #tpu.memory_space<hbm>>
    %dma_wait3A_1161 = arith.constant 0 : i32
    %dma_wait3A_1162 = arith.constant 0 : i32
    %dma_wait3A_1163 = tpu.memref_slice %arg7[%dma_wait3A_1149, %dma_wait3A_1161, %dma_wait3A_1162] : memref<4x200x128xf32, #tpu.memory_space<vmem>> -> memref<1x200x128xf32, #tpu.memory_space<vmem>>
    %dma_wait3A_1164 = tpu.memref_squeeze %dma_wait3A_1163 : memref<1x200x128xf32, #tpu.memory_space<vmem>> -> memref<200x128xf32, #tpu.memory_space<vmem>>
    tpu.wait_dma2 semaphore(%dma_wait3A_1158 : memref<!tpu.dma_semaphore, #tpu.memory_space<semaphore_mem>>) src(%dma_wait3A_1164 : memref<200x128xf32, #tpu.memory_space<vmem>>) dst(%dma_wait3A_1160 : memref<200x128xf32, #tpu.memory_space<hbm>>)
    %dma_start3A_1165 = arith.constant 1 : i32
    %dma_start3A_1166 = arith.constant 1 : i32
    %dma_start3A_1167 = arith.constant 10 : i32
    %dma_start3A_1168 = arith.constant 0 : i32
    %dma_start3A_1169 = tpu.memref_slice %arg7[%dma_start3A_1165, %dma_start3A_1167, %dma_start3A_1168] : memref<4x200x128xf32, #tpu.memory_space<vmem>> -> memref<1x96x128xf32, #tpu.memory_space<vmem>>
    %dma_start3A_1170 = tpu.memref_squeeze %dma_start3A_1169 : memref<1x96x128xf32, #tpu.memory_space<vmem>> -> memref<96x128xf32, #tpu.memory_space<vmem>>
    %dma_start3A_1171 = arith.constant 2496 : i32
    %dma_start3A_1172 = tpu.memref_slice %arg6[%dma_start3A_1171] : memref<6144xi32, #tpu.memory_space<vmem>> -> memref<96xi32, #tpu.memory_space<vmem>>
    %dma_start3A_1173 = arith.constant 0 : i32
    %dma_start3A_1174 = arith.constant 0 : i32
    %dma_start3A_1175 = tpu.memref_slice %arg3[%dma_start3A_1173, %dma_start3A_1174] : memref<100000x128xf32, #tpu.memory_space<hbm>> -> memref<100000x128xf32, #tpu.memory_space<hbm>>
    %dma_start3A_1176 = tpu.memref_slice %arg8[%dma_start3A_1166] : memref<4x!tpu.dma_semaphore, #tpu.memory_space<semaphore_mem>> -> memref<1x!tpu.dma_semaphore, #tpu.memory_space<semaphore_mem>>
    %dma_start3A_1177 = tpu.memref_squeeze %dma_start3A_1176 : memref<1x!tpu.dma_semaphore, #tpu.memory_space<semaphore_mem>> -> memref<!tpu.dma_semaphore, #tpu.memory_space<semaphore_mem>>
    tpu.enqueue_indirect_dma source(%dma_start3A_1175 : memref<100000x128xf32, #tpu.memory_space<hbm>>) target(%dma_start3A_1170 : memref<96x128xf32, #tpu.memory_space<vmem>>) offsets(%dma_start3A_1172 : memref<96xi32, #tpu.memory_space<vmem>>) semaphore(%dma_start3A_1177 : memref<!tpu.dma_semaphore, #tpu.memory_space<semaphore_mem>>)
    %dma_start3A_1178 = arith.constant 1 : i32
    %dma_start3A_1179 = arith.constant 1 : i32
    %dma_start3A_1180 = arith.constant 106 : i32
    %dma_start3A_1181 = arith.constant 0 : i32
    %dma_start3A_1182 = tpu.memref_slice %arg7[%dma_start3A_1178, %dma_start3A_1180, %dma_start3A_1181] : memref<4x200x128xf32, #tpu.memory_space<vmem>> -> memref<1x94x128xf32, #tpu.memory_space<vmem>>
    %dma_start3A_1183 = tpu.memref_squeeze %dma_start3A_1182 : memref<1x94x128xf32, #tpu.memory_space<vmem>> -> memref<94x128xf32, #tpu.memory_space<vmem>>
    %dma_start3A_1184 = arith.constant 2592 : i32
    %dma_start3A_1185 = tpu.memref_slice %arg6[%dma_start3A_1184] : memref<6144xi32, #tpu.memory_space<vmem>> -> memref<94xi32, #tpu.memory_space<vmem>>
    %dma_start3A_1186 = arith.constant 0 : i32
    %dma_start3A_1187 = arith.constant 0 : i32
    %dma_start3A_1188 = tpu.memref_slice %arg3[%dma_start3A_1186, %dma_start3A_1187] : memref<100000x128xf32, #tpu.memory_space<hbm>> -> memref<100000x128xf32, #tpu.memory_space<hbm>>
    %dma_start3A_1189 = tpu.memref_slice %arg8[%dma_start3A_1179] : memref<4x!tpu.dma_semaphore, #tpu.memory_space<semaphore_mem>> -> memref<1x!tpu.dma_semaphore, #tpu.memory_space<semaphore_mem>>
    %dma_start3A_1190 = tpu.memref_squeeze %dma_start3A_1189 : memref<1x!tpu.dma_semaphore, #tpu.memory_space<semaphore_mem>> -> memref<!tpu.dma_semaphore, #tpu.memory_space<semaphore_mem>>
    tpu.enqueue_indirect_dma source(%dma_start3A_1188 : memref<100000x128xf32, #tpu.memory_space<hbm>>) target(%dma_start3A_1183 : memref<94x128xf32, #tpu.memory_space<vmem>>) offsets(%dma_start3A_1185 : memref<94xi32, #tpu.memory_space<vmem>>) semaphore(%dma_start3A_1190 : memref<!tpu.dma_semaphore, #tpu.memory_space<semaphore_mem>>)
    %dma_wait3A_1191 = arith.constant 0 : i32
    %dma_wait3A_1192 = arith.constant 0 : i32
    %dma_wait3A_1193 = arith.constant 10 : i32
    %dma_wait3A_1194 = arith.constant 0 : i32
    %dma_wait3A_1195 = tpu.memref_slice %arg7[%dma_wait3A_1191, %dma_wait3A_1193, %dma_wait3A_1194] : memref<4x200x128xf32, #tpu.memory_space<vmem>> -> memref<1x96x128xf32, #tpu.memory_space<vmem>>
    %dma_wait3A_1196 = tpu.memref_squeeze %dma_wait3A_1195 : memref<1x96x128xf32, #tpu.memory_space<vmem>> -> memref<96x128xf32, #tpu.memory_space<vmem>>
    %dma_wait3A_1197 = arith.constant 2304 : i32
    %dma_wait3A_1198 = tpu.memref_slice %arg6[%dma_wait3A_1197] : memref<6144xi32, #tpu.memory_space<vmem>> -> memref<96xi32, #tpu.memory_space<vmem>>
    %dma_wait3A_1199 = arith.constant 0 : i32
    %dma_wait3A_1200 = arith.constant 0 : i32
    %dma_wait3A_1201 = tpu.memref_slice %arg3[%dma_wait3A_1199, %dma_wait3A_1200] : memref<100000x128xf32, #tpu.memory_space<hbm>> -> memref<100000x128xf32, #tpu.memory_space<hbm>>
    %dma_wait3A_1202 = tpu.memref_slice %arg8[%dma_wait3A_1192] : memref<4x!tpu.dma_semaphore, #tpu.memory_space<semaphore_mem>> -> memref<1x!tpu.dma_semaphore, #tpu.memory_space<semaphore_mem>>
    %dma_wait3A_1203 = tpu.memref_squeeze %dma_wait3A_1202 : memref<1x!tpu.dma_semaphore, #tpu.memory_space<semaphore_mem>> -> memref<!tpu.dma_semaphore, #tpu.memory_space<semaphore_mem>>
    tpu.wait_indirect_dma semaphore(%dma_wait3A_1203 : memref<!tpu.dma_semaphore, #tpu.memory_space<semaphore_mem>>) src(%dma_wait3A_1201 : memref<100000x128xf32, #tpu.memory_space<hbm>>) dst(%dma_wait3A_1196 : memref<96x128xf32, #tpu.memory_space<vmem>>)
    %dma_wait3A_1204 = arith.constant 0 : i32
    %dma_wait3A_1205 = arith.constant 0 : i32
    %dma_wait3A_1206 = arith.constant 106 : i32
    %dma_wait3A_1207 = arith.constant 0 : i32
    %dma_wait3A_1208 = tpu.memref_slice %arg7[%dma_wait3A_1204, %dma_wait3A_1206, %dma_wait3A_1207] : memref<4x200x128xf32, #tpu.memory_space<vmem>> -> memref<1x94x128xf32, #tpu.memory_space<vmem>>
    %dma_wait3A_1209 = tpu.memref_squeeze %dma_wait3A_1208 : memref<1x94x128xf32, #tpu.memory_space<vmem>> -> memref<94x128xf32, #tpu.memory_space<vmem>>
    %dma_wait3A_1210 = arith.constant 2400 : i32
    %dma_wait3A_1211 = tpu.memref_slice %arg6[%dma_wait3A_1210] : memref<6144xi32, #tpu.memory_space<vmem>> -> memref<94xi32, #tpu.memory_space<vmem>>
    %dma_wait3A_1212 = arith.constant 0 : i32
    %dma_wait3A_1213 = arith.constant 0 : i32
    %dma_wait3A_1214 = tpu.memref_slice %arg3[%dma_wait3A_1212, %dma_wait3A_1213] : memref<100000x128xf32, #tpu.memory_space<hbm>> -> memref<100000x128xf32, #tpu.memory_space<hbm>>
    %dma_wait3A_1215 = tpu.memref_slice %arg8[%dma_wait3A_1205] : memref<4x!tpu.dma_semaphore, #tpu.memory_space<semaphore_mem>> -> memref<1x!tpu.dma_semaphore, #tpu.memory_space<semaphore_mem>>
    %dma_wait3A_1216 = tpu.memref_squeeze %dma_wait3A_1215 : memref<1x!tpu.dma_semaphore, #tpu.memory_space<semaphore_mem>> -> memref<!tpu.dma_semaphore, #tpu.memory_space<semaphore_mem>>
    tpu.wait_indirect_dma semaphore(%dma_wait3A_1216 : memref<!tpu.dma_semaphore, #tpu.memory_space<semaphore_mem>>) src(%dma_wait3A_1214 : memref<100000x128xf32, #tpu.memory_space<hbm>>) dst(%dma_wait3A_1209 : memref<94x128xf32, #tpu.memory_space<vmem>>)
    %add3A_1217 = arith.constant 12 : i32
    %add3A_1218 = arith.addi %mul3A_2, %add3A_1217 : i32
    %mul3A_1219 = arith.constant 200 : i32
    %mul3A_1220 = arith.muli %add3A_1218, %mul3A_1219 : i32
    %dma_start3A_1221 = arith.constant 0 : i32
    %dma_start3A_1222 = arith.constant 0 : i32
    %dma_start3A_1223 = arith.constant 0 : i32
    %dma_start3A_1224 = arith.constant 0 : i32
    %dma_start3A_1225 = tpu.memref_slice %arg7[%dma_start3A_1221, %dma_start3A_1223, %dma_start3A_1224] : memref<4x200x128xf32, #tpu.memory_space<vmem>> -> memref<1x200x128xf32, #tpu.memory_space<vmem>>
    %dma_start3A_1226 = tpu.memref_squeeze %dma_start3A_1225 : memref<1x200x128xf32, #tpu.memory_space<vmem>> -> memref<200x128xf32, #tpu.memory_space<vmem>>
    %dma_start3A_1227 = arith.constant 0 : i32
    %dma_start3A_1228 = tpu.memref_slice %arg5[%mul3A_1220, %dma_start3A_1227] : memref<204800x128xf32, #tpu.memory_space<hbm>> -> memref<200x128xf32, #tpu.memory_space<hbm>>
    %dma_start3A_1229 = tpu.memref_slice %arg9[%dma_start3A_1222] : memref<4x!tpu.dma_semaphore, #tpu.memory_space<semaphore_mem>> -> memref<1x!tpu.dma_semaphore, #tpu.memory_space<semaphore_mem>>
    %dma_start3A_1230 = tpu.memref_squeeze %dma_start3A_1229 : memref<1x!tpu.dma_semaphore, #tpu.memory_space<semaphore_mem>> -> memref<!tpu.dma_semaphore, #tpu.memory_space<semaphore_mem>>
    %dma_start3A_1231 = arith.constant 0 : i32
    %dma_start3A_1232 = tpu.memref_slice %arg5[%mul3A_1220, %dma_start3A_1231] : memref<204800x128xf32, #tpu.memory_space<hbm>> -> memref<200x128xf32, #tpu.memory_space<hbm>>
    %dma_start3A_1233 = arith.constant 0 : i32
    %dma_start3A_1234 = arith.constant 0 : i32
    %dma_start3A_1235 = tpu.memref_slice %arg7[%dma_start3A_1221, %dma_start3A_1233, %dma_start3A_1234] : memref<4x200x128xf32, #tpu.memory_space<vmem>> -> memref<1x200x128xf32, #tpu.memory_space<vmem>>
    %dma_start3A_1236 = tpu.memref_squeeze %dma_start3A_1235 : memref<1x200x128xf32, #tpu.memory_space<vmem>> -> memref<200x128xf32, #tpu.memory_space<vmem>>
    tpu.enqueue_dma source(%dma_start3A_1236 : memref<200x128xf32, #tpu.memory_space<vmem>>) target(%dma_start3A_1232 : memref<200x128xf32, #tpu.memory_space<hbm>>) target_semaphore(%dma_start3A_1230 : memref<!tpu.dma_semaphore, #tpu.memory_space<semaphore_mem>>)
    %add3A_1237 = arith.constant 10 : i32
    %add3A_1238 = arith.addi %mul3A_2, %add3A_1237 : i32
    %mul3A_1239 = arith.constant 200 : i32
    %mul3A_1240 = arith.muli %add3A_1238, %mul3A_1239 : i32
    %dma_wait3A_1241 = arith.constant 2 : i32
    %dma_wait3A_1242 = arith.constant 2 : i32
    %dma_wait3A_1243 = arith.constant 0 : i32
    %dma_wait3A_1244 = arith.constant 0 : i32
    %dma_wait3A_1245 = tpu.memref_slice %arg7[%dma_wait3A_1241, %dma_wait3A_1243, %dma_wait3A_1244] : memref<4x200x128xf32, #tpu.memory_space<vmem>> -> memref<1x200x128xf32, #tpu.memory_space<vmem>>
    %dma_wait3A_1246 = tpu.memref_squeeze %dma_wait3A_1245 : memref<1x200x128xf32, #tpu.memory_space<vmem>> -> memref<200x128xf32, #tpu.memory_space<vmem>>
    %dma_wait3A_1247 = arith.constant 0 : i32
    %dma_wait3A_1248 = tpu.memref_slice %arg5[%mul3A_1240, %dma_wait3A_1247] : memref<204800x128xf32, #tpu.memory_space<hbm>> -> memref<200x128xf32, #tpu.memory_space<hbm>>
    %dma_wait3A_1249 = tpu.memref_slice %arg9[%dma_wait3A_1242] : memref<4x!tpu.dma_semaphore, #tpu.memory_space<semaphore_mem>> -> memref<1x!tpu.dma_semaphore, #tpu.memory_space<semaphore_mem>>
    %dma_wait3A_1250 = tpu.memref_squeeze %dma_wait3A_1249 : memref<1x!tpu.dma_semaphore, #tpu.memory_space<semaphore_mem>> -> memref<!tpu.dma_semaphore, #tpu.memory_space<semaphore_mem>>
    %dma_wait3A_1251 = arith.constant 0 : i32
    %dma_wait3A_1252 = tpu.memref_slice %arg5[%mul3A_1240, %dma_wait3A_1251] : memref<204800x128xf32, #tpu.memory_space<hbm>> -> memref<200x128xf32, #tpu.memory_space<hbm>>
    %dma_wait3A_1253 = arith.constant 0 : i32
    %dma_wait3A_1254 = arith.constant 0 : i32
    %dma_wait3A_1255 = tpu.memref_slice %arg7[%dma_wait3A_1241, %dma_wait3A_1253, %dma_wait3A_1254] : memref<4x200x128xf32, #tpu.memory_space<vmem>> -> memref<1x200x128xf32, #tpu.memory_space<vmem>>
    %dma_wait3A_1256 = tpu.memref_squeeze %dma_wait3A_1255 : memref<1x200x128xf32, #tpu.memory_space<vmem>> -> memref<200x128xf32, #tpu.memory_space<vmem>>
    tpu.wait_dma2 semaphore(%dma_wait3A_1250 : memref<!tpu.dma_semaphore, #tpu.memory_space<semaphore_mem>>) src(%dma_wait3A_1256 : memref<200x128xf32, #tpu.memory_space<vmem>>) dst(%dma_wait3A_1252 : memref<200x128xf32, #tpu.memory_space<hbm>>)
    %dma_start3A_1257 = arith.constant 2 : i32
    %dma_start3A_1258 = arith.constant 2 : i32
    %dma_start3A_1259 = arith.constant 10 : i32
    %dma_start3A_1260 = arith.constant 0 : i32
    %dma_start3A_1261 = tpu.memref_slice %arg7[%dma_start3A_1257, %dma_start3A_1259, %dma_start3A_1260] : memref<4x200x128xf32, #tpu.memory_space<vmem>> -> memref<1x96x128xf32, #tpu.memory_space<vmem>>
    %dma_start3A_1262 = tpu.memref_squeeze %dma_start3A_1261 : memref<1x96x128xf32, #tpu.memory_space<vmem>> -> memref<96x128xf32, #tpu.memory_space<vmem>>
    %dma_start3A_1263 = arith.constant 2688 : i32
    %dma_start3A_1264 = tpu.memref_slice %arg6[%dma_start3A_1263] : memref<6144xi32, #tpu.memory_space<vmem>> -> memref<96xi32, #tpu.memory_space<vmem>>
    %dma_start3A_1265 = arith.constant 0 : i32
    %dma_start3A_1266 = arith.constant 0 : i32
    %dma_start3A_1267 = tpu.memref_slice %arg3[%dma_start3A_1265, %dma_start3A_1266] : memref<100000x128xf32, #tpu.memory_space<hbm>> -> memref<100000x128xf32, #tpu.memory_space<hbm>>
    %dma_start3A_1268 = tpu.memref_slice %arg8[%dma_start3A_1258] : memref<4x!tpu.dma_semaphore, #tpu.memory_space<semaphore_mem>> -> memref<1x!tpu.dma_semaphore, #tpu.memory_space<semaphore_mem>>
    %dma_start3A_1269 = tpu.memref_squeeze %dma_start3A_1268 : memref<1x!tpu.dma_semaphore, #tpu.memory_space<semaphore_mem>> -> memref<!tpu.dma_semaphore, #tpu.memory_space<semaphore_mem>>
    tpu.enqueue_indirect_dma source(%dma_start3A_1267 : memref<100000x128xf32, #tpu.memory_space<hbm>>) target(%dma_start3A_1262 : memref<96x128xf32, #tpu.memory_space<vmem>>) offsets(%dma_start3A_1264 : memref<96xi32, #tpu.memory_space<vmem>>) semaphore(%dma_start3A_1269 : memref<!tpu.dma_semaphore, #tpu.memory_space<semaphore_mem>>)
    %dma_start3A_1270 = arith.constant 2 : i32
    %dma_start3A_1271 = arith.constant 2 : i32
    %dma_start3A_1272 = arith.constant 106 : i32
    %dma_start3A_1273 = arith.constant 0 : i32
    %dma_start3A_1274 = tpu.memref_slice %arg7[%dma_start3A_1270, %dma_start3A_1272, %dma_start3A_1273] : memref<4x200x128xf32, #tpu.memory_space<vmem>> -> memref<1x94x128xf32, #tpu.memory_space<vmem>>
    %dma_start3A_1275 = tpu.memref_squeeze %dma_start3A_1274 : memref<1x94x128xf32, #tpu.memory_space<vmem>> -> memref<94x128xf32, #tpu.memory_space<vmem>>
    %dma_start3A_1276 = arith.constant 2784 : i32
    %dma_start3A_1277 = tpu.memref_slice %arg6[%dma_start3A_1276] : memref<6144xi32, #tpu.memory_space<vmem>> -> memref<94xi32, #tpu.memory_space<vmem>>
    %dma_start3A_1278 = arith.constant 0 : i32
    %dma_start3A_1279 = arith.constant 0 : i32
    %dma_start3A_1280 = tpu.memref_slice %arg3[%dma_start3A_1278, %dma_start3A_1279] : memref<100000x128xf32, #tpu.memory_space<hbm>> -> memref<100000x128xf32, #tpu.memory_space<hbm>>
    %dma_start3A_1281 = tpu.memref_slice %arg8[%dma_start3A_1271] : memref<4x!tpu.dma_semaphore, #tpu.memory_space<semaphore_mem>> -> memref<1x!tpu.dma_semaphore, #tpu.memory_space<semaphore_mem>>
    %dma_start3A_1282 = tpu.memref_squeeze %dma_start3A_1281 : memref<1x!tpu.dma_semaphore, #tpu.memory_space<semaphore_mem>> -> memref<!tpu.dma_semaphore, #tpu.memory_space<semaphore_mem>>
    tpu.enqueue_indirect_dma source(%dma_start3A_1280 : memref<100000x128xf32, #tpu.memory_space<hbm>>) target(%dma_start3A_1275 : memref<94x128xf32, #tpu.memory_space<vmem>>) offsets(%dma_start3A_1277 : memref<94xi32, #tpu.memory_space<vmem>>) semaphore(%dma_start3A_1282 : memref<!tpu.dma_semaphore, #tpu.memory_space<semaphore_mem>>)
    %dma_wait3A_1283 = arith.constant 1 : i32
    %dma_wait3A_1284 = arith.constant 1 : i32
    %dma_wait3A_1285 = arith.constant 10 : i32
    %dma_wait3A_1286 = arith.constant 0 : i32
    %dma_wait3A_1287 = tpu.memref_slice %arg7[%dma_wait3A_1283, %dma_wait3A_1285, %dma_wait3A_1286] : memref<4x200x128xf32, #tpu.memory_space<vmem>> -> memref<1x96x128xf32, #tpu.memory_space<vmem>>
    %dma_wait3A_1288 = tpu.memref_squeeze %dma_wait3A_1287 : memref<1x96x128xf32, #tpu.memory_space<vmem>> -> memref<96x128xf32, #tpu.memory_space<vmem>>
    %dma_wait3A_1289 = arith.constant 2496 : i32
    %dma_wait3A_1290 = tpu.memref_slice %arg6[%dma_wait3A_1289] : memref<6144xi32, #tpu.memory_space<vmem>> -> memref<96xi32, #tpu.memory_space<vmem>>
    %dma_wait3A_1291 = arith.constant 0 : i32
    %dma_wait3A_1292 = arith.constant 0 : i32
    %dma_wait3A_1293 = tpu.memref_slice %arg3[%dma_wait3A_1291, %dma_wait3A_1292] : memref<100000x128xf32, #tpu.memory_space<hbm>> -> memref<100000x128xf32, #tpu.memory_space<hbm>>
    %dma_wait3A_1294 = tpu.memref_slice %arg8[%dma_wait3A_1284] : memref<4x!tpu.dma_semaphore, #tpu.memory_space<semaphore_mem>> -> memref<1x!tpu.dma_semaphore, #tpu.memory_space<semaphore_mem>>
    %dma_wait3A_1295 = tpu.memref_squeeze %dma_wait3A_1294 : memref<1x!tpu.dma_semaphore, #tpu.memory_space<semaphore_mem>> -> memref<!tpu.dma_semaphore, #tpu.memory_space<semaphore_mem>>
    tpu.wait_indirect_dma semaphore(%dma_wait3A_1295 : memref<!tpu.dma_semaphore, #tpu.memory_space<semaphore_mem>>) src(%dma_wait3A_1293 : memref<100000x128xf32, #tpu.memory_space<hbm>>) dst(%dma_wait3A_1288 : memref<96x128xf32, #tpu.memory_space<vmem>>)
    %dma_wait3A_1296 = arith.constant 1 : i32
    %dma_wait3A_1297 = arith.constant 1 : i32
    %dma_wait3A_1298 = arith.constant 106 : i32
    %dma_wait3A_1299 = arith.constant 0 : i32
    %dma_wait3A_1300 = tpu.memref_slice %arg7[%dma_wait3A_1296, %dma_wait3A_1298, %dma_wait3A_1299] : memref<4x200x128xf32, #tpu.memory_space<vmem>> -> memref<1x94x128xf32, #tpu.memory_space<vmem>>
    %dma_wait3A_1301 = tpu.memref_squeeze %dma_wait3A_1300 : memref<1x94x128xf32, #tpu.memory_space<vmem>> -> memref<94x128xf32, #tpu.memory_space<vmem>>
    %dma_wait3A_1302 = arith.constant 2592 : i32
    %dma_wait3A_1303 = tpu.memref_slice %arg6[%dma_wait3A_1302] : memref<6144xi32, #tpu.memory_space<vmem>> -> memref<94xi32, #tpu.memory_space<vmem>>
    %dma_wait3A_1304 = arith.constant 0 : i32
    %dma_wait3A_1305 = arith.constant 0 : i32
    %dma_wait3A_1306 = tpu.memref_slice %arg3[%dma_wait3A_1304, %dma_wait3A_1305] : memref<100000x128xf32, #tpu.memory_space<hbm>> -> memref<100000x128xf32, #tpu.memory_space<hbm>>
    %dma_wait3A_1307 = tpu.memref_slice %arg8[%dma_wait3A_1297] : memref<4x!tpu.dma_semaphore, #tpu.memory_space<semaphore_mem>> -> memref<1x!tpu.dma_semaphore, #tpu.memory_space<semaphore_mem>>
    %dma_wait3A_1308 = tpu.memref_squeeze %dma_wait3A_1307 : memref<1x!tpu.dma_semaphore, #tpu.memory_space<semaphore_mem>> -> memref<!tpu.dma_semaphore, #tpu.memory_space<semaphore_mem>>
    tpu.wait_indirect_dma semaphore(%dma_wait3A_1308 : memref<!tpu.dma_semaphore, #tpu.memory_space<semaphore_mem>>) src(%dma_wait3A_1306 : memref<100000x128xf32, #tpu.memory_space<hbm>>) dst(%dma_wait3A_1301 : memref<94x128xf32, #tpu.memory_space<vmem>>)
    %add3A_1309 = arith.constant 13 : i32
    %add3A_1310 = arith.addi %mul3A_2, %add3A_1309 : i32
    %mul3A_1311 = arith.constant 200 : i32
    %mul3A_1312 = arith.muli %add3A_1310, %mul3A_1311 : i32
    %dma_start3A_1313 = arith.constant 1 : i32
    %dma_start3A_1314 = arith.constant 1 : i32
    %dma_start3A_1315 = arith.constant 0 : i32
    %dma_start3A_1316 = arith.constant 0 : i32
    %dma_start3A_1317 = tpu.memref_slice %arg7[%dma_start3A_1313, %dma_start3A_1315, %dma_start3A_1316] : memref<4x200x128xf32, #tpu.memory_space<vmem>> -> memref<1x200x128xf32, #tpu.memory_space<vmem>>
    %dma_start3A_1318 = tpu.memref_squeeze %dma_start3A_1317 : memref<1x200x128xf32, #tpu.memory_space<vmem>> -> memref<200x128xf32, #tpu.memory_space<vmem>>
    %dma_start3A_1319 = arith.constant 0 : i32
    %dma_start3A_1320 = tpu.memref_slice %arg5[%mul3A_1312, %dma_start3A_1319] : memref<204800x128xf32, #tpu.memory_space<hbm>> -> memref<200x128xf32, #tpu.memory_space<hbm>>
    %dma_start3A_1321 = tpu.memref_slice %arg9[%dma_start3A_1314] : memref<4x!tpu.dma_semaphore, #tpu.memory_space<semaphore_mem>> -> memref<1x!tpu.dma_semaphore, #tpu.memory_space<semaphore_mem>>
    %dma_start3A_1322 = tpu.memref_squeeze %dma_start3A_1321 : memref<1x!tpu.dma_semaphore, #tpu.memory_space<semaphore_mem>> -> memref<!tpu.dma_semaphore, #tpu.memory_space<semaphore_mem>>
    %dma_start3A_1323 = arith.constant 0 : i32
    %dma_start3A_1324 = tpu.memref_slice %arg5[%mul3A_1312, %dma_start3A_1323] : memref<204800x128xf32, #tpu.memory_space<hbm>> -> memref<200x128xf32, #tpu.memory_space<hbm>>
    %dma_start3A_1325 = arith.constant 0 : i32
    %dma_start3A_1326 = arith.constant 0 : i32
    %dma_start3A_1327 = tpu.memref_slice %arg7[%dma_start3A_1313, %dma_start3A_1325, %dma_start3A_1326] : memref<4x200x128xf32, #tpu.memory_space<vmem>> -> memref<1x200x128xf32, #tpu.memory_space<vmem>>
    %dma_start3A_1328 = tpu.memref_squeeze %dma_start3A_1327 : memref<1x200x128xf32, #tpu.memory_space<vmem>> -> memref<200x128xf32, #tpu.memory_space<vmem>>
    tpu.enqueue_dma source(%dma_start3A_1328 : memref<200x128xf32, #tpu.memory_space<vmem>>) target(%dma_start3A_1324 : memref<200x128xf32, #tpu.memory_space<hbm>>) target_semaphore(%dma_start3A_1322 : memref<!tpu.dma_semaphore, #tpu.memory_space<semaphore_mem>>)
    %add3A_1329 = arith.constant 11 : i32
    %add3A_1330 = arith.addi %mul3A_2, %add3A_1329 : i32
    %mul3A_1331 = arith.constant 200 : i32
    %mul3A_1332 = arith.muli %add3A_1330, %mul3A_1331 : i32
    %dma_wait3A_1333 = arith.constant 3 : i32
    %dma_wait3A_1334 = arith.constant 3 : i32
    %dma_wait3A_1335 = arith.constant 0 : i32
    %dma_wait3A_1336 = arith.constant 0 : i32
    %dma_wait3A_1337 = tpu.memref_slice %arg7[%dma_wait3A_1333, %dma_wait3A_1335, %dma_wait3A_1336] : memref<4x200x128xf32, #tpu.memory_space<vmem>> -> memref<1x200x128xf32, #tpu.memory_space<vmem>>
    %dma_wait3A_1338 = tpu.memref_squeeze %dma_wait3A_1337 : memref<1x200x128xf32, #tpu.memory_space<vmem>> -> memref<200x128xf32, #tpu.memory_space<vmem>>
    %dma_wait3A_1339 = arith.constant 0 : i32
    %dma_wait3A_1340 = tpu.memref_slice %arg5[%mul3A_1332, %dma_wait3A_1339] : memref<204800x128xf32, #tpu.memory_space<hbm>> -> memref<200x128xf32, #tpu.memory_space<hbm>>
    %dma_wait3A_1341 = tpu.memref_slice %arg9[%dma_wait3A_1334] : memref<4x!tpu.dma_semaphore, #tpu.memory_space<semaphore_mem>> -> memref<1x!tpu.dma_semaphore, #tpu.memory_space<semaphore_mem>>
    %dma_wait3A_1342 = tpu.memref_squeeze %dma_wait3A_1341 : memref<1x!tpu.dma_semaphore, #tpu.memory_space<semaphore_mem>> -> memref<!tpu.dma_semaphore, #tpu.memory_space<semaphore_mem>>
    %dma_wait3A_1343 = arith.constant 0 : i32
    %dma_wait3A_1344 = tpu.memref_slice %arg5[%mul3A_1332, %dma_wait3A_1343] : memref<204800x128xf32, #tpu.memory_space<hbm>> -> memref<200x128xf32, #tpu.memory_space<hbm>>
    %dma_wait3A_1345 = arith.constant 0 : i32
    %dma_wait3A_1346 = arith.constant 0 : i32
    %dma_wait3A_1347 = tpu.memref_slice %arg7[%dma_wait3A_1333, %dma_wait3A_1345, %dma_wait3A_1346] : memref<4x200x128xf32, #tpu.memory_space<vmem>> -> memref<1x200x128xf32, #tpu.memory_space<vmem>>
    %dma_wait3A_1348 = tpu.memref_squeeze %dma_wait3A_1347 : memref<1x200x128xf32, #tpu.memory_space<vmem>> -> memref<200x128xf32, #tpu.memory_space<vmem>>
    tpu.wait_dma2 semaphore(%dma_wait3A_1342 : memref<!tpu.dma_semaphore, #tpu.memory_space<semaphore_mem>>) src(%dma_wait3A_1348 : memref<200x128xf32, #tpu.memory_space<vmem>>) dst(%dma_wait3A_1344 : memref<200x128xf32, #tpu.memory_space<hbm>>)
    %dma_start3A_1349 = arith.constant 3 : i32
    %dma_start3A_1350 = arith.constant 3 : i32
    %dma_start3A_1351 = arith.constant 10 : i32
    %dma_start3A_1352 = arith.constant 0 : i32
    %dma_start3A_1353 = tpu.memref_slice %arg7[%dma_start3A_1349, %dma_start3A_1351, %dma_start3A_1352] : memref<4x200x128xf32, #tpu.memory_space<vmem>> -> memref<1x96x128xf32, #tpu.memory_space<vmem>>
    %dma_start3A_1354 = tpu.memref_squeeze %dma_start3A_1353 : memref<1x96x128xf32, #tpu.memory_space<vmem>> -> memref<96x128xf32, #tpu.memory_space<vmem>>
    %dma_start3A_1355 = arith.constant 2880 : i32
    %dma_start3A_1356 = tpu.memref_slice %arg6[%dma_start3A_1355] : memref<6144xi32, #tpu.memory_space<vmem>> -> memref<96xi32, #tpu.memory_space<vmem>>
    %dma_start3A_1357 = arith.constant 0 : i32
    %dma_start3A_1358 = arith.constant 0 : i32
    %dma_start3A_1359 = tpu.memref_slice %arg3[%dma_start3A_1357, %dma_start3A_1358] : memref<100000x128xf32, #tpu.memory_space<hbm>> -> memref<100000x128xf32, #tpu.memory_space<hbm>>
    %dma_start3A_1360 = tpu.memref_slice %arg8[%dma_start3A_1350] : memref<4x!tpu.dma_semaphore, #tpu.memory_space<semaphore_mem>> -> memref<1x!tpu.dma_semaphore, #tpu.memory_space<semaphore_mem>>
    %dma_start3A_1361 = tpu.memref_squeeze %dma_start3A_1360 : memref<1x!tpu.dma_semaphore, #tpu.memory_space<semaphore_mem>> -> memref<!tpu.dma_semaphore, #tpu.memory_space<semaphore_mem>>
    tpu.enqueue_indirect_dma source(%dma_start3A_1359 : memref<100000x128xf32, #tpu.memory_space<hbm>>) target(%dma_start3A_1354 : memref<96x128xf32, #tpu.memory_space<vmem>>) offsets(%dma_start3A_1356 : memref<96xi32, #tpu.memory_space<vmem>>) semaphore(%dma_start3A_1361 : memref<!tpu.dma_semaphore, #tpu.memory_space<semaphore_mem>>)
    %dma_start3A_1362 = arith.constant 3 : i32
    %dma_start3A_1363 = arith.constant 3 : i32
    %dma_start3A_1364 = arith.constant 106 : i32
    %dma_start3A_1365 = arith.constant 0 : i32
    %dma_start3A_1366 = tpu.memref_slice %arg7[%dma_start3A_1362, %dma_start3A_1364, %dma_start3A_1365] : memref<4x200x128xf32, #tpu.memory_space<vmem>> -> memref<1x94x128xf32, #tpu.memory_space<vmem>>
    %dma_start3A_1367 = tpu.memref_squeeze %dma_start3A_1366 : memref<1x94x128xf32, #tpu.memory_space<vmem>> -> memref<94x128xf32, #tpu.memory_space<vmem>>
    %dma_start3A_1368 = arith.constant 2976 : i32
    %dma_start3A_1369 = tpu.memref_slice %arg6[%dma_start3A_1368] : memref<6144xi32, #tpu.memory_space<vmem>> -> memref<94xi32, #tpu.memory_space<vmem>>
    %dma_start3A_1370 = arith.constant 0 : i32
    %dma_start3A_1371 = arith.constant 0 : i32
    %dma_start3A_1372 = tpu.memref_slice %arg3[%dma_start3A_1370, %dma_start3A_1371] : memref<100000x128xf32, #tpu.memory_space<hbm>> -> memref<100000x128xf32, #tpu.memory_space<hbm>>
    %dma_start3A_1373 = tpu.memref_slice %arg8[%dma_start3A_1363] : memref<4x!tpu.dma_semaphore, #tpu.memory_space<semaphore_mem>> -> memref<1x!tpu.dma_semaphore, #tpu.memory_space<semaphore_mem>>
    %dma_start3A_1374 = tpu.memref_squeeze %dma_start3A_1373 : memref<1x!tpu.dma_semaphore, #tpu.memory_space<semaphore_mem>> -> memref<!tpu.dma_semaphore, #tpu.memory_space<semaphore_mem>>
    tpu.enqueue_indirect_dma source(%dma_start3A_1372 : memref<100000x128xf32, #tpu.memory_space<hbm>>) target(%dma_start3A_1367 : memref<94x128xf32, #tpu.memory_space<vmem>>) offsets(%dma_start3A_1369 : memref<94xi32, #tpu.memory_space<vmem>>) semaphore(%dma_start3A_1374 : memref<!tpu.dma_semaphore, #tpu.memory_space<semaphore_mem>>)
    %dma_wait3A_1375 = arith.constant 2 : i32
    %dma_wait3A_1376 = arith.constant 2 : i32
    %dma_wait3A_1377 = arith.constant 10 : i32
    %dma_wait3A_1378 = arith.constant 0 : i32
    %dma_wait3A_1379 = tpu.memref_slice %arg7[%dma_wait3A_1375, %dma_wait3A_1377, %dma_wait3A_1378] : memref<4x200x128xf32, #tpu.memory_space<vmem>> -> memref<1x96x128xf32, #tpu.memory_space<vmem>>
    %dma_wait3A_1380 = tpu.memref_squeeze %dma_wait3A_1379 : memref<1x96x128xf32, #tpu.memory_space<vmem>> -> memref<96x128xf32, #tpu.memory_space<vmem>>
    %dma_wait3A_1381 = arith.constant 2688 : i32
    %dma_wait3A_1382 = tpu.memref_slice %arg6[%dma_wait3A_1381] : memref<6144xi32, #tpu.memory_space<vmem>> -> memref<96xi32, #tpu.memory_space<vmem>>
    %dma_wait3A_1383 = arith.constant 0 : i32
    %dma_wait3A_1384 = arith.constant 0 : i32
    %dma_wait3A_1385 = tpu.memref_slice %arg3[%dma_wait3A_1383, %dma_wait3A_1384] : memref<100000x128xf32, #tpu.memory_space<hbm>> -> memref<100000x128xf32, #tpu.memory_space<hbm>>
    %dma_wait3A_1386 = tpu.memref_slice %arg8[%dma_wait3A_1376] : memref<4x!tpu.dma_semaphore, #tpu.memory_space<semaphore_mem>> -> memref<1x!tpu.dma_semaphore, #tpu.memory_space<semaphore_mem>>
    %dma_wait3A_1387 = tpu.memref_squeeze %dma_wait3A_1386 : memref<1x!tpu.dma_semaphore, #tpu.memory_space<semaphore_mem>> -> memref<!tpu.dma_semaphore, #tpu.memory_space<semaphore_mem>>
    tpu.wait_indirect_dma semaphore(%dma_wait3A_1387 : memref<!tpu.dma_semaphore, #tpu.memory_space<semaphore_mem>>) src(%dma_wait3A_1385 : memref<100000x128xf32, #tpu.memory_space<hbm>>) dst(%dma_wait3A_1380 : memref<96x128xf32, #tpu.memory_space<vmem>>)
    %dma_wait3A_1388 = arith.constant 2 : i32
    %dma_wait3A_1389 = arith.constant 2 : i32
    %dma_wait3A_1390 = arith.constant 106 : i32
    %dma_wait3A_1391 = arith.constant 0 : i32
    %dma_wait3A_1392 = tpu.memref_slice %arg7[%dma_wait3A_1388, %dma_wait3A_1390, %dma_wait3A_1391] : memref<4x200x128xf32, #tpu.memory_space<vmem>> -> memref<1x94x128xf32, #tpu.memory_space<vmem>>
    %dma_wait3A_1393 = tpu.memref_squeeze %dma_wait3A_1392 : memref<1x94x128xf32, #tpu.memory_space<vmem>> -> memref<94x128xf32, #tpu.memory_space<vmem>>
    %dma_wait3A_1394 = arith.constant 2784 : i32
    %dma_wait3A_1395 = tpu.memref_slice %arg6[%dma_wait3A_1394] : memref<6144xi32, #tpu.memory_space<vmem>> -> memref<94xi32, #tpu.memory_space<vmem>>
    %dma_wait3A_1396 = arith.constant 0 : i32
    %dma_wait3A_1397 = arith.constant 0 : i32
    %dma_wait3A_1398 = tpu.memref_slice %arg3[%dma_wait3A_1396, %dma_wait3A_1397] : memref<100000x128xf32, #tpu.memory_space<hbm>> -> memref<100000x128xf32, #tpu.memory_space<hbm>>
    %dma_wait3A_1399 = tpu.memref_slice %arg8[%dma_wait3A_1389] : memref<4x!tpu.dma_semaphore, #tpu.memory_space<semaphore_mem>> -> memref<1x!tpu.dma_semaphore, #tpu.memory_space<semaphore_mem>>
    %dma_wait3A_1400 = tpu.memref_squeeze %dma_wait3A_1399 : memref<1x!tpu.dma_semaphore, #tpu.memory_space<semaphore_mem>> -> memref<!tpu.dma_semaphore, #tpu.memory_space<semaphore_mem>>
    tpu.wait_indirect_dma semaphore(%dma_wait3A_1400 : memref<!tpu.dma_semaphore, #tpu.memory_space<semaphore_mem>>) src(%dma_wait3A_1398 : memref<100000x128xf32, #tpu.memory_space<hbm>>) dst(%dma_wait3A_1393 : memref<94x128xf32, #tpu.memory_space<vmem>>)
    %add3A_1401 = arith.constant 14 : i32
    %add3A_1402 = arith.addi %mul3A_2, %add3A_1401 : i32
    %mul3A_1403 = arith.constant 200 : i32
    %mul3A_1404 = arith.muli %add3A_1402, %mul3A_1403 : i32
    %dma_start3A_1405 = arith.constant 2 : i32
    %dma_start3A_1406 = arith.constant 2 : i32
    %dma_start3A_1407 = arith.constant 0 : i32
    %dma_start3A_1408 = arith.constant 0 : i32
    %dma_start3A_1409 = tpu.memref_slice %arg7[%dma_start3A_1405, %dma_start3A_1407, %dma_start3A_1408] : memref<4x200x128xf32, #tpu.memory_space<vmem>> -> memref<1x200x128xf32, #tpu.memory_space<vmem>>
    %dma_start3A_1410 = tpu.memref_squeeze %dma_start3A_1409 : memref<1x200x128xf32, #tpu.memory_space<vmem>> -> memref<200x128xf32, #tpu.memory_space<vmem>>
    %dma_start3A_1411 = arith.constant 0 : i32
    %dma_start3A_1412 = tpu.memref_slice %arg5[%mul3A_1404, %dma_start3A_1411] : memref<204800x128xf32, #tpu.memory_space<hbm>> -> memref<200x128xf32, #tpu.memory_space<hbm>>
    %dma_start3A_1413 = tpu.memref_slice %arg9[%dma_start3A_1406] : memref<4x!tpu.dma_semaphore, #tpu.memory_space<semaphore_mem>> -> memref<1x!tpu.dma_semaphore, #tpu.memory_space<semaphore_mem>>
    %dma_start3A_1414 = tpu.memref_squeeze %dma_start3A_1413 : memref<1x!tpu.dma_semaphore, #tpu.memory_space<semaphore_mem>> -> memref<!tpu.dma_semaphore, #tpu.memory_space<semaphore_mem>>
    %dma_start3A_1415 = arith.constant 0 : i32
    %dma_start3A_1416 = tpu.memref_slice %arg5[%mul3A_1404, %dma_start3A_1415] : memref<204800x128xf32, #tpu.memory_space<hbm>> -> memref<200x128xf32, #tpu.memory_space<hbm>>
    %dma_start3A_1417 = arith.constant 0 : i32
    %dma_start3A_1418 = arith.constant 0 : i32
    %dma_start3A_1419 = tpu.memref_slice %arg7[%dma_start3A_1405, %dma_start3A_1417, %dma_start3A_1418] : memref<4x200x128xf32, #tpu.memory_space<vmem>> -> memref<1x200x128xf32, #tpu.memory_space<vmem>>
    %dma_start3A_1420 = tpu.memref_squeeze %dma_start3A_1419 : memref<1x200x128xf32, #tpu.memory_space<vmem>> -> memref<200x128xf32, #tpu.memory_space<vmem>>
    tpu.enqueue_dma source(%dma_start3A_1420 : memref<200x128xf32, #tpu.memory_space<vmem>>) target(%dma_start3A_1416 : memref<200x128xf32, #tpu.memory_space<hbm>>) target_semaphore(%dma_start3A_1414 : memref<!tpu.dma_semaphore, #tpu.memory_space<semaphore_mem>>)
    %add3A_1421 = arith.constant 12 : i32
    %add3A_1422 = arith.addi %mul3A_2, %add3A_1421 : i32
    %mul3A_1423 = arith.constant 200 : i32
    %mul3A_1424 = arith.muli %add3A_1422, %mul3A_1423 : i32
    %dma_wait3A_1425 = arith.constant 0 : i32
    %dma_wait3A_1426 = arith.constant 0 : i32
    %dma_wait3A_1427 = arith.constant 0 : i32
    %dma_wait3A_1428 = arith.constant 0 : i32
    %dma_wait3A_1429 = tpu.memref_slice %arg7[%dma_wait3A_1425, %dma_wait3A_1427, %dma_wait3A_1428] : memref<4x200x128xf32, #tpu.memory_space<vmem>> -> memref<1x200x128xf32, #tpu.memory_space<vmem>>
    %dma_wait3A_1430 = tpu.memref_squeeze %dma_wait3A_1429 : memref<1x200x128xf32, #tpu.memory_space<vmem>> -> memref<200x128xf32, #tpu.memory_space<vmem>>
    %dma_wait3A_1431 = arith.constant 0 : i32
    %dma_wait3A_1432 = tpu.memref_slice %arg5[%mul3A_1424, %dma_wait3A_1431] : memref<204800x128xf32, #tpu.memory_space<hbm>> -> memref<200x128xf32, #tpu.memory_space<hbm>>
    %dma_wait3A_1433 = tpu.memref_slice %arg9[%dma_wait3A_1426] : memref<4x!tpu.dma_semaphore, #tpu.memory_space<semaphore_mem>> -> memref<1x!tpu.dma_semaphore, #tpu.memory_space<semaphore_mem>>
    %dma_wait3A_1434 = tpu.memref_squeeze %dma_wait3A_1433 : memref<1x!tpu.dma_semaphore, #tpu.memory_space<semaphore_mem>> -> memref<!tpu.dma_semaphore, #tpu.memory_space<semaphore_mem>>
    %dma_wait3A_1435 = arith.constant 0 : i32
    %dma_wait3A_1436 = tpu.memref_slice %arg5[%mul3A_1424, %dma_wait3A_1435] : memref<204800x128xf32, #tpu.memory_space<hbm>> -> memref<200x128xf32, #tpu.memory_space<hbm>>
    %dma_wait3A_1437 = arith.constant 0 : i32
    %dma_wait3A_1438 = arith.constant 0 : i32
    %dma_wait3A_1439 = tpu.memref_slice %arg7[%dma_wait3A_1425, %dma_wait3A_1437, %dma_wait3A_1438] : memref<4x200x128xf32, #tpu.memory_space<vmem>> -> memref<1x200x128xf32, #tpu.memory_space<vmem>>
    %dma_wait3A_1440 = tpu.memref_squeeze %dma_wait3A_1439 : memref<1x200x128xf32, #tpu.memory_space<vmem>> -> memref<200x128xf32, #tpu.memory_space<vmem>>
    tpu.wait_dma2 semaphore(%dma_wait3A_1434 : memref<!tpu.dma_semaphore, #tpu.memory_space<semaphore_mem>>) src(%dma_wait3A_1440 : memref<200x128xf32, #tpu.memory_space<vmem>>) dst(%dma_wait3A_1436 : memref<200x128xf32, #tpu.memory_space<hbm>>)
    %dma_start3A_1441 = arith.constant 0 : i32
    %dma_start3A_1442 = arith.constant 0 : i32
    %dma_start3A_1443 = arith.constant 10 : i32
    %dma_start3A_1444 = arith.constant 0 : i32
    %dma_start3A_1445 = tpu.memref_slice %arg7[%dma_start3A_1441, %dma_start3A_1443, %dma_start3A_1444] : memref<4x200x128xf32, #tpu.memory_space<vmem>> -> memref<1x96x128xf32, #tpu.memory_space<vmem>>
    %dma_start3A_1446 = tpu.memref_squeeze %dma_start3A_1445 : memref<1x96x128xf32, #tpu.memory_space<vmem>> -> memref<96x128xf32, #tpu.memory_space<vmem>>
    %dma_start3A_1447 = arith.constant 3072 : i32
    %dma_start3A_1448 = tpu.memref_slice %arg6[%dma_start3A_1447] : memref<6144xi32, #tpu.memory_space<vmem>> -> memref<96xi32, #tpu.memory_space<vmem>>
    %dma_start3A_1449 = arith.constant 0 : i32
    %dma_start3A_1450 = arith.constant 0 : i32
    %dma_start3A_1451 = tpu.memref_slice %arg3[%dma_start3A_1449, %dma_start3A_1450] : memref<100000x128xf32, #tpu.memory_space<hbm>> -> memref<100000x128xf32, #tpu.memory_space<hbm>>
    %dma_start3A_1452 = tpu.memref_slice %arg8[%dma_start3A_1442] : memref<4x!tpu.dma_semaphore, #tpu.memory_space<semaphore_mem>> -> memref<1x!tpu.dma_semaphore, #tpu.memory_space<semaphore_mem>>
    %dma_start3A_1453 = tpu.memref_squeeze %dma_start3A_1452 : memref<1x!tpu.dma_semaphore, #tpu.memory_space<semaphore_mem>> -> memref<!tpu.dma_semaphore, #tpu.memory_space<semaphore_mem>>
    tpu.enqueue_indirect_dma source(%dma_start3A_1451 : memref<100000x128xf32, #tpu.memory_space<hbm>>) target(%dma_start3A_1446 : memref<96x128xf32, #tpu.memory_space<vmem>>) offsets(%dma_start3A_1448 : memref<96xi32, #tpu.memory_space<vmem>>) semaphore(%dma_start3A_1453 : memref<!tpu.dma_semaphore, #tpu.memory_space<semaphore_mem>>)
    %dma_start3A_1454 = arith.constant 0 : i32
    %dma_start3A_1455 = arith.constant 0 : i32
    %dma_start3A_1456 = arith.constant 106 : i32
    %dma_start3A_1457 = arith.constant 0 : i32
    %dma_start3A_1458 = tpu.memref_slice %arg7[%dma_start3A_1454, %dma_start3A_1456, %dma_start3A_1457] : memref<4x200x128xf32, #tpu.memory_space<vmem>> -> memref<1x94x128xf32, #tpu.memory_space<vmem>>
    %dma_start3A_1459 = tpu.memref_squeeze %dma_start3A_1458 : memref<1x94x128xf32, #tpu.memory_space<vmem>> -> memref<94x128xf32, #tpu.memory_space<vmem>>
    %dma_start3A_1460 = arith.constant 3168 : i32
    %dma_start3A_1461 = tpu.memref_slice %arg6[%dma_start3A_1460] : memref<6144xi32, #tpu.memory_space<vmem>> -> memref<94xi32, #tpu.memory_space<vmem>>
    %dma_start3A_1462 = arith.constant 0 : i32
    %dma_start3A_1463 = arith.constant 0 : i32
    %dma_start3A_1464 = tpu.memref_slice %arg3[%dma_start3A_1462, %dma_start3A_1463] : memref<100000x128xf32, #tpu.memory_space<hbm>> -> memref<100000x128xf32, #tpu.memory_space<hbm>>
    %dma_start3A_1465 = tpu.memref_slice %arg8[%dma_start3A_1455] : memref<4x!tpu.dma_semaphore, #tpu.memory_space<semaphore_mem>> -> memref<1x!tpu.dma_semaphore, #tpu.memory_space<semaphore_mem>>
    %dma_start3A_1466 = tpu.memref_squeeze %dma_start3A_1465 : memref<1x!tpu.dma_semaphore, #tpu.memory_space<semaphore_mem>> -> memref<!tpu.dma_semaphore, #tpu.memory_space<semaphore_mem>>
    tpu.enqueue_indirect_dma source(%dma_start3A_1464 : memref<100000x128xf32, #tpu.memory_space<hbm>>) target(%dma_start3A_1459 : memref<94x128xf32, #tpu.memory_space<vmem>>) offsets(%dma_start3A_1461 : memref<94xi32, #tpu.memory_space<vmem>>) semaphore(%dma_start3A_1466 : memref<!tpu.dma_semaphore, #tpu.memory_space<semaphore_mem>>)
    %dma_wait3A_1467 = arith.constant 3 : i32
    %dma_wait3A_1468 = arith.constant 3 : i32
    %dma_wait3A_1469 = arith.constant 10 : i32
    %dma_wait3A_1470 = arith.constant 0 : i32
    %dma_wait3A_1471 = tpu.memref_slice %arg7[%dma_wait3A_1467, %dma_wait3A_1469, %dma_wait3A_1470] : memref<4x200x128xf32, #tpu.memory_space<vmem>> -> memref<1x96x128xf32, #tpu.memory_space<vmem>>
    %dma_wait3A_1472 = tpu.memref_squeeze %dma_wait3A_1471 : memref<1x96x128xf32, #tpu.memory_space<vmem>> -> memref<96x128xf32, #tpu.memory_space<vmem>>
    %dma_wait3A_1473 = arith.constant 2880 : i32
    %dma_wait3A_1474 = tpu.memref_slice %arg6[%dma_wait3A_1473] : memref<6144xi32, #tpu.memory_space<vmem>> -> memref<96xi32, #tpu.memory_space<vmem>>
    %dma_wait3A_1475 = arith.constant 0 : i32
    %dma_wait3A_1476 = arith.constant 0 : i32
    %dma_wait3A_1477 = tpu.memref_slice %arg3[%dma_wait3A_1475, %dma_wait3A_1476] : memref<100000x128xf32, #tpu.memory_space<hbm>> -> memref<100000x128xf32, #tpu.memory_space<hbm>>
    %dma_wait3A_1478 = tpu.memref_slice %arg8[%dma_wait3A_1468] : memref<4x!tpu.dma_semaphore, #tpu.memory_space<semaphore_mem>> -> memref<1x!tpu.dma_semaphore, #tpu.memory_space<semaphore_mem>>
    %dma_wait3A_1479 = tpu.memref_squeeze %dma_wait3A_1478 : memref<1x!tpu.dma_semaphore, #tpu.memory_space<semaphore_mem>> -> memref<!tpu.dma_semaphore, #tpu.memory_space<semaphore_mem>>
    tpu.wait_indirect_dma semaphore(%dma_wait3A_1479 : memref<!tpu.dma_semaphore, #tpu.memory_space<semaphore_mem>>) src(%dma_wait3A_1477 : memref<100000x128xf32, #tpu.memory_space<hbm>>) dst(%dma_wait3A_1472 : memref<96x128xf32, #tpu.memory_space<vmem>>)
    %dma_wait3A_1480 = arith.constant 3 : i32
    %dma_wait3A_1481 = arith.constant 3 : i32
    %dma_wait3A_1482 = arith.constant 106 : i32
    %dma_wait3A_1483 = arith.constant 0 : i32
    %dma_wait3A_1484 = tpu.memref_slice %arg7[%dma_wait3A_1480, %dma_wait3A_1482, %dma_wait3A_1483] : memref<4x200x128xf32, #tpu.memory_space<vmem>> -> memref<1x94x128xf32, #tpu.memory_space<vmem>>
    %dma_wait3A_1485 = tpu.memref_squeeze %dma_wait3A_1484 : memref<1x94x128xf32, #tpu.memory_space<vmem>> -> memref<94x128xf32, #tpu.memory_space<vmem>>
    %dma_wait3A_1486 = arith.constant 2976 : i32
    %dma_wait3A_1487 = tpu.memref_slice %arg6[%dma_wait3A_1486] : memref<6144xi32, #tpu.memory_space<vmem>> -> memref<94xi32, #tpu.memory_space<vmem>>
    %dma_wait3A_1488 = arith.constant 0 : i32
    %dma_wait3A_1489 = arith.constant 0 : i32
    %dma_wait3A_1490 = tpu.memref_slice %arg3[%dma_wait3A_1488, %dma_wait3A_1489] : memref<100000x128xf32, #tpu.memory_space<hbm>> -> memref<100000x128xf32, #tpu.memory_space<hbm>>
    %dma_wait3A_1491 = tpu.memref_slice %arg8[%dma_wait3A_1481] : memref<4x!tpu.dma_semaphore, #tpu.memory_space<semaphore_mem>> -> memref<1x!tpu.dma_semaphore, #tpu.memory_space<semaphore_mem>>
    %dma_wait3A_1492 = tpu.memref_squeeze %dma_wait3A_1491 : memref<1x!tpu.dma_semaphore, #tpu.memory_space<semaphore_mem>> -> memref<!tpu.dma_semaphore, #tpu.memory_space<semaphore_mem>>
    tpu.wait_indirect_dma semaphore(%dma_wait3A_1492 : memref<!tpu.dma_semaphore, #tpu.memory_space<semaphore_mem>>) src(%dma_wait3A_1490 : memref<100000x128xf32, #tpu.memory_space<hbm>>) dst(%dma_wait3A_1485 : memref<94x128xf32, #tpu.memory_space<vmem>>)
    %add3A_1493 = arith.constant 15 : i32
    %add3A_1494 = arith.addi %mul3A_2, %add3A_1493 : i32
    %mul3A_1495 = arith.constant 200 : i32
    %mul3A_1496 = arith.muli %add3A_1494, %mul3A_1495 : i32
    %dma_start3A_1497 = arith.constant 3 : i32
    %dma_start3A_1498 = arith.constant 3 : i32
    %dma_start3A_1499 = arith.constant 0 : i32
    %dma_start3A_1500 = arith.constant 0 : i32
    %dma_start3A_1501 = tpu.memref_slice %arg7[%dma_start3A_1497, %dma_start3A_1499, %dma_start3A_1500] : memref<4x200x128xf32, #tpu.memory_space<vmem>> -> memref<1x200x128xf32, #tpu.memory_space<vmem>>
    %dma_start3A_1502 = tpu.memref_squeeze %dma_start3A_1501 : memref<1x200x128xf32, #tpu.memory_space<vmem>> -> memref<200x128xf32, #tpu.memory_space<vmem>>
    %dma_start3A_1503 = arith.constant 0 : i32
    %dma_start3A_1504 = tpu.memref_slice %arg5[%mul3A_1496, %dma_start3A_1503] : memref<204800x128xf32, #tpu.memory_space<hbm>> -> memref<200x128xf32, #tpu.memory_space<hbm>>
    %dma_start3A_1505 = tpu.memref_slice %arg9[%dma_start3A_1498] : memref<4x!tpu.dma_semaphore, #tpu.memory_space<semaphore_mem>> -> memref<1x!tpu.dma_semaphore, #tpu.memory_space<semaphore_mem>>
    %dma_start3A_1506 = tpu.memref_squeeze %dma_start3A_1505 : memref<1x!tpu.dma_semaphore, #tpu.memory_space<semaphore_mem>> -> memref<!tpu.dma_semaphore, #tpu.memory_space<semaphore_mem>>
    %dma_start3A_1507 = arith.constant 0 : i32
    %dma_start3A_1508 = tpu.memref_slice %arg5[%mul3A_1496, %dma_start3A_1507] : memref<204800x128xf32, #tpu.memory_space<hbm>> -> memref<200x128xf32, #tpu.memory_space<hbm>>
    %dma_start3A_1509 = arith.constant 0 : i32
    %dma_start3A_1510 = arith.constant 0 : i32
    %dma_start3A_1511 = tpu.memref_slice %arg7[%dma_start3A_1497, %dma_start3A_1509, %dma_start3A_1510] : memref<4x200x128xf32, #tpu.memory_space<vmem>> -> memref<1x200x128xf32, #tpu.memory_space<vmem>>
    %dma_start3A_1512 = tpu.memref_squeeze %dma_start3A_1511 : memref<1x200x128xf32, #tpu.memory_space<vmem>> -> memref<200x128xf32, #tpu.memory_space<vmem>>
    tpu.enqueue_dma source(%dma_start3A_1512 : memref<200x128xf32, #tpu.memory_space<vmem>>) target(%dma_start3A_1508 : memref<200x128xf32, #tpu.memory_space<hbm>>) target_semaphore(%dma_start3A_1506 : memref<!tpu.dma_semaphore, #tpu.memory_space<semaphore_mem>>)
    %add3A_1513 = arith.constant 13 : i32
    %add3A_1514 = arith.addi %mul3A_2, %add3A_1513 : i32
    %mul3A_1515 = arith.constant 200 : i32
    %mul3A_1516 = arith.muli %add3A_1514, %mul3A_1515 : i32
    %dma_wait3A_1517 = arith.constant 1 : i32
    %dma_wait3A_1518 = arith.constant 1 : i32
    %dma_wait3A_1519 = arith.constant 0 : i32
    %dma_wait3A_1520 = arith.constant 0 : i32
    %dma_wait3A_1521 = tpu.memref_slice %arg7[%dma_wait3A_1517, %dma_wait3A_1519, %dma_wait3A_1520] : memref<4x200x128xf32, #tpu.memory_space<vmem>> -> memref<1x200x128xf32, #tpu.memory_space<vmem>>
    %dma_wait3A_1522 = tpu.memref_squeeze %dma_wait3A_1521 : memref<1x200x128xf32, #tpu.memory_space<vmem>> -> memref<200x128xf32, #tpu.memory_space<vmem>>
    %dma_wait3A_1523 = arith.constant 0 : i32
    %dma_wait3A_1524 = tpu.memref_slice %arg5[%mul3A_1516, %dma_wait3A_1523] : memref<204800x128xf32, #tpu.memory_space<hbm>> -> memref<200x128xf32, #tpu.memory_space<hbm>>
    %dma_wait3A_1525 = tpu.memref_slice %arg9[%dma_wait3A_1518] : memref<4x!tpu.dma_semaphore, #tpu.memory_space<semaphore_mem>> -> memref<1x!tpu.dma_semaphore, #tpu.memory_space<semaphore_mem>>
    %dma_wait3A_1526 = tpu.memref_squeeze %dma_wait3A_1525 : memref<1x!tpu.dma_semaphore, #tpu.memory_space<semaphore_mem>> -> memref<!tpu.dma_semaphore, #tpu.memory_space<semaphore_mem>>
    %dma_wait3A_1527 = arith.constant 0 : i32
    %dma_wait3A_1528 = tpu.memref_slice %arg5[%mul3A_1516, %dma_wait3A_1527] : memref<204800x128xf32, #tpu.memory_space<hbm>> -> memref<200x128xf32, #tpu.memory_space<hbm>>
    %dma_wait3A_1529 = arith.constant 0 : i32
    %dma_wait3A_1530 = arith.constant 0 : i32
    %dma_wait3A_1531 = tpu.memref_slice %arg7[%dma_wait3A_1517, %dma_wait3A_1529, %dma_wait3A_1530] : memref<4x200x128xf32, #tpu.memory_space<vmem>> -> memref<1x200x128xf32, #tpu.memory_space<vmem>>
    %dma_wait3A_1532 = tpu.memref_squeeze %dma_wait3A_1531 : memref<1x200x128xf32, #tpu.memory_space<vmem>> -> memref<200x128xf32, #tpu.memory_space<vmem>>
    tpu.wait_dma2 semaphore(%dma_wait3A_1526 : memref<!tpu.dma_semaphore, #tpu.memory_space<semaphore_mem>>) src(%dma_wait3A_1532 : memref<200x128xf32, #tpu.memory_space<vmem>>) dst(%dma_wait3A_1528 : memref<200x128xf32, #tpu.memory_space<hbm>>)
    %dma_start3A_1533 = arith.constant 1 : i32
    %dma_start3A_1534 = arith.constant 1 : i32
    %dma_start3A_1535 = arith.constant 10 : i32
    %dma_start3A_1536 = arith.constant 0 : i32
    %dma_start3A_1537 = tpu.memref_slice %arg7[%dma_start3A_1533, %dma_start3A_1535, %dma_start3A_1536] : memref<4x200x128xf32, #tpu.memory_space<vmem>> -> memref<1x96x128xf32, #tpu.memory_space<vmem>>
    %dma_start3A_1538 = tpu.memref_squeeze %dma_start3A_1537 : memref<1x96x128xf32, #tpu.memory_space<vmem>> -> memref<96x128xf32, #tpu.memory_space<vmem>>
    %dma_start3A_1539 = arith.constant 3264 : i32
    %dma_start3A_1540 = tpu.memref_slice %arg6[%dma_start3A_1539] : memref<6144xi32, #tpu.memory_space<vmem>> -> memref<96xi32, #tpu.memory_space<vmem>>
    %dma_start3A_1541 = arith.constant 0 : i32
    %dma_start3A_1542 = arith.constant 0 : i32
    %dma_start3A_1543 = tpu.memref_slice %arg3[%dma_start3A_1541, %dma_start3A_1542] : memref<100000x128xf32, #tpu.memory_space<hbm>> -> memref<100000x128xf32, #tpu.memory_space<hbm>>
    %dma_start3A_1544 = tpu.memref_slice %arg8[%dma_start3A_1534] : memref<4x!tpu.dma_semaphore, #tpu.memory_space<semaphore_mem>> -> memref<1x!tpu.dma_semaphore, #tpu.memory_space<semaphore_mem>>
    %dma_start3A_1545 = tpu.memref_squeeze %dma_start3A_1544 : memref<1x!tpu.dma_semaphore, #tpu.memory_space<semaphore_mem>> -> memref<!tpu.dma_semaphore, #tpu.memory_space<semaphore_mem>>
    tpu.enqueue_indirect_dma source(%dma_start3A_1543 : memref<100000x128xf32, #tpu.memory_space<hbm>>) target(%dma_start3A_1538 : memref<96x128xf32, #tpu.memory_space<vmem>>) offsets(%dma_start3A_1540 : memref<96xi32, #tpu.memory_space<vmem>>) semaphore(%dma_start3A_1545 : memref<!tpu.dma_semaphore, #tpu.memory_space<semaphore_mem>>)
    %dma_start3A_1546 = arith.constant 1 : i32
    %dma_start3A_1547 = arith.constant 1 : i32
    %dma_start3A_1548 = arith.constant 106 : i32
    %dma_start3A_1549 = arith.constant 0 : i32
    %dma_start3A_1550 = tpu.memref_slice %arg7[%dma_start3A_1546, %dma_start3A_1548, %dma_start3A_1549] : memref<4x200x128xf32, #tpu.memory_space<vmem>> -> memref<1x94x128xf32, #tpu.memory_space<vmem>>
    %dma_start3A_1551 = tpu.memref_squeeze %dma_start3A_1550 : memref<1x94x128xf32, #tpu.memory_space<vmem>> -> memref<94x128xf32, #tpu.memory_space<vmem>>
    %dma_start3A_1552 = arith.constant 3360 : i32
    %dma_start3A_1553 = tpu.memref_slice %arg6[%dma_start3A_1552] : memref<6144xi32, #tpu.memory_space<vmem>> -> memref<94xi32, #tpu.memory_space<vmem>>
    %dma_start3A_1554 = arith.constant 0 : i32
    %dma_start3A_1555 = arith.constant 0 : i32
    %dma_start3A_1556 = tpu.memref_slice %arg3[%dma_start3A_1554, %dma_start3A_1555] : memref<100000x128xf32, #tpu.memory_space<hbm>> -> memref<100000x128xf32, #tpu.memory_space<hbm>>
    %dma_start3A_1557 = tpu.memref_slice %arg8[%dma_start3A_1547] : memref<4x!tpu.dma_semaphore, #tpu.memory_space<semaphore_mem>> -> memref<1x!tpu.dma_semaphore, #tpu.memory_space<semaphore_mem>>
    %dma_start3A_1558 = tpu.memref_squeeze %dma_start3A_1557 : memref<1x!tpu.dma_semaphore, #tpu.memory_space<semaphore_mem>> -> memref<!tpu.dma_semaphore, #tpu.memory_space<semaphore_mem>>
    tpu.enqueue_indirect_dma source(%dma_start3A_1556 : memref<100000x128xf32, #tpu.memory_space<hbm>>) target(%dma_start3A_1551 : memref<94x128xf32, #tpu.memory_space<vmem>>) offsets(%dma_start3A_1553 : memref<94xi32, #tpu.memory_space<vmem>>) semaphore(%dma_start3A_1558 : memref<!tpu.dma_semaphore, #tpu.memory_space<semaphore_mem>>)
    %dma_wait3A_1559 = arith.constant 0 : i32
    %dma_wait3A_1560 = arith.constant 0 : i32
    %dma_wait3A_1561 = arith.constant 10 : i32
    %dma_wait3A_1562 = arith.constant 0 : i32
    %dma_wait3A_1563 = tpu.memref_slice %arg7[%dma_wait3A_1559, %dma_wait3A_1561, %dma_wait3A_1562] : memref<4x200x128xf32, #tpu.memory_space<vmem>> -> memref<1x96x128xf32, #tpu.memory_space<vmem>>
    %dma_wait3A_1564 = tpu.memref_squeeze %dma_wait3A_1563 : memref<1x96x128xf32, #tpu.memory_space<vmem>> -> memref<96x128xf32, #tpu.memory_space<vmem>>
    %dma_wait3A_1565 = arith.constant 3072 : i32
    %dma_wait3A_1566 = tpu.memref_slice %arg6[%dma_wait3A_1565] : memref<6144xi32, #tpu.memory_space<vmem>> -> memref<96xi32, #tpu.memory_space<vmem>>
    %dma_wait3A_1567 = arith.constant 0 : i32
    %dma_wait3A_1568 = arith.constant 0 : i32
    %dma_wait3A_1569 = tpu.memref_slice %arg3[%dma_wait3A_1567, %dma_wait3A_1568] : memref<100000x128xf32, #tpu.memory_space<hbm>> -> memref<100000x128xf32, #tpu.memory_space<hbm>>
    %dma_wait3A_1570 = tpu.memref_slice %arg8[%dma_wait3A_1560] : memref<4x!tpu.dma_semaphore, #tpu.memory_space<semaphore_mem>> -> memref<1x!tpu.dma_semaphore, #tpu.memory_space<semaphore_mem>>
    %dma_wait3A_1571 = tpu.memref_squeeze %dma_wait3A_1570 : memref<1x!tpu.dma_semaphore, #tpu.memory_space<semaphore_mem>> -> memref<!tpu.dma_semaphore, #tpu.memory_space<semaphore_mem>>
    tpu.wait_indirect_dma semaphore(%dma_wait3A_1571 : memref<!tpu.dma_semaphore, #tpu.memory_space<semaphore_mem>>) src(%dma_wait3A_1569 : memref<100000x128xf32, #tpu.memory_space<hbm>>) dst(%dma_wait3A_1564 : memref<96x128xf32, #tpu.memory_space<vmem>>)
    %dma_wait3A_1572 = arith.constant 0 : i32
    %dma_wait3A_1573 = arith.constant 0 : i32
    %dma_wait3A_1574 = arith.constant 106 : i32
    %dma_wait3A_1575 = arith.constant 0 : i32
    %dma_wait3A_1576 = tpu.memref_slice %arg7[%dma_wait3A_1572, %dma_wait3A_1574, %dma_wait3A_1575] : memref<4x200x128xf32, #tpu.memory_space<vmem>> -> memref<1x94x128xf32, #tpu.memory_space<vmem>>
    %dma_wait3A_1577 = tpu.memref_squeeze %dma_wait3A_1576 : memref<1x94x128xf32, #tpu.memory_space<vmem>> -> memref<94x128xf32, #tpu.memory_space<vmem>>
    %dma_wait3A_1578 = arith.constant 3168 : i32
    %dma_wait3A_1579 = tpu.memref_slice %arg6[%dma_wait3A_1578] : memref<6144xi32, #tpu.memory_space<vmem>> -> memref<94xi32, #tpu.memory_space<vmem>>
    %dma_wait3A_1580 = arith.constant 0 : i32
    %dma_wait3A_1581 = arith.constant 0 : i32
    %dma_wait3A_1582 = tpu.memref_slice %arg3[%dma_wait3A_1580, %dma_wait3A_1581] : memref<100000x128xf32, #tpu.memory_space<hbm>> -> memref<100000x128xf32, #tpu.memory_space<hbm>>
    %dma_wait3A_1583 = tpu.memref_slice %arg8[%dma_wait3A_1573] : memref<4x!tpu.dma_semaphore, #tpu.memory_space<semaphore_mem>> -> memref<1x!tpu.dma_semaphore, #tpu.memory_space<semaphore_mem>>
    %dma_wait3A_1584 = tpu.memref_squeeze %dma_wait3A_1583 : memref<1x!tpu.dma_semaphore, #tpu.memory_space<semaphore_mem>> -> memref<!tpu.dma_semaphore, #tpu.memory_space<semaphore_mem>>
    tpu.wait_indirect_dma semaphore(%dma_wait3A_1584 : memref<!tpu.dma_semaphore, #tpu.memory_space<semaphore_mem>>) src(%dma_wait3A_1582 : memref<100000x128xf32, #tpu.memory_space<hbm>>) dst(%dma_wait3A_1577 : memref<94x128xf32, #tpu.memory_space<vmem>>)
    %add3A_1585 = arith.constant 16 : i32
    %add3A_1586 = arith.addi %mul3A_2, %add3A_1585 : i32
    %mul3A_1587 = arith.constant 200 : i32
    %mul3A_1588 = arith.muli %add3A_1586, %mul3A_1587 : i32
    %dma_start3A_1589 = arith.constant 0 : i32
    %dma_start3A_1590 = arith.constant 0 : i32
    %dma_start3A_1591 = arith.constant 0 : i32
    %dma_start3A_1592 = arith.constant 0 : i32
    %dma_start3A_1593 = tpu.memref_slice %arg7[%dma_start3A_1589, %dma_start3A_1591, %dma_start3A_1592] : memref<4x200x128xf32, #tpu.memory_space<vmem>> -> memref<1x200x128xf32, #tpu.memory_space<vmem>>
    %dma_start3A_1594 = tpu.memref_squeeze %dma_start3A_1593 : memref<1x200x128xf32, #tpu.memory_space<vmem>> -> memref<200x128xf32, #tpu.memory_space<vmem>>
    %dma_start3A_1595 = arith.constant 0 : i32
    %dma_start3A_1596 = tpu.memref_slice %arg5[%mul3A_1588, %dma_start3A_1595] : memref<204800x128xf32, #tpu.memory_space<hbm>> -> memref<200x128xf32, #tpu.memory_space<hbm>>
    %dma_start3A_1597 = tpu.memref_slice %arg9[%dma_start3A_1590] : memref<4x!tpu.dma_semaphore, #tpu.memory_space<semaphore_mem>> -> memref<1x!tpu.dma_semaphore, #tpu.memory_space<semaphore_mem>>
    %dma_start3A_1598 = tpu.memref_squeeze %dma_start3A_1597 : memref<1x!tpu.dma_semaphore, #tpu.memory_space<semaphore_mem>> -> memref<!tpu.dma_semaphore, #tpu.memory_space<semaphore_mem>>
    %dma_start3A_1599 = arith.constant 0 : i32
    %dma_start3A_1600 = tpu.memref_slice %arg5[%mul3A_1588, %dma_start3A_1599] : memref<204800x128xf32, #tpu.memory_space<hbm>> -> memref<200x128xf32, #tpu.memory_space<hbm>>
    %dma_start3A_1601 = arith.constant 0 : i32
    %dma_start3A_1602 = arith.constant 0 : i32
    %dma_start3A_1603 = tpu.memref_slice %arg7[%dma_start3A_1589, %dma_start3A_1601, %dma_start3A_1602] : memref<4x200x128xf32, #tpu.memory_space<vmem>> -> memref<1x200x128xf32, #tpu.memory_space<vmem>>
    %dma_start3A_1604 = tpu.memref_squeeze %dma_start3A_1603 : memref<1x200x128xf32, #tpu.memory_space<vmem>> -> memref<200x128xf32, #tpu.memory_space<vmem>>
    tpu.enqueue_dma source(%dma_start3A_1604 : memref<200x128xf32, #tpu.memory_space<vmem>>) target(%dma_start3A_1600 : memref<200x128xf32, #tpu.memory_space<hbm>>) target_semaphore(%dma_start3A_1598 : memref<!tpu.dma_semaphore, #tpu.memory_space<semaphore_mem>>)
    %add3A_1605 = arith.constant 14 : i32
    %add3A_1606 = arith.addi %mul3A_2, %add3A_1605 : i32
    %mul3A_1607 = arith.constant 200 : i32
    %mul3A_1608 = arith.muli %add3A_1606, %mul3A_1607 : i32
    %dma_wait3A_1609 = arith.constant 2 : i32
    %dma_wait3A_1610 = arith.constant 2 : i32
    %dma_wait3A_1611 = arith.constant 0 : i32
    %dma_wait3A_1612 = arith.constant 0 : i32
    %dma_wait3A_1613 = tpu.memref_slice %arg7[%dma_wait3A_1609, %dma_wait3A_1611, %dma_wait3A_1612] : memref<4x200x128xf32, #tpu.memory_space<vmem>> -> memref<1x200x128xf32, #tpu.memory_space<vmem>>
    %dma_wait3A_1614 = tpu.memref_squeeze %dma_wait3A_1613 : memref<1x200x128xf32, #tpu.memory_space<vmem>> -> memref<200x128xf32, #tpu.memory_space<vmem>>
    %dma_wait3A_1615 = arith.constant 0 : i32
    %dma_wait3A_1616 = tpu.memref_slice %arg5[%mul3A_1608, %dma_wait3A_1615] : memref<204800x128xf32, #tpu.memory_space<hbm>> -> memref<200x128xf32, #tpu.memory_space<hbm>>
    %dma_wait3A_1617 = tpu.memref_slice %arg9[%dma_wait3A_1610] : memref<4x!tpu.dma_semaphore, #tpu.memory_space<semaphore_mem>> -> memref<1x!tpu.dma_semaphore, #tpu.memory_space<semaphore_mem>>
    %dma_wait3A_1618 = tpu.memref_squeeze %dma_wait3A_1617 : memref<1x!tpu.dma_semaphore, #tpu.memory_space<semaphore_mem>> -> memref<!tpu.dma_semaphore, #tpu.memory_space<semaphore_mem>>
    %dma_wait3A_1619 = arith.constant 0 : i32
    %dma_wait3A_1620 = tpu.memref_slice %arg5[%mul3A_1608, %dma_wait3A_1619] : memref<204800x128xf32, #tpu.memory_space<hbm>> -> memref<200x128xf32, #tpu.memory_space<hbm>>
    %dma_wait3A_1621 = arith.constant 0 : i32
    %dma_wait3A_1622 = arith.constant 0 : i32
    %dma_wait3A_1623 = tpu.memref_slice %arg7[%dma_wait3A_1609, %dma_wait3A_1621, %dma_wait3A_1622] : memref<4x200x128xf32, #tpu.memory_space<vmem>> -> memref<1x200x128xf32, #tpu.memory_space<vmem>>
    %dma_wait3A_1624 = tpu.memref_squeeze %dma_wait3A_1623 : memref<1x200x128xf32, #tpu.memory_space<vmem>> -> memref<200x128xf32, #tpu.memory_space<vmem>>
    tpu.wait_dma2 semaphore(%dma_wait3A_1618 : memref<!tpu.dma_semaphore, #tpu.memory_space<semaphore_mem>>) src(%dma_wait3A_1624 : memref<200x128xf32, #tpu.memory_space<vmem>>) dst(%dma_wait3A_1620 : memref<200x128xf32, #tpu.memory_space<hbm>>)
    %dma_start3A_1625 = arith.constant 2 : i32
    %dma_start3A_1626 = arith.constant 2 : i32
    %dma_start3A_1627 = arith.constant 10 : i32
    %dma_start3A_1628 = arith.constant 0 : i32
    %dma_start3A_1629 = tpu.memref_slice %arg7[%dma_start3A_1625, %dma_start3A_1627, %dma_start3A_1628] : memref<4x200x128xf32, #tpu.memory_space<vmem>> -> memref<1x96x128xf32, #tpu.memory_space<vmem>>
    %dma_start3A_1630 = tpu.memref_squeeze %dma_start3A_1629 : memref<1x96x128xf32, #tpu.memory_space<vmem>> -> memref<96x128xf32, #tpu.memory_space<vmem>>
    %dma_start3A_1631 = arith.constant 3456 : i32
    %dma_start3A_1632 = tpu.memref_slice %arg6[%dma_start3A_1631] : memref<6144xi32, #tpu.memory_space<vmem>> -> memref<96xi32, #tpu.memory_space<vmem>>
    %dma_start3A_1633 = arith.constant 0 : i32
    %dma_start3A_1634 = arith.constant 0 : i32
    %dma_start3A_1635 = tpu.memref_slice %arg3[%dma_start3A_1633, %dma_start3A_1634] : memref<100000x128xf32, #tpu.memory_space<hbm>> -> memref<100000x128xf32, #tpu.memory_space<hbm>>
    %dma_start3A_1636 = tpu.memref_slice %arg8[%dma_start3A_1626] : memref<4x!tpu.dma_semaphore, #tpu.memory_space<semaphore_mem>> -> memref<1x!tpu.dma_semaphore, #tpu.memory_space<semaphore_mem>>
    %dma_start3A_1637 = tpu.memref_squeeze %dma_start3A_1636 : memref<1x!tpu.dma_semaphore, #tpu.memory_space<semaphore_mem>> -> memref<!tpu.dma_semaphore, #tpu.memory_space<semaphore_mem>>
    tpu.enqueue_indirect_dma source(%dma_start3A_1635 : memref<100000x128xf32, #tpu.memory_space<hbm>>) target(%dma_start3A_1630 : memref<96x128xf32, #tpu.memory_space<vmem>>) offsets(%dma_start3A_1632 : memref<96xi32, #tpu.memory_space<vmem>>) semaphore(%dma_start3A_1637 : memref<!tpu.dma_semaphore, #tpu.memory_space<semaphore_mem>>)
    %dma_start3A_1638 = arith.constant 2 : i32
    %dma_start3A_1639 = arith.constant 2 : i32
    %dma_start3A_1640 = arith.constant 106 : i32
    %dma_start3A_1641 = arith.constant 0 : i32
    %dma_start3A_1642 = tpu.memref_slice %arg7[%dma_start3A_1638, %dma_start3A_1640, %dma_start3A_1641] : memref<4x200x128xf32, #tpu.memory_space<vmem>> -> memref<1x94x128xf32, #tpu.memory_space<vmem>>
    %dma_start3A_1643 = tpu.memref_squeeze %dma_start3A_1642 : memref<1x94x128xf32, #tpu.memory_space<vmem>> -> memref<94x128xf32, #tpu.memory_space<vmem>>
    %dma_start3A_1644 = arith.constant 3552 : i32
    %dma_start3A_1645 = tpu.memref_slice %arg6[%dma_start3A_1644] : memref<6144xi32, #tpu.memory_space<vmem>> -> memref<94xi32, #tpu.memory_space<vmem>>
    %dma_start3A_1646 = arith.constant 0 : i32
    %dma_start3A_1647 = arith.constant 0 : i32
    %dma_start3A_1648 = tpu.memref_slice %arg3[%dma_start3A_1646, %dma_start3A_1647] : memref<100000x128xf32, #tpu.memory_space<hbm>> -> memref<100000x128xf32, #tpu.memory_space<hbm>>
    %dma_start3A_1649 = tpu.memref_slice %arg8[%dma_start3A_1639] : memref<4x!tpu.dma_semaphore, #tpu.memory_space<semaphore_mem>> -> memref<1x!tpu.dma_semaphore, #tpu.memory_space<semaphore_mem>>
    %dma_start3A_1650 = tpu.memref_squeeze %dma_start3A_1649 : memref<1x!tpu.dma_semaphore, #tpu.memory_space<semaphore_mem>> -> memref<!tpu.dma_semaphore, #tpu.memory_space<semaphore_mem>>
    tpu.enqueue_indirect_dma source(%dma_start3A_1648 : memref<100000x128xf32, #tpu.memory_space<hbm>>) target(%dma_start3A_1643 : memref<94x128xf32, #tpu.memory_space<vmem>>) offsets(%dma_start3A_1645 : memref<94xi32, #tpu.memory_space<vmem>>) semaphore(%dma_start3A_1650 : memref<!tpu.dma_semaphore, #tpu.memory_space<semaphore_mem>>)
    %dma_wait3A_1651 = arith.constant 1 : i32
    %dma_wait3A_1652 = arith.constant 1 : i32
    %dma_wait3A_1653 = arith.constant 10 : i32
    %dma_wait3A_1654 = arith.constant 0 : i32
    %dma_wait3A_1655 = tpu.memref_slice %arg7[%dma_wait3A_1651, %dma_wait3A_1653, %dma_wait3A_1654] : memref<4x200x128xf32, #tpu.memory_space<vmem>> -> memref<1x96x128xf32, #tpu.memory_space<vmem>>
    %dma_wait3A_1656 = tpu.memref_squeeze %dma_wait3A_1655 : memref<1x96x128xf32, #tpu.memory_space<vmem>> -> memref<96x128xf32, #tpu.memory_space<vmem>>
    %dma_wait3A_1657 = arith.constant 3264 : i32
    %dma_wait3A_1658 = tpu.memref_slice %arg6[%dma_wait3A_1657] : memref<6144xi32, #tpu.memory_space<vmem>> -> memref<96xi32, #tpu.memory_space<vmem>>
    %dma_wait3A_1659 = arith.constant 0 : i32
    %dma_wait3A_1660 = arith.constant 0 : i32
    %dma_wait3A_1661 = tpu.memref_slice %arg3[%dma_wait3A_1659, %dma_wait3A_1660] : memref<100000x128xf32, #tpu.memory_space<hbm>> -> memref<100000x128xf32, #tpu.memory_space<hbm>>
    %dma_wait3A_1662 = tpu.memref_slice %arg8[%dma_wait3A_1652] : memref<4x!tpu.dma_semaphore, #tpu.memory_space<semaphore_mem>> -> memref<1x!tpu.dma_semaphore, #tpu.memory_space<semaphore_mem>>
    %dma_wait3A_1663 = tpu.memref_squeeze %dma_wait3A_1662 : memref<1x!tpu.dma_semaphore, #tpu.memory_space<semaphore_mem>> -> memref<!tpu.dma_semaphore, #tpu.memory_space<semaphore_mem>>
    tpu.wait_indirect_dma semaphore(%dma_wait3A_1663 : memref<!tpu.dma_semaphore, #tpu.memory_space<semaphore_mem>>) src(%dma_wait3A_1661 : memref<100000x128xf32, #tpu.memory_space<hbm>>) dst(%dma_wait3A_1656 : memref<96x128xf32, #tpu.memory_space<vmem>>)
    %dma_wait3A_1664 = arith.constant 1 : i32
    %dma_wait3A_1665 = arith.constant 1 : i32
    %dma_wait3A_1666 = arith.constant 106 : i32
    %dma_wait3A_1667 = arith.constant 0 : i32
    %dma_wait3A_1668 = tpu.memref_slice %arg7[%dma_wait3A_1664, %dma_wait3A_1666, %dma_wait3A_1667] : memref<4x200x128xf32, #tpu.memory_space<vmem>> -> memref<1x94x128xf32, #tpu.memory_space<vmem>>
    %dma_wait3A_1669 = tpu.memref_squeeze %dma_wait3A_1668 : memref<1x94x128xf32, #tpu.memory_space<vmem>> -> memref<94x128xf32, #tpu.memory_space<vmem>>
    %dma_wait3A_1670 = arith.constant 3360 : i32
    %dma_wait3A_1671 = tpu.memref_slice %arg6[%dma_wait3A_1670] : memref<6144xi32, #tpu.memory_space<vmem>> -> memref<94xi32, #tpu.memory_space<vmem>>
    %dma_wait3A_1672 = arith.constant 0 : i32
    %dma_wait3A_1673 = arith.constant 0 : i32
    %dma_wait3A_1674 = tpu.memref_slice %arg3[%dma_wait3A_1672, %dma_wait3A_1673] : memref<100000x128xf32, #tpu.memory_space<hbm>> -> memref<100000x128xf32, #tpu.memory_space<hbm>>
    %dma_wait3A_1675 = tpu.memref_slice %arg8[%dma_wait3A_1665] : memref<4x!tpu.dma_semaphore, #tpu.memory_space<semaphore_mem>> -> memref<1x!tpu.dma_semaphore, #tpu.memory_space<semaphore_mem>>
    %dma_wait3A_1676 = tpu.memref_squeeze %dma_wait3A_1675 : memref<1x!tpu.dma_semaphore, #tpu.memory_space<semaphore_mem>> -> memref<!tpu.dma_semaphore, #tpu.memory_space<semaphore_mem>>
    tpu.wait_indirect_dma semaphore(%dma_wait3A_1676 : memref<!tpu.dma_semaphore, #tpu.memory_space<semaphore_mem>>) src(%dma_wait3A_1674 : memref<100000x128xf32, #tpu.memory_space<hbm>>) dst(%dma_wait3A_1669 : memref<94x128xf32, #tpu.memory_space<vmem>>)
    %add3A_1677 = arith.constant 17 : i32
    %add3A_1678 = arith.addi %mul3A_2, %add3A_1677 : i32
    %mul3A_1679 = arith.constant 200 : i32
    %mul3A_1680 = arith.muli %add3A_1678, %mul3A_1679 : i32
    %dma_start3A_1681 = arith.constant 1 : i32
    %dma_start3A_1682 = arith.constant 1 : i32
    %dma_start3A_1683 = arith.constant 0 : i32
    %dma_start3A_1684 = arith.constant 0 : i32
    %dma_start3A_1685 = tpu.memref_slice %arg7[%dma_start3A_1681, %dma_start3A_1683, %dma_start3A_1684] : memref<4x200x128xf32, #tpu.memory_space<vmem>> -> memref<1x200x128xf32, #tpu.memory_space<vmem>>
    %dma_start3A_1686 = tpu.memref_squeeze %dma_start3A_1685 : memref<1x200x128xf32, #tpu.memory_space<vmem>> -> memref<200x128xf32, #tpu.memory_space<vmem>>
    %dma_start3A_1687 = arith.constant 0 : i32
    %dma_start3A_1688 = tpu.memref_slice %arg5[%mul3A_1680, %dma_start3A_1687] : memref<204800x128xf32, #tpu.memory_space<hbm>> -> memref<200x128xf32, #tpu.memory_space<hbm>>
    %dma_start3A_1689 = tpu.memref_slice %arg9[%dma_start3A_1682] : memref<4x!tpu.dma_semaphore, #tpu.memory_space<semaphore_mem>> -> memref<1x!tpu.dma_semaphore, #tpu.memory_space<semaphore_mem>>
    %dma_start3A_1690 = tpu.memref_squeeze %dma_start3A_1689 : memref<1x!tpu.dma_semaphore, #tpu.memory_space<semaphore_mem>> -> memref<!tpu.dma_semaphore, #tpu.memory_space<semaphore_mem>>
    %dma_start3A_1691 = arith.constant 0 : i32
    %dma_start3A_1692 = tpu.memref_slice %arg5[%mul3A_1680, %dma_start3A_1691] : memref<204800x128xf32, #tpu.memory_space<hbm>> -> memref<200x128xf32, #tpu.memory_space<hbm>>
    %dma_start3A_1693 = arith.constant 0 : i32
    %dma_start3A_1694 = arith.constant 0 : i32
    %dma_start3A_1695 = tpu.memref_slice %arg7[%dma_start3A_1681, %dma_start3A_1693, %dma_start3A_1694] : memref<4x200x128xf32, #tpu.memory_space<vmem>> -> memref<1x200x128xf32, #tpu.memory_space<vmem>>
    %dma_start3A_1696 = tpu.memref_squeeze %dma_start3A_1695 : memref<1x200x128xf32, #tpu.memory_space<vmem>> -> memref<200x128xf32, #tpu.memory_space<vmem>>
    tpu.enqueue_dma source(%dma_start3A_1696 : memref<200x128xf32, #tpu.memory_space<vmem>>) target(%dma_start3A_1692 : memref<200x128xf32, #tpu.memory_space<hbm>>) target_semaphore(%dma_start3A_1690 : memref<!tpu.dma_semaphore, #tpu.memory_space<semaphore_mem>>)
    %add3A_1697 = arith.constant 15 : i32
    %add3A_1698 = arith.addi %mul3A_2, %add3A_1697 : i32
    %mul3A_1699 = arith.constant 200 : i32
    %mul3A_1700 = arith.muli %add3A_1698, %mul3A_1699 : i32
    %dma_wait3A_1701 = arith.constant 3 : i32
    %dma_wait3A_1702 = arith.constant 3 : i32
    %dma_wait3A_1703 = arith.constant 0 : i32
    %dma_wait3A_1704 = arith.constant 0 : i32
    %dma_wait3A_1705 = tpu.memref_slice %arg7[%dma_wait3A_1701, %dma_wait3A_1703, %dma_wait3A_1704] : memref<4x200x128xf32, #tpu.memory_space<vmem>> -> memref<1x200x128xf32, #tpu.memory_space<vmem>>
    %dma_wait3A_1706 = tpu.memref_squeeze %dma_wait3A_1705 : memref<1x200x128xf32, #tpu.memory_space<vmem>> -> memref<200x128xf32, #tpu.memory_space<vmem>>
    %dma_wait3A_1707 = arith.constant 0 : i32
    %dma_wait3A_1708 = tpu.memref_slice %arg5[%mul3A_1700, %dma_wait3A_1707] : memref<204800x128xf32, #tpu.memory_space<hbm>> -> memref<200x128xf32, #tpu.memory_space<hbm>>
    %dma_wait3A_1709 = tpu.memref_slice %arg9[%dma_wait3A_1702] : memref<4x!tpu.dma_semaphore, #tpu.memory_space<semaphore_mem>> -> memref<1x!tpu.dma_semaphore, #tpu.memory_space<semaphore_mem>>
    %dma_wait3A_1710 = tpu.memref_squeeze %dma_wait3A_1709 : memref<1x!tpu.dma_semaphore, #tpu.memory_space<semaphore_mem>> -> memref<!tpu.dma_semaphore, #tpu.memory_space<semaphore_mem>>
    %dma_wait3A_1711 = arith.constant 0 : i32
    %dma_wait3A_1712 = tpu.memref_slice %arg5[%mul3A_1700, %dma_wait3A_1711] : memref<204800x128xf32, #tpu.memory_space<hbm>> -> memref<200x128xf32, #tpu.memory_space<hbm>>
    %dma_wait3A_1713 = arith.constant 0 : i32
    %dma_wait3A_1714 = arith.constant 0 : i32
    %dma_wait3A_1715 = tpu.memref_slice %arg7[%dma_wait3A_1701, %dma_wait3A_1713, %dma_wait3A_1714] : memref<4x200x128xf32, #tpu.memory_space<vmem>> -> memref<1x200x128xf32, #tpu.memory_space<vmem>>
    %dma_wait3A_1716 = tpu.memref_squeeze %dma_wait3A_1715 : memref<1x200x128xf32, #tpu.memory_space<vmem>> -> memref<200x128xf32, #tpu.memory_space<vmem>>
    tpu.wait_dma2 semaphore(%dma_wait3A_1710 : memref<!tpu.dma_semaphore, #tpu.memory_space<semaphore_mem>>) src(%dma_wait3A_1716 : memref<200x128xf32, #tpu.memory_space<vmem>>) dst(%dma_wait3A_1712 : memref<200x128xf32, #tpu.memory_space<hbm>>)
    %dma_start3A_1717 = arith.constant 3 : i32
    %dma_start3A_1718 = arith.constant 3 : i32
    %dma_start3A_1719 = arith.constant 10 : i32
    %dma_start3A_1720 = arith.constant 0 : i32
    %dma_start3A_1721 = tpu.memref_slice %arg7[%dma_start3A_1717, %dma_start3A_1719, %dma_start3A_1720] : memref<4x200x128xf32, #tpu.memory_space<vmem>> -> memref<1x96x128xf32, #tpu.memory_space<vmem>>
    %dma_start3A_1722 = tpu.memref_squeeze %dma_start3A_1721 : memref<1x96x128xf32, #tpu.memory_space<vmem>> -> memref<96x128xf32, #tpu.memory_space<vmem>>
    %dma_start3A_1723 = arith.constant 3648 : i32
    %dma_start3A_1724 = tpu.memref_slice %arg6[%dma_start3A_1723] : memref<6144xi32, #tpu.memory_space<vmem>> -> memref<96xi32, #tpu.memory_space<vmem>>
    %dma_start3A_1725 = arith.constant 0 : i32
    %dma_start3A_1726 = arith.constant 0 : i32
    %dma_start3A_1727 = tpu.memref_slice %arg3[%dma_start3A_1725, %dma_start3A_1726] : memref<100000x128xf32, #tpu.memory_space<hbm>> -> memref<100000x128xf32, #tpu.memory_space<hbm>>
    %dma_start3A_1728 = tpu.memref_slice %arg8[%dma_start3A_1718] : memref<4x!tpu.dma_semaphore, #tpu.memory_space<semaphore_mem>> -> memref<1x!tpu.dma_semaphore, #tpu.memory_space<semaphore_mem>>
    %dma_start3A_1729 = tpu.memref_squeeze %dma_start3A_1728 : memref<1x!tpu.dma_semaphore, #tpu.memory_space<semaphore_mem>> -> memref<!tpu.dma_semaphore, #tpu.memory_space<semaphore_mem>>
    tpu.enqueue_indirect_dma source(%dma_start3A_1727 : memref<100000x128xf32, #tpu.memory_space<hbm>>) target(%dma_start3A_1722 : memref<96x128xf32, #tpu.memory_space<vmem>>) offsets(%dma_start3A_1724 : memref<96xi32, #tpu.memory_space<vmem>>) semaphore(%dma_start3A_1729 : memref<!tpu.dma_semaphore, #tpu.memory_space<semaphore_mem>>)
    %dma_start3A_1730 = arith.constant 3 : i32
    %dma_start3A_1731 = arith.constant 3 : i32
    %dma_start3A_1732 = arith.constant 106 : i32
    %dma_start3A_1733 = arith.constant 0 : i32
    %dma_start3A_1734 = tpu.memref_slice %arg7[%dma_start3A_1730, %dma_start3A_1732, %dma_start3A_1733] : memref<4x200x128xf32, #tpu.memory_space<vmem>> -> memref<1x94x128xf32, #tpu.memory_space<vmem>>
    %dma_start3A_1735 = tpu.memref_squeeze %dma_start3A_1734 : memref<1x94x128xf32, #tpu.memory_space<vmem>> -> memref<94x128xf32, #tpu.memory_space<vmem>>
    %dma_start3A_1736 = arith.constant 3744 : i32
    %dma_start3A_1737 = tpu.memref_slice %arg6[%dma_start3A_1736] : memref<6144xi32, #tpu.memory_space<vmem>> -> memref<94xi32, #tpu.memory_space<vmem>>
    %dma_start3A_1738 = arith.constant 0 : i32
    %dma_start3A_1739 = arith.constant 0 : i32
    %dma_start3A_1740 = tpu.memref_slice %arg3[%dma_start3A_1738, %dma_start3A_1739] : memref<100000x128xf32, #tpu.memory_space<hbm>> -> memref<100000x128xf32, #tpu.memory_space<hbm>>
    %dma_start3A_1741 = tpu.memref_slice %arg8[%dma_start3A_1731] : memref<4x!tpu.dma_semaphore, #tpu.memory_space<semaphore_mem>> -> memref<1x!tpu.dma_semaphore, #tpu.memory_space<semaphore_mem>>
    %dma_start3A_1742 = tpu.memref_squeeze %dma_start3A_1741 : memref<1x!tpu.dma_semaphore, #tpu.memory_space<semaphore_mem>> -> memref<!tpu.dma_semaphore, #tpu.memory_space<semaphore_mem>>
    tpu.enqueue_indirect_dma source(%dma_start3A_1740 : memref<100000x128xf32, #tpu.memory_space<hbm>>) target(%dma_start3A_1735 : memref<94x128xf32, #tpu.memory_space<vmem>>) offsets(%dma_start3A_1737 : memref<94xi32, #tpu.memory_space<vmem>>) semaphore(%dma_start3A_1742 : memref<!tpu.dma_semaphore, #tpu.memory_space<semaphore_mem>>)
    %dma_wait3A_1743 = arith.constant 2 : i32
    %dma_wait3A_1744 = arith.constant 2 : i32
    %dma_wait3A_1745 = arith.constant 10 : i32
    %dma_wait3A_1746 = arith.constant 0 : i32
    %dma_wait3A_1747 = tpu.memref_slice %arg7[%dma_wait3A_1743, %dma_wait3A_1745, %dma_wait3A_1746] : memref<4x200x128xf32, #tpu.memory_space<vmem>> -> memref<1x96x128xf32, #tpu.memory_space<vmem>>
    %dma_wait3A_1748 = tpu.memref_squeeze %dma_wait3A_1747 : memref<1x96x128xf32, #tpu.memory_space<vmem>> -> memref<96x128xf32, #tpu.memory_space<vmem>>
    %dma_wait3A_1749 = arith.constant 3456 : i32
    %dma_wait3A_1750 = tpu.memref_slice %arg6[%dma_wait3A_1749] : memref<6144xi32, #tpu.memory_space<vmem>> -> memref<96xi32, #tpu.memory_space<vmem>>
    %dma_wait3A_1751 = arith.constant 0 : i32
    %dma_wait3A_1752 = arith.constant 0 : i32
    %dma_wait3A_1753 = tpu.memref_slice %arg3[%dma_wait3A_1751, %dma_wait3A_1752] : memref<100000x128xf32, #tpu.memory_space<hbm>> -> memref<100000x128xf32, #tpu.memory_space<hbm>>
    %dma_wait3A_1754 = tpu.memref_slice %arg8[%dma_wait3A_1744] : memref<4x!tpu.dma_semaphore, #tpu.memory_space<semaphore_mem>> -> memref<1x!tpu.dma_semaphore, #tpu.memory_space<semaphore_mem>>
    %dma_wait3A_1755 = tpu.memref_squeeze %dma_wait3A_1754 : memref<1x!tpu.dma_semaphore, #tpu.memory_space<semaphore_mem>> -> memref<!tpu.dma_semaphore, #tpu.memory_space<semaphore_mem>>
    tpu.wait_indirect_dma semaphore(%dma_wait3A_1755 : memref<!tpu.dma_semaphore, #tpu.memory_space<semaphore_mem>>) src(%dma_wait3A_1753 : memref<100000x128xf32, #tpu.memory_space<hbm>>) dst(%dma_wait3A_1748 : memref<96x128xf32, #tpu.memory_space<vmem>>)
    %dma_wait3A_1756 = arith.constant 2 : i32
    %dma_wait3A_1757 = arith.constant 2 : i32
    %dma_wait3A_1758 = arith.constant 106 : i32
    %dma_wait3A_1759 = arith.constant 0 : i32
    %dma_wait3A_1760 = tpu.memref_slice %arg7[%dma_wait3A_1756, %dma_wait3A_1758, %dma_wait3A_1759] : memref<4x200x128xf32, #tpu.memory_space<vmem>> -> memref<1x94x128xf32, #tpu.memory_space<vmem>>
    %dma_wait3A_1761 = tpu.memref_squeeze %dma_wait3A_1760 : memref<1x94x128xf32, #tpu.memory_space<vmem>> -> memref<94x128xf32, #tpu.memory_space<vmem>>
    %dma_wait3A_1762 = arith.constant 3552 : i32
    %dma_wait3A_1763 = tpu.memref_slice %arg6[%dma_wait3A_1762] : memref<6144xi32, #tpu.memory_space<vmem>> -> memref<94xi32, #tpu.memory_space<vmem>>
    %dma_wait3A_1764 = arith.constant 0 : i32
    %dma_wait3A_1765 = arith.constant 0 : i32
    %dma_wait3A_1766 = tpu.memref_slice %arg3[%dma_wait3A_1764, %dma_wait3A_1765] : memref<100000x128xf32, #tpu.memory_space<hbm>> -> memref<100000x128xf32, #tpu.memory_space<hbm>>
    %dma_wait3A_1767 = tpu.memref_slice %arg8[%dma_wait3A_1757] : memref<4x!tpu.dma_semaphore, #tpu.memory_space<semaphore_mem>> -> memref<1x!tpu.dma_semaphore, #tpu.memory_space<semaphore_mem>>
    %dma_wait3A_1768 = tpu.memref_squeeze %dma_wait3A_1767 : memref<1x!tpu.dma_semaphore, #tpu.memory_space<semaphore_mem>> -> memref<!tpu.dma_semaphore, #tpu.memory_space<semaphore_mem>>
    tpu.wait_indirect_dma semaphore(%dma_wait3A_1768 : memref<!tpu.dma_semaphore, #tpu.memory_space<semaphore_mem>>) src(%dma_wait3A_1766 : memref<100000x128xf32, #tpu.memory_space<hbm>>) dst(%dma_wait3A_1761 : memref<94x128xf32, #tpu.memory_space<vmem>>)
    %add3A_1769 = arith.constant 18 : i32
    %add3A_1770 = arith.addi %mul3A_2, %add3A_1769 : i32
    %mul3A_1771 = arith.constant 200 : i32
    %mul3A_1772 = arith.muli %add3A_1770, %mul3A_1771 : i32
    %dma_start3A_1773 = arith.constant 2 : i32
    %dma_start3A_1774 = arith.constant 2 : i32
    %dma_start3A_1775 = arith.constant 0 : i32
    %dma_start3A_1776 = arith.constant 0 : i32
    %dma_start3A_1777 = tpu.memref_slice %arg7[%dma_start3A_1773, %dma_start3A_1775, %dma_start3A_1776] : memref<4x200x128xf32, #tpu.memory_space<vmem>> -> memref<1x200x128xf32, #tpu.memory_space<vmem>>
    %dma_start3A_1778 = tpu.memref_squeeze %dma_start3A_1777 : memref<1x200x128xf32, #tpu.memory_space<vmem>> -> memref<200x128xf32, #tpu.memory_space<vmem>>
    %dma_start3A_1779 = arith.constant 0 : i32
    %dma_start3A_1780 = tpu.memref_slice %arg5[%mul3A_1772, %dma_start3A_1779] : memref<204800x128xf32, #tpu.memory_space<hbm>> -> memref<200x128xf32, #tpu.memory_space<hbm>>
    %dma_start3A_1781 = tpu.memref_slice %arg9[%dma_start3A_1774] : memref<4x!tpu.dma_semaphore, #tpu.memory_space<semaphore_mem>> -> memref<1x!tpu.dma_semaphore, #tpu.memory_space<semaphore_mem>>
    %dma_start3A_1782 = tpu.memref_squeeze %dma_start3A_1781 : memref<1x!tpu.dma_semaphore, #tpu.memory_space<semaphore_mem>> -> memref<!tpu.dma_semaphore, #tpu.memory_space<semaphore_mem>>
    %dma_start3A_1783 = arith.constant 0 : i32
    %dma_start3A_1784 = tpu.memref_slice %arg5[%mul3A_1772, %dma_start3A_1783] : memref<204800x128xf32, #tpu.memory_space<hbm>> -> memref<200x128xf32, #tpu.memory_space<hbm>>
    %dma_start3A_1785 = arith.constant 0 : i32
    %dma_start3A_1786 = arith.constant 0 : i32
    %dma_start3A_1787 = tpu.memref_slice %arg7[%dma_start3A_1773, %dma_start3A_1785, %dma_start3A_1786] : memref<4x200x128xf32, #tpu.memory_space<vmem>> -> memref<1x200x128xf32, #tpu.memory_space<vmem>>
    %dma_start3A_1788 = tpu.memref_squeeze %dma_start3A_1787 : memref<1x200x128xf32, #tpu.memory_space<vmem>> -> memref<200x128xf32, #tpu.memory_space<vmem>>
    tpu.enqueue_dma source(%dma_start3A_1788 : memref<200x128xf32, #tpu.memory_space<vmem>>) target(%dma_start3A_1784 : memref<200x128xf32, #tpu.memory_space<hbm>>) target_semaphore(%dma_start3A_1782 : memref<!tpu.dma_semaphore, #tpu.memory_space<semaphore_mem>>)
    %add3A_1789 = arith.constant 16 : i32
    %add3A_1790 = arith.addi %mul3A_2, %add3A_1789 : i32
    %mul3A_1791 = arith.constant 200 : i32
    %mul3A_1792 = arith.muli %add3A_1790, %mul3A_1791 : i32
    %dma_wait3A_1793 = arith.constant 0 : i32
    %dma_wait3A_1794 = arith.constant 0 : i32
    %dma_wait3A_1795 = arith.constant 0 : i32
    %dma_wait3A_1796 = arith.constant 0 : i32
    %dma_wait3A_1797 = tpu.memref_slice %arg7[%dma_wait3A_1793, %dma_wait3A_1795, %dma_wait3A_1796] : memref<4x200x128xf32, #tpu.memory_space<vmem>> -> memref<1x200x128xf32, #tpu.memory_space<vmem>>
    %dma_wait3A_1798 = tpu.memref_squeeze %dma_wait3A_1797 : memref<1x200x128xf32, #tpu.memory_space<vmem>> -> memref<200x128xf32, #tpu.memory_space<vmem>>
    %dma_wait3A_1799 = arith.constant 0 : i32
    %dma_wait3A_1800 = tpu.memref_slice %arg5[%mul3A_1792, %dma_wait3A_1799] : memref<204800x128xf32, #tpu.memory_space<hbm>> -> memref<200x128xf32, #tpu.memory_space<hbm>>
    %dma_wait3A_1801 = tpu.memref_slice %arg9[%dma_wait3A_1794] : memref<4x!tpu.dma_semaphore, #tpu.memory_space<semaphore_mem>> -> memref<1x!tpu.dma_semaphore, #tpu.memory_space<semaphore_mem>>
    %dma_wait3A_1802 = tpu.memref_squeeze %dma_wait3A_1801 : memref<1x!tpu.dma_semaphore, #tpu.memory_space<semaphore_mem>> -> memref<!tpu.dma_semaphore, #tpu.memory_space<semaphore_mem>>
    %dma_wait3A_1803 = arith.constant 0 : i32
    %dma_wait3A_1804 = tpu.memref_slice %arg5[%mul3A_1792, %dma_wait3A_1803] : memref<204800x128xf32, #tpu.memory_space<hbm>> -> memref<200x128xf32, #tpu.memory_space<hbm>>
    %dma_wait3A_1805 = arith.constant 0 : i32
    %dma_wait3A_1806 = arith.constant 0 : i32
    %dma_wait3A_1807 = tpu.memref_slice %arg7[%dma_wait3A_1793, %dma_wait3A_1805, %dma_wait3A_1806] : memref<4x200x128xf32, #tpu.memory_space<vmem>> -> memref<1x200x128xf32, #tpu.memory_space<vmem>>
    %dma_wait3A_1808 = tpu.memref_squeeze %dma_wait3A_1807 : memref<1x200x128xf32, #tpu.memory_space<vmem>> -> memref<200x128xf32, #tpu.memory_space<vmem>>
    tpu.wait_dma2 semaphore(%dma_wait3A_1802 : memref<!tpu.dma_semaphore, #tpu.memory_space<semaphore_mem>>) src(%dma_wait3A_1808 : memref<200x128xf32, #tpu.memory_space<vmem>>) dst(%dma_wait3A_1804 : memref<200x128xf32, #tpu.memory_space<hbm>>)
    %dma_start3A_1809 = arith.constant 0 : i32
    %dma_start3A_1810 = arith.constant 0 : i32
    %dma_start3A_1811 = arith.constant 10 : i32
    %dma_start3A_1812 = arith.constant 0 : i32
    %dma_start3A_1813 = tpu.memref_slice %arg7[%dma_start3A_1809, %dma_start3A_1811, %dma_start3A_1812] : memref<4x200x128xf32, #tpu.memory_space<vmem>> -> memref<1x96x128xf32, #tpu.memory_space<vmem>>
    %dma_start3A_1814 = tpu.memref_squeeze %dma_start3A_1813 : memref<1x96x128xf32, #tpu.memory_space<vmem>> -> memref<96x128xf32, #tpu.memory_space<vmem>>
    %dma_start3A_1815 = arith.constant 3840 : i32
    %dma_start3A_1816 = tpu.memref_slice %arg6[%dma_start3A_1815] : memref<6144xi32, #tpu.memory_space<vmem>> -> memref<96xi32, #tpu.memory_space<vmem>>
    %dma_start3A_1817 = arith.constant 0 : i32
    %dma_start3A_1818 = arith.constant 0 : i32
    %dma_start3A_1819 = tpu.memref_slice %arg3[%dma_start3A_1817, %dma_start3A_1818] : memref<100000x128xf32, #tpu.memory_space<hbm>> -> memref<100000x128xf32, #tpu.memory_space<hbm>>
    %dma_start3A_1820 = tpu.memref_slice %arg8[%dma_start3A_1810] : memref<4x!tpu.dma_semaphore, #tpu.memory_space<semaphore_mem>> -> memref<1x!tpu.dma_semaphore, #tpu.memory_space<semaphore_mem>>
    %dma_start3A_1821 = tpu.memref_squeeze %dma_start3A_1820 : memref<1x!tpu.dma_semaphore, #tpu.memory_space<semaphore_mem>> -> memref<!tpu.dma_semaphore, #tpu.memory_space<semaphore_mem>>
    tpu.enqueue_indirect_dma source(%dma_start3A_1819 : memref<100000x128xf32, #tpu.memory_space<hbm>>) target(%dma_start3A_1814 : memref<96x128xf32, #tpu.memory_space<vmem>>) offsets(%dma_start3A_1816 : memref<96xi32, #tpu.memory_space<vmem>>) semaphore(%dma_start3A_1821 : memref<!tpu.dma_semaphore, #tpu.memory_space<semaphore_mem>>)
    %dma_start3A_1822 = arith.constant 0 : i32
    %dma_start3A_1823 = arith.constant 0 : i32
    %dma_start3A_1824 = arith.constant 106 : i32
    %dma_start3A_1825 = arith.constant 0 : i32
    %dma_start3A_1826 = tpu.memref_slice %arg7[%dma_start3A_1822, %dma_start3A_1824, %dma_start3A_1825] : memref<4x200x128xf32, #tpu.memory_space<vmem>> -> memref<1x94x128xf32, #tpu.memory_space<vmem>>
    %dma_start3A_1827 = tpu.memref_squeeze %dma_start3A_1826 : memref<1x94x128xf32, #tpu.memory_space<vmem>> -> memref<94x128xf32, #tpu.memory_space<vmem>>
    %dma_start3A_1828 = arith.constant 3936 : i32
    %dma_start3A_1829 = tpu.memref_slice %arg6[%dma_start3A_1828] : memref<6144xi32, #tpu.memory_space<vmem>> -> memref<94xi32, #tpu.memory_space<vmem>>
    %dma_start3A_1830 = arith.constant 0 : i32
    %dma_start3A_1831 = arith.constant 0 : i32
    %dma_start3A_1832 = tpu.memref_slice %arg3[%dma_start3A_1830, %dma_start3A_1831] : memref<100000x128xf32, #tpu.memory_space<hbm>> -> memref<100000x128xf32, #tpu.memory_space<hbm>>
    %dma_start3A_1833 = tpu.memref_slice %arg8[%dma_start3A_1823] : memref<4x!tpu.dma_semaphore, #tpu.memory_space<semaphore_mem>> -> memref<1x!tpu.dma_semaphore, #tpu.memory_space<semaphore_mem>>
    %dma_start3A_1834 = tpu.memref_squeeze %dma_start3A_1833 : memref<1x!tpu.dma_semaphore, #tpu.memory_space<semaphore_mem>> -> memref<!tpu.dma_semaphore, #tpu.memory_space<semaphore_mem>>
    tpu.enqueue_indirect_dma source(%dma_start3A_1832 : memref<100000x128xf32, #tpu.memory_space<hbm>>) target(%dma_start3A_1827 : memref<94x128xf32, #tpu.memory_space<vmem>>) offsets(%dma_start3A_1829 : memref<94xi32, #tpu.memory_space<vmem>>) semaphore(%dma_start3A_1834 : memref<!tpu.dma_semaphore, #tpu.memory_space<semaphore_mem>>)
    %dma_wait3A_1835 = arith.constant 3 : i32
    %dma_wait3A_1836 = arith.constant 3 : i32
    %dma_wait3A_1837 = arith.constant 10 : i32
    %dma_wait3A_1838 = arith.constant 0 : i32
    %dma_wait3A_1839 = tpu.memref_slice %arg7[%dma_wait3A_1835, %dma_wait3A_1837, %dma_wait3A_1838] : memref<4x200x128xf32, #tpu.memory_space<vmem>> -> memref<1x96x128xf32, #tpu.memory_space<vmem>>
    %dma_wait3A_1840 = tpu.memref_squeeze %dma_wait3A_1839 : memref<1x96x128xf32, #tpu.memory_space<vmem>> -> memref<96x128xf32, #tpu.memory_space<vmem>>
    %dma_wait3A_1841 = arith.constant 3648 : i32
    %dma_wait3A_1842 = tpu.memref_slice %arg6[%dma_wait3A_1841] : memref<6144xi32, #tpu.memory_space<vmem>> -> memref<96xi32, #tpu.memory_space<vmem>>
    %dma_wait3A_1843 = arith.constant 0 : i32
    %dma_wait3A_1844 = arith.constant 0 : i32
    %dma_wait3A_1845 = tpu.memref_slice %arg3[%dma_wait3A_1843, %dma_wait3A_1844] : memref<100000x128xf32, #tpu.memory_space<hbm>> -> memref<100000x128xf32, #tpu.memory_space<hbm>>
    %dma_wait3A_1846 = tpu.memref_slice %arg8[%dma_wait3A_1836] : memref<4x!tpu.dma_semaphore, #tpu.memory_space<semaphore_mem>> -> memref<1x!tpu.dma_semaphore, #tpu.memory_space<semaphore_mem>>
    %dma_wait3A_1847 = tpu.memref_squeeze %dma_wait3A_1846 : memref<1x!tpu.dma_semaphore, #tpu.memory_space<semaphore_mem>> -> memref<!tpu.dma_semaphore, #tpu.memory_space<semaphore_mem>>
    tpu.wait_indirect_dma semaphore(%dma_wait3A_1847 : memref<!tpu.dma_semaphore, #tpu.memory_space<semaphore_mem>>) src(%dma_wait3A_1845 : memref<100000x128xf32, #tpu.memory_space<hbm>>) dst(%dma_wait3A_1840 : memref<96x128xf32, #tpu.memory_space<vmem>>)
    %dma_wait3A_1848 = arith.constant 3 : i32
    %dma_wait3A_1849 = arith.constant 3 : i32
    %dma_wait3A_1850 = arith.constant 106 : i32
    %dma_wait3A_1851 = arith.constant 0 : i32
    %dma_wait3A_1852 = tpu.memref_slice %arg7[%dma_wait3A_1848, %dma_wait3A_1850, %dma_wait3A_1851] : memref<4x200x128xf32, #tpu.memory_space<vmem>> -> memref<1x94x128xf32, #tpu.memory_space<vmem>>
    %dma_wait3A_1853 = tpu.memref_squeeze %dma_wait3A_1852 : memref<1x94x128xf32, #tpu.memory_space<vmem>> -> memref<94x128xf32, #tpu.memory_space<vmem>>
    %dma_wait3A_1854 = arith.constant 3744 : i32
    %dma_wait3A_1855 = tpu.memref_slice %arg6[%dma_wait3A_1854] : memref<6144xi32, #tpu.memory_space<vmem>> -> memref<94xi32, #tpu.memory_space<vmem>>
    %dma_wait3A_1856 = arith.constant 0 : i32
    %dma_wait3A_1857 = arith.constant 0 : i32
    %dma_wait3A_1858 = tpu.memref_slice %arg3[%dma_wait3A_1856, %dma_wait3A_1857] : memref<100000x128xf32, #tpu.memory_space<hbm>> -> memref<100000x128xf32, #tpu.memory_space<hbm>>
    %dma_wait3A_1859 = tpu.memref_slice %arg8[%dma_wait3A_1849] : memref<4x!tpu.dma_semaphore, #tpu.memory_space<semaphore_mem>> -> memref<1x!tpu.dma_semaphore, #tpu.memory_space<semaphore_mem>>
    %dma_wait3A_1860 = tpu.memref_squeeze %dma_wait3A_1859 : memref<1x!tpu.dma_semaphore, #tpu.memory_space<semaphore_mem>> -> memref<!tpu.dma_semaphore, #tpu.memory_space<semaphore_mem>>
    tpu.wait_indirect_dma semaphore(%dma_wait3A_1860 : memref<!tpu.dma_semaphore, #tpu.memory_space<semaphore_mem>>) src(%dma_wait3A_1858 : memref<100000x128xf32, #tpu.memory_space<hbm>>) dst(%dma_wait3A_1853 : memref<94x128xf32, #tpu.memory_space<vmem>>)
    %add3A_1861 = arith.constant 19 : i32
    %add3A_1862 = arith.addi %mul3A_2, %add3A_1861 : i32
    %mul3A_1863 = arith.constant 200 : i32
    %mul3A_1864 = arith.muli %add3A_1862, %mul3A_1863 : i32
    %dma_start3A_1865 = arith.constant 3 : i32
    %dma_start3A_1866 = arith.constant 3 : i32
    %dma_start3A_1867 = arith.constant 0 : i32
    %dma_start3A_1868 = arith.constant 0 : i32
    %dma_start3A_1869 = tpu.memref_slice %arg7[%dma_start3A_1865, %dma_start3A_1867, %dma_start3A_1868] : memref<4x200x128xf32, #tpu.memory_space<vmem>> -> memref<1x200x128xf32, #tpu.memory_space<vmem>>
    %dma_start3A_1870 = tpu.memref_squeeze %dma_start3A_1869 : memref<1x200x128xf32, #tpu.memory_space<vmem>> -> memref<200x128xf32, #tpu.memory_space<vmem>>
    %dma_start3A_1871 = arith.constant 0 : i32
    %dma_start3A_1872 = tpu.memref_slice %arg5[%mul3A_1864, %dma_start3A_1871] : memref<204800x128xf32, #tpu.memory_space<hbm>> -> memref<200x128xf32, #tpu.memory_space<hbm>>
    %dma_start3A_1873 = tpu.memref_slice %arg9[%dma_start3A_1866] : memref<4x!tpu.dma_semaphore, #tpu.memory_space<semaphore_mem>> -> memref<1x!tpu.dma_semaphore, #tpu.memory_space<semaphore_mem>>
    %dma_start3A_1874 = tpu.memref_squeeze %dma_start3A_1873 : memref<1x!tpu.dma_semaphore, #tpu.memory_space<semaphore_mem>> -> memref<!tpu.dma_semaphore, #tpu.memory_space<semaphore_mem>>
    %dma_start3A_1875 = arith.constant 0 : i32
    %dma_start3A_1876 = tpu.memref_slice %arg5[%mul3A_1864, %dma_start3A_1875] : memref<204800x128xf32, #tpu.memory_space<hbm>> -> memref<200x128xf32, #tpu.memory_space<hbm>>
    %dma_start3A_1877 = arith.constant 0 : i32
    %dma_start3A_1878 = arith.constant 0 : i32
    %dma_start3A_1879 = tpu.memref_slice %arg7[%dma_start3A_1865, %dma_start3A_1877, %dma_start3A_1878] : memref<4x200x128xf32, #tpu.memory_space<vmem>> -> memref<1x200x128xf32, #tpu.memory_space<vmem>>
    %dma_start3A_1880 = tpu.memref_squeeze %dma_start3A_1879 : memref<1x200x128xf32, #tpu.memory_space<vmem>> -> memref<200x128xf32, #tpu.memory_space<vmem>>
    tpu.enqueue_dma source(%dma_start3A_1880 : memref<200x128xf32, #tpu.memory_space<vmem>>) target(%dma_start3A_1876 : memref<200x128xf32, #tpu.memory_space<hbm>>) target_semaphore(%dma_start3A_1874 : memref<!tpu.dma_semaphore, #tpu.memory_space<semaphore_mem>>)
    %add3A_1881 = arith.constant 17 : i32
    %add3A_1882 = arith.addi %mul3A_2, %add3A_1881 : i32
    %mul3A_1883 = arith.constant 200 : i32
    %mul3A_1884 = arith.muli %add3A_1882, %mul3A_1883 : i32
    %dma_wait3A_1885 = arith.constant 1 : i32
    %dma_wait3A_1886 = arith.constant 1 : i32
    %dma_wait3A_1887 = arith.constant 0 : i32
    %dma_wait3A_1888 = arith.constant 0 : i32
    %dma_wait3A_1889 = tpu.memref_slice %arg7[%dma_wait3A_1885, %dma_wait3A_1887, %dma_wait3A_1888] : memref<4x200x128xf32, #tpu.memory_space<vmem>> -> memref<1x200x128xf32, #tpu.memory_space<vmem>>
    %dma_wait3A_1890 = tpu.memref_squeeze %dma_wait3A_1889 : memref<1x200x128xf32, #tpu.memory_space<vmem>> -> memref<200x128xf32, #tpu.memory_space<vmem>>
    %dma_wait3A_1891 = arith.constant 0 : i32
    %dma_wait3A_1892 = tpu.memref_slice %arg5[%mul3A_1884, %dma_wait3A_1891] : memref<204800x128xf32, #tpu.memory_space<hbm>> -> memref<200x128xf32, #tpu.memory_space<hbm>>
    %dma_wait3A_1893 = tpu.memref_slice %arg9[%dma_wait3A_1886] : memref<4x!tpu.dma_semaphore, #tpu.memory_space<semaphore_mem>> -> memref<1x!tpu.dma_semaphore, #tpu.memory_space<semaphore_mem>>
    %dma_wait3A_1894 = tpu.memref_squeeze %dma_wait3A_1893 : memref<1x!tpu.dma_semaphore, #tpu.memory_space<semaphore_mem>> -> memref<!tpu.dma_semaphore, #tpu.memory_space<semaphore_mem>>
    %dma_wait3A_1895 = arith.constant 0 : i32
    %dma_wait3A_1896 = tpu.memref_slice %arg5[%mul3A_1884, %dma_wait3A_1895] : memref<204800x128xf32, #tpu.memory_space<hbm>> -> memref<200x128xf32, #tpu.memory_space<hbm>>
    %dma_wait3A_1897 = arith.constant 0 : i32
    %dma_wait3A_1898 = arith.constant 0 : i32
    %dma_wait3A_1899 = tpu.memref_slice %arg7[%dma_wait3A_1885, %dma_wait3A_1897, %dma_wait3A_1898] : memref<4x200x128xf32, #tpu.memory_space<vmem>> -> memref<1x200x128xf32, #tpu.memory_space<vmem>>
    %dma_wait3A_1900 = tpu.memref_squeeze %dma_wait3A_1899 : memref<1x200x128xf32, #tpu.memory_space<vmem>> -> memref<200x128xf32, #tpu.memory_space<vmem>>
    tpu.wait_dma2 semaphore(%dma_wait3A_1894 : memref<!tpu.dma_semaphore, #tpu.memory_space<semaphore_mem>>) src(%dma_wait3A_1900 : memref<200x128xf32, #tpu.memory_space<vmem>>) dst(%dma_wait3A_1896 : memref<200x128xf32, #tpu.memory_space<hbm>>)
    %dma_start3A_1901 = arith.constant 1 : i32
    %dma_start3A_1902 = arith.constant 1 : i32
    %dma_start3A_1903 = arith.constant 10 : i32
    %dma_start3A_1904 = arith.constant 0 : i32
    %dma_start3A_1905 = tpu.memref_slice %arg7[%dma_start3A_1901, %dma_start3A_1903, %dma_start3A_1904] : memref<4x200x128xf32, #tpu.memory_space<vmem>> -> memref<1x96x128xf32, #tpu.memory_space<vmem>>
    %dma_start3A_1906 = tpu.memref_squeeze %dma_start3A_1905 : memref<1x96x128xf32, #tpu.memory_space<vmem>> -> memref<96x128xf32, #tpu.memory_space<vmem>>
    %dma_start3A_1907 = arith.constant 4032 : i32
    %dma_start3A_1908 = tpu.memref_slice %arg6[%dma_start3A_1907] : memref<6144xi32, #tpu.memory_space<vmem>> -> memref<96xi32, #tpu.memory_space<vmem>>
    %dma_start3A_1909 = arith.constant 0 : i32
    %dma_start3A_1910 = arith.constant 0 : i32
    %dma_start3A_1911 = tpu.memref_slice %arg3[%dma_start3A_1909, %dma_start3A_1910] : memref<100000x128xf32, #tpu.memory_space<hbm>> -> memref<100000x128xf32, #tpu.memory_space<hbm>>
    %dma_start3A_1912 = tpu.memref_slice %arg8[%dma_start3A_1902] : memref<4x!tpu.dma_semaphore, #tpu.memory_space<semaphore_mem>> -> memref<1x!tpu.dma_semaphore, #tpu.memory_space<semaphore_mem>>
    %dma_start3A_1913 = tpu.memref_squeeze %dma_start3A_1912 : memref<1x!tpu.dma_semaphore, #tpu.memory_space<semaphore_mem>> -> memref<!tpu.dma_semaphore, #tpu.memory_space<semaphore_mem>>
    tpu.enqueue_indirect_dma source(%dma_start3A_1911 : memref<100000x128xf32, #tpu.memory_space<hbm>>) target(%dma_start3A_1906 : memref<96x128xf32, #tpu.memory_space<vmem>>) offsets(%dma_start3A_1908 : memref<96xi32, #tpu.memory_space<vmem>>) semaphore(%dma_start3A_1913 : memref<!tpu.dma_semaphore, #tpu.memory_space<semaphore_mem>>)
    %dma_start3A_1914 = arith.constant 1 : i32
    %dma_start3A_1915 = arith.constant 1 : i32
    %dma_start3A_1916 = arith.constant 106 : i32
    %dma_start3A_1917 = arith.constant 0 : i32
    %dma_start3A_1918 = tpu.memref_slice %arg7[%dma_start3A_1914, %dma_start3A_1916, %dma_start3A_1917] : memref<4x200x128xf32, #tpu.memory_space<vmem>> -> memref<1x94x128xf32, #tpu.memory_space<vmem>>
    %dma_start3A_1919 = tpu.memref_squeeze %dma_start3A_1918 : memref<1x94x128xf32, #tpu.memory_space<vmem>> -> memref<94x128xf32, #tpu.memory_space<vmem>>
    %dma_start3A_1920 = arith.constant 4128 : i32
    %dma_start3A_1921 = tpu.memref_slice %arg6[%dma_start3A_1920] : memref<6144xi32, #tpu.memory_space<vmem>> -> memref<94xi32, #tpu.memory_space<vmem>>
    %dma_start3A_1922 = arith.constant 0 : i32
    %dma_start3A_1923 = arith.constant 0 : i32
    %dma_start3A_1924 = tpu.memref_slice %arg3[%dma_start3A_1922, %dma_start3A_1923] : memref<100000x128xf32, #tpu.memory_space<hbm>> -> memref<100000x128xf32, #tpu.memory_space<hbm>>
    %dma_start3A_1925 = tpu.memref_slice %arg8[%dma_start3A_1915] : memref<4x!tpu.dma_semaphore, #tpu.memory_space<semaphore_mem>> -> memref<1x!tpu.dma_semaphore, #tpu.memory_space<semaphore_mem>>
    %dma_start3A_1926 = tpu.memref_squeeze %dma_start3A_1925 : memref<1x!tpu.dma_semaphore, #tpu.memory_space<semaphore_mem>> -> memref<!tpu.dma_semaphore, #tpu.memory_space<semaphore_mem>>
    tpu.enqueue_indirect_dma source(%dma_start3A_1924 : memref<100000x128xf32, #tpu.memory_space<hbm>>) target(%dma_start3A_1919 : memref<94x128xf32, #tpu.memory_space<vmem>>) offsets(%dma_start3A_1921 : memref<94xi32, #tpu.memory_space<vmem>>) semaphore(%dma_start3A_1926 : memref<!tpu.dma_semaphore, #tpu.memory_space<semaphore_mem>>)
    %dma_wait3A_1927 = arith.constant 0 : i32
    %dma_wait3A_1928 = arith.constant 0 : i32
    %dma_wait3A_1929 = arith.constant 10 : i32
    %dma_wait3A_1930 = arith.constant 0 : i32
    %dma_wait3A_1931 = tpu.memref_slice %arg7[%dma_wait3A_1927, %dma_wait3A_1929, %dma_wait3A_1930] : memref<4x200x128xf32, #tpu.memory_space<vmem>> -> memref<1x96x128xf32, #tpu.memory_space<vmem>>
    %dma_wait3A_1932 = tpu.memref_squeeze %dma_wait3A_1931 : memref<1x96x128xf32, #tpu.memory_space<vmem>> -> memref<96x128xf32, #tpu.memory_space<vmem>>
    %dma_wait3A_1933 = arith.constant 3840 : i32
    %dma_wait3A_1934 = tpu.memref_slice %arg6[%dma_wait3A_1933] : memref<6144xi32, #tpu.memory_space<vmem>> -> memref<96xi32, #tpu.memory_space<vmem>>
    %dma_wait3A_1935 = arith.constant 0 : i32
    %dma_wait3A_1936 = arith.constant 0 : i32
    %dma_wait3A_1937 = tpu.memref_slice %arg3[%dma_wait3A_1935, %dma_wait3A_1936] : memref<100000x128xf32, #tpu.memory_space<hbm>> -> memref<100000x128xf32, #tpu.memory_space<hbm>>
    %dma_wait3A_1938 = tpu.memref_slice %arg8[%dma_wait3A_1928] : memref<4x!tpu.dma_semaphore, #tpu.memory_space<semaphore_mem>> -> memref<1x!tpu.dma_semaphore, #tpu.memory_space<semaphore_mem>>
    %dma_wait3A_1939 = tpu.memref_squeeze %dma_wait3A_1938 : memref<1x!tpu.dma_semaphore, #tpu.memory_space<semaphore_mem>> -> memref<!tpu.dma_semaphore, #tpu.memory_space<semaphore_mem>>
    tpu.wait_indirect_dma semaphore(%dma_wait3A_1939 : memref<!tpu.dma_semaphore, #tpu.memory_space<semaphore_mem>>) src(%dma_wait3A_1937 : memref<100000x128xf32, #tpu.memory_space<hbm>>) dst(%dma_wait3A_1932 : memref<96x128xf32, #tpu.memory_space<vmem>>)
    %dma_wait3A_1940 = arith.constant 0 : i32
    %dma_wait3A_1941 = arith.constant 0 : i32
    %dma_wait3A_1942 = arith.constant 106 : i32
    %dma_wait3A_1943 = arith.constant 0 : i32
    %dma_wait3A_1944 = tpu.memref_slice %arg7[%dma_wait3A_1940, %dma_wait3A_1942, %dma_wait3A_1943] : memref<4x200x128xf32, #tpu.memory_space<vmem>> -> memref<1x94x128xf32, #tpu.memory_space<vmem>>
    %dma_wait3A_1945 = tpu.memref_squeeze %dma_wait3A_1944 : memref<1x94x128xf32, #tpu.memory_space<vmem>> -> memref<94x128xf32, #tpu.memory_space<vmem>>
    %dma_wait3A_1946 = arith.constant 3936 : i32
    %dma_wait3A_1947 = tpu.memref_slice %arg6[%dma_wait3A_1946] : memref<6144xi32, #tpu.memory_space<vmem>> -> memref<94xi32, #tpu.memory_space<vmem>>
    %dma_wait3A_1948 = arith.constant 0 : i32
    %dma_wait3A_1949 = arith.constant 0 : i32
    %dma_wait3A_1950 = tpu.memref_slice %arg3[%dma_wait3A_1948, %dma_wait3A_1949] : memref<100000x128xf32, #tpu.memory_space<hbm>> -> memref<100000x128xf32, #tpu.memory_space<hbm>>
    %dma_wait3A_1951 = tpu.memref_slice %arg8[%dma_wait3A_1941] : memref<4x!tpu.dma_semaphore, #tpu.memory_space<semaphore_mem>> -> memref<1x!tpu.dma_semaphore, #tpu.memory_space<semaphore_mem>>
    %dma_wait3A_1952 = tpu.memref_squeeze %dma_wait3A_1951 : memref<1x!tpu.dma_semaphore, #tpu.memory_space<semaphore_mem>> -> memref<!tpu.dma_semaphore, #tpu.memory_space<semaphore_mem>>
    tpu.wait_indirect_dma semaphore(%dma_wait3A_1952 : memref<!tpu.dma_semaphore, #tpu.memory_space<semaphore_mem>>) src(%dma_wait3A_1950 : memref<100000x128xf32, #tpu.memory_space<hbm>>) dst(%dma_wait3A_1945 : memref<94x128xf32, #tpu.memory_space<vmem>>)
    %add3A_1953 = arith.constant 20 : i32
    %add3A_1954 = arith.addi %mul3A_2, %add3A_1953 : i32
    %mul3A_1955 = arith.constant 200 : i32
    %mul3A_1956 = arith.muli %add3A_1954, %mul3A_1955 : i32
    %dma_start3A_1957 = arith.constant 0 : i32
    %dma_start3A_1958 = arith.constant 0 : i32
    %dma_start3A_1959 = arith.constant 0 : i32
    %dma_start3A_1960 = arith.constant 0 : i32
    %dma_start3A_1961 = tpu.memref_slice %arg7[%dma_start3A_1957, %dma_start3A_1959, %dma_start3A_1960] : memref<4x200x128xf32, #tpu.memory_space<vmem>> -> memref<1x200x128xf32, #tpu.memory_space<vmem>>
    %dma_start3A_1962 = tpu.memref_squeeze %dma_start3A_1961 : memref<1x200x128xf32, #tpu.memory_space<vmem>> -> memref<200x128xf32, #tpu.memory_space<vmem>>
    %dma_start3A_1963 = arith.constant 0 : i32
    %dma_start3A_1964 = tpu.memref_slice %arg5[%mul3A_1956, %dma_start3A_1963] : memref<204800x128xf32, #tpu.memory_space<hbm>> -> memref<200x128xf32, #tpu.memory_space<hbm>>
    %dma_start3A_1965 = tpu.memref_slice %arg9[%dma_start3A_1958] : memref<4x!tpu.dma_semaphore, #tpu.memory_space<semaphore_mem>> -> memref<1x!tpu.dma_semaphore, #tpu.memory_space<semaphore_mem>>
    %dma_start3A_1966 = tpu.memref_squeeze %dma_start3A_1965 : memref<1x!tpu.dma_semaphore, #tpu.memory_space<semaphore_mem>> -> memref<!tpu.dma_semaphore, #tpu.memory_space<semaphore_mem>>
    %dma_start3A_1967 = arith.constant 0 : i32
    %dma_start3A_1968 = tpu.memref_slice %arg5[%mul3A_1956, %dma_start3A_1967] : memref<204800x128xf32, #tpu.memory_space<hbm>> -> memref<200x128xf32, #tpu.memory_space<hbm>>
    %dma_start3A_1969 = arith.constant 0 : i32
    %dma_start3A_1970 = arith.constant 0 : i32
    %dma_start3A_1971 = tpu.memref_slice %arg7[%dma_start3A_1957, %dma_start3A_1969, %dma_start3A_1970] : memref<4x200x128xf32, #tpu.memory_space<vmem>> -> memref<1x200x128xf32, #tpu.memory_space<vmem>>
    %dma_start3A_1972 = tpu.memref_squeeze %dma_start3A_1971 : memref<1x200x128xf32, #tpu.memory_space<vmem>> -> memref<200x128xf32, #tpu.memory_space<vmem>>
    tpu.enqueue_dma source(%dma_start3A_1972 : memref<200x128xf32, #tpu.memory_space<vmem>>) target(%dma_start3A_1968 : memref<200x128xf32, #tpu.memory_space<hbm>>) target_semaphore(%dma_start3A_1966 : memref<!tpu.dma_semaphore, #tpu.memory_space<semaphore_mem>>)
    %add3A_1973 = arith.constant 18 : i32
    %add3A_1974 = arith.addi %mul3A_2, %add3A_1973 : i32
    %mul3A_1975 = arith.constant 200 : i32
    %mul3A_1976 = arith.muli %add3A_1974, %mul3A_1975 : i32
    %dma_wait3A_1977 = arith.constant 2 : i32
    %dma_wait3A_1978 = arith.constant 2 : i32
    %dma_wait3A_1979 = arith.constant 0 : i32
    %dma_wait3A_1980 = arith.constant 0 : i32
    %dma_wait3A_1981 = tpu.memref_slice %arg7[%dma_wait3A_1977, %dma_wait3A_1979, %dma_wait3A_1980] : memref<4x200x128xf32, #tpu.memory_space<vmem>> -> memref<1x200x128xf32, #tpu.memory_space<vmem>>
    %dma_wait3A_1982 = tpu.memref_squeeze %dma_wait3A_1981 : memref<1x200x128xf32, #tpu.memory_space<vmem>> -> memref<200x128xf32, #tpu.memory_space<vmem>>
    %dma_wait3A_1983 = arith.constant 0 : i32
    %dma_wait3A_1984 = tpu.memref_slice %arg5[%mul3A_1976, %dma_wait3A_1983] : memref<204800x128xf32, #tpu.memory_space<hbm>> -> memref<200x128xf32, #tpu.memory_space<hbm>>
    %dma_wait3A_1985 = tpu.memref_slice %arg9[%dma_wait3A_1978] : memref<4x!tpu.dma_semaphore, #tpu.memory_space<semaphore_mem>> -> memref<1x!tpu.dma_semaphore, #tpu.memory_space<semaphore_mem>>
    %dma_wait3A_1986 = tpu.memref_squeeze %dma_wait3A_1985 : memref<1x!tpu.dma_semaphore, #tpu.memory_space<semaphore_mem>> -> memref<!tpu.dma_semaphore, #tpu.memory_space<semaphore_mem>>
    %dma_wait3A_1987 = arith.constant 0 : i32
    %dma_wait3A_1988 = tpu.memref_slice %arg5[%mul3A_1976, %dma_wait3A_1987] : memref<204800x128xf32, #tpu.memory_space<hbm>> -> memref<200x128xf32, #tpu.memory_space<hbm>>
    %dma_wait3A_1989 = arith.constant 0 : i32
    %dma_wait3A_1990 = arith.constant 0 : i32
    %dma_wait3A_1991 = tpu.memref_slice %arg7[%dma_wait3A_1977, %dma_wait3A_1989, %dma_wait3A_1990] : memref<4x200x128xf32, #tpu.memory_space<vmem>> -> memref<1x200x128xf32, #tpu.memory_space<vmem>>
    %dma_wait3A_1992 = tpu.memref_squeeze %dma_wait3A_1991 : memref<1x200x128xf32, #tpu.memory_space<vmem>> -> memref<200x128xf32, #tpu.memory_space<vmem>>
    tpu.wait_dma2 semaphore(%dma_wait3A_1986 : memref<!tpu.dma_semaphore, #tpu.memory_space<semaphore_mem>>) src(%dma_wait3A_1992 : memref<200x128xf32, #tpu.memory_space<vmem>>) dst(%dma_wait3A_1988 : memref<200x128xf32, #tpu.memory_space<hbm>>)
    %dma_start3A_1993 = arith.constant 2 : i32
    %dma_start3A_1994 = arith.constant 2 : i32
    %dma_start3A_1995 = arith.constant 10 : i32
    %dma_start3A_1996 = arith.constant 0 : i32
    %dma_start3A_1997 = tpu.memref_slice %arg7[%dma_start3A_1993, %dma_start3A_1995, %dma_start3A_1996] : memref<4x200x128xf32, #tpu.memory_space<vmem>> -> memref<1x96x128xf32, #tpu.memory_space<vmem>>
    %dma_start3A_1998 = tpu.memref_squeeze %dma_start3A_1997 : memref<1x96x128xf32, #tpu.memory_space<vmem>> -> memref<96x128xf32, #tpu.memory_space<vmem>>
    %dma_start3A_1999 = arith.constant 4224 : i32
    %dma_start3A_2000 = tpu.memref_slice %arg6[%dma_start3A_1999] : memref<6144xi32, #tpu.memory_space<vmem>> -> memref<96xi32, #tpu.memory_space<vmem>>
    %dma_start3A_2001 = arith.constant 0 : i32
    %dma_start3A_2002 = arith.constant 0 : i32
    %dma_start3A_2003 = tpu.memref_slice %arg3[%dma_start3A_2001, %dma_start3A_2002] : memref<100000x128xf32, #tpu.memory_space<hbm>> -> memref<100000x128xf32, #tpu.memory_space<hbm>>
    %dma_start3A_2004 = tpu.memref_slice %arg8[%dma_start3A_1994] : memref<4x!tpu.dma_semaphore, #tpu.memory_space<semaphore_mem>> -> memref<1x!tpu.dma_semaphore, #tpu.memory_space<semaphore_mem>>
    %dma_start3A_2005 = tpu.memref_squeeze %dma_start3A_2004 : memref<1x!tpu.dma_semaphore, #tpu.memory_space<semaphore_mem>> -> memref<!tpu.dma_semaphore, #tpu.memory_space<semaphore_mem>>
    tpu.enqueue_indirect_dma source(%dma_start3A_2003 : memref<100000x128xf32, #tpu.memory_space<hbm>>) target(%dma_start3A_1998 : memref<96x128xf32, #tpu.memory_space<vmem>>) offsets(%dma_start3A_2000 : memref<96xi32, #tpu.memory_space<vmem>>) semaphore(%dma_start3A_2005 : memref<!tpu.dma_semaphore, #tpu.memory_space<semaphore_mem>>)
    %dma_start3A_2006 = arith.constant 2 : i32
    %dma_start3A_2007 = arith.constant 2 : i32
    %dma_start3A_2008 = arith.constant 106 : i32
    %dma_start3A_2009 = arith.constant 0 : i32
    %dma_start3A_2010 = tpu.memref_slice %arg7[%dma_start3A_2006, %dma_start3A_2008, %dma_start3A_2009] : memref<4x200x128xf32, #tpu.memory_space<vmem>> -> memref<1x94x128xf32, #tpu.memory_space<vmem>>
    %dma_start3A_2011 = tpu.memref_squeeze %dma_start3A_2010 : memref<1x94x128xf32, #tpu.memory_space<vmem>> -> memref<94x128xf32, #tpu.memory_space<vmem>>
    %dma_start3A_2012 = arith.constant 4320 : i32
    %dma_start3A_2013 = tpu.memref_slice %arg6[%dma_start3A_2012] : memref<6144xi32, #tpu.memory_space<vmem>> -> memref<94xi32, #tpu.memory_space<vmem>>
    %dma_start3A_2014 = arith.constant 0 : i32
    %dma_start3A_2015 = arith.constant 0 : i32
    %dma_start3A_2016 = tpu.memref_slice %arg3[%dma_start3A_2014, %dma_start3A_2015] : memref<100000x128xf32, #tpu.memory_space<hbm>> -> memref<100000x128xf32, #tpu.memory_space<hbm>>
    %dma_start3A_2017 = tpu.memref_slice %arg8[%dma_start3A_2007] : memref<4x!tpu.dma_semaphore, #tpu.memory_space<semaphore_mem>> -> memref<1x!tpu.dma_semaphore, #tpu.memory_space<semaphore_mem>>
    %dma_start3A_2018 = tpu.memref_squeeze %dma_start3A_2017 : memref<1x!tpu.dma_semaphore, #tpu.memory_space<semaphore_mem>> -> memref<!tpu.dma_semaphore, #tpu.memory_space<semaphore_mem>>
    tpu.enqueue_indirect_dma source(%dma_start3A_2016 : memref<100000x128xf32, #tpu.memory_space<hbm>>) target(%dma_start3A_2011 : memref<94x128xf32, #tpu.memory_space<vmem>>) offsets(%dma_start3A_2013 : memref<94xi32, #tpu.memory_space<vmem>>) semaphore(%dma_start3A_2018 : memref<!tpu.dma_semaphore, #tpu.memory_space<semaphore_mem>>)
    %dma_wait3A_2019 = arith.constant 1 : i32
    %dma_wait3A_2020 = arith.constant 1 : i32
    %dma_wait3A_2021 = arith.constant 10 : i32
    %dma_wait3A_2022 = arith.constant 0 : i32
    %dma_wait3A_2023 = tpu.memref_slice %arg7[%dma_wait3A_2019, %dma_wait3A_2021, %dma_wait3A_2022] : memref<4x200x128xf32, #tpu.memory_space<vmem>> -> memref<1x96x128xf32, #tpu.memory_space<vmem>>
    %dma_wait3A_2024 = tpu.memref_squeeze %dma_wait3A_2023 : memref<1x96x128xf32, #tpu.memory_space<vmem>> -> memref<96x128xf32, #tpu.memory_space<vmem>>
    %dma_wait3A_2025 = arith.constant 4032 : i32
    %dma_wait3A_2026 = tpu.memref_slice %arg6[%dma_wait3A_2025] : memref<6144xi32, #tpu.memory_space<vmem>> -> memref<96xi32, #tpu.memory_space<vmem>>
    %dma_wait3A_2027 = arith.constant 0 : i32
    %dma_wait3A_2028 = arith.constant 0 : i32
    %dma_wait3A_2029 = tpu.memref_slice %arg3[%dma_wait3A_2027, %dma_wait3A_2028] : memref<100000x128xf32, #tpu.memory_space<hbm>> -> memref<100000x128xf32, #tpu.memory_space<hbm>>
    %dma_wait3A_2030 = tpu.memref_slice %arg8[%dma_wait3A_2020] : memref<4x!tpu.dma_semaphore, #tpu.memory_space<semaphore_mem>> -> memref<1x!tpu.dma_semaphore, #tpu.memory_space<semaphore_mem>>
    %dma_wait3A_2031 = tpu.memref_squeeze %dma_wait3A_2030 : memref<1x!tpu.dma_semaphore, #tpu.memory_space<semaphore_mem>> -> memref<!tpu.dma_semaphore, #tpu.memory_space<semaphore_mem>>
    tpu.wait_indirect_dma semaphore(%dma_wait3A_2031 : memref<!tpu.dma_semaphore, #tpu.memory_space<semaphore_mem>>) src(%dma_wait3A_2029 : memref<100000x128xf32, #tpu.memory_space<hbm>>) dst(%dma_wait3A_2024 : memref<96x128xf32, #tpu.memory_space<vmem>>)
    %dma_wait3A_2032 = arith.constant 1 : i32
    %dma_wait3A_2033 = arith.constant 1 : i32
    %dma_wait3A_2034 = arith.constant 106 : i32
    %dma_wait3A_2035 = arith.constant 0 : i32
    %dma_wait3A_2036 = tpu.memref_slice %arg7[%dma_wait3A_2032, %dma_wait3A_2034, %dma_wait3A_2035] : memref<4x200x128xf32, #tpu.memory_space<vmem>> -> memref<1x94x128xf32, #tpu.memory_space<vmem>>
    %dma_wait3A_2037 = tpu.memref_squeeze %dma_wait3A_2036 : memref<1x94x128xf32, #tpu.memory_space<vmem>> -> memref<94x128xf32, #tpu.memory_space<vmem>>
    %dma_wait3A_2038 = arith.constant 4128 : i32
    %dma_wait3A_2039 = tpu.memref_slice %arg6[%dma_wait3A_2038] : memref<6144xi32, #tpu.memory_space<vmem>> -> memref<94xi32, #tpu.memory_space<vmem>>
    %dma_wait3A_2040 = arith.constant 0 : i32
    %dma_wait3A_2041 = arith.constant 0 : i32
    %dma_wait3A_2042 = tpu.memref_slice %arg3[%dma_wait3A_2040, %dma_wait3A_2041] : memref<100000x128xf32, #tpu.memory_space<hbm>> -> memref<100000x128xf32, #tpu.memory_space<hbm>>
    %dma_wait3A_2043 = tpu.memref_slice %arg8[%dma_wait3A_2033] : memref<4x!tpu.dma_semaphore, #tpu.memory_space<semaphore_mem>> -> memref<1x!tpu.dma_semaphore, #tpu.memory_space<semaphore_mem>>
    %dma_wait3A_2044 = tpu.memref_squeeze %dma_wait3A_2043 : memref<1x!tpu.dma_semaphore, #tpu.memory_space<semaphore_mem>> -> memref<!tpu.dma_semaphore, #tpu.memory_space<semaphore_mem>>
    tpu.wait_indirect_dma semaphore(%dma_wait3A_2044 : memref<!tpu.dma_semaphore, #tpu.memory_space<semaphore_mem>>) src(%dma_wait3A_2042 : memref<100000x128xf32, #tpu.memory_space<hbm>>) dst(%dma_wait3A_2037 : memref<94x128xf32, #tpu.memory_space<vmem>>)
    %add3A_2045 = arith.constant 21 : i32
    %add3A_2046 = arith.addi %mul3A_2, %add3A_2045 : i32
    %mul3A_2047 = arith.constant 200 : i32
    %mul3A_2048 = arith.muli %add3A_2046, %mul3A_2047 : i32
    %dma_start3A_2049 = arith.constant 1 : i32
    %dma_start3A_2050 = arith.constant 1 : i32
    %dma_start3A_2051 = arith.constant 0 : i32
    %dma_start3A_2052 = arith.constant 0 : i32
    %dma_start3A_2053 = tpu.memref_slice %arg7[%dma_start3A_2049, %dma_start3A_2051, %dma_start3A_2052] : memref<4x200x128xf32, #tpu.memory_space<vmem>> -> memref<1x200x128xf32, #tpu.memory_space<vmem>>
    %dma_start3A_2054 = tpu.memref_squeeze %dma_start3A_2053 : memref<1x200x128xf32, #tpu.memory_space<vmem>> -> memref<200x128xf32, #tpu.memory_space<vmem>>
    %dma_start3A_2055 = arith.constant 0 : i32
    %dma_start3A_2056 = tpu.memref_slice %arg5[%mul3A_2048, %dma_start3A_2055] : memref<204800x128xf32, #tpu.memory_space<hbm>> -> memref<200x128xf32, #tpu.memory_space<hbm>>
    %dma_start3A_2057 = tpu.memref_slice %arg9[%dma_start3A_2050] : memref<4x!tpu.dma_semaphore, #tpu.memory_space<semaphore_mem>> -> memref<1x!tpu.dma_semaphore, #tpu.memory_space<semaphore_mem>>
    %dma_start3A_2058 = tpu.memref_squeeze %dma_start3A_2057 : memref<1x!tpu.dma_semaphore, #tpu.memory_space<semaphore_mem>> -> memref<!tpu.dma_semaphore, #tpu.memory_space<semaphore_mem>>
    %dma_start3A_2059 = arith.constant 0 : i32
    %dma_start3A_2060 = tpu.memref_slice %arg5[%mul3A_2048, %dma_start3A_2059] : memref<204800x128xf32, #tpu.memory_space<hbm>> -> memref<200x128xf32, #tpu.memory_space<hbm>>
    %dma_start3A_2061 = arith.constant 0 : i32
    %dma_start3A_2062 = arith.constant 0 : i32
    %dma_start3A_2063 = tpu.memref_slice %arg7[%dma_start3A_2049, %dma_start3A_2061, %dma_start3A_2062] : memref<4x200x128xf32, #tpu.memory_space<vmem>> -> memref<1x200x128xf32, #tpu.memory_space<vmem>>
    %dma_start3A_2064 = tpu.memref_squeeze %dma_start3A_2063 : memref<1x200x128xf32, #tpu.memory_space<vmem>> -> memref<200x128xf32, #tpu.memory_space<vmem>>
    tpu.enqueue_dma source(%dma_start3A_2064 : memref<200x128xf32, #tpu.memory_space<vmem>>) target(%dma_start3A_2060 : memref<200x128xf32, #tpu.memory_space<hbm>>) target_semaphore(%dma_start3A_2058 : memref<!tpu.dma_semaphore, #tpu.memory_space<semaphore_mem>>)
    %add3A_2065 = arith.constant 19 : i32
    %add3A_2066 = arith.addi %mul3A_2, %add3A_2065 : i32
    %mul3A_2067 = arith.constant 200 : i32
    %mul3A_2068 = arith.muli %add3A_2066, %mul3A_2067 : i32
    %dma_wait3A_2069 = arith.constant 3 : i32
    %dma_wait3A_2070 = arith.constant 3 : i32
    %dma_wait3A_2071 = arith.constant 0 : i32
    %dma_wait3A_2072 = arith.constant 0 : i32
    %dma_wait3A_2073 = tpu.memref_slice %arg7[%dma_wait3A_2069, %dma_wait3A_2071, %dma_wait3A_2072] : memref<4x200x128xf32, #tpu.memory_space<vmem>> -> memref<1x200x128xf32, #tpu.memory_space<vmem>>
    %dma_wait3A_2074 = tpu.memref_squeeze %dma_wait3A_2073 : memref<1x200x128xf32, #tpu.memory_space<vmem>> -> memref<200x128xf32, #tpu.memory_space<vmem>>
    %dma_wait3A_2075 = arith.constant 0 : i32
    %dma_wait3A_2076 = tpu.memref_slice %arg5[%mul3A_2068, %dma_wait3A_2075] : memref<204800x128xf32, #tpu.memory_space<hbm>> -> memref<200x128xf32, #tpu.memory_space<hbm>>
    %dma_wait3A_2077 = tpu.memref_slice %arg9[%dma_wait3A_2070] : memref<4x!tpu.dma_semaphore, #tpu.memory_space<semaphore_mem>> -> memref<1x!tpu.dma_semaphore, #tpu.memory_space<semaphore_mem>>
    %dma_wait3A_2078 = tpu.memref_squeeze %dma_wait3A_2077 : memref<1x!tpu.dma_semaphore, #tpu.memory_space<semaphore_mem>> -> memref<!tpu.dma_semaphore, #tpu.memory_space<semaphore_mem>>
    %dma_wait3A_2079 = arith.constant 0 : i32
    %dma_wait3A_2080 = tpu.memref_slice %arg5[%mul3A_2068, %dma_wait3A_2079] : memref<204800x128xf32, #tpu.memory_space<hbm>> -> memref<200x128xf32, #tpu.memory_space<hbm>>
    %dma_wait3A_2081 = arith.constant 0 : i32
    %dma_wait3A_2082 = arith.constant 0 : i32
    %dma_wait3A_2083 = tpu.memref_slice %arg7[%dma_wait3A_2069, %dma_wait3A_2081, %dma_wait3A_2082] : memref<4x200x128xf32, #tpu.memory_space<vmem>> -> memref<1x200x128xf32, #tpu.memory_space<vmem>>
    %dma_wait3A_2084 = tpu.memref_squeeze %dma_wait3A_2083 : memref<1x200x128xf32, #tpu.memory_space<vmem>> -> memref<200x128xf32, #tpu.memory_space<vmem>>
    tpu.wait_dma2 semaphore(%dma_wait3A_2078 : memref<!tpu.dma_semaphore, #tpu.memory_space<semaphore_mem>>) src(%dma_wait3A_2084 : memref<200x128xf32, #tpu.memory_space<vmem>>) dst(%dma_wait3A_2080 : memref<200x128xf32, #tpu.memory_space<hbm>>)
    %dma_start3A_2085 = arith.constant 3 : i32
    %dma_start3A_2086 = arith.constant 3 : i32
    %dma_start3A_2087 = arith.constant 10 : i32
    %dma_start3A_2088 = arith.constant 0 : i32
    %dma_start3A_2089 = tpu.memref_slice %arg7[%dma_start3A_2085, %dma_start3A_2087, %dma_start3A_2088] : memref<4x200x128xf32, #tpu.memory_space<vmem>> -> memref<1x96x128xf32, #tpu.memory_space<vmem>>
    %dma_start3A_2090 = tpu.memref_squeeze %dma_start3A_2089 : memref<1x96x128xf32, #tpu.memory_space<vmem>> -> memref<96x128xf32, #tpu.memory_space<vmem>>
    %dma_start3A_2091 = arith.constant 4416 : i32
    %dma_start3A_2092 = tpu.memref_slice %arg6[%dma_start3A_2091] : memref<6144xi32, #tpu.memory_space<vmem>> -> memref<96xi32, #tpu.memory_space<vmem>>
    %dma_start3A_2093 = arith.constant 0 : i32
    %dma_start3A_2094 = arith.constant 0 : i32
    %dma_start3A_2095 = tpu.memref_slice %arg3[%dma_start3A_2093, %dma_start3A_2094] : memref<100000x128xf32, #tpu.memory_space<hbm>> -> memref<100000x128xf32, #tpu.memory_space<hbm>>
    %dma_start3A_2096 = tpu.memref_slice %arg8[%dma_start3A_2086] : memref<4x!tpu.dma_semaphore, #tpu.memory_space<semaphore_mem>> -> memref<1x!tpu.dma_semaphore, #tpu.memory_space<semaphore_mem>>
    %dma_start3A_2097 = tpu.memref_squeeze %dma_start3A_2096 : memref<1x!tpu.dma_semaphore, #tpu.memory_space<semaphore_mem>> -> memref<!tpu.dma_semaphore, #tpu.memory_space<semaphore_mem>>
    tpu.enqueue_indirect_dma source(%dma_start3A_2095 : memref<100000x128xf32, #tpu.memory_space<hbm>>) target(%dma_start3A_2090 : memref<96x128xf32, #tpu.memory_space<vmem>>) offsets(%dma_start3A_2092 : memref<96xi32, #tpu.memory_space<vmem>>) semaphore(%dma_start3A_2097 : memref<!tpu.dma_semaphore, #tpu.memory_space<semaphore_mem>>)
    %dma_start3A_2098 = arith.constant 3 : i32
    %dma_start3A_2099 = arith.constant 3 : i32
    %dma_start3A_2100 = arith.constant 106 : i32
    %dma_start3A_2101 = arith.constant 0 : i32
    %dma_start3A_2102 = tpu.memref_slice %arg7[%dma_start3A_2098, %dma_start3A_2100, %dma_start3A_2101] : memref<4x200x128xf32, #tpu.memory_space<vmem>> -> memref<1x94x128xf32, #tpu.memory_space<vmem>>
    %dma_start3A_2103 = tpu.memref_squeeze %dma_start3A_2102 : memref<1x94x128xf32, #tpu.memory_space<vmem>> -> memref<94x128xf32, #tpu.memory_space<vmem>>
    %dma_start3A_2104 = arith.constant 4512 : i32
    %dma_start3A_2105 = tpu.memref_slice %arg6[%dma_start3A_2104] : memref<6144xi32, #tpu.memory_space<vmem>> -> memref<94xi32, #tpu.memory_space<vmem>>
    %dma_start3A_2106 = arith.constant 0 : i32
    %dma_start3A_2107 = arith.constant 0 : i32
    %dma_start3A_2108 = tpu.memref_slice %arg3[%dma_start3A_2106, %dma_start3A_2107] : memref<100000x128xf32, #tpu.memory_space<hbm>> -> memref<100000x128xf32, #tpu.memory_space<hbm>>
    %dma_start3A_2109 = tpu.memref_slice %arg8[%dma_start3A_2099] : memref<4x!tpu.dma_semaphore, #tpu.memory_space<semaphore_mem>> -> memref<1x!tpu.dma_semaphore, #tpu.memory_space<semaphore_mem>>
    %dma_start3A_2110 = tpu.memref_squeeze %dma_start3A_2109 : memref<1x!tpu.dma_semaphore, #tpu.memory_space<semaphore_mem>> -> memref<!tpu.dma_semaphore, #tpu.memory_space<semaphore_mem>>
    tpu.enqueue_indirect_dma source(%dma_start3A_2108 : memref<100000x128xf32, #tpu.memory_space<hbm>>) target(%dma_start3A_2103 : memref<94x128xf32, #tpu.memory_space<vmem>>) offsets(%dma_start3A_2105 : memref<94xi32, #tpu.memory_space<vmem>>) semaphore(%dma_start3A_2110 : memref<!tpu.dma_semaphore, #tpu.memory_space<semaphore_mem>>)
    %dma_wait3A_2111 = arith.constant 2 : i32
    %dma_wait3A_2112 = arith.constant 2 : i32
    %dma_wait3A_2113 = arith.constant 10 : i32
    %dma_wait3A_2114 = arith.constant 0 : i32
    %dma_wait3A_2115 = tpu.memref_slice %arg7[%dma_wait3A_2111, %dma_wait3A_2113, %dma_wait3A_2114] : memref<4x200x128xf32, #tpu.memory_space<vmem>> -> memref<1x96x128xf32, #tpu.memory_space<vmem>>
    %dma_wait3A_2116 = tpu.memref_squeeze %dma_wait3A_2115 : memref<1x96x128xf32, #tpu.memory_space<vmem>> -> memref<96x128xf32, #tpu.memory_space<vmem>>
    %dma_wait3A_2117 = arith.constant 4224 : i32
    %dma_wait3A_2118 = tpu.memref_slice %arg6[%dma_wait3A_2117] : memref<6144xi32, #tpu.memory_space<vmem>> -> memref<96xi32, #tpu.memory_space<vmem>>
    %dma_wait3A_2119 = arith.constant 0 : i32
    %dma_wait3A_2120 = arith.constant 0 : i32
    %dma_wait3A_2121 = tpu.memref_slice %arg3[%dma_wait3A_2119, %dma_wait3A_2120] : memref<100000x128xf32, #tpu.memory_space<hbm>> -> memref<100000x128xf32, #tpu.memory_space<hbm>>
    %dma_wait3A_2122 = tpu.memref_slice %arg8[%dma_wait3A_2112] : memref<4x!tpu.dma_semaphore, #tpu.memory_space<semaphore_mem>> -> memref<1x!tpu.dma_semaphore, #tpu.memory_space<semaphore_mem>>
    %dma_wait3A_2123 = tpu.memref_squeeze %dma_wait3A_2122 : memref<1x!tpu.dma_semaphore, #tpu.memory_space<semaphore_mem>> -> memref<!tpu.dma_semaphore, #tpu.memory_space<semaphore_mem>>
    tpu.wait_indirect_dma semaphore(%dma_wait3A_2123 : memref<!tpu.dma_semaphore, #tpu.memory_space<semaphore_mem>>) src(%dma_wait3A_2121 : memref<100000x128xf32, #tpu.memory_space<hbm>>) dst(%dma_wait3A_2116 : memref<96x128xf32, #tpu.memory_space<vmem>>)
    %dma_wait3A_2124 = arith.constant 2 : i32
    %dma_wait3A_2125 = arith.constant 2 : i32
    %dma_wait3A_2126 = arith.constant 106 : i32
    %dma_wait3A_2127 = arith.constant 0 : i32
    %dma_wait3A_2128 = tpu.memref_slice %arg7[%dma_wait3A_2124, %dma_wait3A_2126, %dma_wait3A_2127] : memref<4x200x128xf32, #tpu.memory_space<vmem>> -> memref<1x94x128xf32, #tpu.memory_space<vmem>>
    %dma_wait3A_2129 = tpu.memref_squeeze %dma_wait3A_2128 : memref<1x94x128xf32, #tpu.memory_space<vmem>> -> memref<94x128xf32, #tpu.memory_space<vmem>>
    %dma_wait3A_2130 = arith.constant 4320 : i32
    %dma_wait3A_2131 = tpu.memref_slice %arg6[%dma_wait3A_2130] : memref<6144xi32, #tpu.memory_space<vmem>> -> memref<94xi32, #tpu.memory_space<vmem>>
    %dma_wait3A_2132 = arith.constant 0 : i32
    %dma_wait3A_2133 = arith.constant 0 : i32
    %dma_wait3A_2134 = tpu.memref_slice %arg3[%dma_wait3A_2132, %dma_wait3A_2133] : memref<100000x128xf32, #tpu.memory_space<hbm>> -> memref<100000x128xf32, #tpu.memory_space<hbm>>
    %dma_wait3A_2135 = tpu.memref_slice %arg8[%dma_wait3A_2125] : memref<4x!tpu.dma_semaphore, #tpu.memory_space<semaphore_mem>> -> memref<1x!tpu.dma_semaphore, #tpu.memory_space<semaphore_mem>>
    %dma_wait3A_2136 = tpu.memref_squeeze %dma_wait3A_2135 : memref<1x!tpu.dma_semaphore, #tpu.memory_space<semaphore_mem>> -> memref<!tpu.dma_semaphore, #tpu.memory_space<semaphore_mem>>
    tpu.wait_indirect_dma semaphore(%dma_wait3A_2136 : memref<!tpu.dma_semaphore, #tpu.memory_space<semaphore_mem>>) src(%dma_wait3A_2134 : memref<100000x128xf32, #tpu.memory_space<hbm>>) dst(%dma_wait3A_2129 : memref<94x128xf32, #tpu.memory_space<vmem>>)
    %add3A_2137 = arith.constant 22 : i32
    %add3A_2138 = arith.addi %mul3A_2, %add3A_2137 : i32
    %mul3A_2139 = arith.constant 200 : i32
    %mul3A_2140 = arith.muli %add3A_2138, %mul3A_2139 : i32
    %dma_start3A_2141 = arith.constant 2 : i32
    %dma_start3A_2142 = arith.constant 2 : i32
    %dma_start3A_2143 = arith.constant 0 : i32
    %dma_start3A_2144 = arith.constant 0 : i32
    %dma_start3A_2145 = tpu.memref_slice %arg7[%dma_start3A_2141, %dma_start3A_2143, %dma_start3A_2144] : memref<4x200x128xf32, #tpu.memory_space<vmem>> -> memref<1x200x128xf32, #tpu.memory_space<vmem>>
    %dma_start3A_2146 = tpu.memref_squeeze %dma_start3A_2145 : memref<1x200x128xf32, #tpu.memory_space<vmem>> -> memref<200x128xf32, #tpu.memory_space<vmem>>
    %dma_start3A_2147 = arith.constant 0 : i32
    %dma_start3A_2148 = tpu.memref_slice %arg5[%mul3A_2140, %dma_start3A_2147] : memref<204800x128xf32, #tpu.memory_space<hbm>> -> memref<200x128xf32, #tpu.memory_space<hbm>>
    %dma_start3A_2149 = tpu.memref_slice %arg9[%dma_start3A_2142] : memref<4x!tpu.dma_semaphore, #tpu.memory_space<semaphore_mem>> -> memref<1x!tpu.dma_semaphore, #tpu.memory_space<semaphore_mem>>
    %dma_start3A_2150 = tpu.memref_squeeze %dma_start3A_2149 : memref<1x!tpu.dma_semaphore, #tpu.memory_space<semaphore_mem>> -> memref<!tpu.dma_semaphore, #tpu.memory_space<semaphore_mem>>
    %dma_start3A_2151 = arith.constant 0 : i32
    %dma_start3A_2152 = tpu.memref_slice %arg5[%mul3A_2140, %dma_start3A_2151] : memref<204800x128xf32, #tpu.memory_space<hbm>> -> memref<200x128xf32, #tpu.memory_space<hbm>>
    %dma_start3A_2153 = arith.constant 0 : i32
    %dma_start3A_2154 = arith.constant 0 : i32
    %dma_start3A_2155 = tpu.memref_slice %arg7[%dma_start3A_2141, %dma_start3A_2153, %dma_start3A_2154] : memref<4x200x128xf32, #tpu.memory_space<vmem>> -> memref<1x200x128xf32, #tpu.memory_space<vmem>>
    %dma_start3A_2156 = tpu.memref_squeeze %dma_start3A_2155 : memref<1x200x128xf32, #tpu.memory_space<vmem>> -> memref<200x128xf32, #tpu.memory_space<vmem>>
    tpu.enqueue_dma source(%dma_start3A_2156 : memref<200x128xf32, #tpu.memory_space<vmem>>) target(%dma_start3A_2152 : memref<200x128xf32, #tpu.memory_space<hbm>>) target_semaphore(%dma_start3A_2150 : memref<!tpu.dma_semaphore, #tpu.memory_space<semaphore_mem>>)
    %add3A_2157 = arith.constant 20 : i32
    %add3A_2158 = arith.addi %mul3A_2, %add3A_2157 : i32
    %mul3A_2159 = arith.constant 200 : i32
    %mul3A_2160 = arith.muli %add3A_2158, %mul3A_2159 : i32
    %dma_wait3A_2161 = arith.constant 0 : i32
    %dma_wait3A_2162 = arith.constant 0 : i32
    %dma_wait3A_2163 = arith.constant 0 : i32
    %dma_wait3A_2164 = arith.constant 0 : i32
    %dma_wait3A_2165 = tpu.memref_slice %arg7[%dma_wait3A_2161, %dma_wait3A_2163, %dma_wait3A_2164] : memref<4x200x128xf32, #tpu.memory_space<vmem>> -> memref<1x200x128xf32, #tpu.memory_space<vmem>>
    %dma_wait3A_2166 = tpu.memref_squeeze %dma_wait3A_2165 : memref<1x200x128xf32, #tpu.memory_space<vmem>> -> memref<200x128xf32, #tpu.memory_space<vmem>>
    %dma_wait3A_2167 = arith.constant 0 : i32
    %dma_wait3A_2168 = tpu.memref_slice %arg5[%mul3A_2160, %dma_wait3A_2167] : memref<204800x128xf32, #tpu.memory_space<hbm>> -> memref<200x128xf32, #tpu.memory_space<hbm>>
    %dma_wait3A_2169 = tpu.memref_slice %arg9[%dma_wait3A_2162] : memref<4x!tpu.dma_semaphore, #tpu.memory_space<semaphore_mem>> -> memref<1x!tpu.dma_semaphore, #tpu.memory_space<semaphore_mem>>
    %dma_wait3A_2170 = tpu.memref_squeeze %dma_wait3A_2169 : memref<1x!tpu.dma_semaphore, #tpu.memory_space<semaphore_mem>> -> memref<!tpu.dma_semaphore, #tpu.memory_space<semaphore_mem>>
    %dma_wait3A_2171 = arith.constant 0 : i32
    %dma_wait3A_2172 = tpu.memref_slice %arg5[%mul3A_2160, %dma_wait3A_2171] : memref<204800x128xf32, #tpu.memory_space<hbm>> -> memref<200x128xf32, #tpu.memory_space<hbm>>
    %dma_wait3A_2173 = arith.constant 0 : i32
    %dma_wait3A_2174 = arith.constant 0 : i32
    %dma_wait3A_2175 = tpu.memref_slice %arg7[%dma_wait3A_2161, %dma_wait3A_2173, %dma_wait3A_2174] : memref<4x200x128xf32, #tpu.memory_space<vmem>> -> memref<1x200x128xf32, #tpu.memory_space<vmem>>
    %dma_wait3A_2176 = tpu.memref_squeeze %dma_wait3A_2175 : memref<1x200x128xf32, #tpu.memory_space<vmem>> -> memref<200x128xf32, #tpu.memory_space<vmem>>
    tpu.wait_dma2 semaphore(%dma_wait3A_2170 : memref<!tpu.dma_semaphore, #tpu.memory_space<semaphore_mem>>) src(%dma_wait3A_2176 : memref<200x128xf32, #tpu.memory_space<vmem>>) dst(%dma_wait3A_2172 : memref<200x128xf32, #tpu.memory_space<hbm>>)
    %dma_start3A_2177 = arith.constant 0 : i32
    %dma_start3A_2178 = arith.constant 0 : i32
    %dma_start3A_2179 = arith.constant 10 : i32
    %dma_start3A_2180 = arith.constant 0 : i32
    %dma_start3A_2181 = tpu.memref_slice %arg7[%dma_start3A_2177, %dma_start3A_2179, %dma_start3A_2180] : memref<4x200x128xf32, #tpu.memory_space<vmem>> -> memref<1x96x128xf32, #tpu.memory_space<vmem>>
    %dma_start3A_2182 = tpu.memref_squeeze %dma_start3A_2181 : memref<1x96x128xf32, #tpu.memory_space<vmem>> -> memref<96x128xf32, #tpu.memory_space<vmem>>
    %dma_start3A_2183 = arith.constant 4608 : i32
    %dma_start3A_2184 = tpu.memref_slice %arg6[%dma_start3A_2183] : memref<6144xi32, #tpu.memory_space<vmem>> -> memref<96xi32, #tpu.memory_space<vmem>>
    %dma_start3A_2185 = arith.constant 0 : i32
    %dma_start3A_2186 = arith.constant 0 : i32
    %dma_start3A_2187 = tpu.memref_slice %arg3[%dma_start3A_2185, %dma_start3A_2186] : memref<100000x128xf32, #tpu.memory_space<hbm>> -> memref<100000x128xf32, #tpu.memory_space<hbm>>
    %dma_start3A_2188 = tpu.memref_slice %arg8[%dma_start3A_2178] : memref<4x!tpu.dma_semaphore, #tpu.memory_space<semaphore_mem>> -> memref<1x!tpu.dma_semaphore, #tpu.memory_space<semaphore_mem>>
    %dma_start3A_2189 = tpu.memref_squeeze %dma_start3A_2188 : memref<1x!tpu.dma_semaphore, #tpu.memory_space<semaphore_mem>> -> memref<!tpu.dma_semaphore, #tpu.memory_space<semaphore_mem>>
    tpu.enqueue_indirect_dma source(%dma_start3A_2187 : memref<100000x128xf32, #tpu.memory_space<hbm>>) target(%dma_start3A_2182 : memref<96x128xf32, #tpu.memory_space<vmem>>) offsets(%dma_start3A_2184 : memref<96xi32, #tpu.memory_space<vmem>>) semaphore(%dma_start3A_2189 : memref<!tpu.dma_semaphore, #tpu.memory_space<semaphore_mem>>)
    %dma_start3A_2190 = arith.constant 0 : i32
    %dma_start3A_2191 = arith.constant 0 : i32
    %dma_start3A_2192 = arith.constant 106 : i32
    %dma_start3A_2193 = arith.constant 0 : i32
    %dma_start3A_2194 = tpu.memref_slice %arg7[%dma_start3A_2190, %dma_start3A_2192, %dma_start3A_2193] : memref<4x200x128xf32, #tpu.memory_space<vmem>> -> memref<1x94x128xf32, #tpu.memory_space<vmem>>
    %dma_start3A_2195 = tpu.memref_squeeze %dma_start3A_2194 : memref<1x94x128xf32, #tpu.memory_space<vmem>> -> memref<94x128xf32, #tpu.memory_space<vmem>>
    %dma_start3A_2196 = arith.constant 4704 : i32
    %dma_start3A_2197 = tpu.memref_slice %arg6[%dma_start3A_2196] : memref<6144xi32, #tpu.memory_space<vmem>> -> memref<94xi32, #tpu.memory_space<vmem>>
    %dma_start3A_2198 = arith.constant 0 : i32
    %dma_start3A_2199 = arith.constant 0 : i32
    %dma_start3A_2200 = tpu.memref_slice %arg3[%dma_start3A_2198, %dma_start3A_2199] : memref<100000x128xf32, #tpu.memory_space<hbm>> -> memref<100000x128xf32, #tpu.memory_space<hbm>>
    %dma_start3A_2201 = tpu.memref_slice %arg8[%dma_start3A_2191] : memref<4x!tpu.dma_semaphore, #tpu.memory_space<semaphore_mem>> -> memref<1x!tpu.dma_semaphore, #tpu.memory_space<semaphore_mem>>
    %dma_start3A_2202 = tpu.memref_squeeze %dma_start3A_2201 : memref<1x!tpu.dma_semaphore, #tpu.memory_space<semaphore_mem>> -> memref<!tpu.dma_semaphore, #tpu.memory_space<semaphore_mem>>
    tpu.enqueue_indirect_dma source(%dma_start3A_2200 : memref<100000x128xf32, #tpu.memory_space<hbm>>) target(%dma_start3A_2195 : memref<94x128xf32, #tpu.memory_space<vmem>>) offsets(%dma_start3A_2197 : memref<94xi32, #tpu.memory_space<vmem>>) semaphore(%dma_start3A_2202 : memref<!tpu.dma_semaphore, #tpu.memory_space<semaphore_mem>>)
    %dma_wait3A_2203 = arith.constant 3 : i32
    %dma_wait3A_2204 = arith.constant 3 : i32
    %dma_wait3A_2205 = arith.constant 10 : i32
    %dma_wait3A_2206 = arith.constant 0 : i32
    %dma_wait3A_2207 = tpu.memref_slice %arg7[%dma_wait3A_2203, %dma_wait3A_2205, %dma_wait3A_2206] : memref<4x200x128xf32, #tpu.memory_space<vmem>> -> memref<1x96x128xf32, #tpu.memory_space<vmem>>
    %dma_wait3A_2208 = tpu.memref_squeeze %dma_wait3A_2207 : memref<1x96x128xf32, #tpu.memory_space<vmem>> -> memref<96x128xf32, #tpu.memory_space<vmem>>
    %dma_wait3A_2209 = arith.constant 4416 : i32
    %dma_wait3A_2210 = tpu.memref_slice %arg6[%dma_wait3A_2209] : memref<6144xi32, #tpu.memory_space<vmem>> -> memref<96xi32, #tpu.memory_space<vmem>>
    %dma_wait3A_2211 = arith.constant 0 : i32
    %dma_wait3A_2212 = arith.constant 0 : i32
    %dma_wait3A_2213 = tpu.memref_slice %arg3[%dma_wait3A_2211, %dma_wait3A_2212] : memref<100000x128xf32, #tpu.memory_space<hbm>> -> memref<100000x128xf32, #tpu.memory_space<hbm>>
    %dma_wait3A_2214 = tpu.memref_slice %arg8[%dma_wait3A_2204] : memref<4x!tpu.dma_semaphore, #tpu.memory_space<semaphore_mem>> -> memref<1x!tpu.dma_semaphore, #tpu.memory_space<semaphore_mem>>
    %dma_wait3A_2215 = tpu.memref_squeeze %dma_wait3A_2214 : memref<1x!tpu.dma_semaphore, #tpu.memory_space<semaphore_mem>> -> memref<!tpu.dma_semaphore, #tpu.memory_space<semaphore_mem>>
    tpu.wait_indirect_dma semaphore(%dma_wait3A_2215 : memref<!tpu.dma_semaphore, #tpu.memory_space<semaphore_mem>>) src(%dma_wait3A_2213 : memref<100000x128xf32, #tpu.memory_space<hbm>>) dst(%dma_wait3A_2208 : memref<96x128xf32, #tpu.memory_space<vmem>>)
    %dma_wait3A_2216 = arith.constant 3 : i32
    %dma_wait3A_2217 = arith.constant 3 : i32
    %dma_wait3A_2218 = arith.constant 106 : i32
    %dma_wait3A_2219 = arith.constant 0 : i32
    %dma_wait3A_2220 = tpu.memref_slice %arg7[%dma_wait3A_2216, %dma_wait3A_2218, %dma_wait3A_2219] : memref<4x200x128xf32, #tpu.memory_space<vmem>> -> memref<1x94x128xf32, #tpu.memory_space<vmem>>
    %dma_wait3A_2221 = tpu.memref_squeeze %dma_wait3A_2220 : memref<1x94x128xf32, #tpu.memory_space<vmem>> -> memref<94x128xf32, #tpu.memory_space<vmem>>
    %dma_wait3A_2222 = arith.constant 4512 : i32
    %dma_wait3A_2223 = tpu.memref_slice %arg6[%dma_wait3A_2222] : memref<6144xi32, #tpu.memory_space<vmem>> -> memref<94xi32, #tpu.memory_space<vmem>>
    %dma_wait3A_2224 = arith.constant 0 : i32
    %dma_wait3A_2225 = arith.constant 0 : i32
    %dma_wait3A_2226 = tpu.memref_slice %arg3[%dma_wait3A_2224, %dma_wait3A_2225] : memref<100000x128xf32, #tpu.memory_space<hbm>> -> memref<100000x128xf32, #tpu.memory_space<hbm>>
    %dma_wait3A_2227 = tpu.memref_slice %arg8[%dma_wait3A_2217] : memref<4x!tpu.dma_semaphore, #tpu.memory_space<semaphore_mem>> -> memref<1x!tpu.dma_semaphore, #tpu.memory_space<semaphore_mem>>
    %dma_wait3A_2228 = tpu.memref_squeeze %dma_wait3A_2227 : memref<1x!tpu.dma_semaphore, #tpu.memory_space<semaphore_mem>> -> memref<!tpu.dma_semaphore, #tpu.memory_space<semaphore_mem>>
    tpu.wait_indirect_dma semaphore(%dma_wait3A_2228 : memref<!tpu.dma_semaphore, #tpu.memory_space<semaphore_mem>>) src(%dma_wait3A_2226 : memref<100000x128xf32, #tpu.memory_space<hbm>>) dst(%dma_wait3A_2221 : memref<94x128xf32, #tpu.memory_space<vmem>>)
    %add3A_2229 = arith.constant 23 : i32
    %add3A_2230 = arith.addi %mul3A_2, %add3A_2229 : i32
    %mul3A_2231 = arith.constant 200 : i32
    %mul3A_2232 = arith.muli %add3A_2230, %mul3A_2231 : i32
    %dma_start3A_2233 = arith.constant 3 : i32
    %dma_start3A_2234 = arith.constant 3 : i32
    %dma_start3A_2235 = arith.constant 0 : i32
    %dma_start3A_2236 = arith.constant 0 : i32
    %dma_start3A_2237 = tpu.memref_slice %arg7[%dma_start3A_2233, %dma_start3A_2235, %dma_start3A_2236] : memref<4x200x128xf32, #tpu.memory_space<vmem>> -> memref<1x200x128xf32, #tpu.memory_space<vmem>>
    %dma_start3A_2238 = tpu.memref_squeeze %dma_start3A_2237 : memref<1x200x128xf32, #tpu.memory_space<vmem>> -> memref<200x128xf32, #tpu.memory_space<vmem>>
    %dma_start3A_2239 = arith.constant 0 : i32
    %dma_start3A_2240 = tpu.memref_slice %arg5[%mul3A_2232, %dma_start3A_2239] : memref<204800x128xf32, #tpu.memory_space<hbm>> -> memref<200x128xf32, #tpu.memory_space<hbm>>
    %dma_start3A_2241 = tpu.memref_slice %arg9[%dma_start3A_2234] : memref<4x!tpu.dma_semaphore, #tpu.memory_space<semaphore_mem>> -> memref<1x!tpu.dma_semaphore, #tpu.memory_space<semaphore_mem>>
    %dma_start3A_2242 = tpu.memref_squeeze %dma_start3A_2241 : memref<1x!tpu.dma_semaphore, #tpu.memory_space<semaphore_mem>> -> memref<!tpu.dma_semaphore, #tpu.memory_space<semaphore_mem>>
    %dma_start3A_2243 = arith.constant 0 : i32
    %dma_start3A_2244 = tpu.memref_slice %arg5[%mul3A_2232, %dma_start3A_2243] : memref<204800x128xf32, #tpu.memory_space<hbm>> -> memref<200x128xf32, #tpu.memory_space<hbm>>
    %dma_start3A_2245 = arith.constant 0 : i32
    %dma_start3A_2246 = arith.constant 0 : i32
    %dma_start3A_2247 = tpu.memref_slice %arg7[%dma_start3A_2233, %dma_start3A_2245, %dma_start3A_2246] : memref<4x200x128xf32, #tpu.memory_space<vmem>> -> memref<1x200x128xf32, #tpu.memory_space<vmem>>
    %dma_start3A_2248 = tpu.memref_squeeze %dma_start3A_2247 : memref<1x200x128xf32, #tpu.memory_space<vmem>> -> memref<200x128xf32, #tpu.memory_space<vmem>>
    tpu.enqueue_dma source(%dma_start3A_2248 : memref<200x128xf32, #tpu.memory_space<vmem>>) target(%dma_start3A_2244 : memref<200x128xf32, #tpu.memory_space<hbm>>) target_semaphore(%dma_start3A_2242 : memref<!tpu.dma_semaphore, #tpu.memory_space<semaphore_mem>>)
    %add3A_2249 = arith.constant 21 : i32
    %add3A_2250 = arith.addi %mul3A_2, %add3A_2249 : i32
    %mul3A_2251 = arith.constant 200 : i32
    %mul3A_2252 = arith.muli %add3A_2250, %mul3A_2251 : i32
    %dma_wait3A_2253 = arith.constant 1 : i32
    %dma_wait3A_2254 = arith.constant 1 : i32
    %dma_wait3A_2255 = arith.constant 0 : i32
    %dma_wait3A_2256 = arith.constant 0 : i32
    %dma_wait3A_2257 = tpu.memref_slice %arg7[%dma_wait3A_2253, %dma_wait3A_2255, %dma_wait3A_2256] : memref<4x200x128xf32, #tpu.memory_space<vmem>> -> memref<1x200x128xf32, #tpu.memory_space<vmem>>
    %dma_wait3A_2258 = tpu.memref_squeeze %dma_wait3A_2257 : memref<1x200x128xf32, #tpu.memory_space<vmem>> -> memref<200x128xf32, #tpu.memory_space<vmem>>
    %dma_wait3A_2259 = arith.constant 0 : i32
    %dma_wait3A_2260 = tpu.memref_slice %arg5[%mul3A_2252, %dma_wait3A_2259] : memref<204800x128xf32, #tpu.memory_space<hbm>> -> memref<200x128xf32, #tpu.memory_space<hbm>>
    %dma_wait3A_2261 = tpu.memref_slice %arg9[%dma_wait3A_2254] : memref<4x!tpu.dma_semaphore, #tpu.memory_space<semaphore_mem>> -> memref<1x!tpu.dma_semaphore, #tpu.memory_space<semaphore_mem>>
    %dma_wait3A_2262 = tpu.memref_squeeze %dma_wait3A_2261 : memref<1x!tpu.dma_semaphore, #tpu.memory_space<semaphore_mem>> -> memref<!tpu.dma_semaphore, #tpu.memory_space<semaphore_mem>>
    %dma_wait3A_2263 = arith.constant 0 : i32
    %dma_wait3A_2264 = tpu.memref_slice %arg5[%mul3A_2252, %dma_wait3A_2263] : memref<204800x128xf32, #tpu.memory_space<hbm>> -> memref<200x128xf32, #tpu.memory_space<hbm>>
    %dma_wait3A_2265 = arith.constant 0 : i32
    %dma_wait3A_2266 = arith.constant 0 : i32
    %dma_wait3A_2267 = tpu.memref_slice %arg7[%dma_wait3A_2253, %dma_wait3A_2265, %dma_wait3A_2266] : memref<4x200x128xf32, #tpu.memory_space<vmem>> -> memref<1x200x128xf32, #tpu.memory_space<vmem>>
    %dma_wait3A_2268 = tpu.memref_squeeze %dma_wait3A_2267 : memref<1x200x128xf32, #tpu.memory_space<vmem>> -> memref<200x128xf32, #tpu.memory_space<vmem>>
    tpu.wait_dma2 semaphore(%dma_wait3A_2262 : memref<!tpu.dma_semaphore, #tpu.memory_space<semaphore_mem>>) src(%dma_wait3A_2268 : memref<200x128xf32, #tpu.memory_space<vmem>>) dst(%dma_wait3A_2264 : memref<200x128xf32, #tpu.memory_space<hbm>>)
    %dma_start3A_2269 = arith.constant 1 : i32
    %dma_start3A_2270 = arith.constant 1 : i32
    %dma_start3A_2271 = arith.constant 10 : i32
    %dma_start3A_2272 = arith.constant 0 : i32
    %dma_start3A_2273 = tpu.memref_slice %arg7[%dma_start3A_2269, %dma_start3A_2271, %dma_start3A_2272] : memref<4x200x128xf32, #tpu.memory_space<vmem>> -> memref<1x96x128xf32, #tpu.memory_space<vmem>>
    %dma_start3A_2274 = tpu.memref_squeeze %dma_start3A_2273 : memref<1x96x128xf32, #tpu.memory_space<vmem>> -> memref<96x128xf32, #tpu.memory_space<vmem>>
    %dma_start3A_2275 = arith.constant 4800 : i32
    %dma_start3A_2276 = tpu.memref_slice %arg6[%dma_start3A_2275] : memref<6144xi32, #tpu.memory_space<vmem>> -> memref<96xi32, #tpu.memory_space<vmem>>
    %dma_start3A_2277 = arith.constant 0 : i32
    %dma_start3A_2278 = arith.constant 0 : i32
    %dma_start3A_2279 = tpu.memref_slice %arg3[%dma_start3A_2277, %dma_start3A_2278] : memref<100000x128xf32, #tpu.memory_space<hbm>> -> memref<100000x128xf32, #tpu.memory_space<hbm>>
    %dma_start3A_2280 = tpu.memref_slice %arg8[%dma_start3A_2270] : memref<4x!tpu.dma_semaphore, #tpu.memory_space<semaphore_mem>> -> memref<1x!tpu.dma_semaphore, #tpu.memory_space<semaphore_mem>>
    %dma_start3A_2281 = tpu.memref_squeeze %dma_start3A_2280 : memref<1x!tpu.dma_semaphore, #tpu.memory_space<semaphore_mem>> -> memref<!tpu.dma_semaphore, #tpu.memory_space<semaphore_mem>>
    tpu.enqueue_indirect_dma source(%dma_start3A_2279 : memref<100000x128xf32, #tpu.memory_space<hbm>>) target(%dma_start3A_2274 : memref<96x128xf32, #tpu.memory_space<vmem>>) offsets(%dma_start3A_2276 : memref<96xi32, #tpu.memory_space<vmem>>) semaphore(%dma_start3A_2281 : memref<!tpu.dma_semaphore, #tpu.memory_space<semaphore_mem>>)
    %dma_start3A_2282 = arith.constant 1 : i32
    %dma_start3A_2283 = arith.constant 1 : i32
    %dma_start3A_2284 = arith.constant 106 : i32
    %dma_start3A_2285 = arith.constant 0 : i32
    %dma_start3A_2286 = tpu.memref_slice %arg7[%dma_start3A_2282, %dma_start3A_2284, %dma_start3A_2285] : memref<4x200x128xf32, #tpu.memory_space<vmem>> -> memref<1x94x128xf32, #tpu.memory_space<vmem>>
    %dma_start3A_2287 = tpu.memref_squeeze %dma_start3A_2286 : memref<1x94x128xf32, #tpu.memory_space<vmem>> -> memref<94x128xf32, #tpu.memory_space<vmem>>
    %dma_start3A_2288 = arith.constant 4896 : i32
    %dma_start3A_2289 = tpu.memref_slice %arg6[%dma_start3A_2288] : memref<6144xi32, #tpu.memory_space<vmem>> -> memref<94xi32, #tpu.memory_space<vmem>>
    %dma_start3A_2290 = arith.constant 0 : i32
    %dma_start3A_2291 = arith.constant 0 : i32
    %dma_start3A_2292 = tpu.memref_slice %arg3[%dma_start3A_2290, %dma_start3A_2291] : memref<100000x128xf32, #tpu.memory_space<hbm>> -> memref<100000x128xf32, #tpu.memory_space<hbm>>
    %dma_start3A_2293 = tpu.memref_slice %arg8[%dma_start3A_2283] : memref<4x!tpu.dma_semaphore, #tpu.memory_space<semaphore_mem>> -> memref<1x!tpu.dma_semaphore, #tpu.memory_space<semaphore_mem>>
    %dma_start3A_2294 = tpu.memref_squeeze %dma_start3A_2293 : memref<1x!tpu.dma_semaphore, #tpu.memory_space<semaphore_mem>> -> memref<!tpu.dma_semaphore, #tpu.memory_space<semaphore_mem>>
    tpu.enqueue_indirect_dma source(%dma_start3A_2292 : memref<100000x128xf32, #tpu.memory_space<hbm>>) target(%dma_start3A_2287 : memref<94x128xf32, #tpu.memory_space<vmem>>) offsets(%dma_start3A_2289 : memref<94xi32, #tpu.memory_space<vmem>>) semaphore(%dma_start3A_2294 : memref<!tpu.dma_semaphore, #tpu.memory_space<semaphore_mem>>)
    %dma_wait3A_2295 = arith.constant 0 : i32
    %dma_wait3A_2296 = arith.constant 0 : i32
    %dma_wait3A_2297 = arith.constant 10 : i32
    %dma_wait3A_2298 = arith.constant 0 : i32
    %dma_wait3A_2299 = tpu.memref_slice %arg7[%dma_wait3A_2295, %dma_wait3A_2297, %dma_wait3A_2298] : memref<4x200x128xf32, #tpu.memory_space<vmem>> -> memref<1x96x128xf32, #tpu.memory_space<vmem>>
    %dma_wait3A_2300 = tpu.memref_squeeze %dma_wait3A_2299 : memref<1x96x128xf32, #tpu.memory_space<vmem>> -> memref<96x128xf32, #tpu.memory_space<vmem>>
    %dma_wait3A_2301 = arith.constant 4608 : i32
    %dma_wait3A_2302 = tpu.memref_slice %arg6[%dma_wait3A_2301] : memref<6144xi32, #tpu.memory_space<vmem>> -> memref<96xi32, #tpu.memory_space<vmem>>
    %dma_wait3A_2303 = arith.constant 0 : i32
    %dma_wait3A_2304 = arith.constant 0 : i32
    %dma_wait3A_2305 = tpu.memref_slice %arg3[%dma_wait3A_2303, %dma_wait3A_2304] : memref<100000x128xf32, #tpu.memory_space<hbm>> -> memref<100000x128xf32, #tpu.memory_space<hbm>>
    %dma_wait3A_2306 = tpu.memref_slice %arg8[%dma_wait3A_2296] : memref<4x!tpu.dma_semaphore, #tpu.memory_space<semaphore_mem>> -> memref<1x!tpu.dma_semaphore, #tpu.memory_space<semaphore_mem>>
    %dma_wait3A_2307 = tpu.memref_squeeze %dma_wait3A_2306 : memref<1x!tpu.dma_semaphore, #tpu.memory_space<semaphore_mem>> -> memref<!tpu.dma_semaphore, #tpu.memory_space<semaphore_mem>>
    tpu.wait_indirect_dma semaphore(%dma_wait3A_2307 : memref<!tpu.dma_semaphore, #tpu.memory_space<semaphore_mem>>) src(%dma_wait3A_2305 : memref<100000x128xf32, #tpu.memory_space<hbm>>) dst(%dma_wait3A_2300 : memref<96x128xf32, #tpu.memory_space<vmem>>)
    %dma_wait3A_2308 = arith.constant 0 : i32
    %dma_wait3A_2309 = arith.constant 0 : i32
    %dma_wait3A_2310 = arith.constant 106 : i32
    %dma_wait3A_2311 = arith.constant 0 : i32
    %dma_wait3A_2312 = tpu.memref_slice %arg7[%dma_wait3A_2308, %dma_wait3A_2310, %dma_wait3A_2311] : memref<4x200x128xf32, #tpu.memory_space<vmem>> -> memref<1x94x128xf32, #tpu.memory_space<vmem>>
    %dma_wait3A_2313 = tpu.memref_squeeze %dma_wait3A_2312 : memref<1x94x128xf32, #tpu.memory_space<vmem>> -> memref<94x128xf32, #tpu.memory_space<vmem>>
    %dma_wait3A_2314 = arith.constant 4704 : i32
    %dma_wait3A_2315 = tpu.memref_slice %arg6[%dma_wait3A_2314] : memref<6144xi32, #tpu.memory_space<vmem>> -> memref<94xi32, #tpu.memory_space<vmem>>
    %dma_wait3A_2316 = arith.constant 0 : i32
    %dma_wait3A_2317 = arith.constant 0 : i32
    %dma_wait3A_2318 = tpu.memref_slice %arg3[%dma_wait3A_2316, %dma_wait3A_2317] : memref<100000x128xf32, #tpu.memory_space<hbm>> -> memref<100000x128xf32, #tpu.memory_space<hbm>>
    %dma_wait3A_2319 = tpu.memref_slice %arg8[%dma_wait3A_2309] : memref<4x!tpu.dma_semaphore, #tpu.memory_space<semaphore_mem>> -> memref<1x!tpu.dma_semaphore, #tpu.memory_space<semaphore_mem>>
    %dma_wait3A_2320 = tpu.memref_squeeze %dma_wait3A_2319 : memref<1x!tpu.dma_semaphore, #tpu.memory_space<semaphore_mem>> -> memref<!tpu.dma_semaphore, #tpu.memory_space<semaphore_mem>>
    tpu.wait_indirect_dma semaphore(%dma_wait3A_2320 : memref<!tpu.dma_semaphore, #tpu.memory_space<semaphore_mem>>) src(%dma_wait3A_2318 : memref<100000x128xf32, #tpu.memory_space<hbm>>) dst(%dma_wait3A_2313 : memref<94x128xf32, #tpu.memory_space<vmem>>)
    %add3A_2321 = arith.constant 24 : i32
    %add3A_2322 = arith.addi %mul3A_2, %add3A_2321 : i32
    %mul3A_2323 = arith.constant 200 : i32
    %mul3A_2324 = arith.muli %add3A_2322, %mul3A_2323 : i32
    %dma_start3A_2325 = arith.constant 0 : i32
    %dma_start3A_2326 = arith.constant 0 : i32
    %dma_start3A_2327 = arith.constant 0 : i32
    %dma_start3A_2328 = arith.constant 0 : i32
    %dma_start3A_2329 = tpu.memref_slice %arg7[%dma_start3A_2325, %dma_start3A_2327, %dma_start3A_2328] : memref<4x200x128xf32, #tpu.memory_space<vmem>> -> memref<1x200x128xf32, #tpu.memory_space<vmem>>
    %dma_start3A_2330 = tpu.memref_squeeze %dma_start3A_2329 : memref<1x200x128xf32, #tpu.memory_space<vmem>> -> memref<200x128xf32, #tpu.memory_space<vmem>>
    %dma_start3A_2331 = arith.constant 0 : i32
    %dma_start3A_2332 = tpu.memref_slice %arg5[%mul3A_2324, %dma_start3A_2331] : memref<204800x128xf32, #tpu.memory_space<hbm>> -> memref<200x128xf32, #tpu.memory_space<hbm>>
    %dma_start3A_2333 = tpu.memref_slice %arg9[%dma_start3A_2326] : memref<4x!tpu.dma_semaphore, #tpu.memory_space<semaphore_mem>> -> memref<1x!tpu.dma_semaphore, #tpu.memory_space<semaphore_mem>>
    %dma_start3A_2334 = tpu.memref_squeeze %dma_start3A_2333 : memref<1x!tpu.dma_semaphore, #tpu.memory_space<semaphore_mem>> -> memref<!tpu.dma_semaphore, #tpu.memory_space<semaphore_mem>>
    %dma_start3A_2335 = arith.constant 0 : i32
    %dma_start3A_2336 = tpu.memref_slice %arg5[%mul3A_2324, %dma_start3A_2335] : memref<204800x128xf32, #tpu.memory_space<hbm>> -> memref<200x128xf32, #tpu.memory_space<hbm>>
    %dma_start3A_2337 = arith.constant 0 : i32
    %dma_start3A_2338 = arith.constant 0 : i32
    %dma_start3A_2339 = tpu.memref_slice %arg7[%dma_start3A_2325, %dma_start3A_2337, %dma_start3A_2338] : memref<4x200x128xf32, #tpu.memory_space<vmem>> -> memref<1x200x128xf32, #tpu.memory_space<vmem>>
    %dma_start3A_2340 = tpu.memref_squeeze %dma_start3A_2339 : memref<1x200x128xf32, #tpu.memory_space<vmem>> -> memref<200x128xf32, #tpu.memory_space<vmem>>
    tpu.enqueue_dma source(%dma_start3A_2340 : memref<200x128xf32, #tpu.memory_space<vmem>>) target(%dma_start3A_2336 : memref<200x128xf32, #tpu.memory_space<hbm>>) target_semaphore(%dma_start3A_2334 : memref<!tpu.dma_semaphore, #tpu.memory_space<semaphore_mem>>)
    %add3A_2341 = arith.constant 22 : i32
    %add3A_2342 = arith.addi %mul3A_2, %add3A_2341 : i32
    %mul3A_2343 = arith.constant 200 : i32
    %mul3A_2344 = arith.muli %add3A_2342, %mul3A_2343 : i32
    %dma_wait3A_2345 = arith.constant 2 : i32
    %dma_wait3A_2346 = arith.constant 2 : i32
    %dma_wait3A_2347 = arith.constant 0 : i32
    %dma_wait3A_2348 = arith.constant 0 : i32
    %dma_wait3A_2349 = tpu.memref_slice %arg7[%dma_wait3A_2345, %dma_wait3A_2347, %dma_wait3A_2348] : memref<4x200x128xf32, #tpu.memory_space<vmem>> -> memref<1x200x128xf32, #tpu.memory_space<vmem>>
    %dma_wait3A_2350 = tpu.memref_squeeze %dma_wait3A_2349 : memref<1x200x128xf32, #tpu.memory_space<vmem>> -> memref<200x128xf32, #tpu.memory_space<vmem>>
    %dma_wait3A_2351 = arith.constant 0 : i32
    %dma_wait3A_2352 = tpu.memref_slice %arg5[%mul3A_2344, %dma_wait3A_2351] : memref<204800x128xf32, #tpu.memory_space<hbm>> -> memref<200x128xf32, #tpu.memory_space<hbm>>
    %dma_wait3A_2353 = tpu.memref_slice %arg9[%dma_wait3A_2346] : memref<4x!tpu.dma_semaphore, #tpu.memory_space<semaphore_mem>> -> memref<1x!tpu.dma_semaphore, #tpu.memory_space<semaphore_mem>>
    %dma_wait3A_2354 = tpu.memref_squeeze %dma_wait3A_2353 : memref<1x!tpu.dma_semaphore, #tpu.memory_space<semaphore_mem>> -> memref<!tpu.dma_semaphore, #tpu.memory_space<semaphore_mem>>
    %dma_wait3A_2355 = arith.constant 0 : i32
    %dma_wait3A_2356 = tpu.memref_slice %arg5[%mul3A_2344, %dma_wait3A_2355] : memref<204800x128xf32, #tpu.memory_space<hbm>> -> memref<200x128xf32, #tpu.memory_space<hbm>>
    %dma_wait3A_2357 = arith.constant 0 : i32
    %dma_wait3A_2358 = arith.constant 0 : i32
    %dma_wait3A_2359 = tpu.memref_slice %arg7[%dma_wait3A_2345, %dma_wait3A_2357, %dma_wait3A_2358] : memref<4x200x128xf32, #tpu.memory_space<vmem>> -> memref<1x200x128xf32, #tpu.memory_space<vmem>>
    %dma_wait3A_2360 = tpu.memref_squeeze %dma_wait3A_2359 : memref<1x200x128xf32, #tpu.memory_space<vmem>> -> memref<200x128xf32, #tpu.memory_space<vmem>>
    tpu.wait_dma2 semaphore(%dma_wait3A_2354 : memref<!tpu.dma_semaphore, #tpu.memory_space<semaphore_mem>>) src(%dma_wait3A_2360 : memref<200x128xf32, #tpu.memory_space<vmem>>) dst(%dma_wait3A_2356 : memref<200x128xf32, #tpu.memory_space<hbm>>)
    %dma_start3A_2361 = arith.constant 2 : i32
    %dma_start3A_2362 = arith.constant 2 : i32
    %dma_start3A_2363 = arith.constant 10 : i32
    %dma_start3A_2364 = arith.constant 0 : i32
    %dma_start3A_2365 = tpu.memref_slice %arg7[%dma_start3A_2361, %dma_start3A_2363, %dma_start3A_2364] : memref<4x200x128xf32, #tpu.memory_space<vmem>> -> memref<1x96x128xf32, #tpu.memory_space<vmem>>
    %dma_start3A_2366 = tpu.memref_squeeze %dma_start3A_2365 : memref<1x96x128xf32, #tpu.memory_space<vmem>> -> memref<96x128xf32, #tpu.memory_space<vmem>>
    %dma_start3A_2367 = arith.constant 4992 : i32
    %dma_start3A_2368 = tpu.memref_slice %arg6[%dma_start3A_2367] : memref<6144xi32, #tpu.memory_space<vmem>> -> memref<96xi32, #tpu.memory_space<vmem>>
    %dma_start3A_2369 = arith.constant 0 : i32
    %dma_start3A_2370 = arith.constant 0 : i32
    %dma_start3A_2371 = tpu.memref_slice %arg3[%dma_start3A_2369, %dma_start3A_2370] : memref<100000x128xf32, #tpu.memory_space<hbm>> -> memref<100000x128xf32, #tpu.memory_space<hbm>>
    %dma_start3A_2372 = tpu.memref_slice %arg8[%dma_start3A_2362] : memref<4x!tpu.dma_semaphore, #tpu.memory_space<semaphore_mem>> -> memref<1x!tpu.dma_semaphore, #tpu.memory_space<semaphore_mem>>
    %dma_start3A_2373 = tpu.memref_squeeze %dma_start3A_2372 : memref<1x!tpu.dma_semaphore, #tpu.memory_space<semaphore_mem>> -> memref<!tpu.dma_semaphore, #tpu.memory_space<semaphore_mem>>
    tpu.enqueue_indirect_dma source(%dma_start3A_2371 : memref<100000x128xf32, #tpu.memory_space<hbm>>) target(%dma_start3A_2366 : memref<96x128xf32, #tpu.memory_space<vmem>>) offsets(%dma_start3A_2368 : memref<96xi32, #tpu.memory_space<vmem>>) semaphore(%dma_start3A_2373 : memref<!tpu.dma_semaphore, #tpu.memory_space<semaphore_mem>>)
    %dma_start3A_2374 = arith.constant 2 : i32
    %dma_start3A_2375 = arith.constant 2 : i32
    %dma_start3A_2376 = arith.constant 106 : i32
    %dma_start3A_2377 = arith.constant 0 : i32
    %dma_start3A_2378 = tpu.memref_slice %arg7[%dma_start3A_2374, %dma_start3A_2376, %dma_start3A_2377] : memref<4x200x128xf32, #tpu.memory_space<vmem>> -> memref<1x94x128xf32, #tpu.memory_space<vmem>>
    %dma_start3A_2379 = tpu.memref_squeeze %dma_start3A_2378 : memref<1x94x128xf32, #tpu.memory_space<vmem>> -> memref<94x128xf32, #tpu.memory_space<vmem>>
    %dma_start3A_2380 = arith.constant 5088 : i32
    %dma_start3A_2381 = tpu.memref_slice %arg6[%dma_start3A_2380] : memref<6144xi32, #tpu.memory_space<vmem>> -> memref<94xi32, #tpu.memory_space<vmem>>
    %dma_start3A_2382 = arith.constant 0 : i32
    %dma_start3A_2383 = arith.constant 0 : i32
    %dma_start3A_2384 = tpu.memref_slice %arg3[%dma_start3A_2382, %dma_start3A_2383] : memref<100000x128xf32, #tpu.memory_space<hbm>> -> memref<100000x128xf32, #tpu.memory_space<hbm>>
    %dma_start3A_2385 = tpu.memref_slice %arg8[%dma_start3A_2375] : memref<4x!tpu.dma_semaphore, #tpu.memory_space<semaphore_mem>> -> memref<1x!tpu.dma_semaphore, #tpu.memory_space<semaphore_mem>>
    %dma_start3A_2386 = tpu.memref_squeeze %dma_start3A_2385 : memref<1x!tpu.dma_semaphore, #tpu.memory_space<semaphore_mem>> -> memref<!tpu.dma_semaphore, #tpu.memory_space<semaphore_mem>>
    tpu.enqueue_indirect_dma source(%dma_start3A_2384 : memref<100000x128xf32, #tpu.memory_space<hbm>>) target(%dma_start3A_2379 : memref<94x128xf32, #tpu.memory_space<vmem>>) offsets(%dma_start3A_2381 : memref<94xi32, #tpu.memory_space<vmem>>) semaphore(%dma_start3A_2386 : memref<!tpu.dma_semaphore, #tpu.memory_space<semaphore_mem>>)
    %dma_wait3A_2387 = arith.constant 1 : i32
    %dma_wait3A_2388 = arith.constant 1 : i32
    %dma_wait3A_2389 = arith.constant 10 : i32
    %dma_wait3A_2390 = arith.constant 0 : i32
    %dma_wait3A_2391 = tpu.memref_slice %arg7[%dma_wait3A_2387, %dma_wait3A_2389, %dma_wait3A_2390] : memref<4x200x128xf32, #tpu.memory_space<vmem>> -> memref<1x96x128xf32, #tpu.memory_space<vmem>>
    %dma_wait3A_2392 = tpu.memref_squeeze %dma_wait3A_2391 : memref<1x96x128xf32, #tpu.memory_space<vmem>> -> memref<96x128xf32, #tpu.memory_space<vmem>>
    %dma_wait3A_2393 = arith.constant 4800 : i32
    %dma_wait3A_2394 = tpu.memref_slice %arg6[%dma_wait3A_2393] : memref<6144xi32, #tpu.memory_space<vmem>> -> memref<96xi32, #tpu.memory_space<vmem>>
    %dma_wait3A_2395 = arith.constant 0 : i32
    %dma_wait3A_2396 = arith.constant 0 : i32
    %dma_wait3A_2397 = tpu.memref_slice %arg3[%dma_wait3A_2395, %dma_wait3A_2396] : memref<100000x128xf32, #tpu.memory_space<hbm>> -> memref<100000x128xf32, #tpu.memory_space<hbm>>
    %dma_wait3A_2398 = tpu.memref_slice %arg8[%dma_wait3A_2388] : memref<4x!tpu.dma_semaphore, #tpu.memory_space<semaphore_mem>> -> memref<1x!tpu.dma_semaphore, #tpu.memory_space<semaphore_mem>>
    %dma_wait3A_2399 = tpu.memref_squeeze %dma_wait3A_2398 : memref<1x!tpu.dma_semaphore, #tpu.memory_space<semaphore_mem>> -> memref<!tpu.dma_semaphore, #tpu.memory_space<semaphore_mem>>
    tpu.wait_indirect_dma semaphore(%dma_wait3A_2399 : memref<!tpu.dma_semaphore, #tpu.memory_space<semaphore_mem>>) src(%dma_wait3A_2397 : memref<100000x128xf32, #tpu.memory_space<hbm>>) dst(%dma_wait3A_2392 : memref<96x128xf32, #tpu.memory_space<vmem>>)
    %dma_wait3A_2400 = arith.constant 1 : i32
    %dma_wait3A_2401 = arith.constant 1 : i32
    %dma_wait3A_2402 = arith.constant 106 : i32
    %dma_wait3A_2403 = arith.constant 0 : i32
    %dma_wait3A_2404 = tpu.memref_slice %arg7[%dma_wait3A_2400, %dma_wait3A_2402, %dma_wait3A_2403] : memref<4x200x128xf32, #tpu.memory_space<vmem>> -> memref<1x94x128xf32, #tpu.memory_space<vmem>>
    %dma_wait3A_2405 = tpu.memref_squeeze %dma_wait3A_2404 : memref<1x94x128xf32, #tpu.memory_space<vmem>> -> memref<94x128xf32, #tpu.memory_space<vmem>>
    %dma_wait3A_2406 = arith.constant 4896 : i32
    %dma_wait3A_2407 = tpu.memref_slice %arg6[%dma_wait3A_2406] : memref<6144xi32, #tpu.memory_space<vmem>> -> memref<94xi32, #tpu.memory_space<vmem>>
    %dma_wait3A_2408 = arith.constant 0 : i32
    %dma_wait3A_2409 = arith.constant 0 : i32
    %dma_wait3A_2410 = tpu.memref_slice %arg3[%dma_wait3A_2408, %dma_wait3A_2409] : memref<100000x128xf32, #tpu.memory_space<hbm>> -> memref<100000x128xf32, #tpu.memory_space<hbm>>
    %dma_wait3A_2411 = tpu.memref_slice %arg8[%dma_wait3A_2401] : memref<4x!tpu.dma_semaphore, #tpu.memory_space<semaphore_mem>> -> memref<1x!tpu.dma_semaphore, #tpu.memory_space<semaphore_mem>>
    %dma_wait3A_2412 = tpu.memref_squeeze %dma_wait3A_2411 : memref<1x!tpu.dma_semaphore, #tpu.memory_space<semaphore_mem>> -> memref<!tpu.dma_semaphore, #tpu.memory_space<semaphore_mem>>
    tpu.wait_indirect_dma semaphore(%dma_wait3A_2412 : memref<!tpu.dma_semaphore, #tpu.memory_space<semaphore_mem>>) src(%dma_wait3A_2410 : memref<100000x128xf32, #tpu.memory_space<hbm>>) dst(%dma_wait3A_2405 : memref<94x128xf32, #tpu.memory_space<vmem>>)
    %add3A_2413 = arith.constant 25 : i32
    %add3A_2414 = arith.addi %mul3A_2, %add3A_2413 : i32
    %mul3A_2415 = arith.constant 200 : i32
    %mul3A_2416 = arith.muli %add3A_2414, %mul3A_2415 : i32
    %dma_start3A_2417 = arith.constant 1 : i32
    %dma_start3A_2418 = arith.constant 1 : i32
    %dma_start3A_2419 = arith.constant 0 : i32
    %dma_start3A_2420 = arith.constant 0 : i32
    %dma_start3A_2421 = tpu.memref_slice %arg7[%dma_start3A_2417, %dma_start3A_2419, %dma_start3A_2420] : memref<4x200x128xf32, #tpu.memory_space<vmem>> -> memref<1x200x128xf32, #tpu.memory_space<vmem>>
    %dma_start3A_2422 = tpu.memref_squeeze %dma_start3A_2421 : memref<1x200x128xf32, #tpu.memory_space<vmem>> -> memref<200x128xf32, #tpu.memory_space<vmem>>
    %dma_start3A_2423 = arith.constant 0 : i32
    %dma_start3A_2424 = tpu.memref_slice %arg5[%mul3A_2416, %dma_start3A_2423] : memref<204800x128xf32, #tpu.memory_space<hbm>> -> memref<200x128xf32, #tpu.memory_space<hbm>>
    %dma_start3A_2425 = tpu.memref_slice %arg9[%dma_start3A_2418] : memref<4x!tpu.dma_semaphore, #tpu.memory_space<semaphore_mem>> -> memref<1x!tpu.dma_semaphore, #tpu.memory_space<semaphore_mem>>
    %dma_start3A_2426 = tpu.memref_squeeze %dma_start3A_2425 : memref<1x!tpu.dma_semaphore, #tpu.memory_space<semaphore_mem>> -> memref<!tpu.dma_semaphore, #tpu.memory_space<semaphore_mem>>
    %dma_start3A_2427 = arith.constant 0 : i32
    %dma_start3A_2428 = tpu.memref_slice %arg5[%mul3A_2416, %dma_start3A_2427] : memref<204800x128xf32, #tpu.memory_space<hbm>> -> memref<200x128xf32, #tpu.memory_space<hbm>>
    %dma_start3A_2429 = arith.constant 0 : i32
    %dma_start3A_2430 = arith.constant 0 : i32
    %dma_start3A_2431 = tpu.memref_slice %arg7[%dma_start3A_2417, %dma_start3A_2429, %dma_start3A_2430] : memref<4x200x128xf32, #tpu.memory_space<vmem>> -> memref<1x200x128xf32, #tpu.memory_space<vmem>>
    %dma_start3A_2432 = tpu.memref_squeeze %dma_start3A_2431 : memref<1x200x128xf32, #tpu.memory_space<vmem>> -> memref<200x128xf32, #tpu.memory_space<vmem>>
    tpu.enqueue_dma source(%dma_start3A_2432 : memref<200x128xf32, #tpu.memory_space<vmem>>) target(%dma_start3A_2428 : memref<200x128xf32, #tpu.memory_space<hbm>>) target_semaphore(%dma_start3A_2426 : memref<!tpu.dma_semaphore, #tpu.memory_space<semaphore_mem>>)
    %add3A_2433 = arith.constant 23 : i32
    %add3A_2434 = arith.addi %mul3A_2, %add3A_2433 : i32
    %mul3A_2435 = arith.constant 200 : i32
    %mul3A_2436 = arith.muli %add3A_2434, %mul3A_2435 : i32
    %dma_wait3A_2437 = arith.constant 3 : i32
    %dma_wait3A_2438 = arith.constant 3 : i32
    %dma_wait3A_2439 = arith.constant 0 : i32
    %dma_wait3A_2440 = arith.constant 0 : i32
    %dma_wait3A_2441 = tpu.memref_slice %arg7[%dma_wait3A_2437, %dma_wait3A_2439, %dma_wait3A_2440] : memref<4x200x128xf32, #tpu.memory_space<vmem>> -> memref<1x200x128xf32, #tpu.memory_space<vmem>>
    %dma_wait3A_2442 = tpu.memref_squeeze %dma_wait3A_2441 : memref<1x200x128xf32, #tpu.memory_space<vmem>> -> memref<200x128xf32, #tpu.memory_space<vmem>>
    %dma_wait3A_2443 = arith.constant 0 : i32
    %dma_wait3A_2444 = tpu.memref_slice %arg5[%mul3A_2436, %dma_wait3A_2443] : memref<204800x128xf32, #tpu.memory_space<hbm>> -> memref<200x128xf32, #tpu.memory_space<hbm>>
    %dma_wait3A_2445 = tpu.memref_slice %arg9[%dma_wait3A_2438] : memref<4x!tpu.dma_semaphore, #tpu.memory_space<semaphore_mem>> -> memref<1x!tpu.dma_semaphore, #tpu.memory_space<semaphore_mem>>
    %dma_wait3A_2446 = tpu.memref_squeeze %dma_wait3A_2445 : memref<1x!tpu.dma_semaphore, #tpu.memory_space<semaphore_mem>> -> memref<!tpu.dma_semaphore, #tpu.memory_space<semaphore_mem>>
    %dma_wait3A_2447 = arith.constant 0 : i32
    %dma_wait3A_2448 = tpu.memref_slice %arg5[%mul3A_2436, %dma_wait3A_2447] : memref<204800x128xf32, #tpu.memory_space<hbm>> -> memref<200x128xf32, #tpu.memory_space<hbm>>
    %dma_wait3A_2449 = arith.constant 0 : i32
    %dma_wait3A_2450 = arith.constant 0 : i32
    %dma_wait3A_2451 = tpu.memref_slice %arg7[%dma_wait3A_2437, %dma_wait3A_2449, %dma_wait3A_2450] : memref<4x200x128xf32, #tpu.memory_space<vmem>> -> memref<1x200x128xf32, #tpu.memory_space<vmem>>
    %dma_wait3A_2452 = tpu.memref_squeeze %dma_wait3A_2451 : memref<1x200x128xf32, #tpu.memory_space<vmem>> -> memref<200x128xf32, #tpu.memory_space<vmem>>
    tpu.wait_dma2 semaphore(%dma_wait3A_2446 : memref<!tpu.dma_semaphore, #tpu.memory_space<semaphore_mem>>) src(%dma_wait3A_2452 : memref<200x128xf32, #tpu.memory_space<vmem>>) dst(%dma_wait3A_2448 : memref<200x128xf32, #tpu.memory_space<hbm>>)
    %dma_start3A_2453 = arith.constant 3 : i32
    %dma_start3A_2454 = arith.constant 3 : i32
    %dma_start3A_2455 = arith.constant 10 : i32
    %dma_start3A_2456 = arith.constant 0 : i32
    %dma_start3A_2457 = tpu.memref_slice %arg7[%dma_start3A_2453, %dma_start3A_2455, %dma_start3A_2456] : memref<4x200x128xf32, #tpu.memory_space<vmem>> -> memref<1x96x128xf32, #tpu.memory_space<vmem>>
    %dma_start3A_2458 = tpu.memref_squeeze %dma_start3A_2457 : memref<1x96x128xf32, #tpu.memory_space<vmem>> -> memref<96x128xf32, #tpu.memory_space<vmem>>
    %dma_start3A_2459 = arith.constant 5184 : i32
    %dma_start3A_2460 = tpu.memref_slice %arg6[%dma_start3A_2459] : memref<6144xi32, #tpu.memory_space<vmem>> -> memref<96xi32, #tpu.memory_space<vmem>>
    %dma_start3A_2461 = arith.constant 0 : i32
    %dma_start3A_2462 = arith.constant 0 : i32
    %dma_start3A_2463 = tpu.memref_slice %arg3[%dma_start3A_2461, %dma_start3A_2462] : memref<100000x128xf32, #tpu.memory_space<hbm>> -> memref<100000x128xf32, #tpu.memory_space<hbm>>
    %dma_start3A_2464 = tpu.memref_slice %arg8[%dma_start3A_2454] : memref<4x!tpu.dma_semaphore, #tpu.memory_space<semaphore_mem>> -> memref<1x!tpu.dma_semaphore, #tpu.memory_space<semaphore_mem>>
    %dma_start3A_2465 = tpu.memref_squeeze %dma_start3A_2464 : memref<1x!tpu.dma_semaphore, #tpu.memory_space<semaphore_mem>> -> memref<!tpu.dma_semaphore, #tpu.memory_space<semaphore_mem>>
    tpu.enqueue_indirect_dma source(%dma_start3A_2463 : memref<100000x128xf32, #tpu.memory_space<hbm>>) target(%dma_start3A_2458 : memref<96x128xf32, #tpu.memory_space<vmem>>) offsets(%dma_start3A_2460 : memref<96xi32, #tpu.memory_space<vmem>>) semaphore(%dma_start3A_2465 : memref<!tpu.dma_semaphore, #tpu.memory_space<semaphore_mem>>)
    %dma_start3A_2466 = arith.constant 3 : i32
    %dma_start3A_2467 = arith.constant 3 : i32
    %dma_start3A_2468 = arith.constant 106 : i32
    %dma_start3A_2469 = arith.constant 0 : i32
    %dma_start3A_2470 = tpu.memref_slice %arg7[%dma_start3A_2466, %dma_start3A_2468, %dma_start3A_2469] : memref<4x200x128xf32, #tpu.memory_space<vmem>> -> memref<1x94x128xf32, #tpu.memory_space<vmem>>
    %dma_start3A_2471 = tpu.memref_squeeze %dma_start3A_2470 : memref<1x94x128xf32, #tpu.memory_space<vmem>> -> memref<94x128xf32, #tpu.memory_space<vmem>>
    %dma_start3A_2472 = arith.constant 5280 : i32
    %dma_start3A_2473 = tpu.memref_slice %arg6[%dma_start3A_2472] : memref<6144xi32, #tpu.memory_space<vmem>> -> memref<94xi32, #tpu.memory_space<vmem>>
    %dma_start3A_2474 = arith.constant 0 : i32
    %dma_start3A_2475 = arith.constant 0 : i32
    %dma_start3A_2476 = tpu.memref_slice %arg3[%dma_start3A_2474, %dma_start3A_2475] : memref<100000x128xf32, #tpu.memory_space<hbm>> -> memref<100000x128xf32, #tpu.memory_space<hbm>>
    %dma_start3A_2477 = tpu.memref_slice %arg8[%dma_start3A_2467] : memref<4x!tpu.dma_semaphore, #tpu.memory_space<semaphore_mem>> -> memref<1x!tpu.dma_semaphore, #tpu.memory_space<semaphore_mem>>
    %dma_start3A_2478 = tpu.memref_squeeze %dma_start3A_2477 : memref<1x!tpu.dma_semaphore, #tpu.memory_space<semaphore_mem>> -> memref<!tpu.dma_semaphore, #tpu.memory_space<semaphore_mem>>
    tpu.enqueue_indirect_dma source(%dma_start3A_2476 : memref<100000x128xf32, #tpu.memory_space<hbm>>) target(%dma_start3A_2471 : memref<94x128xf32, #tpu.memory_space<vmem>>) offsets(%dma_start3A_2473 : memref<94xi32, #tpu.memory_space<vmem>>) semaphore(%dma_start3A_2478 : memref<!tpu.dma_semaphore, #tpu.memory_space<semaphore_mem>>)
    %dma_wait3A_2479 = arith.constant 2 : i32
    %dma_wait3A_2480 = arith.constant 2 : i32
    %dma_wait3A_2481 = arith.constant 10 : i32
    %dma_wait3A_2482 = arith.constant 0 : i32
    %dma_wait3A_2483 = tpu.memref_slice %arg7[%dma_wait3A_2479, %dma_wait3A_2481, %dma_wait3A_2482] : memref<4x200x128xf32, #tpu.memory_space<vmem>> -> memref<1x96x128xf32, #tpu.memory_space<vmem>>
    %dma_wait3A_2484 = tpu.memref_squeeze %dma_wait3A_2483 : memref<1x96x128xf32, #tpu.memory_space<vmem>> -> memref<96x128xf32, #tpu.memory_space<vmem>>
    %dma_wait3A_2485 = arith.constant 4992 : i32
    %dma_wait3A_2486 = tpu.memref_slice %arg6[%dma_wait3A_2485] : memref<6144xi32, #tpu.memory_space<vmem>> -> memref<96xi32, #tpu.memory_space<vmem>>
    %dma_wait3A_2487 = arith.constant 0 : i32
    %dma_wait3A_2488 = arith.constant 0 : i32
    %dma_wait3A_2489 = tpu.memref_slice %arg3[%dma_wait3A_2487, %dma_wait3A_2488] : memref<100000x128xf32, #tpu.memory_space<hbm>> -> memref<100000x128xf32, #tpu.memory_space<hbm>>
    %dma_wait3A_2490 = tpu.memref_slice %arg8[%dma_wait3A_2480] : memref<4x!tpu.dma_semaphore, #tpu.memory_space<semaphore_mem>> -> memref<1x!tpu.dma_semaphore, #tpu.memory_space<semaphore_mem>>
    %dma_wait3A_2491 = tpu.memref_squeeze %dma_wait3A_2490 : memref<1x!tpu.dma_semaphore, #tpu.memory_space<semaphore_mem>> -> memref<!tpu.dma_semaphore, #tpu.memory_space<semaphore_mem>>
    tpu.wait_indirect_dma semaphore(%dma_wait3A_2491 : memref<!tpu.dma_semaphore, #tpu.memory_space<semaphore_mem>>) src(%dma_wait3A_2489 : memref<100000x128xf32, #tpu.memory_space<hbm>>) dst(%dma_wait3A_2484 : memref<96x128xf32, #tpu.memory_space<vmem>>)
    %dma_wait3A_2492 = arith.constant 2 : i32
    %dma_wait3A_2493 = arith.constant 2 : i32
    %dma_wait3A_2494 = arith.constant 106 : i32
    %dma_wait3A_2495 = arith.constant 0 : i32
    %dma_wait3A_2496 = tpu.memref_slice %arg7[%dma_wait3A_2492, %dma_wait3A_2494, %dma_wait3A_2495] : memref<4x200x128xf32, #tpu.memory_space<vmem>> -> memref<1x94x128xf32, #tpu.memory_space<vmem>>
    %dma_wait3A_2497 = tpu.memref_squeeze %dma_wait3A_2496 : memref<1x94x128xf32, #tpu.memory_space<vmem>> -> memref<94x128xf32, #tpu.memory_space<vmem>>
    %dma_wait3A_2498 = arith.constant 5088 : i32
    %dma_wait3A_2499 = tpu.memref_slice %arg6[%dma_wait3A_2498] : memref<6144xi32, #tpu.memory_space<vmem>> -> memref<94xi32, #tpu.memory_space<vmem>>
    %dma_wait3A_2500 = arith.constant 0 : i32
    %dma_wait3A_2501 = arith.constant 0 : i32
    %dma_wait3A_2502 = tpu.memref_slice %arg3[%dma_wait3A_2500, %dma_wait3A_2501] : memref<100000x128xf32, #tpu.memory_space<hbm>> -> memref<100000x128xf32, #tpu.memory_space<hbm>>
    %dma_wait3A_2503 = tpu.memref_slice %arg8[%dma_wait3A_2493] : memref<4x!tpu.dma_semaphore, #tpu.memory_space<semaphore_mem>> -> memref<1x!tpu.dma_semaphore, #tpu.memory_space<semaphore_mem>>
    %dma_wait3A_2504 = tpu.memref_squeeze %dma_wait3A_2503 : memref<1x!tpu.dma_semaphore, #tpu.memory_space<semaphore_mem>> -> memref<!tpu.dma_semaphore, #tpu.memory_space<semaphore_mem>>
    tpu.wait_indirect_dma semaphore(%dma_wait3A_2504 : memref<!tpu.dma_semaphore, #tpu.memory_space<semaphore_mem>>) src(%dma_wait3A_2502 : memref<100000x128xf32, #tpu.memory_space<hbm>>) dst(%dma_wait3A_2497 : memref<94x128xf32, #tpu.memory_space<vmem>>)
    %add3A_2505 = arith.constant 26 : i32
    %add3A_2506 = arith.addi %mul3A_2, %add3A_2505 : i32
    %mul3A_2507 = arith.constant 200 : i32
    %mul3A_2508 = arith.muli %add3A_2506, %mul3A_2507 : i32
    %dma_start3A_2509 = arith.constant 2 : i32
    %dma_start3A_2510 = arith.constant 2 : i32
    %dma_start3A_2511 = arith.constant 0 : i32
    %dma_start3A_2512 = arith.constant 0 : i32
    %dma_start3A_2513 = tpu.memref_slice %arg7[%dma_start3A_2509, %dma_start3A_2511, %dma_start3A_2512] : memref<4x200x128xf32, #tpu.memory_space<vmem>> -> memref<1x200x128xf32, #tpu.memory_space<vmem>>
    %dma_start3A_2514 = tpu.memref_squeeze %dma_start3A_2513 : memref<1x200x128xf32, #tpu.memory_space<vmem>> -> memref<200x128xf32, #tpu.memory_space<vmem>>
    %dma_start3A_2515 = arith.constant 0 : i32
    %dma_start3A_2516 = tpu.memref_slice %arg5[%mul3A_2508, %dma_start3A_2515] : memref<204800x128xf32, #tpu.memory_space<hbm>> -> memref<200x128xf32, #tpu.memory_space<hbm>>
    %dma_start3A_2517 = tpu.memref_slice %arg9[%dma_start3A_2510] : memref<4x!tpu.dma_semaphore, #tpu.memory_space<semaphore_mem>> -> memref<1x!tpu.dma_semaphore, #tpu.memory_space<semaphore_mem>>
    %dma_start3A_2518 = tpu.memref_squeeze %dma_start3A_2517 : memref<1x!tpu.dma_semaphore, #tpu.memory_space<semaphore_mem>> -> memref<!tpu.dma_semaphore, #tpu.memory_space<semaphore_mem>>
    %dma_start3A_2519 = arith.constant 0 : i32
    %dma_start3A_2520 = tpu.memref_slice %arg5[%mul3A_2508, %dma_start3A_2519] : memref<204800x128xf32, #tpu.memory_space<hbm>> -> memref<200x128xf32, #tpu.memory_space<hbm>>
    %dma_start3A_2521 = arith.constant 0 : i32
    %dma_start3A_2522 = arith.constant 0 : i32
    %dma_start3A_2523 = tpu.memref_slice %arg7[%dma_start3A_2509, %dma_start3A_2521, %dma_start3A_2522] : memref<4x200x128xf32, #tpu.memory_space<vmem>> -> memref<1x200x128xf32, #tpu.memory_space<vmem>>
    %dma_start3A_2524 = tpu.memref_squeeze %dma_start3A_2523 : memref<1x200x128xf32, #tpu.memory_space<vmem>> -> memref<200x128xf32, #tpu.memory_space<vmem>>
    tpu.enqueue_dma source(%dma_start3A_2524 : memref<200x128xf32, #tpu.memory_space<vmem>>) target(%dma_start3A_2520 : memref<200x128xf32, #tpu.memory_space<hbm>>) target_semaphore(%dma_start3A_2518 : memref<!tpu.dma_semaphore, #tpu.memory_space<semaphore_mem>>)
    %add3A_2525 = arith.constant 24 : i32
    %add3A_2526 = arith.addi %mul3A_2, %add3A_2525 : i32
    %mul3A_2527 = arith.constant 200 : i32
    %mul3A_2528 = arith.muli %add3A_2526, %mul3A_2527 : i32
    %dma_wait3A_2529 = arith.constant 0 : i32
    %dma_wait3A_2530 = arith.constant 0 : i32
    %dma_wait3A_2531 = arith.constant 0 : i32
    %dma_wait3A_2532 = arith.constant 0 : i32
    %dma_wait3A_2533 = tpu.memref_slice %arg7[%dma_wait3A_2529, %dma_wait3A_2531, %dma_wait3A_2532] : memref<4x200x128xf32, #tpu.memory_space<vmem>> -> memref<1x200x128xf32, #tpu.memory_space<vmem>>
    %dma_wait3A_2534 = tpu.memref_squeeze %dma_wait3A_2533 : memref<1x200x128xf32, #tpu.memory_space<vmem>> -> memref<200x128xf32, #tpu.memory_space<vmem>>
    %dma_wait3A_2535 = arith.constant 0 : i32
    %dma_wait3A_2536 = tpu.memref_slice %arg5[%mul3A_2528, %dma_wait3A_2535] : memref<204800x128xf32, #tpu.memory_space<hbm>> -> memref<200x128xf32, #tpu.memory_space<hbm>>
    %dma_wait3A_2537 = tpu.memref_slice %arg9[%dma_wait3A_2530] : memref<4x!tpu.dma_semaphore, #tpu.memory_space<semaphore_mem>> -> memref<1x!tpu.dma_semaphore, #tpu.memory_space<semaphore_mem>>
    %dma_wait3A_2538 = tpu.memref_squeeze %dma_wait3A_2537 : memref<1x!tpu.dma_semaphore, #tpu.memory_space<semaphore_mem>> -> memref<!tpu.dma_semaphore, #tpu.memory_space<semaphore_mem>>
    %dma_wait3A_2539 = arith.constant 0 : i32
    %dma_wait3A_2540 = tpu.memref_slice %arg5[%mul3A_2528, %dma_wait3A_2539] : memref<204800x128xf32, #tpu.memory_space<hbm>> -> memref<200x128xf32, #tpu.memory_space<hbm>>
    %dma_wait3A_2541 = arith.constant 0 : i32
    %dma_wait3A_2542 = arith.constant 0 : i32
    %dma_wait3A_2543 = tpu.memref_slice %arg7[%dma_wait3A_2529, %dma_wait3A_2541, %dma_wait3A_2542] : memref<4x200x128xf32, #tpu.memory_space<vmem>> -> memref<1x200x128xf32, #tpu.memory_space<vmem>>
    %dma_wait3A_2544 = tpu.memref_squeeze %dma_wait3A_2543 : memref<1x200x128xf32, #tpu.memory_space<vmem>> -> memref<200x128xf32, #tpu.memory_space<vmem>>
    tpu.wait_dma2 semaphore(%dma_wait3A_2538 : memref<!tpu.dma_semaphore, #tpu.memory_space<semaphore_mem>>) src(%dma_wait3A_2544 : memref<200x128xf32, #tpu.memory_space<vmem>>) dst(%dma_wait3A_2540 : memref<200x128xf32, #tpu.memory_space<hbm>>)
    %dma_start3A_2545 = arith.constant 0 : i32
    %dma_start3A_2546 = arith.constant 0 : i32
    %dma_start3A_2547 = arith.constant 10 : i32
    %dma_start3A_2548 = arith.constant 0 : i32
    %dma_start3A_2549 = tpu.memref_slice %arg7[%dma_start3A_2545, %dma_start3A_2547, %dma_start3A_2548] : memref<4x200x128xf32, #tpu.memory_space<vmem>> -> memref<1x96x128xf32, #tpu.memory_space<vmem>>
    %dma_start3A_2550 = tpu.memref_squeeze %dma_start3A_2549 : memref<1x96x128xf32, #tpu.memory_space<vmem>> -> memref<96x128xf32, #tpu.memory_space<vmem>>
    %dma_start3A_2551 = arith.constant 5376 : i32
    %dma_start3A_2552 = tpu.memref_slice %arg6[%dma_start3A_2551] : memref<6144xi32, #tpu.memory_space<vmem>> -> memref<96xi32, #tpu.memory_space<vmem>>
    %dma_start3A_2553 = arith.constant 0 : i32
    %dma_start3A_2554 = arith.constant 0 : i32
    %dma_start3A_2555 = tpu.memref_slice %arg3[%dma_start3A_2553, %dma_start3A_2554] : memref<100000x128xf32, #tpu.memory_space<hbm>> -> memref<100000x128xf32, #tpu.memory_space<hbm>>
    %dma_start3A_2556 = tpu.memref_slice %arg8[%dma_start3A_2546] : memref<4x!tpu.dma_semaphore, #tpu.memory_space<semaphore_mem>> -> memref<1x!tpu.dma_semaphore, #tpu.memory_space<semaphore_mem>>
    %dma_start3A_2557 = tpu.memref_squeeze %dma_start3A_2556 : memref<1x!tpu.dma_semaphore, #tpu.memory_space<semaphore_mem>> -> memref<!tpu.dma_semaphore, #tpu.memory_space<semaphore_mem>>
    tpu.enqueue_indirect_dma source(%dma_start3A_2555 : memref<100000x128xf32, #tpu.memory_space<hbm>>) target(%dma_start3A_2550 : memref<96x128xf32, #tpu.memory_space<vmem>>) offsets(%dma_start3A_2552 : memref<96xi32, #tpu.memory_space<vmem>>) semaphore(%dma_start3A_2557 : memref<!tpu.dma_semaphore, #tpu.memory_space<semaphore_mem>>)
    %dma_start3A_2558 = arith.constant 0 : i32
    %dma_start3A_2559 = arith.constant 0 : i32
    %dma_start3A_2560 = arith.constant 106 : i32
    %dma_start3A_2561 = arith.constant 0 : i32
    %dma_start3A_2562 = tpu.memref_slice %arg7[%dma_start3A_2558, %dma_start3A_2560, %dma_start3A_2561] : memref<4x200x128xf32, #tpu.memory_space<vmem>> -> memref<1x94x128xf32, #tpu.memory_space<vmem>>
    %dma_start3A_2563 = tpu.memref_squeeze %dma_start3A_2562 : memref<1x94x128xf32, #tpu.memory_space<vmem>> -> memref<94x128xf32, #tpu.memory_space<vmem>>
    %dma_start3A_2564 = arith.constant 5472 : i32
    %dma_start3A_2565 = tpu.memref_slice %arg6[%dma_start3A_2564] : memref<6144xi32, #tpu.memory_space<vmem>> -> memref<94xi32, #tpu.memory_space<vmem>>
    %dma_start3A_2566 = arith.constant 0 : i32
    %dma_start3A_2567 = arith.constant 0 : i32
    %dma_start3A_2568 = tpu.memref_slice %arg3[%dma_start3A_2566, %dma_start3A_2567] : memref<100000x128xf32, #tpu.memory_space<hbm>> -> memref<100000x128xf32, #tpu.memory_space<hbm>>
    %dma_start3A_2569 = tpu.memref_slice %arg8[%dma_start3A_2559] : memref<4x!tpu.dma_semaphore, #tpu.memory_space<semaphore_mem>> -> memref<1x!tpu.dma_semaphore, #tpu.memory_space<semaphore_mem>>
    %dma_start3A_2570 = tpu.memref_squeeze %dma_start3A_2569 : memref<1x!tpu.dma_semaphore, #tpu.memory_space<semaphore_mem>> -> memref<!tpu.dma_semaphore, #tpu.memory_space<semaphore_mem>>
    tpu.enqueue_indirect_dma source(%dma_start3A_2568 : memref<100000x128xf32, #tpu.memory_space<hbm>>) target(%dma_start3A_2563 : memref<94x128xf32, #tpu.memory_space<vmem>>) offsets(%dma_start3A_2565 : memref<94xi32, #tpu.memory_space<vmem>>) semaphore(%dma_start3A_2570 : memref<!tpu.dma_semaphore, #tpu.memory_space<semaphore_mem>>)
    %dma_wait3A_2571 = arith.constant 3 : i32
    %dma_wait3A_2572 = arith.constant 3 : i32
    %dma_wait3A_2573 = arith.constant 10 : i32
    %dma_wait3A_2574 = arith.constant 0 : i32
    %dma_wait3A_2575 = tpu.memref_slice %arg7[%dma_wait3A_2571, %dma_wait3A_2573, %dma_wait3A_2574] : memref<4x200x128xf32, #tpu.memory_space<vmem>> -> memref<1x96x128xf32, #tpu.memory_space<vmem>>
    %dma_wait3A_2576 = tpu.memref_squeeze %dma_wait3A_2575 : memref<1x96x128xf32, #tpu.memory_space<vmem>> -> memref<96x128xf32, #tpu.memory_space<vmem>>
    %dma_wait3A_2577 = arith.constant 5184 : i32
    %dma_wait3A_2578 = tpu.memref_slice %arg6[%dma_wait3A_2577] : memref<6144xi32, #tpu.memory_space<vmem>> -> memref<96xi32, #tpu.memory_space<vmem>>
    %dma_wait3A_2579 = arith.constant 0 : i32
    %dma_wait3A_2580 = arith.constant 0 : i32
    %dma_wait3A_2581 = tpu.memref_slice %arg3[%dma_wait3A_2579, %dma_wait3A_2580] : memref<100000x128xf32, #tpu.memory_space<hbm>> -> memref<100000x128xf32, #tpu.memory_space<hbm>>
    %dma_wait3A_2582 = tpu.memref_slice %arg8[%dma_wait3A_2572] : memref<4x!tpu.dma_semaphore, #tpu.memory_space<semaphore_mem>> -> memref<1x!tpu.dma_semaphore, #tpu.memory_space<semaphore_mem>>
    %dma_wait3A_2583 = tpu.memref_squeeze %dma_wait3A_2582 : memref<1x!tpu.dma_semaphore, #tpu.memory_space<semaphore_mem>> -> memref<!tpu.dma_semaphore, #tpu.memory_space<semaphore_mem>>
    tpu.wait_indirect_dma semaphore(%dma_wait3A_2583 : memref<!tpu.dma_semaphore, #tpu.memory_space<semaphore_mem>>) src(%dma_wait3A_2581 : memref<100000x128xf32, #tpu.memory_space<hbm>>) dst(%dma_wait3A_2576 : memref<96x128xf32, #tpu.memory_space<vmem>>)
    %dma_wait3A_2584 = arith.constant 3 : i32
    %dma_wait3A_2585 = arith.constant 3 : i32
    %dma_wait3A_2586 = arith.constant 106 : i32
    %dma_wait3A_2587 = arith.constant 0 : i32
    %dma_wait3A_2588 = tpu.memref_slice %arg7[%dma_wait3A_2584, %dma_wait3A_2586, %dma_wait3A_2587] : memref<4x200x128xf32, #tpu.memory_space<vmem>> -> memref<1x94x128xf32, #tpu.memory_space<vmem>>
    %dma_wait3A_2589 = tpu.memref_squeeze %dma_wait3A_2588 : memref<1x94x128xf32, #tpu.memory_space<vmem>> -> memref<94x128xf32, #tpu.memory_space<vmem>>
    %dma_wait3A_2590 = arith.constant 5280 : i32
    %dma_wait3A_2591 = tpu.memref_slice %arg6[%dma_wait3A_2590] : memref<6144xi32, #tpu.memory_space<vmem>> -> memref<94xi32, #tpu.memory_space<vmem>>
    %dma_wait3A_2592 = arith.constant 0 : i32
    %dma_wait3A_2593 = arith.constant 0 : i32
    %dma_wait3A_2594 = tpu.memref_slice %arg3[%dma_wait3A_2592, %dma_wait3A_2593] : memref<100000x128xf32, #tpu.memory_space<hbm>> -> memref<100000x128xf32, #tpu.memory_space<hbm>>
    %dma_wait3A_2595 = tpu.memref_slice %arg8[%dma_wait3A_2585] : memref<4x!tpu.dma_semaphore, #tpu.memory_space<semaphore_mem>> -> memref<1x!tpu.dma_semaphore, #tpu.memory_space<semaphore_mem>>
    %dma_wait3A_2596 = tpu.memref_squeeze %dma_wait3A_2595 : memref<1x!tpu.dma_semaphore, #tpu.memory_space<semaphore_mem>> -> memref<!tpu.dma_semaphore, #tpu.memory_space<semaphore_mem>>
    tpu.wait_indirect_dma semaphore(%dma_wait3A_2596 : memref<!tpu.dma_semaphore, #tpu.memory_space<semaphore_mem>>) src(%dma_wait3A_2594 : memref<100000x128xf32, #tpu.memory_space<hbm>>) dst(%dma_wait3A_2589 : memref<94x128xf32, #tpu.memory_space<vmem>>)
    %add3A_2597 = arith.constant 27 : i32
    %add3A_2598 = arith.addi %mul3A_2, %add3A_2597 : i32
    %mul3A_2599 = arith.constant 200 : i32
    %mul3A_2600 = arith.muli %add3A_2598, %mul3A_2599 : i32
    %dma_start3A_2601 = arith.constant 3 : i32
    %dma_start3A_2602 = arith.constant 3 : i32
    %dma_start3A_2603 = arith.constant 0 : i32
    %dma_start3A_2604 = arith.constant 0 : i32
    %dma_start3A_2605 = tpu.memref_slice %arg7[%dma_start3A_2601, %dma_start3A_2603, %dma_start3A_2604] : memref<4x200x128xf32, #tpu.memory_space<vmem>> -> memref<1x200x128xf32, #tpu.memory_space<vmem>>
    %dma_start3A_2606 = tpu.memref_squeeze %dma_start3A_2605 : memref<1x200x128xf32, #tpu.memory_space<vmem>> -> memref<200x128xf32, #tpu.memory_space<vmem>>
    %dma_start3A_2607 = arith.constant 0 : i32
    %dma_start3A_2608 = tpu.memref_slice %arg5[%mul3A_2600, %dma_start3A_2607] : memref<204800x128xf32, #tpu.memory_space<hbm>> -> memref<200x128xf32, #tpu.memory_space<hbm>>
    %dma_start3A_2609 = tpu.memref_slice %arg9[%dma_start3A_2602] : memref<4x!tpu.dma_semaphore, #tpu.memory_space<semaphore_mem>> -> memref<1x!tpu.dma_semaphore, #tpu.memory_space<semaphore_mem>>
    %dma_start3A_2610 = tpu.memref_squeeze %dma_start3A_2609 : memref<1x!tpu.dma_semaphore, #tpu.memory_space<semaphore_mem>> -> memref<!tpu.dma_semaphore, #tpu.memory_space<semaphore_mem>>
    %dma_start3A_2611 = arith.constant 0 : i32
    %dma_start3A_2612 = tpu.memref_slice %arg5[%mul3A_2600, %dma_start3A_2611] : memref<204800x128xf32, #tpu.memory_space<hbm>> -> memref<200x128xf32, #tpu.memory_space<hbm>>
    %dma_start3A_2613 = arith.constant 0 : i32
    %dma_start3A_2614 = arith.constant 0 : i32
    %dma_start3A_2615 = tpu.memref_slice %arg7[%dma_start3A_2601, %dma_start3A_2613, %dma_start3A_2614] : memref<4x200x128xf32, #tpu.memory_space<vmem>> -> memref<1x200x128xf32, #tpu.memory_space<vmem>>
    %dma_start3A_2616 = tpu.memref_squeeze %dma_start3A_2615 : memref<1x200x128xf32, #tpu.memory_space<vmem>> -> memref<200x128xf32, #tpu.memory_space<vmem>>
    tpu.enqueue_dma source(%dma_start3A_2616 : memref<200x128xf32, #tpu.memory_space<vmem>>) target(%dma_start3A_2612 : memref<200x128xf32, #tpu.memory_space<hbm>>) target_semaphore(%dma_start3A_2610 : memref<!tpu.dma_semaphore, #tpu.memory_space<semaphore_mem>>)
    %add3A_2617 = arith.constant 25 : i32
    %add3A_2618 = arith.addi %mul3A_2, %add3A_2617 : i32
    %mul3A_2619 = arith.constant 200 : i32
    %mul3A_2620 = arith.muli %add3A_2618, %mul3A_2619 : i32
    %dma_wait3A_2621 = arith.constant 1 : i32
    %dma_wait3A_2622 = arith.constant 1 : i32
    %dma_wait3A_2623 = arith.constant 0 : i32
    %dma_wait3A_2624 = arith.constant 0 : i32
    %dma_wait3A_2625 = tpu.memref_slice %arg7[%dma_wait3A_2621, %dma_wait3A_2623, %dma_wait3A_2624] : memref<4x200x128xf32, #tpu.memory_space<vmem>> -> memref<1x200x128xf32, #tpu.memory_space<vmem>>
    %dma_wait3A_2626 = tpu.memref_squeeze %dma_wait3A_2625 : memref<1x200x128xf32, #tpu.memory_space<vmem>> -> memref<200x128xf32, #tpu.memory_space<vmem>>
    %dma_wait3A_2627 = arith.constant 0 : i32
    %dma_wait3A_2628 = tpu.memref_slice %arg5[%mul3A_2620, %dma_wait3A_2627] : memref<204800x128xf32, #tpu.memory_space<hbm>> -> memref<200x128xf32, #tpu.memory_space<hbm>>
    %dma_wait3A_2629 = tpu.memref_slice %arg9[%dma_wait3A_2622] : memref<4x!tpu.dma_semaphore, #tpu.memory_space<semaphore_mem>> -> memref<1x!tpu.dma_semaphore, #tpu.memory_space<semaphore_mem>>
    %dma_wait3A_2630 = tpu.memref_squeeze %dma_wait3A_2629 : memref<1x!tpu.dma_semaphore, #tpu.memory_space<semaphore_mem>> -> memref<!tpu.dma_semaphore, #tpu.memory_space<semaphore_mem>>
    %dma_wait3A_2631 = arith.constant 0 : i32
    %dma_wait3A_2632 = tpu.memref_slice %arg5[%mul3A_2620, %dma_wait3A_2631] : memref<204800x128xf32, #tpu.memory_space<hbm>> -> memref<200x128xf32, #tpu.memory_space<hbm>>
    %dma_wait3A_2633 = arith.constant 0 : i32
    %dma_wait3A_2634 = arith.constant 0 : i32
    %dma_wait3A_2635 = tpu.memref_slice %arg7[%dma_wait3A_2621, %dma_wait3A_2633, %dma_wait3A_2634] : memref<4x200x128xf32, #tpu.memory_space<vmem>> -> memref<1x200x128xf32, #tpu.memory_space<vmem>>
    %dma_wait3A_2636 = tpu.memref_squeeze %dma_wait3A_2635 : memref<1x200x128xf32, #tpu.memory_space<vmem>> -> memref<200x128xf32, #tpu.memory_space<vmem>>
    tpu.wait_dma2 semaphore(%dma_wait3A_2630 : memref<!tpu.dma_semaphore, #tpu.memory_space<semaphore_mem>>) src(%dma_wait3A_2636 : memref<200x128xf32, #tpu.memory_space<vmem>>) dst(%dma_wait3A_2632 : memref<200x128xf32, #tpu.memory_space<hbm>>)
    %dma_start3A_2637 = arith.constant 1 : i32
    %dma_start3A_2638 = arith.constant 1 : i32
    %dma_start3A_2639 = arith.constant 10 : i32
    %dma_start3A_2640 = arith.constant 0 : i32
    %dma_start3A_2641 = tpu.memref_slice %arg7[%dma_start3A_2637, %dma_start3A_2639, %dma_start3A_2640] : memref<4x200x128xf32, #tpu.memory_space<vmem>> -> memref<1x96x128xf32, #tpu.memory_space<vmem>>
    %dma_start3A_2642 = tpu.memref_squeeze %dma_start3A_2641 : memref<1x96x128xf32, #tpu.memory_space<vmem>> -> memref<96x128xf32, #tpu.memory_space<vmem>>
    %dma_start3A_2643 = arith.constant 5568 : i32
    %dma_start3A_2644 = tpu.memref_slice %arg6[%dma_start3A_2643] : memref<6144xi32, #tpu.memory_space<vmem>> -> memref<96xi32, #tpu.memory_space<vmem>>
    %dma_start3A_2645 = arith.constant 0 : i32
    %dma_start3A_2646 = arith.constant 0 : i32
    %dma_start3A_2647 = tpu.memref_slice %arg3[%dma_start3A_2645, %dma_start3A_2646] : memref<100000x128xf32, #tpu.memory_space<hbm>> -> memref<100000x128xf32, #tpu.memory_space<hbm>>
    %dma_start3A_2648 = tpu.memref_slice %arg8[%dma_start3A_2638] : memref<4x!tpu.dma_semaphore, #tpu.memory_space<semaphore_mem>> -> memref<1x!tpu.dma_semaphore, #tpu.memory_space<semaphore_mem>>
    %dma_start3A_2649 = tpu.memref_squeeze %dma_start3A_2648 : memref<1x!tpu.dma_semaphore, #tpu.memory_space<semaphore_mem>> -> memref<!tpu.dma_semaphore, #tpu.memory_space<semaphore_mem>>
    tpu.enqueue_indirect_dma source(%dma_start3A_2647 : memref<100000x128xf32, #tpu.memory_space<hbm>>) target(%dma_start3A_2642 : memref<96x128xf32, #tpu.memory_space<vmem>>) offsets(%dma_start3A_2644 : memref<96xi32, #tpu.memory_space<vmem>>) semaphore(%dma_start3A_2649 : memref<!tpu.dma_semaphore, #tpu.memory_space<semaphore_mem>>)
    %dma_start3A_2650 = arith.constant 1 : i32
    %dma_start3A_2651 = arith.constant 1 : i32
    %dma_start3A_2652 = arith.constant 106 : i32
    %dma_start3A_2653 = arith.constant 0 : i32
    %dma_start3A_2654 = tpu.memref_slice %arg7[%dma_start3A_2650, %dma_start3A_2652, %dma_start3A_2653] : memref<4x200x128xf32, #tpu.memory_space<vmem>> -> memref<1x94x128xf32, #tpu.memory_space<vmem>>
    %dma_start3A_2655 = tpu.memref_squeeze %dma_start3A_2654 : memref<1x94x128xf32, #tpu.memory_space<vmem>> -> memref<94x128xf32, #tpu.memory_space<vmem>>
    %dma_start3A_2656 = arith.constant 5664 : i32
    %dma_start3A_2657 = tpu.memref_slice %arg6[%dma_start3A_2656] : memref<6144xi32, #tpu.memory_space<vmem>> -> memref<94xi32, #tpu.memory_space<vmem>>
    %dma_start3A_2658 = arith.constant 0 : i32
    %dma_start3A_2659 = arith.constant 0 : i32
    %dma_start3A_2660 = tpu.memref_slice %arg3[%dma_start3A_2658, %dma_start3A_2659] : memref<100000x128xf32, #tpu.memory_space<hbm>> -> memref<100000x128xf32, #tpu.memory_space<hbm>>
    %dma_start3A_2661 = tpu.memref_slice %arg8[%dma_start3A_2651] : memref<4x!tpu.dma_semaphore, #tpu.memory_space<semaphore_mem>> -> memref<1x!tpu.dma_semaphore, #tpu.memory_space<semaphore_mem>>
    %dma_start3A_2662 = tpu.memref_squeeze %dma_start3A_2661 : memref<1x!tpu.dma_semaphore, #tpu.memory_space<semaphore_mem>> -> memref<!tpu.dma_semaphore, #tpu.memory_space<semaphore_mem>>
    tpu.enqueue_indirect_dma source(%dma_start3A_2660 : memref<100000x128xf32, #tpu.memory_space<hbm>>) target(%dma_start3A_2655 : memref<94x128xf32, #tpu.memory_space<vmem>>) offsets(%dma_start3A_2657 : memref<94xi32, #tpu.memory_space<vmem>>) semaphore(%dma_start3A_2662 : memref<!tpu.dma_semaphore, #tpu.memory_space<semaphore_mem>>)
    %dma_wait3A_2663 = arith.constant 0 : i32
    %dma_wait3A_2664 = arith.constant 0 : i32
    %dma_wait3A_2665 = arith.constant 10 : i32
    %dma_wait3A_2666 = arith.constant 0 : i32
    %dma_wait3A_2667 = tpu.memref_slice %arg7[%dma_wait3A_2663, %dma_wait3A_2665, %dma_wait3A_2666] : memref<4x200x128xf32, #tpu.memory_space<vmem>> -> memref<1x96x128xf32, #tpu.memory_space<vmem>>
    %dma_wait3A_2668 = tpu.memref_squeeze %dma_wait3A_2667 : memref<1x96x128xf32, #tpu.memory_space<vmem>> -> memref<96x128xf32, #tpu.memory_space<vmem>>
    %dma_wait3A_2669 = arith.constant 5376 : i32
    %dma_wait3A_2670 = tpu.memref_slice %arg6[%dma_wait3A_2669] : memref<6144xi32, #tpu.memory_space<vmem>> -> memref<96xi32, #tpu.memory_space<vmem>>
    %dma_wait3A_2671 = arith.constant 0 : i32
    %dma_wait3A_2672 = arith.constant 0 : i32
    %dma_wait3A_2673 = tpu.memref_slice %arg3[%dma_wait3A_2671, %dma_wait3A_2672] : memref<100000x128xf32, #tpu.memory_space<hbm>> -> memref<100000x128xf32, #tpu.memory_space<hbm>>
    %dma_wait3A_2674 = tpu.memref_slice %arg8[%dma_wait3A_2664] : memref<4x!tpu.dma_semaphore, #tpu.memory_space<semaphore_mem>> -> memref<1x!tpu.dma_semaphore, #tpu.memory_space<semaphore_mem>>
    %dma_wait3A_2675 = tpu.memref_squeeze %dma_wait3A_2674 : memref<1x!tpu.dma_semaphore, #tpu.memory_space<semaphore_mem>> -> memref<!tpu.dma_semaphore, #tpu.memory_space<semaphore_mem>>
    tpu.wait_indirect_dma semaphore(%dma_wait3A_2675 : memref<!tpu.dma_semaphore, #tpu.memory_space<semaphore_mem>>) src(%dma_wait3A_2673 : memref<100000x128xf32, #tpu.memory_space<hbm>>) dst(%dma_wait3A_2668 : memref<96x128xf32, #tpu.memory_space<vmem>>)
    %dma_wait3A_2676 = arith.constant 0 : i32
    %dma_wait3A_2677 = arith.constant 0 : i32
    %dma_wait3A_2678 = arith.constant 106 : i32
    %dma_wait3A_2679 = arith.constant 0 : i32
    %dma_wait3A_2680 = tpu.memref_slice %arg7[%dma_wait3A_2676, %dma_wait3A_2678, %dma_wait3A_2679] : memref<4x200x128xf32, #tpu.memory_space<vmem>> -> memref<1x94x128xf32, #tpu.memory_space<vmem>>
    %dma_wait3A_2681 = tpu.memref_squeeze %dma_wait3A_2680 : memref<1x94x128xf32, #tpu.memory_space<vmem>> -> memref<94x128xf32, #tpu.memory_space<vmem>>
    %dma_wait3A_2682 = arith.constant 5472 : i32
    %dma_wait3A_2683 = tpu.memref_slice %arg6[%dma_wait3A_2682] : memref<6144xi32, #tpu.memory_space<vmem>> -> memref<94xi32, #tpu.memory_space<vmem>>
    %dma_wait3A_2684 = arith.constant 0 : i32
    %dma_wait3A_2685 = arith.constant 0 : i32
    %dma_wait3A_2686 = tpu.memref_slice %arg3[%dma_wait3A_2684, %dma_wait3A_2685] : memref<100000x128xf32, #tpu.memory_space<hbm>> -> memref<100000x128xf32, #tpu.memory_space<hbm>>
    %dma_wait3A_2687 = tpu.memref_slice %arg8[%dma_wait3A_2677] : memref<4x!tpu.dma_semaphore, #tpu.memory_space<semaphore_mem>> -> memref<1x!tpu.dma_semaphore, #tpu.memory_space<semaphore_mem>>
    %dma_wait3A_2688 = tpu.memref_squeeze %dma_wait3A_2687 : memref<1x!tpu.dma_semaphore, #tpu.memory_space<semaphore_mem>> -> memref<!tpu.dma_semaphore, #tpu.memory_space<semaphore_mem>>
    tpu.wait_indirect_dma semaphore(%dma_wait3A_2688 : memref<!tpu.dma_semaphore, #tpu.memory_space<semaphore_mem>>) src(%dma_wait3A_2686 : memref<100000x128xf32, #tpu.memory_space<hbm>>) dst(%dma_wait3A_2681 : memref<94x128xf32, #tpu.memory_space<vmem>>)
    %add3A_2689 = arith.constant 28 : i32
    %add3A_2690 = arith.addi %mul3A_2, %add3A_2689 : i32
    %mul3A_2691 = arith.constant 200 : i32
    %mul3A_2692 = arith.muli %add3A_2690, %mul3A_2691 : i32
    %dma_start3A_2693 = arith.constant 0 : i32
    %dma_start3A_2694 = arith.constant 0 : i32
    %dma_start3A_2695 = arith.constant 0 : i32
    %dma_start3A_2696 = arith.constant 0 : i32
    %dma_start3A_2697 = tpu.memref_slice %arg7[%dma_start3A_2693, %dma_start3A_2695, %dma_start3A_2696] : memref<4x200x128xf32, #tpu.memory_space<vmem>> -> memref<1x200x128xf32, #tpu.memory_space<vmem>>
    %dma_start3A_2698 = tpu.memref_squeeze %dma_start3A_2697 : memref<1x200x128xf32, #tpu.memory_space<vmem>> -> memref<200x128xf32, #tpu.memory_space<vmem>>
    %dma_start3A_2699 = arith.constant 0 : i32
    %dma_start3A_2700 = tpu.memref_slice %arg5[%mul3A_2692, %dma_start3A_2699] : memref<204800x128xf32, #tpu.memory_space<hbm>> -> memref<200x128xf32, #tpu.memory_space<hbm>>
    %dma_start3A_2701 = tpu.memref_slice %arg9[%dma_start3A_2694] : memref<4x!tpu.dma_semaphore, #tpu.memory_space<semaphore_mem>> -> memref<1x!tpu.dma_semaphore, #tpu.memory_space<semaphore_mem>>
    %dma_start3A_2702 = tpu.memref_squeeze %dma_start3A_2701 : memref<1x!tpu.dma_semaphore, #tpu.memory_space<semaphore_mem>> -> memref<!tpu.dma_semaphore, #tpu.memory_space<semaphore_mem>>
    %dma_start3A_2703 = arith.constant 0 : i32
    %dma_start3A_2704 = tpu.memref_slice %arg5[%mul3A_2692, %dma_start3A_2703] : memref<204800x128xf32, #tpu.memory_space<hbm>> -> memref<200x128xf32, #tpu.memory_space<hbm>>
    %dma_start3A_2705 = arith.constant 0 : i32
    %dma_start3A_2706 = arith.constant 0 : i32
    %dma_start3A_2707 = tpu.memref_slice %arg7[%dma_start3A_2693, %dma_start3A_2705, %dma_start3A_2706] : memref<4x200x128xf32, #tpu.memory_space<vmem>> -> memref<1x200x128xf32, #tpu.memory_space<vmem>>
    %dma_start3A_2708 = tpu.memref_squeeze %dma_start3A_2707 : memref<1x200x128xf32, #tpu.memory_space<vmem>> -> memref<200x128xf32, #tpu.memory_space<vmem>>
    tpu.enqueue_dma source(%dma_start3A_2708 : memref<200x128xf32, #tpu.memory_space<vmem>>) target(%dma_start3A_2704 : memref<200x128xf32, #tpu.memory_space<hbm>>) target_semaphore(%dma_start3A_2702 : memref<!tpu.dma_semaphore, #tpu.memory_space<semaphore_mem>>)
    %add3A_2709 = arith.constant 26 : i32
    %add3A_2710 = arith.addi %mul3A_2, %add3A_2709 : i32
    %mul3A_2711 = arith.constant 200 : i32
    %mul3A_2712 = arith.muli %add3A_2710, %mul3A_2711 : i32
    %dma_wait3A_2713 = arith.constant 2 : i32
    %dma_wait3A_2714 = arith.constant 2 : i32
    %dma_wait3A_2715 = arith.constant 0 : i32
    %dma_wait3A_2716 = arith.constant 0 : i32
    %dma_wait3A_2717 = tpu.memref_slice %arg7[%dma_wait3A_2713, %dma_wait3A_2715, %dma_wait3A_2716] : memref<4x200x128xf32, #tpu.memory_space<vmem>> -> memref<1x200x128xf32, #tpu.memory_space<vmem>>
    %dma_wait3A_2718 = tpu.memref_squeeze %dma_wait3A_2717 : memref<1x200x128xf32, #tpu.memory_space<vmem>> -> memref<200x128xf32, #tpu.memory_space<vmem>>
    %dma_wait3A_2719 = arith.constant 0 : i32
    %dma_wait3A_2720 = tpu.memref_slice %arg5[%mul3A_2712, %dma_wait3A_2719] : memref<204800x128xf32, #tpu.memory_space<hbm>> -> memref<200x128xf32, #tpu.memory_space<hbm>>
    %dma_wait3A_2721 = tpu.memref_slice %arg9[%dma_wait3A_2714] : memref<4x!tpu.dma_semaphore, #tpu.memory_space<semaphore_mem>> -> memref<1x!tpu.dma_semaphore, #tpu.memory_space<semaphore_mem>>
    %dma_wait3A_2722 = tpu.memref_squeeze %dma_wait3A_2721 : memref<1x!tpu.dma_semaphore, #tpu.memory_space<semaphore_mem>> -> memref<!tpu.dma_semaphore, #tpu.memory_space<semaphore_mem>>
    %dma_wait3A_2723 = arith.constant 0 : i32
    %dma_wait3A_2724 = tpu.memref_slice %arg5[%mul3A_2712, %dma_wait3A_2723] : memref<204800x128xf32, #tpu.memory_space<hbm>> -> memref<200x128xf32, #tpu.memory_space<hbm>>
    %dma_wait3A_2725 = arith.constant 0 : i32
    %dma_wait3A_2726 = arith.constant 0 : i32
    %dma_wait3A_2727 = tpu.memref_slice %arg7[%dma_wait3A_2713, %dma_wait3A_2725, %dma_wait3A_2726] : memref<4x200x128xf32, #tpu.memory_space<vmem>> -> memref<1x200x128xf32, #tpu.memory_space<vmem>>
    %dma_wait3A_2728 = tpu.memref_squeeze %dma_wait3A_2727 : memref<1x200x128xf32, #tpu.memory_space<vmem>> -> memref<200x128xf32, #tpu.memory_space<vmem>>
    tpu.wait_dma2 semaphore(%dma_wait3A_2722 : memref<!tpu.dma_semaphore, #tpu.memory_space<semaphore_mem>>) src(%dma_wait3A_2728 : memref<200x128xf32, #tpu.memory_space<vmem>>) dst(%dma_wait3A_2724 : memref<200x128xf32, #tpu.memory_space<hbm>>)
    %dma_start3A_2729 = arith.constant 2 : i32
    %dma_start3A_2730 = arith.constant 2 : i32
    %dma_start3A_2731 = arith.constant 10 : i32
    %dma_start3A_2732 = arith.constant 0 : i32
    %dma_start3A_2733 = tpu.memref_slice %arg7[%dma_start3A_2729, %dma_start3A_2731, %dma_start3A_2732] : memref<4x200x128xf32, #tpu.memory_space<vmem>> -> memref<1x96x128xf32, #tpu.memory_space<vmem>>
    %dma_start3A_2734 = tpu.memref_squeeze %dma_start3A_2733 : memref<1x96x128xf32, #tpu.memory_space<vmem>> -> memref<96x128xf32, #tpu.memory_space<vmem>>
    %dma_start3A_2735 = arith.constant 5760 : i32
    %dma_start3A_2736 = tpu.memref_slice %arg6[%dma_start3A_2735] : memref<6144xi32, #tpu.memory_space<vmem>> -> memref<96xi32, #tpu.memory_space<vmem>>
    %dma_start3A_2737 = arith.constant 0 : i32
    %dma_start3A_2738 = arith.constant 0 : i32
    %dma_start3A_2739 = tpu.memref_slice %arg3[%dma_start3A_2737, %dma_start3A_2738] : memref<100000x128xf32, #tpu.memory_space<hbm>> -> memref<100000x128xf32, #tpu.memory_space<hbm>>
    %dma_start3A_2740 = tpu.memref_slice %arg8[%dma_start3A_2730] : memref<4x!tpu.dma_semaphore, #tpu.memory_space<semaphore_mem>> -> memref<1x!tpu.dma_semaphore, #tpu.memory_space<semaphore_mem>>
    %dma_start3A_2741 = tpu.memref_squeeze %dma_start3A_2740 : memref<1x!tpu.dma_semaphore, #tpu.memory_space<semaphore_mem>> -> memref<!tpu.dma_semaphore, #tpu.memory_space<semaphore_mem>>
    tpu.enqueue_indirect_dma source(%dma_start3A_2739 : memref<100000x128xf32, #tpu.memory_space<hbm>>) target(%dma_start3A_2734 : memref<96x128xf32, #tpu.memory_space<vmem>>) offsets(%dma_start3A_2736 : memref<96xi32, #tpu.memory_space<vmem>>) semaphore(%dma_start3A_2741 : memref<!tpu.dma_semaphore, #tpu.memory_space<semaphore_mem>>)
    %dma_start3A_2742 = arith.constant 2 : i32
    %dma_start3A_2743 = arith.constant 2 : i32
    %dma_start3A_2744 = arith.constant 106 : i32
    %dma_start3A_2745 = arith.constant 0 : i32
    %dma_start3A_2746 = tpu.memref_slice %arg7[%dma_start3A_2742, %dma_start3A_2744, %dma_start3A_2745] : memref<4x200x128xf32, #tpu.memory_space<vmem>> -> memref<1x94x128xf32, #tpu.memory_space<vmem>>
    %dma_start3A_2747 = tpu.memref_squeeze %dma_start3A_2746 : memref<1x94x128xf32, #tpu.memory_space<vmem>> -> memref<94x128xf32, #tpu.memory_space<vmem>>
    %dma_start3A_2748 = arith.constant 5856 : i32
    %dma_start3A_2749 = tpu.memref_slice %arg6[%dma_start3A_2748] : memref<6144xi32, #tpu.memory_space<vmem>> -> memref<94xi32, #tpu.memory_space<vmem>>
    %dma_start3A_2750 = arith.constant 0 : i32
    %dma_start3A_2751 = arith.constant 0 : i32
    %dma_start3A_2752 = tpu.memref_slice %arg3[%dma_start3A_2750, %dma_start3A_2751] : memref<100000x128xf32, #tpu.memory_space<hbm>> -> memref<100000x128xf32, #tpu.memory_space<hbm>>
    %dma_start3A_2753 = tpu.memref_slice %arg8[%dma_start3A_2743] : memref<4x!tpu.dma_semaphore, #tpu.memory_space<semaphore_mem>> -> memref<1x!tpu.dma_semaphore, #tpu.memory_space<semaphore_mem>>
    %dma_start3A_2754 = tpu.memref_squeeze %dma_start3A_2753 : memref<1x!tpu.dma_semaphore, #tpu.memory_space<semaphore_mem>> -> memref<!tpu.dma_semaphore, #tpu.memory_space<semaphore_mem>>
    tpu.enqueue_indirect_dma source(%dma_start3A_2752 : memref<100000x128xf32, #tpu.memory_space<hbm>>) target(%dma_start3A_2747 : memref<94x128xf32, #tpu.memory_space<vmem>>) offsets(%dma_start3A_2749 : memref<94xi32, #tpu.memory_space<vmem>>) semaphore(%dma_start3A_2754 : memref<!tpu.dma_semaphore, #tpu.memory_space<semaphore_mem>>)
    %dma_wait3A_2755 = arith.constant 1 : i32
    %dma_wait3A_2756 = arith.constant 1 : i32
    %dma_wait3A_2757 = arith.constant 10 : i32
    %dma_wait3A_2758 = arith.constant 0 : i32
    %dma_wait3A_2759 = tpu.memref_slice %arg7[%dma_wait3A_2755, %dma_wait3A_2757, %dma_wait3A_2758] : memref<4x200x128xf32, #tpu.memory_space<vmem>> -> memref<1x96x128xf32, #tpu.memory_space<vmem>>
    %dma_wait3A_2760 = tpu.memref_squeeze %dma_wait3A_2759 : memref<1x96x128xf32, #tpu.memory_space<vmem>> -> memref<96x128xf32, #tpu.memory_space<vmem>>
    %dma_wait3A_2761 = arith.constant 5568 : i32
    %dma_wait3A_2762 = tpu.memref_slice %arg6[%dma_wait3A_2761] : memref<6144xi32, #tpu.memory_space<vmem>> -> memref<96xi32, #tpu.memory_space<vmem>>
    %dma_wait3A_2763 = arith.constant 0 : i32
    %dma_wait3A_2764 = arith.constant 0 : i32
    %dma_wait3A_2765 = tpu.memref_slice %arg3[%dma_wait3A_2763, %dma_wait3A_2764] : memref<100000x128xf32, #tpu.memory_space<hbm>> -> memref<100000x128xf32, #tpu.memory_space<hbm>>
    %dma_wait3A_2766 = tpu.memref_slice %arg8[%dma_wait3A_2756] : memref<4x!tpu.dma_semaphore, #tpu.memory_space<semaphore_mem>> -> memref<1x!tpu.dma_semaphore, #tpu.memory_space<semaphore_mem>>
    %dma_wait3A_2767 = tpu.memref_squeeze %dma_wait3A_2766 : memref<1x!tpu.dma_semaphore, #tpu.memory_space<semaphore_mem>> -> memref<!tpu.dma_semaphore, #tpu.memory_space<semaphore_mem>>
    tpu.wait_indirect_dma semaphore(%dma_wait3A_2767 : memref<!tpu.dma_semaphore, #tpu.memory_space<semaphore_mem>>) src(%dma_wait3A_2765 : memref<100000x128xf32, #tpu.memory_space<hbm>>) dst(%dma_wait3A_2760 : memref<96x128xf32, #tpu.memory_space<vmem>>)
    %dma_wait3A_2768 = arith.constant 1 : i32
    %dma_wait3A_2769 = arith.constant 1 : i32
    %dma_wait3A_2770 = arith.constant 106 : i32
    %dma_wait3A_2771 = arith.constant 0 : i32
    %dma_wait3A_2772 = tpu.memref_slice %arg7[%dma_wait3A_2768, %dma_wait3A_2770, %dma_wait3A_2771] : memref<4x200x128xf32, #tpu.memory_space<vmem>> -> memref<1x94x128xf32, #tpu.memory_space<vmem>>
    %dma_wait3A_2773 = tpu.memref_squeeze %dma_wait3A_2772 : memref<1x94x128xf32, #tpu.memory_space<vmem>> -> memref<94x128xf32, #tpu.memory_space<vmem>>
    %dma_wait3A_2774 = arith.constant 5664 : i32
    %dma_wait3A_2775 = tpu.memref_slice %arg6[%dma_wait3A_2774] : memref<6144xi32, #tpu.memory_space<vmem>> -> memref<94xi32, #tpu.memory_space<vmem>>
    %dma_wait3A_2776 = arith.constant 0 : i32
    %dma_wait3A_2777 = arith.constant 0 : i32
    %dma_wait3A_2778 = tpu.memref_slice %arg3[%dma_wait3A_2776, %dma_wait3A_2777] : memref<100000x128xf32, #tpu.memory_space<hbm>> -> memref<100000x128xf32, #tpu.memory_space<hbm>>
    %dma_wait3A_2779 = tpu.memref_slice %arg8[%dma_wait3A_2769] : memref<4x!tpu.dma_semaphore, #tpu.memory_space<semaphore_mem>> -> memref<1x!tpu.dma_semaphore, #tpu.memory_space<semaphore_mem>>
    %dma_wait3A_2780 = tpu.memref_squeeze %dma_wait3A_2779 : memref<1x!tpu.dma_semaphore, #tpu.memory_space<semaphore_mem>> -> memref<!tpu.dma_semaphore, #tpu.memory_space<semaphore_mem>>
    tpu.wait_indirect_dma semaphore(%dma_wait3A_2780 : memref<!tpu.dma_semaphore, #tpu.memory_space<semaphore_mem>>) src(%dma_wait3A_2778 : memref<100000x128xf32, #tpu.memory_space<hbm>>) dst(%dma_wait3A_2773 : memref<94x128xf32, #tpu.memory_space<vmem>>)
    %add3A_2781 = arith.constant 29 : i32
    %add3A_2782 = arith.addi %mul3A_2, %add3A_2781 : i32
    %mul3A_2783 = arith.constant 200 : i32
    %mul3A_2784 = arith.muli %add3A_2782, %mul3A_2783 : i32
    %dma_start3A_2785 = arith.constant 1 : i32
    %dma_start3A_2786 = arith.constant 1 : i32
    %dma_start3A_2787 = arith.constant 0 : i32
    %dma_start3A_2788 = arith.constant 0 : i32
    %dma_start3A_2789 = tpu.memref_slice %arg7[%dma_start3A_2785, %dma_start3A_2787, %dma_start3A_2788] : memref<4x200x128xf32, #tpu.memory_space<vmem>> -> memref<1x200x128xf32, #tpu.memory_space<vmem>>
    %dma_start3A_2790 = tpu.memref_squeeze %dma_start3A_2789 : memref<1x200x128xf32, #tpu.memory_space<vmem>> -> memref<200x128xf32, #tpu.memory_space<vmem>>
    %dma_start3A_2791 = arith.constant 0 : i32
    %dma_start3A_2792 = tpu.memref_slice %arg5[%mul3A_2784, %dma_start3A_2791] : memref<204800x128xf32, #tpu.memory_space<hbm>> -> memref<200x128xf32, #tpu.memory_space<hbm>>
    %dma_start3A_2793 = tpu.memref_slice %arg9[%dma_start3A_2786] : memref<4x!tpu.dma_semaphore, #tpu.memory_space<semaphore_mem>> -> memref<1x!tpu.dma_semaphore, #tpu.memory_space<semaphore_mem>>
    %dma_start3A_2794 = tpu.memref_squeeze %dma_start3A_2793 : memref<1x!tpu.dma_semaphore, #tpu.memory_space<semaphore_mem>> -> memref<!tpu.dma_semaphore, #tpu.memory_space<semaphore_mem>>
    %dma_start3A_2795 = arith.constant 0 : i32
    %dma_start3A_2796 = tpu.memref_slice %arg5[%mul3A_2784, %dma_start3A_2795] : memref<204800x128xf32, #tpu.memory_space<hbm>> -> memref<200x128xf32, #tpu.memory_space<hbm>>
    %dma_start3A_2797 = arith.constant 0 : i32
    %dma_start3A_2798 = arith.constant 0 : i32
    %dma_start3A_2799 = tpu.memref_slice %arg7[%dma_start3A_2785, %dma_start3A_2797, %dma_start3A_2798] : memref<4x200x128xf32, #tpu.memory_space<vmem>> -> memref<1x200x128xf32, #tpu.memory_space<vmem>>
    %dma_start3A_2800 = tpu.memref_squeeze %dma_start3A_2799 : memref<1x200x128xf32, #tpu.memory_space<vmem>> -> memref<200x128xf32, #tpu.memory_space<vmem>>
    tpu.enqueue_dma source(%dma_start3A_2800 : memref<200x128xf32, #tpu.memory_space<vmem>>) target(%dma_start3A_2796 : memref<200x128xf32, #tpu.memory_space<hbm>>) target_semaphore(%dma_start3A_2794 : memref<!tpu.dma_semaphore, #tpu.memory_space<semaphore_mem>>)
    %add3A_2801 = arith.constant 27 : i32
    %add3A_2802 = arith.addi %mul3A_2, %add3A_2801 : i32
    %mul3A_2803 = arith.constant 200 : i32
    %mul3A_2804 = arith.muli %add3A_2802, %mul3A_2803 : i32
    %dma_wait3A_2805 = arith.constant 3 : i32
    %dma_wait3A_2806 = arith.constant 3 : i32
    %dma_wait3A_2807 = arith.constant 0 : i32
    %dma_wait3A_2808 = arith.constant 0 : i32
    %dma_wait3A_2809 = tpu.memref_slice %arg7[%dma_wait3A_2805, %dma_wait3A_2807, %dma_wait3A_2808] : memref<4x200x128xf32, #tpu.memory_space<vmem>> -> memref<1x200x128xf32, #tpu.memory_space<vmem>>
    %dma_wait3A_2810 = tpu.memref_squeeze %dma_wait3A_2809 : memref<1x200x128xf32, #tpu.memory_space<vmem>> -> memref<200x128xf32, #tpu.memory_space<vmem>>
    %dma_wait3A_2811 = arith.constant 0 : i32
    %dma_wait3A_2812 = tpu.memref_slice %arg5[%mul3A_2804, %dma_wait3A_2811] : memref<204800x128xf32, #tpu.memory_space<hbm>> -> memref<200x128xf32, #tpu.memory_space<hbm>>
    %dma_wait3A_2813 = tpu.memref_slice %arg9[%dma_wait3A_2806] : memref<4x!tpu.dma_semaphore, #tpu.memory_space<semaphore_mem>> -> memref<1x!tpu.dma_semaphore, #tpu.memory_space<semaphore_mem>>
    %dma_wait3A_2814 = tpu.memref_squeeze %dma_wait3A_2813 : memref<1x!tpu.dma_semaphore, #tpu.memory_space<semaphore_mem>> -> memref<!tpu.dma_semaphore, #tpu.memory_space<semaphore_mem>>
    %dma_wait3A_2815 = arith.constant 0 : i32
    %dma_wait3A_2816 = tpu.memref_slice %arg5[%mul3A_2804, %dma_wait3A_2815] : memref<204800x128xf32, #tpu.memory_space<hbm>> -> memref<200x128xf32, #tpu.memory_space<hbm>>
    %dma_wait3A_2817 = arith.constant 0 : i32
    %dma_wait3A_2818 = arith.constant 0 : i32
    %dma_wait3A_2819 = tpu.memref_slice %arg7[%dma_wait3A_2805, %dma_wait3A_2817, %dma_wait3A_2818] : memref<4x200x128xf32, #tpu.memory_space<vmem>> -> memref<1x200x128xf32, #tpu.memory_space<vmem>>
    %dma_wait3A_2820 = tpu.memref_squeeze %dma_wait3A_2819 : memref<1x200x128xf32, #tpu.memory_space<vmem>> -> memref<200x128xf32, #tpu.memory_space<vmem>>
    tpu.wait_dma2 semaphore(%dma_wait3A_2814 : memref<!tpu.dma_semaphore, #tpu.memory_space<semaphore_mem>>) src(%dma_wait3A_2820 : memref<200x128xf32, #tpu.memory_space<vmem>>) dst(%dma_wait3A_2816 : memref<200x128xf32, #tpu.memory_space<hbm>>)
    %dma_start3A_2821 = arith.constant 3 : i32
    %dma_start3A_2822 = arith.constant 3 : i32
    %dma_start3A_2823 = arith.constant 10 : i32
    %dma_start3A_2824 = arith.constant 0 : i32
    %dma_start3A_2825 = tpu.memref_slice %arg7[%dma_start3A_2821, %dma_start3A_2823, %dma_start3A_2824] : memref<4x200x128xf32, #tpu.memory_space<vmem>> -> memref<1x96x128xf32, #tpu.memory_space<vmem>>
    %dma_start3A_2826 = tpu.memref_squeeze %dma_start3A_2825 : memref<1x96x128xf32, #tpu.memory_space<vmem>> -> memref<96x128xf32, #tpu.memory_space<vmem>>
    %dma_start3A_2827 = arith.constant 5952 : i32
    %dma_start3A_2828 = tpu.memref_slice %arg6[%dma_start3A_2827] : memref<6144xi32, #tpu.memory_space<vmem>> -> memref<96xi32, #tpu.memory_space<vmem>>
    %dma_start3A_2829 = arith.constant 0 : i32
    %dma_start3A_2830 = arith.constant 0 : i32
    %dma_start3A_2831 = tpu.memref_slice %arg3[%dma_start3A_2829, %dma_start3A_2830] : memref<100000x128xf32, #tpu.memory_space<hbm>> -> memref<100000x128xf32, #tpu.memory_space<hbm>>
    %dma_start3A_2832 = tpu.memref_slice %arg8[%dma_start3A_2822] : memref<4x!tpu.dma_semaphore, #tpu.memory_space<semaphore_mem>> -> memref<1x!tpu.dma_semaphore, #tpu.memory_space<semaphore_mem>>
    %dma_start3A_2833 = tpu.memref_squeeze %dma_start3A_2832 : memref<1x!tpu.dma_semaphore, #tpu.memory_space<semaphore_mem>> -> memref<!tpu.dma_semaphore, #tpu.memory_space<semaphore_mem>>
    tpu.enqueue_indirect_dma source(%dma_start3A_2831 : memref<100000x128xf32, #tpu.memory_space<hbm>>) target(%dma_start3A_2826 : memref<96x128xf32, #tpu.memory_space<vmem>>) offsets(%dma_start3A_2828 : memref<96xi32, #tpu.memory_space<vmem>>) semaphore(%dma_start3A_2833 : memref<!tpu.dma_semaphore, #tpu.memory_space<semaphore_mem>>)
    %dma_start3A_2834 = arith.constant 3 : i32
    %dma_start3A_2835 = arith.constant 3 : i32
    %dma_start3A_2836 = arith.constant 106 : i32
    %dma_start3A_2837 = arith.constant 0 : i32
    %dma_start3A_2838 = tpu.memref_slice %arg7[%dma_start3A_2834, %dma_start3A_2836, %dma_start3A_2837] : memref<4x200x128xf32, #tpu.memory_space<vmem>> -> memref<1x94x128xf32, #tpu.memory_space<vmem>>
    %dma_start3A_2839 = tpu.memref_squeeze %dma_start3A_2838 : memref<1x94x128xf32, #tpu.memory_space<vmem>> -> memref<94x128xf32, #tpu.memory_space<vmem>>
    %dma_start3A_2840 = arith.constant 6048 : i32
    %dma_start3A_2841 = tpu.memref_slice %arg6[%dma_start3A_2840] : memref<6144xi32, #tpu.memory_space<vmem>> -> memref<94xi32, #tpu.memory_space<vmem>>
    %dma_start3A_2842 = arith.constant 0 : i32
    %dma_start3A_2843 = arith.constant 0 : i32
    %dma_start3A_2844 = tpu.memref_slice %arg3[%dma_start3A_2842, %dma_start3A_2843] : memref<100000x128xf32, #tpu.memory_space<hbm>> -> memref<100000x128xf32, #tpu.memory_space<hbm>>
    %dma_start3A_2845 = tpu.memref_slice %arg8[%dma_start3A_2835] : memref<4x!tpu.dma_semaphore, #tpu.memory_space<semaphore_mem>> -> memref<1x!tpu.dma_semaphore, #tpu.memory_space<semaphore_mem>>
    %dma_start3A_2846 = tpu.memref_squeeze %dma_start3A_2845 : memref<1x!tpu.dma_semaphore, #tpu.memory_space<semaphore_mem>> -> memref<!tpu.dma_semaphore, #tpu.memory_space<semaphore_mem>>
    tpu.enqueue_indirect_dma source(%dma_start3A_2844 : memref<100000x128xf32, #tpu.memory_space<hbm>>) target(%dma_start3A_2839 : memref<94x128xf32, #tpu.memory_space<vmem>>) offsets(%dma_start3A_2841 : memref<94xi32, #tpu.memory_space<vmem>>) semaphore(%dma_start3A_2846 : memref<!tpu.dma_semaphore, #tpu.memory_space<semaphore_mem>>)
    %dma_wait3A_2847 = arith.constant 2 : i32
    %dma_wait3A_2848 = arith.constant 2 : i32
    %dma_wait3A_2849 = arith.constant 10 : i32
    %dma_wait3A_2850 = arith.constant 0 : i32
    %dma_wait3A_2851 = tpu.memref_slice %arg7[%dma_wait3A_2847, %dma_wait3A_2849, %dma_wait3A_2850] : memref<4x200x128xf32, #tpu.memory_space<vmem>> -> memref<1x96x128xf32, #tpu.memory_space<vmem>>
    %dma_wait3A_2852 = tpu.memref_squeeze %dma_wait3A_2851 : memref<1x96x128xf32, #tpu.memory_space<vmem>> -> memref<96x128xf32, #tpu.memory_space<vmem>>
    %dma_wait3A_2853 = arith.constant 5760 : i32
    %dma_wait3A_2854 = tpu.memref_slice %arg6[%dma_wait3A_2853] : memref<6144xi32, #tpu.memory_space<vmem>> -> memref<96xi32, #tpu.memory_space<vmem>>
    %dma_wait3A_2855 = arith.constant 0 : i32
    %dma_wait3A_2856 = arith.constant 0 : i32
    %dma_wait3A_2857 = tpu.memref_slice %arg3[%dma_wait3A_2855, %dma_wait3A_2856] : memref<100000x128xf32, #tpu.memory_space<hbm>> -> memref<100000x128xf32, #tpu.memory_space<hbm>>
    %dma_wait3A_2858 = tpu.memref_slice %arg8[%dma_wait3A_2848] : memref<4x!tpu.dma_semaphore, #tpu.memory_space<semaphore_mem>> -> memref<1x!tpu.dma_semaphore, #tpu.memory_space<semaphore_mem>>
    %dma_wait3A_2859 = tpu.memref_squeeze %dma_wait3A_2858 : memref<1x!tpu.dma_semaphore, #tpu.memory_space<semaphore_mem>> -> memref<!tpu.dma_semaphore, #tpu.memory_space<semaphore_mem>>
    tpu.wait_indirect_dma semaphore(%dma_wait3A_2859 : memref<!tpu.dma_semaphore, #tpu.memory_space<semaphore_mem>>) src(%dma_wait3A_2857 : memref<100000x128xf32, #tpu.memory_space<hbm>>) dst(%dma_wait3A_2852 : memref<96x128xf32, #tpu.memory_space<vmem>>)
    %dma_wait3A_2860 = arith.constant 2 : i32
    %dma_wait3A_2861 = arith.constant 2 : i32
    %dma_wait3A_2862 = arith.constant 106 : i32
    %dma_wait3A_2863 = arith.constant 0 : i32
    %dma_wait3A_2864 = tpu.memref_slice %arg7[%dma_wait3A_2860, %dma_wait3A_2862, %dma_wait3A_2863] : memref<4x200x128xf32, #tpu.memory_space<vmem>> -> memref<1x94x128xf32, #tpu.memory_space<vmem>>
    %dma_wait3A_2865 = tpu.memref_squeeze %dma_wait3A_2864 : memref<1x94x128xf32, #tpu.memory_space<vmem>> -> memref<94x128xf32, #tpu.memory_space<vmem>>
    %dma_wait3A_2866 = arith.constant 5856 : i32
    %dma_wait3A_2867 = tpu.memref_slice %arg6[%dma_wait3A_2866] : memref<6144xi32, #tpu.memory_space<vmem>> -> memref<94xi32, #tpu.memory_space<vmem>>
    %dma_wait3A_2868 = arith.constant 0 : i32
    %dma_wait3A_2869 = arith.constant 0 : i32
    %dma_wait3A_2870 = tpu.memref_slice %arg3[%dma_wait3A_2868, %dma_wait3A_2869] : memref<100000x128xf32, #tpu.memory_space<hbm>> -> memref<100000x128xf32, #tpu.memory_space<hbm>>
    %dma_wait3A_2871 = tpu.memref_slice %arg8[%dma_wait3A_2861] : memref<4x!tpu.dma_semaphore, #tpu.memory_space<semaphore_mem>> -> memref<1x!tpu.dma_semaphore, #tpu.memory_space<semaphore_mem>>
    %dma_wait3A_2872 = tpu.memref_squeeze %dma_wait3A_2871 : memref<1x!tpu.dma_semaphore, #tpu.memory_space<semaphore_mem>> -> memref<!tpu.dma_semaphore, #tpu.memory_space<semaphore_mem>>
    tpu.wait_indirect_dma semaphore(%dma_wait3A_2872 : memref<!tpu.dma_semaphore, #tpu.memory_space<semaphore_mem>>) src(%dma_wait3A_2870 : memref<100000x128xf32, #tpu.memory_space<hbm>>) dst(%dma_wait3A_2865 : memref<94x128xf32, #tpu.memory_space<vmem>>)
    %add3A_2873 = arith.constant 30 : i32
    %add3A_2874 = arith.addi %mul3A_2, %add3A_2873 : i32
    %mul3A_2875 = arith.constant 200 : i32
    %mul3A_2876 = arith.muli %add3A_2874, %mul3A_2875 : i32
    %dma_start3A_2877 = arith.constant 2 : i32
    %dma_start3A_2878 = arith.constant 2 : i32
    %dma_start3A_2879 = arith.constant 0 : i32
    %dma_start3A_2880 = arith.constant 0 : i32
    %dma_start3A_2881 = tpu.memref_slice %arg7[%dma_start3A_2877, %dma_start3A_2879, %dma_start3A_2880] : memref<4x200x128xf32, #tpu.memory_space<vmem>> -> memref<1x200x128xf32, #tpu.memory_space<vmem>>
    %dma_start3A_2882 = tpu.memref_squeeze %dma_start3A_2881 : memref<1x200x128xf32, #tpu.memory_space<vmem>> -> memref<200x128xf32, #tpu.memory_space<vmem>>
    %dma_start3A_2883 = arith.constant 0 : i32
    %dma_start3A_2884 = tpu.memref_slice %arg5[%mul3A_2876, %dma_start3A_2883] : memref<204800x128xf32, #tpu.memory_space<hbm>> -> memref<200x128xf32, #tpu.memory_space<hbm>>
    %dma_start3A_2885 = tpu.memref_slice %arg9[%dma_start3A_2878] : memref<4x!tpu.dma_semaphore, #tpu.memory_space<semaphore_mem>> -> memref<1x!tpu.dma_semaphore, #tpu.memory_space<semaphore_mem>>
    %dma_start3A_2886 = tpu.memref_squeeze %dma_start3A_2885 : memref<1x!tpu.dma_semaphore, #tpu.memory_space<semaphore_mem>> -> memref<!tpu.dma_semaphore, #tpu.memory_space<semaphore_mem>>
    %dma_start3A_2887 = arith.constant 0 : i32
    %dma_start3A_2888 = tpu.memref_slice %arg5[%mul3A_2876, %dma_start3A_2887] : memref<204800x128xf32, #tpu.memory_space<hbm>> -> memref<200x128xf32, #tpu.memory_space<hbm>>
    %dma_start3A_2889 = arith.constant 0 : i32
    %dma_start3A_2890 = arith.constant 0 : i32
    %dma_start3A_2891 = tpu.memref_slice %arg7[%dma_start3A_2877, %dma_start3A_2889, %dma_start3A_2890] : memref<4x200x128xf32, #tpu.memory_space<vmem>> -> memref<1x200x128xf32, #tpu.memory_space<vmem>>
    %dma_start3A_2892 = tpu.memref_squeeze %dma_start3A_2891 : memref<1x200x128xf32, #tpu.memory_space<vmem>> -> memref<200x128xf32, #tpu.memory_space<vmem>>
    tpu.enqueue_dma source(%dma_start3A_2892 : memref<200x128xf32, #tpu.memory_space<vmem>>) target(%dma_start3A_2888 : memref<200x128xf32, #tpu.memory_space<hbm>>) target_semaphore(%dma_start3A_2886 : memref<!tpu.dma_semaphore, #tpu.memory_space<semaphore_mem>>)
    %add3A_2893 = arith.constant 28 : i32
    %add3A_2894 = arith.addi %mul3A_2, %add3A_2893 : i32
    %mul3A_2895 = arith.constant 200 : i32
    %mul3A_2896 = arith.muli %add3A_2894, %mul3A_2895 : i32
    %dma_wait3A_2897 = arith.constant 0 : i32
    %dma_wait3A_2898 = arith.constant 0 : i32
    %dma_wait3A_2899 = arith.constant 0 : i32
    %dma_wait3A_2900 = arith.constant 0 : i32
    %dma_wait3A_2901 = tpu.memref_slice %arg7[%dma_wait3A_2897, %dma_wait3A_2899, %dma_wait3A_2900] : memref<4x200x128xf32, #tpu.memory_space<vmem>> -> memref<1x200x128xf32, #tpu.memory_space<vmem>>
    %dma_wait3A_2902 = tpu.memref_squeeze %dma_wait3A_2901 : memref<1x200x128xf32, #tpu.memory_space<vmem>> -> memref<200x128xf32, #tpu.memory_space<vmem>>
    %dma_wait3A_2903 = arith.constant 0 : i32
    %dma_wait3A_2904 = tpu.memref_slice %arg5[%mul3A_2896, %dma_wait3A_2903] : memref<204800x128xf32, #tpu.memory_space<hbm>> -> memref<200x128xf32, #tpu.memory_space<hbm>>
    %dma_wait3A_2905 = tpu.memref_slice %arg9[%dma_wait3A_2898] : memref<4x!tpu.dma_semaphore, #tpu.memory_space<semaphore_mem>> -> memref<1x!tpu.dma_semaphore, #tpu.memory_space<semaphore_mem>>
    %dma_wait3A_2906 = tpu.memref_squeeze %dma_wait3A_2905 : memref<1x!tpu.dma_semaphore, #tpu.memory_space<semaphore_mem>> -> memref<!tpu.dma_semaphore, #tpu.memory_space<semaphore_mem>>
    %dma_wait3A_2907 = arith.constant 0 : i32
    %dma_wait3A_2908 = tpu.memref_slice %arg5[%mul3A_2896, %dma_wait3A_2907] : memref<204800x128xf32, #tpu.memory_space<hbm>> -> memref<200x128xf32, #tpu.memory_space<hbm>>
    %dma_wait3A_2909 = arith.constant 0 : i32
    %dma_wait3A_2910 = arith.constant 0 : i32
    %dma_wait3A_2911 = tpu.memref_slice %arg7[%dma_wait3A_2897, %dma_wait3A_2909, %dma_wait3A_2910] : memref<4x200x128xf32, #tpu.memory_space<vmem>> -> memref<1x200x128xf32, #tpu.memory_space<vmem>>
    %dma_wait3A_2912 = tpu.memref_squeeze %dma_wait3A_2911 : memref<1x200x128xf32, #tpu.memory_space<vmem>> -> memref<200x128xf32, #tpu.memory_space<vmem>>
    tpu.wait_dma2 semaphore(%dma_wait3A_2906 : memref<!tpu.dma_semaphore, #tpu.memory_space<semaphore_mem>>) src(%dma_wait3A_2912 : memref<200x128xf32, #tpu.memory_space<vmem>>) dst(%dma_wait3A_2908 : memref<200x128xf32, #tpu.memory_space<hbm>>)
    %dma_wait3A_2913 = arith.constant 3 : i32
    %dma_wait3A_2914 = arith.constant 3 : i32
    %dma_wait3A_2915 = arith.constant 10 : i32
    %dma_wait3A_2916 = arith.constant 0 : i32
    %dma_wait3A_2917 = tpu.memref_slice %arg7[%dma_wait3A_2913, %dma_wait3A_2915, %dma_wait3A_2916] : memref<4x200x128xf32, #tpu.memory_space<vmem>> -> memref<1x96x128xf32, #tpu.memory_space<vmem>>
    %dma_wait3A_2918 = tpu.memref_squeeze %dma_wait3A_2917 : memref<1x96x128xf32, #tpu.memory_space<vmem>> -> memref<96x128xf32, #tpu.memory_space<vmem>>
    %dma_wait3A_2919 = arith.constant 5952 : i32
    %dma_wait3A_2920 = tpu.memref_slice %arg6[%dma_wait3A_2919] : memref<6144xi32, #tpu.memory_space<vmem>> -> memref<96xi32, #tpu.memory_space<vmem>>
    %dma_wait3A_2921 = arith.constant 0 : i32
    %dma_wait3A_2922 = arith.constant 0 : i32
    %dma_wait3A_2923 = tpu.memref_slice %arg3[%dma_wait3A_2921, %dma_wait3A_2922] : memref<100000x128xf32, #tpu.memory_space<hbm>> -> memref<100000x128xf32, #tpu.memory_space<hbm>>
    %dma_wait3A_2924 = tpu.memref_slice %arg8[%dma_wait3A_2914] : memref<4x!tpu.dma_semaphore, #tpu.memory_space<semaphore_mem>> -> memref<1x!tpu.dma_semaphore, #tpu.memory_space<semaphore_mem>>
    %dma_wait3A_2925 = tpu.memref_squeeze %dma_wait3A_2924 : memref<1x!tpu.dma_semaphore, #tpu.memory_space<semaphore_mem>> -> memref<!tpu.dma_semaphore, #tpu.memory_space<semaphore_mem>>
    tpu.wait_indirect_dma semaphore(%dma_wait3A_2925 : memref<!tpu.dma_semaphore, #tpu.memory_space<semaphore_mem>>) src(%dma_wait3A_2923 : memref<100000x128xf32, #tpu.memory_space<hbm>>) dst(%dma_wait3A_2918 : memref<96x128xf32, #tpu.memory_space<vmem>>)
    %dma_wait3A_2926 = arith.constant 3 : i32
    %dma_wait3A_2927 = arith.constant 3 : i32
    %dma_wait3A_2928 = arith.constant 106 : i32
    %dma_wait3A_2929 = arith.constant 0 : i32
    %dma_wait3A_2930 = tpu.memref_slice %arg7[%dma_wait3A_2926, %dma_wait3A_2928, %dma_wait3A_2929] : memref<4x200x128xf32, #tpu.memory_space<vmem>> -> memref<1x94x128xf32, #tpu.memory_space<vmem>>
    %dma_wait3A_2931 = tpu.memref_squeeze %dma_wait3A_2930 : memref<1x94x128xf32, #tpu.memory_space<vmem>> -> memref<94x128xf32, #tpu.memory_space<vmem>>
    %dma_wait3A_2932 = arith.constant 6048 : i32
    %dma_wait3A_2933 = tpu.memref_slice %arg6[%dma_wait3A_2932] : memref<6144xi32, #tpu.memory_space<vmem>> -> memref<94xi32, #tpu.memory_space<vmem>>
    %dma_wait3A_2934 = arith.constant 0 : i32
    %dma_wait3A_2935 = arith.constant 0 : i32
    %dma_wait3A_2936 = tpu.memref_slice %arg3[%dma_wait3A_2934, %dma_wait3A_2935] : memref<100000x128xf32, #tpu.memory_space<hbm>> -> memref<100000x128xf32, #tpu.memory_space<hbm>>
    %dma_wait3A_2937 = tpu.memref_slice %arg8[%dma_wait3A_2927] : memref<4x!tpu.dma_semaphore, #tpu.memory_space<semaphore_mem>> -> memref<1x!tpu.dma_semaphore, #tpu.memory_space<semaphore_mem>>
    %dma_wait3A_2938 = tpu.memref_squeeze %dma_wait3A_2937 : memref<1x!tpu.dma_semaphore, #tpu.memory_space<semaphore_mem>> -> memref<!tpu.dma_semaphore, #tpu.memory_space<semaphore_mem>>
    tpu.wait_indirect_dma semaphore(%dma_wait3A_2938 : memref<!tpu.dma_semaphore, #tpu.memory_space<semaphore_mem>>) src(%dma_wait3A_2936 : memref<100000x128xf32, #tpu.memory_space<hbm>>) dst(%dma_wait3A_2931 : memref<94x128xf32, #tpu.memory_space<vmem>>)
    %add3A_2939 = arith.constant 31 : i32
    %add3A_2940 = arith.addi %mul3A_2, %add3A_2939 : i32
    %mul3A_2941 = arith.constant 200 : i32
    %mul3A_2942 = arith.muli %add3A_2940, %mul3A_2941 : i32
    %dma_start3A_2943 = arith.constant 3 : i32
    %dma_start3A_2944 = arith.constant 3 : i32
    %dma_start3A_2945 = arith.constant 0 : i32
    %dma_start3A_2946 = arith.constant 0 : i32
    %dma_start3A_2947 = tpu.memref_slice %arg7[%dma_start3A_2943, %dma_start3A_2945, %dma_start3A_2946] : memref<4x200x128xf32, #tpu.memory_space<vmem>> -> memref<1x200x128xf32, #tpu.memory_space<vmem>>
    %dma_start3A_2948 = tpu.memref_squeeze %dma_start3A_2947 : memref<1x200x128xf32, #tpu.memory_space<vmem>> -> memref<200x128xf32, #tpu.memory_space<vmem>>
    %dma_start3A_2949 = arith.constant 0 : i32
    %dma_start3A_2950 = tpu.memref_slice %arg5[%mul3A_2942, %dma_start3A_2949] : memref<204800x128xf32, #tpu.memory_space<hbm>> -> memref<200x128xf32, #tpu.memory_space<hbm>>
    %dma_start3A_2951 = tpu.memref_slice %arg9[%dma_start3A_2944] : memref<4x!tpu.dma_semaphore, #tpu.memory_space<semaphore_mem>> -> memref<1x!tpu.dma_semaphore, #tpu.memory_space<semaphore_mem>>
    %dma_start3A_2952 = tpu.memref_squeeze %dma_start3A_2951 : memref<1x!tpu.dma_semaphore, #tpu.memory_space<semaphore_mem>> -> memref<!tpu.dma_semaphore, #tpu.memory_space<semaphore_mem>>
    %dma_start3A_2953 = arith.constant 0 : i32
    %dma_start3A_2954 = tpu.memref_slice %arg5[%mul3A_2942, %dma_start3A_2953] : memref<204800x128xf32, #tpu.memory_space<hbm>> -> memref<200x128xf32, #tpu.memory_space<hbm>>
    %dma_start3A_2955 = arith.constant 0 : i32
    %dma_start3A_2956 = arith.constant 0 : i32
    %dma_start3A_2957 = tpu.memref_slice %arg7[%dma_start3A_2943, %dma_start3A_2955, %dma_start3A_2956] : memref<4x200x128xf32, #tpu.memory_space<vmem>> -> memref<1x200x128xf32, #tpu.memory_space<vmem>>
    %dma_start3A_2958 = tpu.memref_squeeze %dma_start3A_2957 : memref<1x200x128xf32, #tpu.memory_space<vmem>> -> memref<200x128xf32, #tpu.memory_space<vmem>>
    tpu.enqueue_dma source(%dma_start3A_2958 : memref<200x128xf32, #tpu.memory_space<vmem>>) target(%dma_start3A_2954 : memref<200x128xf32, #tpu.memory_space<hbm>>) target_semaphore(%dma_start3A_2952 : memref<!tpu.dma_semaphore, #tpu.memory_space<semaphore_mem>>)
    %add3A_2959 = arith.constant 29 : i32
    %add3A_2960 = arith.addi %mul3A_2, %add3A_2959 : i32
    %mul3A_2961 = arith.constant 200 : i32
    %mul3A_2962 = arith.muli %add3A_2960, %mul3A_2961 : i32
    %dma_wait3A_2963 = arith.constant 1 : i32
    %dma_wait3A_2964 = arith.constant 1 : i32
    %dma_wait3A_2965 = arith.constant 0 : i32
    %dma_wait3A_2966 = arith.constant 0 : i32
    %dma_wait3A_2967 = tpu.memref_slice %arg7[%dma_wait3A_2963, %dma_wait3A_2965, %dma_wait3A_2966] : memref<4x200x128xf32, #tpu.memory_space<vmem>> -> memref<1x200x128xf32, #tpu.memory_space<vmem>>
    %dma_wait3A_2968 = tpu.memref_squeeze %dma_wait3A_2967 : memref<1x200x128xf32, #tpu.memory_space<vmem>> -> memref<200x128xf32, #tpu.memory_space<vmem>>
    %dma_wait3A_2969 = arith.constant 0 : i32
    %dma_wait3A_2970 = tpu.memref_slice %arg5[%mul3A_2962, %dma_wait3A_2969] : memref<204800x128xf32, #tpu.memory_space<hbm>> -> memref<200x128xf32, #tpu.memory_space<hbm>>
    %dma_wait3A_2971 = tpu.memref_slice %arg9[%dma_wait3A_2964] : memref<4x!tpu.dma_semaphore, #tpu.memory_space<semaphore_mem>> -> memref<1x!tpu.dma_semaphore, #tpu.memory_space<semaphore_mem>>
    %dma_wait3A_2972 = tpu.memref_squeeze %dma_wait3A_2971 : memref<1x!tpu.dma_semaphore, #tpu.memory_space<semaphore_mem>> -> memref<!tpu.dma_semaphore, #tpu.memory_space<semaphore_mem>>
    %dma_wait3A_2973 = arith.constant 0 : i32
    %dma_wait3A_2974 = tpu.memref_slice %arg5[%mul3A_2962, %dma_wait3A_2973] : memref<204800x128xf32, #tpu.memory_space<hbm>> -> memref<200x128xf32, #tpu.memory_space<hbm>>
    %dma_wait3A_2975 = arith.constant 0 : i32
    %dma_wait3A_2976 = arith.constant 0 : i32
    %dma_wait3A_2977 = tpu.memref_slice %arg7[%dma_wait3A_2963, %dma_wait3A_2975, %dma_wait3A_2976] : memref<4x200x128xf32, #tpu.memory_space<vmem>> -> memref<1x200x128xf32, #tpu.memory_space<vmem>>
    %dma_wait3A_2978 = tpu.memref_squeeze %dma_wait3A_2977 : memref<1x200x128xf32, #tpu.memory_space<vmem>> -> memref<200x128xf32, #tpu.memory_space<vmem>>
    tpu.wait_dma2 semaphore(%dma_wait3A_2972 : memref<!tpu.dma_semaphore, #tpu.memory_space<semaphore_mem>>) src(%dma_wait3A_2978 : memref<200x128xf32, #tpu.memory_space<vmem>>) dst(%dma_wait3A_2974 : memref<200x128xf32, #tpu.memory_space<hbm>>)
    %add3A_2979 = arith.constant 30 : i32
    %add3A_2980 = arith.addi %mul3A_2, %add3A_2979 : i32
    %mul3A_2981 = arith.constant 200 : i32
    %mul3A_2982 = arith.muli %add3A_2980, %mul3A_2981 : i32
    %dma_wait3A_2983 = arith.constant 2 : i32
    %dma_wait3A_2984 = arith.constant 2 : i32
    %dma_wait3A_2985 = arith.constant 0 : i32
    %dma_wait3A_2986 = arith.constant 0 : i32
    %dma_wait3A_2987 = tpu.memref_slice %arg7[%dma_wait3A_2983, %dma_wait3A_2985, %dma_wait3A_2986] : memref<4x200x128xf32, #tpu.memory_space<vmem>> -> memref<1x200x128xf32, #tpu.memory_space<vmem>>
    %dma_wait3A_2988 = tpu.memref_squeeze %dma_wait3A_2987 : memref<1x200x128xf32, #tpu.memory_space<vmem>> -> memref<200x128xf32, #tpu.memory_space<vmem>>
    %dma_wait3A_2989 = arith.constant 0 : i32
    %dma_wait3A_2990 = tpu.memref_slice %arg5[%mul3A_2982, %dma_wait3A_2989] : memref<204800x128xf32, #tpu.memory_space<hbm>> -> memref<200x128xf32, #tpu.memory_space<hbm>>
    %dma_wait3A_2991 = tpu.memref_slice %arg9[%dma_wait3A_2984] : memref<4x!tpu.dma_semaphore, #tpu.memory_space<semaphore_mem>> -> memref<1x!tpu.dma_semaphore, #tpu.memory_space<semaphore_mem>>
    %dma_wait3A_2992 = tpu.memref_squeeze %dma_wait3A_2991 : memref<1x!tpu.dma_semaphore, #tpu.memory_space<semaphore_mem>> -> memref<!tpu.dma_semaphore, #tpu.memory_space<semaphore_mem>>
    %dma_wait3A_2993 = arith.constant 0 : i32
    %dma_wait3A_2994 = tpu.memref_slice %arg5[%mul3A_2982, %dma_wait3A_2993] : memref<204800x128xf32, #tpu.memory_space<hbm>> -> memref<200x128xf32, #tpu.memory_space<hbm>>
    %dma_wait3A_2995 = arith.constant 0 : i32
    %dma_wait3A_2996 = arith.constant 0 : i32
    %dma_wait3A_2997 = tpu.memref_slice %arg7[%dma_wait3A_2983, %dma_wait3A_2995, %dma_wait3A_2996] : memref<4x200x128xf32, #tpu.memory_space<vmem>> -> memref<1x200x128xf32, #tpu.memory_space<vmem>>
    %dma_wait3A_2998 = tpu.memref_squeeze %dma_wait3A_2997 : memref<1x200x128xf32, #tpu.memory_space<vmem>> -> memref<200x128xf32, #tpu.memory_space<vmem>>
    tpu.wait_dma2 semaphore(%dma_wait3A_2992 : memref<!tpu.dma_semaphore, #tpu.memory_space<semaphore_mem>>) src(%dma_wait3A_2998 : memref<200x128xf32, #tpu.memory_space<vmem>>) dst(%dma_wait3A_2994 : memref<200x128xf32, #tpu.memory_space<hbm>>)
    %add3A_2999 = arith.constant 31 : i32
    %add3A_3000 = arith.addi %mul3A_2, %add3A_2999 : i32
    %mul3A_3001 = arith.constant 200 : i32
    %mul3A_3002 = arith.muli %add3A_3000, %mul3A_3001 : i32
    %dma_wait3A_3003 = arith.constant 3 : i32
    %dma_wait3A_3004 = arith.constant 3 : i32
    %dma_wait3A_3005 = arith.constant 0 : i32
    %dma_wait3A_3006 = arith.constant 0 : i32
    %dma_wait3A_3007 = tpu.memref_slice %arg7[%dma_wait3A_3003, %dma_wait3A_3005, %dma_wait3A_3006] : memref<4x200x128xf32, #tpu.memory_space<vmem>> -> memref<1x200x128xf32, #tpu.memory_space<vmem>>
    %dma_wait3A_3008 = tpu.memref_squeeze %dma_wait3A_3007 : memref<1x200x128xf32, #tpu.memory_space<vmem>> -> memref<200x128xf32, #tpu.memory_space<vmem>>
    %dma_wait3A_3009 = arith.constant 0 : i32
    %dma_wait3A_3010 = tpu.memref_slice %arg5[%mul3A_3002, %dma_wait3A_3009] : memref<204800x128xf32, #tpu.memory_space<hbm>> -> memref<200x128xf32, #tpu.memory_space<hbm>>
    %dma_wait3A_3011 = tpu.memref_slice %arg9[%dma_wait3A_3004] : memref<4x!tpu.dma_semaphore, #tpu.memory_space<semaphore_mem>> -> memref<1x!tpu.dma_semaphore, #tpu.memory_space<semaphore_mem>>
    %dma_wait3A_3012 = tpu.memref_squeeze %dma_wait3A_3011 : memref<1x!tpu.dma_semaphore, #tpu.memory_space<semaphore_mem>> -> memref<!tpu.dma_semaphore, #tpu.memory_space<semaphore_mem>>
    %dma_wait3A_3013 = arith.constant 0 : i32
    %dma_wait3A_3014 = tpu.memref_slice %arg5[%mul3A_3002, %dma_wait3A_3013] : memref<204800x128xf32, #tpu.memory_space<hbm>> -> memref<200x128xf32, #tpu.memory_space<hbm>>
    %dma_wait3A_3015 = arith.constant 0 : i32
    %dma_wait3A_3016 = arith.constant 0 : i32
    %dma_wait3A_3017 = tpu.memref_slice %arg7[%dma_wait3A_3003, %dma_wait3A_3015, %dma_wait3A_3016] : memref<4x200x128xf32, #tpu.memory_space<vmem>> -> memref<1x200x128xf32, #tpu.memory_space<vmem>>
    %dma_wait3A_3018 = tpu.memref_squeeze %dma_wait3A_3017 : memref<1x200x128xf32, #tpu.memory_space<vmem>> -> memref<200x128xf32, #tpu.memory_space<vmem>>
    tpu.wait_dma2 semaphore(%dma_wait3A_3012 : memref<!tpu.dma_semaphore, #tpu.memory_space<semaphore_mem>>) src(%dma_wait3A_3018 : memref<200x128xf32, #tpu.memory_space<vmem>>) dst(%dma_wait3A_3014 : memref<200x128xf32, #tpu.memory_space<hbm>>)
    return
  }
}

</mosaic_0001>

<sc_bundles>
// kernel: kernel.3.cloned.1.call-start
scs
__scs_entry_jumppad:
0x0: {  	(pc) =	sbr.rel $0x88, $3  }
0x1: {  	(tag) =	ssettag $0x0;
	lr =	simm.s32 $0x1  }
0x2: {  	[smem:$0x3F9E] =	sst lr;
	_ =	strace $0xD0000000  }
0x3: {  	_ = 	snop  }
0x4: {  	_ = 	snop  }
0x5: {  	_ = 	snop  }
0x6: {  	_ = 	snop  }
0x7: {  	_ = 	snop  }
__scs_overlays_trampoline_lowered:
0x8: {  	[smem:$0x3FAD] =	sst s0  }
0x9: {  	[smem:$0x3FAE] =	sst s1  }
0xa: {  	[smem:$0x3FAF] =	sst s2  }
0xb: {  	[smem:$0x3FB0] =	sst s3  }
0xc: {  	[smem:$0x3FB1] =	sst s4  }
0xd: {  	[smem:$0x3FB2] =	sst s5  }
0xe: {  	[smem:$0x3FB3] =	sst s6  }
0xf: {  	[smem:$0x3FB4] =	sst s7  }
0x10: {  	[smem:$0x3FB5] =	sst s8  }
0x11: {  	[smem:$0x3FB6] =	sst s9;
	s0 =	simm.s32 @!p0 $0x0  }
0x12: {  	s1 =	sld [smem:$0x3F9C];
	s0 =	simm.s32 @p0 $0x1  }
0x13: {  	[smem:$0x3FB7] =	sst s0;
	s0 =	simm.s32 @!p1 $0x0  }
0x14: {  	s2 =	sld [smem:$0x3F9B];
	s0 =	simm.s32 @p1 $0x1  }
0x15: {  	[smem:$0x3FB8] =	sst s0;
	s0 =	simm.s32 @!p2 $0x0  }
0x16: {  	s3 =	sld [smem:$0x3FDB];
	s0 =	simm.s32 @p2 $0x1  }
0x17: {  	s4 =	simm.s32 $0x1BF5;
	[smem:$0x3FBA] =	sst s0  }
0x18: {  	s0 =	sld [smem:$0x3F9D];
	_ =	swait.ge [sflag:s4], $0x0  }
0x19: {  	s7 =	sld [smem:$0x3F9E]  }
0x1a: {  	s8 =	sadd.s32 $0xFFFFE003, lr  }
0x1b: {  	s9 =	sadd.s32 $0xFFFFFEF7, lr;
	s5 =	simm.s32 $0xFFFFFFFF;
	p2 =	slt.u32 s8, $0xFFFFF086  }
0x1c: {  	p1 =	slt.u32 s9, $0xF7A;
	s5 =	simm.s32 @!p2 $0x0  }
0x1d: {  	s5 =	simm.s32 @p1 $0x1;
	p0 =	seq.s32 s7, s2  }
0x1e: {  	s7 =	smul.u32 @!p0 $0xF7A, s2;
	p2 =	seq.s32 @!p0 s5, $0x0  }
0x1f: {  	s9 =	smul.u32 $0xF7A, s1;
	s8 =	simm.s32 @!p0 $0x1BF5;
	p2 =	por !p2, p0  }
0x20: {  	[sflag:s8] =	ssyncset.s32 @!p0 $0xFFFFF086;
	s6 =	sadd.s32 @!p0 s3, s7;
	s7 =	simm.s32 @!p0 $0x108  }
0x21: {  	s3 =	sadd.s32 s3, s9;
	s6 =	sadd.s32 @!p0 $0x88, s6;
	s7 =	simm.s32 @p2 $0x1082  }
0x22: {  	[simem:s7], [sflag:s8] =	dma.local @!p0 [hbm:s6], $0xF7A  }
0x23: {  	s9 =	sor.u32 $0xD0000000, s2;
	s6 =	simm.s32 $0x108;
	_ =	swait.ge @!p0 [sflag:s8], $0x0  }
0x24: {  	s3 =	sadd.s32 $0x88, s3;
	s6 =	simm.s32 @!p1 $0x1082;
	[sflag:s4] =	ssyncset.s32 $0xFFFFF086  }
0x25: {  	[simem:s6], [sflag:s4] =	dma.local [hbm:s3], $0xF7A  }
0x26: {  	[smem:$0x3F9E] =	sst s1;
	(tag) =	ssettag s2;
	_ =	strace s9  }
0x27: {  	s1 =	sld [smem:$0x3FAE]  }
0x28: {  	s2 =	sld [smem:$0x3FAF]  }
0x29: {  	s4 =	sld [smem:$0x3FB1]  }
0x2a: {  	p0 =	seq.s32 s5, $0x0;
	s5 =	sld [smem:$0x3FB2]  }
0x2b: {  	s6 =	sld [smem:$0x3FB3]  }
0x2c: {  	s7 =	sld [smem:$0x3FB4]  }
0x2d: {  	s3 =	simm.s32 $0x108;
	s8 =	sld [smem:$0x3FB5]  }
0x2e: {  	s3 =	simm.s32 @!p0 $0x1082;
	s9 =	sld [smem:$0x3FB6]  }
0x2f: {  	lr =	sadd.s32 s0, s3;
	s0 =	sld [smem:$0x3FAD]  }
0x30: {  	s3 =	sld [smem:$0x3FB0]  }
0x31: {  	[smem:$0x3FB9] =	sst s10  }
0x32: {  	s10 =	sld [smem:$0x3FB7];
	_ =	sdelay $0x3  }
0x33: {  	p0 =	seq.s32 s10, $0x1;
	s10 =	sld [smem:$0x3FB9];
	_ =	sdelay $0x3  }
0x34: {  	[smem:$0x3FB9] =	sst s10  }
0x35: {  	s10 =	sld [smem:$0x3FB8];
	_ =	sdelay $0x3  }
0x36: {  	p1 =	seq.s32 s10, $0x1;
	s10 =	sld [smem:$0x3FB9];
	_ =	sdelay $0x3  }
0x37: {  	[smem:$0x3FB9] =	sst s10  }
0x38: {  	s10 =	sld [smem:$0x3FBA]  }
0x39: {  	_ = 	snop;
	(pc) =	sbr.ind lr, $3  }
0x3a: {  	_ = 	snop  }
0x3b: {  	_ = 	snop  }
0x3c: {  	p2 =	seq.s32 s10, $0x1;
	s10 =	sld [smem:$0x3FB9]  }
0x3d: {  	_ =	shalt  }
0x3e: {  	_ =	shalt  }
0x3f: {  	_ =	shalt  }
0x40: {  	_ =	shalt  }
0x41: {  	_ =	shalt  }
0x42: {  	_ =	shalt  }
0x43: {  	_ =	shalt  }
0x44: {  	_ =	shalt  }
0x45: {  	_ =	shalt  }
0x46: {  	_ =	shalt  }
0x47: {  	_ =	shalt  }
0x48: {  	_ =	shalt  }
0x49: {  	_ =	shalt  }
0x4a: {  	_ =	shalt  }
0x4b: {  	_ =	shalt  }
0x4c: {  	_ =	shalt  }
0x4d: {  	_ =	shalt  }
0x4e: {  	_ =	shalt  }
0x4f: {  	_ =	shalt  }
0x50: {  	_ =	shalt  }
0x51: {  	_ =	shalt  }
0x52: {  	_ =	shalt  }
0x53: {  	_ =	shalt  }
0x54: {  	_ =	shalt  }
0x55: {  	_ =	shalt  }
0x56: {  	_ =	shalt  }
0x57: {  	_ =	shalt  }
0x58: {  	_ =	shalt  }
0x59: {  	_ =	shalt  }
0x5a: {  	_ =	shalt  }
0x5b: {  	_ =	shalt  }
0x5c: {  	_ =	shalt  }
0x5d: {  	_ =	shalt  }
0x5e: {  	_ =	shalt  }
0x5f: {  	_ =	shalt  }
0x60: {  	_ =	shalt  }
0x61: {  	_ =	shalt  }
0x62: {  	_ =	shalt  }
0x63: {  	_ =	shalt  }
0x64: {  	_ =	shalt  }
0x65: {  	_ =	shalt  }
0x66: {  	_ =	shalt  }
0x67: {  	_ =	shalt  }
0x68: {  	_ =	shalt  }
0x69: {  	_ =	shalt  }
0x6a: {  	_ =	shalt  }
0x6b: {  	_ =	shalt  }
0x6c: {  	_ =	shalt  }
0x6d: {  	_ =	shalt  }
0x6e: {  	_ =	shalt  }
0x6f: {  	_ =	shalt  }
0x70: {  	_ =	shalt  }
0x71: {  	_ =	shalt  }
0x72: {  	_ =	shalt  }
0x73: {  	_ =	shalt  }
0x74: {  	_ =	shalt  }
0x75: {  	_ =	shalt  }
0x76: {  	_ =	shalt  }
0x77: {  	_ =	shalt  }
0x78: {  	_ =	shalt  }
0x79: {  	_ =	shalt  }
0x7a: {  	_ =	shalt  }
0x7b: {  	_ =	shalt  }
0x7c: {  	_ =	shalt  }
0x7d: {  	_ =	shalt  }
0x7e: {  	_ =	shalt  }
0x7f: {  	_ =	shalt  }
0x80: {  	_ =	shalt  }
0x81: {  	_ =	shalt  }
0x82: {  	_ =	shalt  }
0x83: {  	_ =	shalt  }
0x84: {  	_ =	shalt  }
0x85: {  	_ =	shalt  }
0x86: {  	_ =	shalt  }
0x87: {  	_ =	shalt  }
.Lfunc_end0:
.L_simem_size_0:
called_computation_lowered:
.L_overlay_start_0:
0x88: {  	s2 =	sld [smem:$0x3FD9]  }
0x89: {  	s3 =	sld [smem:$0x3FFE];
	_ =	sdelay $0x1  }
0x8a: {  	s1 =	srdreg.scid  }
0x8b: {  	s0 =	sand.u32 $0x1, s1  }
0x8c: {  	s17 =	sshll.u32 s0, $0xA;
	s2 =	sadd.s32 s3, s2  }
0x8d: {  	s2 =	sadd.s32 s2, s17  }
0x8e: {  	[smem:$0x3FC5] =	sst s2  }
0x8f: {  	_ = 	snop  }
0x90: {  	s2 =	sld [smem:$0x3FC8]  }
0x91: {  	s18 =	sld [smem:$0x3FC7]  }
0x92: {  	s4 =	sld [smem:$0x3FD0];
	(tm) =	ssettm $0x1  }
0x93: {  	s5 =	sld [smem:$0x3FFB];
	_ =	sdelay $0x3  }
0x94: {  	_ =	strace s5  }
0x95: {  	s5 =	sld [smem:$0x3FFC];
	_ =	sdelay $0x3  }
0x96: {  	_ =	strace s5  }
0x97: {  	s5 =	sld [smem:$0x3FFD];
	_ =	sdelay $0x3  }
0x98: {  	_ =	strace s5  }
0x99: {  	_ =	strace $0x8FFFFFFF  }
0x9a: {  	s19 =	sld [smem:$0x3FDB];
	_ =	sdelay $0x1  }
0x9b: {  	s6 =	simm.s32 $_scs_section_size  }
0x9c: {  	s7 =	simm.s32 $_size__tile_overlayer_lowered;
	s8 =	simm.s32 $_tile_overlayer_lowered  }
0x9d: {  	s22 =	simm.s32 $0x1BFF;
	s21 =	sshll.u32 s8, $0x1;
	s5 =	sadd.s32 s6, s19  }
0x9e: {  	s9 =	simm.s32 $0x0;
	s20 =	sshll.u32 s7, $0x1;
	s7 =	sadd.s32 s21, s5  }
0x9f: {  	[timem:s9], [sflag:s22] =	dma.local [hbm:s7], s20  }
0xa0: {  	_ =	swait.ge [sflag:s22], s20  }
0xa1: {  	s6 =	ssub.s32 $0x0, s20;
	[sflag:s22] =	ssyncset.done $0x0  }
0xa2: {  	[sflag:s22] =	ssyncadd.s32 s6;
	_ =	sdelay $0x1  }
0xa3: {  	s23 =	simm.s32 $0x1B8B  }
0xa4: {  	_ =	swait.ge [sflag:s23], $0x1  }
0xa5: {  	[sflag:s23] =	ssyncset.done $0x0  }
0xa6: {  	s25 =	simm.s32 $0x1B8E;
	s24 =	sld [smem:$0x3FFE];
	[sflag:s23] =	ssyncadd.s32 $0xFFFFFFFF  }
0xa7: {  	s26 =	simm.s32 $execute0_lowered;
	[smem:$0x3FD2] =	sst s25  }
0xa8: {  	s7 =	sshll.u32 s26, $0x1;
	_ =	strace $0x80000046;
	[dreg:$0x1] =	wrdreg $0xFFFFFFFF  }
0xa9: {  	s28 =	simm.s32 $_size_execute0_lowered;
	s5 =	sadd.s32 s5, s7;
	[dreg:$0x0] =	wrdreg $0x0  }
0xaa: {  	s7 =	sshll.u32 s28, $0x1;
	[dreg:$0x2] =	wrdreg s5  }
0xab: {  	[dreg:$0x3] =	wrdreg s7  }
0xac: {  	[dreg:$0x4] =	wrdreg $0xC0  }
0xad: {  	_ =	task [dreg:s9], $0x5FFFF  }
0xae: {  	[dreg:$0x1] =	wrdreg $0xFFFFFFFF  }
0xaf: {  	[dreg:$0x0] =	wrdreg $0x60  }
0xb0: {  	[dreg:$0x2] =	wrdreg s24  }
0xb1: {  	[dreg:$0x3] =	wrdreg s2  }
0xb2: {  	[dreg:$0x4] =	wrdreg s18  }
0xb3: {  	[dreg:$0x5] =	wrdreg s4  }
0xb4: {  	[dreg:$0x6] =	wrdreg $0x9  }
0xb5: {  	_ =	task.clear_ibuf [dreg:s9], $0x7FFFF;
	_ =	strace $0x90000046  }
0xb6: {  	s29 =	simm.s32 $0x9;
	_ =	strace $0x80000048  }
0xb7: {  	_ =	swait.ge [sflag:s29], $0x1  }
0xb8: {  	[sflag:s29] =	ssyncadd.s32 $0xFFFFFFFF  }
0xb9: {  	_ =	strace $0x90000048  }
0xba: {  	_ =	sfence  }
0xbb: {  	s30 =	sld [smem:$0x0];
	_ =	sdelay $0x2  }
0xbc: {  	s31 =	sshll.u32 s1, $0xD;
	s1 =	sshrl.u32 s1, $0x2  }
0xbd: {  	s3 =	sand.u32 $0x4000, s31;
	s1 =	sadd.s32 s1, s30  }
0xbe: {  	s0 =	sor.u32 s3, s0;
	s1 =	sshll.u32 s1, $0x11  }
0xbf: {  	s0 =	sor.u32 s1, s0  }
0xc0: {  	s0 =	sadd.s32 $0x8F2B, s0  }
0xc1: {  	[sflag:s0] =	ssyncadd.remote.s32 $0x1  }
0xc2: {  	_ =	sfence.sel $0xFFFF  }
0xc3: {  	[dreg:$0x0] =	wrdreg $0xFFFFFFFF;
	(pc) =	sbr.abs _section_cstart, $3  }
0xc4: {  	[dreg:$0x1] =	wrdreg $0xFFFFFFFF  }
0xc5: {  	_ =	task.clear_ibuf [dreg:s9], $0x2FFFF;
	_ =	strace $0x9FFFFFFF  }
0xc6: {  	(tm) =	ssettm $0x7FFFFFFF  }
0xc7: {  	_ =	shalt  }
tec
execute0_lowered:
.L_overlay_start_1:
0x0: {  	(tag) =	ssettag $0x1  }
0x1: {  	s1 =	srdreg.scid;
	s25 =	stileid.u32  }
0x2: {  	s1 =	sand.u32 $0x1, s1;
	s2 =	sshll.u32 s25, $0x1  }
0x3: {  	s0 =	rddreg [dreg:$0x0];
	s4 =	sor.u32 s1, s2  }
0x4: {  	s3 =	rddreg [dreg:$0x1];
	s6 =	smul.u32 $0x300, s4  }
0x5: {  	s29 =	rddreg [dreg:$0x2];
	s2 =	simm.s32 $0x0;
	s7 =	smul.u32 $0x19000, s4  }
0x6: {  	[smem:$0x7FF] =	sst s2;
	s4 =	smul.u32 $0xC8000, s4  }
0x7: {  	s5 =	rddreg [dreg:$0x3];
	_ =	strace $0x80000047;
	s0 =	sadd.s32 s6, s0  }
0x8: {  	s28 =	sadd.s32 s5, s7;
	s4 =	sshrl.u32 s4, $0x3;
	s0 =	sadd.s32 $0x400, s0  }
0x9: {  	s18 =	sadd.s32 $0xC80, s28;
	s4 =	sadd.s32 s5, s4;
	[dreg:$0x5] =	wrdreg s0  }
0xa: {  	[dreg:$0x6] =	wrdreg s18;
	s19 =	sadd.s32 $0x1900, s4  }
0xb: {  	s20 =	sadd.s32 $0x2580, s4;
	[dreg:$0x7] =	wrdreg s19  }
0xc: {  	s21 =	sadd.s32 $0x3200, s4;
	[dreg:$0x8] =	wrdreg s20  }
0xd: {  	s22 =	sadd.s32 $0x3E80, s4;
	[dreg:$0x9] =	wrdreg s21  }
0xe: {  	s23 =	sadd.s32 $0x4B00, s4;
	[dreg:$0xa] =	wrdreg s22  }
0xf: {  	s24 =	sadd.s32 $0x5780, s4;
	[dreg:$0xb] =	wrdreg s23  }
0x10: {  	s26 =	sadd.s32 $0x6400, s4;
	[dreg:$0xc] =	wrdreg s24  }
0x11: {  	s5 =	sadd.s32 $0x7080, s4;
	[dreg:$0xd] =	wrdreg s26  }
0x12: {  	s6 =	sadd.s32 $0x7D00, s4;
	[dreg:$0xe] =	wrdreg s5  }
0x13: {  	s7 =	sadd.s32 $0x8980, s4;
	[dreg:$0xf] =	wrdreg s6  }
0x14: {  	s8 =	sadd.s32 $0x9600, s4;
	[dreg:$0x10] =	wrdreg s7  }
0x15: {  	s9 =	sadd.s32 $0xA280, s4;
	[dreg:$0x11] =	wrdreg s8  }
0x16: {  	s10 =	sadd.s32 $0xAF00, s4;
	[dreg:$0x12] =	wrdreg s9  }
0x17: {  	s11 =	sadd.s32 $0xBB80, s4;
	[dreg:$0x13] =	wrdreg s10  }
0x18: {  	s12 =	sadd.s32 $0xC800, s4;
	[dreg:$0x14] =	wrdreg s11  }
0x19: {  	s13 =	sadd.s32 $0xD480, s4;
	[dreg:$0x15] =	wrdreg s12  }
0x1a: {  	s14 =	sadd.s32 $0xE100, s4;
	[dreg:$0x16] =	wrdreg s13  }
0x1b: {  	s15 =	sadd.s32 $0xED80, s4;
	[dreg:$0x17] =	wrdreg s14  }
0x1c: {  	s16 =	sadd.s32 $0xFA00, s4;
	[dreg:$0x18] =	wrdreg s15  }
0x1d: {  	s17 =	sadd.s32 $0x10680, s4;
	[dreg:$0x19] =	wrdreg s16  }
0x1e: {  	s18 =	sadd.s32 $0x11300, s4;
	[dreg:$0x1a] =	wrdreg s17  }
0x1f: {  	[dreg:$0x1b] =	wrdreg s18  }
0x20: {  	s19 =	sadd.s32 $0x11F80, s4;
	s0 =	rddreg [dreg:$0x5]  }
0x21: {  	s20 =	sadd.s32 $0x12C00, s4;
	[dreg:$0x1c] =	wrdreg s19  }
0x22: {  	s21 =	sadd.s32 $0x13880, s4;
	[dreg:$0x1d] =	wrdreg s20  }
0x23: {  	s22 =	sadd.s32 $0x14500, s4;
	[dreg:$0x1e] =	wrdreg s21  }
0x24: {  	s23 =	sadd.s32 $0x15180, s4;
	[dreg:$0x1f] =	wrdreg s22  }
0x25: {  	s24 =	sadd.s32 $0x15E00, s4;
	[smem:$0x7BC] =	sst s23  }
0x26: {  	s26 =	sadd.s32 $0x16A80, s4;
	[smem:$0x7BD] =	sst s24  }
0x27: {  	s5 =	sadd.s32 $0x17700, s4;
	[smem:$0x7BE] =	sst s26  }
0x28: {  	s6 =	sadd.s32 $0x18380, s4;
	[smem:$0x7BF] =	sst s5  }
0x29: {  	s7 =	simm.s32 $0xC0;
	[smem:$0x7C0] =	sst s6  }
0x2a: {  	s8 =	simm.s32 $0x120;
	[smem:$0x7C1] =	sst s7  }
0x2b: {  	s9 =	simm.s32 $0x180;
	[smem:$0x7C2] =	sst s8  }
0x2c: {  	s10 =	simm.s32 $0x1E0;
	[smem:$0x7C3] =	sst s9  }
0x2d: {  	s11 =	simm.s32 $0x240;
	[smem:$0x7C4] =	sst s10  }
0x2e: {  	s12 =	simm.s32 $0x2A0;
	[smem:$0x7C5] =	sst s11  }
0x2f: {  	s13 =	simm.s32 $0x300;
	[smem:$0x7C6] =	sst s12  }
0x30: {  	s14 =	simm.s32 $0x360;
	[smem:$0x7C7] =	sst s13  }
0x31: {  	s15 =	simm.s32 $0x3C0;
	[smem:$0x7C8] =	sst s14  }
0x32: {  	s16 =	simm.s32 $0x420;
	[smem:$0x7C9] =	sst s15  }
0x33: {  	s17 =	simm.s32 $0x480;
	[smem:$0x7CA] =	sst s16  }
0x34: {  	s18 =	simm.s32 $0x4E0;
	[smem:$0x7CB] =	sst s17  }
0x35: {  	s4 =	simm.s32 $0x7E0;
	[smem:$0x7CC] =	sst s18  }
0x36: {  	s19 =	simm.s32 $0x540;
	[smem:$0x7D4] =	sst s4  }
0x37: {  	s20 =	simm.s32 $0x5A0;
	[smem:$0x7CD] =	sst s19  }
0x38: {  	s21 =	simm.s32 $0x600;
	[smem:$0x7CE] =	sst s20  }
0x39: {  	s22 =	simm.s32 $0x660;
	[smem:$0x7CF] =	sst s21  }
0x3a: {  	s23 =	simm.s32 $0x6C0;
	[smem:$0x7D0] =	sst s22  }
0x3b: {  	s24 =	simm.s32 $0x720;
	[smem:$0x7D1] =	sst s23  }
0x3c: {  	s26 =	simm.s32 $0x780;
	[smem:$0x7D2] =	sst s24  }
0x3d: {  	s5 =	simm.s32 $0x840;
	[smem:$0x7D3] =	sst s26  }
0x3e: {  	s6 =	simm.s32 $0x8A0;
	[smem:$0x7D5] =	sst s5  }
0x3f: {  	s7 =	simm.s32 $0x900;
	[smem:$0x7D6] =	sst s6  }
0x40: {  	s8 =	simm.s32 $0x960;
	[smem:$0x7D7] =	sst s7  }
0x41: {  	s9 =	simm.s32 $0x9C0;
	[smem:$0x7D8] =	sst s8  }
0x42: {  	s10 =	simm.s32 $0xA20;
	[smem:$0x7D9] =	sst s9  }
0x43: {  	s11 =	simm.s32 $0xA80;
	[smem:$0x7DA] =	sst s10  }
0x44: {  	s12 =	simm.s32 $0xAE0;
	[smem:$0x7DB] =	sst s11  }
0x45: {  	s13 =	simm.s32 $0xB40;
	[smem:$0x7DC] =	sst s12  }
0x46: {  	s14 =	simm.s32 $0xBA0;
	[smem:$0x7DD] =	sst s13  }
0x47: {  	s15 =	simm.s32 $0xC00;
	[smem:$0x7DE] =	sst s14  }
0x48: {  	s16 =	simm.s32 $0xC60;
	[smem:$0x7DF] =	sst s15  }
0x49: {  	s17 =	simm.s32 $0xCC0;
	[smem:$0x7E0] =	sst s16  }
0x4a: {  	s18 =	simm.s32 $0xD20;
	[smem:$0x7E1] =	sst s17  }
0x4b: {  	[smem:$0x7E2] =	sst s18;
	s19 =	simm.s32 $0xD80  }
0x4c: {  	s20 =	simm.s32 $0xDE0;
	[smem:$0x7E3] =	sst s19  }
0x4d: {  	s21 =	simm.s32 $0xE40;
	[smem:$0x7E4] =	sst s20  }
0x4e: {  	s31 =	simm.s32 $0xA;
	s22 =	simm.s32 $0xEA0;
	[smem:$0x7E5] =	sst s21  }
0x4f: {  	s30 =	simm.s32 $0x9;
	s23 =	simm.s32 $0xF00;
	[smem:$0x7E6] =	sst s22  }
0x50: {  	p0 =	por $0x0, $0x0;
	s24 =	simm.s32 $0xF60;
	[smem:$0x7E7] =	sst s23  }
0x51: {  	s1 =	ssub.s32 $0x2, s1;
	s5 =	simm.s32 $0xFC0;
	[smem:$0x7E8] =	sst s24  }
0x52: {  	s4 =	simm.s32 $0x14400;
	s6 =	simm.s32 $0x1020;
	[smem:$0x7E9] =	sst s5  }
0x53: {  	s26 =	sshrl.u32 s1, $0x1;
	s7 =	simm.s32 $0x1080;
	[smem:$0x7EA] =	sst s6  }
0x54: {  	s8 =	simm.s32 $0x10E0;
	s9 =	simm.s32 $0x1800;
	[smem:$0x7EB] =	sst s7  }
0x55: {  	s10 =	simm.s32 $0x1140;
	s11 =	simm.s32 $0x11A0;
	[smem:$0x7EC] =	sst s8  }
0x56: {  	s12 =	simm.s32 $0x1200;
	s13 =	simm.s32 $0x1260;
	[smem:$0x7ED] =	sst s10  }
0x57: {  	s14 =	simm.s32 $0x12C0;
	s15 =	simm.s32 $0x1320;
	[smem:$0x7EE] =	sst s11  }
0x58: {  	s16 =	simm.s32 $0x1380;
	s17 =	simm.s32 $0x13E0;
	[smem:$0x7EF] =	sst s12  }
0x59: {  	s18 =	simm.s32 $0x1440;
	s1 =	ssub.s32 s1, s26;
	[smem:$0x7F0] =	sst s13  }
0x5a: {  	s6 =	simm.s32 $0x7C00;
	s5 =	simm.s32 $0xE000;
	[smem:$0x7F1] =	sst s14  }
0x5b: {  	s7 =	simm.s32 $0x60;
	s24 =	simm.s32 $0x1D00;
	[smem:$0x7F2] =	sst s15  }
0x5c: {  	s8 =	simm.s32 $0x5E;
	s26 =	simm.s32 $0x4D00;
	[smem:$0x7F3] =	sst s16  }
0x5d: {  	s22 =	simm.s32 $0x8100;
	[smem:$0x7F4] =	sst s17;
	s23 =	simm.s32 $0xB100  }
0x5e: {  	[smem:$0x7F5] =	sst s18;
	s19 =	simm.s32 $0x14A0;
	s20 =	simm.s32 $0x1  }
0x5f: {  	s21 =	simm.s32 $0x1500;
	s10 =	simm.s32 $0x1560;
	[smem:$0x7F6] =	sst s19  }
0x60: {  	s11 =	simm.s32 $0x15C0;
	s12 =	simm.s32 $0x1620;
	[smem:$0x7F7] =	sst s21  }
0x61: {  	s18 =	simm.s32 $0x2;
	s13 =	simm.s32 $0x1680;
	[smem:$0x7F8] =	sst s10  }
0x62: {  	s16 =	simm.s32 $0x14900;
	s1 =	smax.u32 s1, $0x1;
	[smem:$0x7F9] =	sst s11  }
0x63: {  	s14 =	simm.s32 $0x16E0;
	[smem:$0x7FA] =	sst s12;
	p1 =	sne.s32 s1, $0x1  }
.Ltmp0:
0x64: {  	s17 =	simm.s32 $0x17900;
	[smem:$0x7FB] =	sst s13;
	(pc) =	sbr.rel @!p1 .LBB2_5-.Ltmp0, $4  }
0x65: {  	s15 =	simm.s32 $0x1740;
	s19 =	simm.s32 $0xE500;
	[smem:$0x7FC] =	sst s14  }
0x66: {  	s21 =	simm.s32 $0x11500;
	[smem:$0x7FD] =	sst s15;
	s14 =	simm.s32 $0x3  }
0x67: {  	s15 =	simm.s32 $0x5;
	s13 =	simm.s32 $0x4;
	s12 =	simm.s32 $0x6  }
0x68: {  	s11 =	simm.s32 $0x7;
	s10 =	simm.s32 $0x8;
	s1 =	sadd.s32 $0xFFFFFFFF, s1  }
0x69: {  	[tilespmem:s2], [sflag:$0xA] =	stream.linear.gather [hbm4b:s0+s2], $0x1800, $0x38;
	[tilespmem:$0x1A800] =	vst v63  }
0x6a: {  	_ =	swait.ge [sflag:s31], $0x1800  }
0x6b: {  	[sflag:s31] =	ssyncset.done $0x0  }
0x6c: {  	[sflag:s31] =	ssyncadd.s32 $0xFFFFE800  }
0x6d: {  	[tilespmem:s9], [sflag:$0x9] =	stream.linear.gather [hbm4b:s29+s2], $0x500, $0x38;
	[tilespmem:$0x1A800] =	vst v63  }
0x6e: {  	_ = 	snop  }
0x6f: {  	[tilespmem:s6], [sflag:$0x9] =	stream.linear.gather [hbm4b:s29+s2], $0x500, $0x38;
	[tilespmem:$0x1A800] =	vst v63  }
0x70: {  	_ = 	snop  }
0x71: {  	[tilespmem:s5], [sflag:$0x9] =	stream.linear.gather [hbm4b:s29+s2], $0x500, $0x38;
	[tilespmem:$0x1A800] =	vst v63  }
0x72: {  	_ = 	snop  }
0x73: {  	[tilespmem:s4], [sflag:$0x9] =	stream.linear.gather [hbm4b:s29+s2], $0x500, $0x38;
	[tilespmem:$0x1A800] =	vst v63  }
0x74: {  	_ = 	snop  }
0x75: {  	[tilespmem:s24], [sflag:$0x1] =	stream.indirect.gather [hbm4b:s3+s7], $0x80, s2, s7, $0xb8;
	[tilespmem:$0x1A800] =	vst v63  }
0x76: {  	s0 =	sld [smem:$0x7C1]  }
0x77: {  	[tilespmem:s26], [sflag:$0x1] =	stream.indirect.gather [hbm4b:s3+s8], $0x80, s7, s8, $0xb8;
	[tilespmem:$0x1A800] =	vst v63  }
0x78: {  	s25 =	smov.u32 s1;
	s1 =	sld [smem:$0x7C2]  }
0x79: {  	[tilespmem:s22], [sflag:$0x2] =	stream.indirect.gather [hbm4b:s3+s7], $0x80, s0, s7, $0xb8;
	[tilespmem:$0x1A800] =	vst v63  }
0x7a: {  	_ = 	snop  }
0x7b: {  	[tilespmem:s23], [sflag:$0x2] =	stream.indirect.gather [hbm4b:s3+s8], $0x80, s1, s8, $0xb8;
	[tilespmem:$0x1A800] =	vst v63  }
0x7c: {  	_ =	swait.ge [sflag:s20], $0x3000  }
0x7d: {  	[sflag:s20] =	ssyncset.done $0x0  }
0x7e: {  	[sflag:s20] =	ssyncadd.s32 $0xFFFFD000  }
0x7f: {  	_ =	swait.ge [sflag:s20], $0x2F00  }
0x80: {  	[sflag:s20] =	ssyncset.done $0x0  }
0x81: {  	[sflag:s20] =	ssyncadd.s32 $0xFFFFD100  }
0x82: {  	_ =	swait.ge [sflag:s30], $0x500  }
0x83: {  	[sflag:s30] =	ssyncset.done $0x0  }
0x84: {  	s0 =	sld [smem:$0x7C3];
	[sflag:s30] =	ssyncadd.s32 $0xFFFFFB00  }
0x85: {  	[hbm4b:s28+s2] =	stream.linear.scatter [tilespmem:s9], [sflag:$0x5], $0x6400, $0x38;
	[tilespmem:$0x1A800] =	vst v63  }
0x86: {  	s1 =	sld [smem:$0x7C4]  }
0x87: {  	[tilespmem:s19], [sflag:$0x3] =	stream.indirect.gather [hbm4b:s3+s7], $0x80, s0, s7, $0xb8;
	[tilespmem:$0x1A800] =	vst v63  }
0x88: {  	_ = 	snop  }
0x89: {  	[tilespmem:s21], [sflag:$0x3] =	stream.indirect.gather [hbm4b:s3+s8], $0x80, s1, s8, $0xb8;
	[tilespmem:$0x1A800] =	vst v63  }
0x8a: {  	_ =	swait.ge [sflag:s18], $0x3000  }
0x8b: {  	[sflag:s18] =	ssyncset.done $0x0  }
0x8c: {  	[sflag:s18] =	ssyncadd.s32 $0xFFFFD000  }
0x8d: {  	_ =	swait.ge [sflag:s18], $0x2F00  }
0x8e: {  	[sflag:s18] =	ssyncset.done $0x0  }
0x8f: {  	[sflag:s18] =	ssyncadd.s32 $0xFFFFD100  }
0x90: {  	_ =	swait.ge [sflag:s30], $0x500  }
0x91: {  	s0 =	rddreg [dreg:$0x6];
	[sflag:s30] =	ssyncset.done $0x0  }
0x92: {  	s1 =	sld [smem:$0x7C5];
	[sflag:s30] =	ssyncadd.s32 $0xFFFFFB00  }
0x93: {  	[hbm4b:s0+s2] =	stream.linear.scatter [tilespmem:s6], [sflag:$0x6], $0x6400, $0x38;
	[tilespmem:$0x1A800] =	vst v63  }
0x94: {  	s0 =	sld [smem:$0x7C6]  }
0x95: {  	[tilespmem:s16], [sflag:$0x4] =	stream.indirect.gather [hbm4b:s3+s7], $0x80, s1, s7, $0xb8;
	[tilespmem:$0x1A800] =	vst v63  }
0x96: {  	_ = 	snop  }
0x97: {  	[tilespmem:s17], [sflag:$0x4] =	stream.indirect.gather [hbm4b:s3+s8], $0x80, s0, s8, $0xb8;
	[tilespmem:$0x1A800] =	vst v63  }
0x98: {  	_ =	swait.ge [sflag:s14], $0x3000  }
0x99: {  	[sflag:s14] =	ssyncset.done $0x0  }
0x9a: {  	[sflag:s14] =	ssyncadd.s32 $0xFFFFD000  }
0x9b: {  	_ =	swait.ge [sflag:s14], $0x2F00  }
0x9c: {  	[sflag:s14] =	ssyncset.done $0x0  }
0x9d: {  	[sflag:s14] =	ssyncadd.s32 $0xFFFFD100  }
0x9e: {  	_ =	swait.ge [sflag:s30], $0x500  }
0x9f: {  	[sflag:s30] =	ssyncset.done $0x0  }
0xa0: {  	s1 =	rddreg [dreg:$0x7];
	[sflag:s30] =	ssyncadd.s32 $0xFFFFFB00  }
0xa1: {  	[hbm4b:s1+s2] =	stream.linear.scatter [tilespmem:s5], [sflag:$0x7], $0x6400, $0x38;
	[tilespmem:$0x1A800] =	vst v63  }
0xa2: {  	_ =	swait.ge [sflag:s15], $0x6400  }
0xa3: {  	s0 =	sld [smem:$0x7C7]  }
0xa4: {  	[sflag:s15] =	ssyncset.done $0x0  }
0xa5: {  	s1 =	sld [smem:$0x7C8];
	[sflag:s15] =	ssyncadd.s32 $0xFFFF9C00  }
0xa6: {  	[tilespmem:s24], [sflag:$0x1] =	stream.indirect.gather [hbm4b:s3+s7], $0x80, s0, s7, $0xb8;
	[tilespmem:$0x1A800] =	vst v63  }
0xa7: {  	_ = 	snop  }
0xa8: {  	[tilespmem:s26], [sflag:$0x1] =	stream.indirect.gather [hbm4b:s3+s8], $0x80, s1, s8, $0xb8;
	[tilespmem:$0x1A800] =	vst v63  }
0xa9: {  	_ =	swait.ge [sflag:s13], $0x3000  }
0xaa: {  	[sflag:s13] =	ssyncset.done $0x0  }
0xab: {  	[sflag:s13] =	ssyncadd.s32 $0xFFFFD000  }
0xac: {  	_ =	swait.ge [sflag:s13], $0x2F00  }
0xad: {  	[sflag:s13] =	ssyncset.done $0x0  }
0xae: {  	[sflag:s13] =	ssyncadd.s32 $0xFFFFD100  }
0xaf: {  	_ =	swait.ge [sflag:s30], $0x500  }
0xb0: {  	[sflag:s30] =	ssyncset.done $0x0  }
0xb1: {  	s1 =	rddreg [dreg:$0x8];
	[sflag:s30] =	ssyncadd.s32 $0xFFFFFB00  }
0xb2: {  	[hbm4b:s1+s2] =	stream.linear.scatter [tilespmem:s4], [sflag:$0x8], $0x6400, $0x38;
	[tilespmem:$0x1A800] =	vst v63  }
0xb3: {  	_ =	swait.ge [sflag:s12], $0x6400  }
0xb4: {  	s0 =	sld [smem:$0x7C9]  }
0xb5: {  	[sflag:s12] =	ssyncset.done $0x0  }
0xb6: {  	s1 =	sld [smem:$0x7CA];
	[sflag:s12] =	ssyncadd.s32 $0xFFFF9C00  }
0xb7: {  	[tilespmem:s22], [sflag:$0x2] =	stream.indirect.gather [hbm4b:s3+s7], $0x80, s0, s7, $0xb8;
	[tilespmem:$0x1A800] =	vst v63  }
0xb8: {  	_ = 	snop  }
0xb9: {  	[tilespmem:s23], [sflag:$0x2] =	stream.indirect.gather [hbm4b:s3+s8], $0x80, s1, s8, $0xb8;
	[tilespmem:$0x1A800] =	vst v63  }
0xba: {  	_ =	swait.ge [sflag:s20], $0x3000  }
0xbb: {  	[sflag:s20] =	ssyncset.done $0x0  }
0xbc: {  	[sflag:s20] =	ssyncadd.s32 $0xFFFFD000  }
0xbd: {  	_ =	swait.ge [sflag:s20], $0x2F00  }
0xbe: {  	[sflag:s20] =	ssyncset.done $0x0  }
0xbf: {  	s1 =	rddreg [dreg:$0x9];
	[sflag:s20] =	ssyncadd.s32 $0xFFFFD100  }
0xc0: {  	[hbm4b:s1+s2] =	stream.linear.scatter [tilespmem:s9], [sflag:$0x5], $0x6400, $0x38;
	[tilespmem:$0x1A800] =	vst v63  }
0xc1: {  	_ =	swait.ge [sflag:s11], $0x6400  }
0xc2: {  	s0 =	sld [smem:$0x7CB]  }
0xc3: {  	[sflag:s11] =	ssyncset.done $0x0  }
0xc4: {  	s1 =	sld [smem:$0x7CC];
	[sflag:s11] =	ssyncadd.s32 $0xFFFF9C00  }
0xc5: {  	[tilespmem:s19], [sflag:$0x3] =	stream.indirect.gather [hbm4b:s3+s7], $0x80, s0, s7, $0xb8;
	[tilespmem:$0x1A800] =	vst v63  }
0xc6: {  	_ = 	snop  }
0xc7: {  	[tilespmem:s21], [sflag:$0x3] =	stream.indirect.gather [hbm4b:s3+s8], $0x80, s1, s8, $0xb8;
	[tilespmem:$0x1A800] =	vst v63  }
0xc8: {  	_ =	swait.ge [sflag:s18], $0x3000  }
0xc9: {  	[sflag:s18] =	ssyncset.done $0x0  }
0xca: {  	[sflag:s18] =	ssyncadd.s32 $0xFFFFD000  }
0xcb: {  	_ =	swait.ge [sflag:s18], $0x2F00  }
0xcc: {  	[sflag:s18] =	ssyncset.done $0x0  }
0xcd: {  	s1 =	rddreg [dreg:$0xa];
	[sflag:s18] =	ssyncadd.s32 $0xFFFFD100  }
0xce: {  	[hbm4b:s1+s2] =	stream.linear.scatter [tilespmem:s6], [sflag:$0x6], $0x6400, $0x38;
	[tilespmem:$0x1A800] =	vst v63  }
0xcf: {  	_ =	swait.ge [sflag:s10], $0x6400  }
0xd0: {  	s0 =	sld [smem:$0x7CD]  }
0xd1: {  	[sflag:s10] =	ssyncset.done $0x0  }
0xd2: {  	s1 =	sld [smem:$0x7CE];
	[sflag:s10] =	ssyncadd.s32 $0xFFFF9C00  }
0xd3: {  	[tilespmem:s16], [sflag:$0x4] =	stream.indirect.gather [hbm4b:s3+s7], $0x80, s0, s7, $0xb8;
	[tilespmem:$0x1A800] =	vst v63  }
0xd4: {  	_ = 	snop  }
0xd5: {  	[tilespmem:s17], [sflag:$0x4] =	stream.indirect.gather [hbm4b:s3+s8], $0x80, s1, s8, $0xb8;
	[tilespmem:$0x1A800] =	vst v63  }
0xd6: {  	_ =	swait.ge [sflag:s14], $0x3000  }
0xd7: {  	[sflag:s14] =	ssyncset.done $0x0  }
0xd8: {  	[sflag:s14] =	ssyncadd.s32 $0xFFFFD000  }
0xd9: {  	_ =	swait.ge [sflag:s14], $0x2F00  }
0xda: {  	[sflag:s14] =	ssyncset.done $0x0  }
0xdb: {  	s1 =	rddreg [dreg:$0xb];
	[sflag:s14] =	ssyncadd.s32 $0xFFFFD100  }
0xdc: {  	[hbm4b:s1+s2] =	stream.linear.scatter [tilespmem:s5], [sflag:$0x7], $0x6400, $0x38;
	[tilespmem:$0x1A800] =	vst v63  }
0xdd: {  	_ =	swait.ge [sflag:s15], $0x6400  }
0xde: {  	s0 =	sld [smem:$0x7CF]  }
0xdf: {  	[sflag:s15] =	ssyncset.done $0x0  }
0xe0: {  	s1 =	sld [smem:$0x7D0];
	[sflag:s15] =	ssyncadd.s32 $0xFFFF9C00  }
0xe1: {  	[tilespmem:s24], [sflag:$0x1] =	stream.indirect.gather [hbm4b:s3+s7], $0x80, s0, s7, $0xb8;
	[tilespmem:$0x1A800] =	vst v63  }
0xe2: {  	_ = 	snop  }
0xe3: {  	[tilespmem:s26], [sflag:$0x1] =	stream.indirect.gather [hbm4b:s3+s8], $0x80, s1, s8, $0xb8;
	[tilespmem:$0x1A800] =	vst v63  }
0xe4: {  	_ =	swait.ge [sflag:s13], $0x3000  }
0xe5: {  	[sflag:s13] =	ssyncset.done $0x0  }
0xe6: {  	[sflag:s13] =	ssyncadd.s32 $0xFFFFD000  }
0xe7: {  	_ =	swait.ge [sflag:s13], $0x2F00  }
0xe8: {  	[sflag:s13] =	ssyncset.done $0x0  }
0xe9: {  	s1 =	rddreg [dreg:$0xc];
	[sflag:s13] =	ssyncadd.s32 $0xFFFFD100  }
0xea: {  	[hbm4b:s1+s2] =	stream.linear.scatter [tilespmem:s4], [sflag:$0x8], $0x6400, $0x38;
	[tilespmem:$0x1A800] =	vst v63  }
0xeb: {  	_ =	swait.ge [sflag:s12], $0x6400  }
0xec: {  	s0 =	sld [smem:$0x7D1]  }
0xed: {  	[sflag:s12] =	ssyncset.done $0x0  }
0xee: {  	s1 =	sld [smem:$0x7D2];
	[sflag:s12] =	ssyncadd.s32 $0xFFFF9C00  }
0xef: {  	[tilespmem:s22], [sflag:$0x2] =	stream.indirect.gather [hbm4b:s3+s7], $0x80, s0, s7, $0xb8;
	[tilespmem:$0x1A800] =	vst v63  }
0xf0: {  	_ = 	snop  }
0xf1: {  	[tilespmem:s23], [sflag:$0x2] =	stream.indirect.gather [hbm4b:s3+s8], $0x80, s1, s8, $0xb8;
	[tilespmem:$0x1A800] =	vst v63  }
0xf2: {  	_ =	swait.ge [sflag:s20], $0x3000  }
0xf3: {  	[sflag:s20] =	ssyncset.done $0x0  }
0xf4: {  	[sflag:s20] =	ssyncadd.s32 $0xFFFFD000  }
0xf5: {  	_ =	swait.ge [sflag:s20], $0x2F00  }
0xf6: {  	[sflag:s20] =	ssyncset.done $0x0  }
0xf7: {  	s1 =	rddreg [dreg:$0xd];
	[sflag:s20] =	ssyncadd.s32 $0xFFFFD100  }
0xf8: {  	[hbm4b:s1+s2] =	stream.linear.scatter [tilespmem:s9], [sflag:$0x5], $0x6400, $0x38;
	[tilespmem:$0x1A800] =	vst v63  }
0xf9: {  	_ =	swait.ge [sflag:s11], $0x6400  }
0xfa: {  	s0 =	sld [smem:$0x7D3]  }
0xfb: {  	[sflag:s11] =	ssyncset.done $0x0  }
0xfc: {  	s1 =	sld [smem:$0x7D4];
	[sflag:s11] =	ssyncadd.s32 $0xFFFF9C00  }
0xfd: {  	[tilespmem:s19], [sflag:$0x3] =	stream.indirect.gather [hbm4b:s3+s7], $0x80, s0, s7, $0xb8;
	[tilespmem:$0x1A800] =	vst v63  }
0xfe: {  	_ = 	snop  }
0xff: {  	[tilespmem:s21], [sflag:$0x3] =	stream.indirect.gather [hbm4b:s3+s8], $0x80, s1, s8, $0xb8;
	[tilespmem:$0x1A800] =	vst v63  }
0x100: {  	_ =	swait.ge [sflag:s18], $0x3000  }
0x101: {  	[sflag:s18] =	ssyncset.done $0x0  }
0x102: {  	[sflag:s18] =	ssyncadd.s32 $0xFFFFD000  }
0x103: {  	_ =	swait.ge [sflag:s18], $0x2F00  }
0x104: {  	[sflag:s18] =	ssyncset.done $0x0  }
0x105: {  	s1 =	rddreg [dreg:$0xe];
	[sflag:s18] =	ssyncadd.s32 $0xFFFFD100  }
0x106: {  	[hbm4b:s1+s2] =	stream.linear.scatter [tilespmem:s6], [sflag:$0x6], $0x6400, $0x38;
	[tilespmem:$0x1A800] =	vst v63  }
0x107: {  	_ =	swait.ge [sflag:s10], $0x6400  }
0x108: {  	s0 =	sld [smem:$0x7D5]  }
0x109: {  	[sflag:s10] =	ssyncset.done $0x0  }
0x10a: {  	s1 =	sld [smem:$0x7D6];
	[sflag:s10] =	ssyncadd.s32 $0xFFFF9C00  }
0x10b: {  	[tilespmem:s16], [sflag:$0x4] =	stream.indirect.gather [hbm4b:s3+s7], $0x80, s0, s7, $0xb8;
	[tilespmem:$0x1A800] =	vst v63  }
0x10c: {  	_ = 	snop  }
0x10d: {  	[tilespmem:s17], [sflag:$0x4] =	stream.indirect.gather [hbm4b:s3+s8], $0x80, s1, s8, $0xb8;
	[tilespmem:$0x1A800] =	vst v63  }
0x10e: {  	_ =	swait.ge [sflag:s14], $0x3000  }
0x10f: {  	[sflag:s14] =	ssyncset.done $0x0  }
0x110: {  	[sflag:s14] =	ssyncadd.s32 $0xFFFFD000  }
0x111: {  	_ =	swait.ge [sflag:s14], $0x2F00  }
0x112: {  	[sflag:s14] =	ssyncset.done $0x0  }
0x113: {  	s1 =	rddreg [dreg:$0xf];
	[sflag:s14] =	ssyncadd.s32 $0xFFFFD100  }
0x114: {  	[hbm4b:s1+s2] =	stream.linear.scatter [tilespmem:s5], [sflag:$0x7], $0x6400, $0x38;
	[tilespmem:$0x1A800] =	vst v63  }
0x115: {  	_ =	swait.ge [sflag:s15], $0x6400  }
0x116: {  	s0 =	sld [smem:$0x7D7]  }
0x117: {  	[sflag:s15] =	ssyncset.done $0x0  }
0x118: {  	s1 =	sld [smem:$0x7D8];
	[sflag:s15] =	ssyncadd.s32 $0xFFFF9C00  }
0x119: {  	[tilespmem:s24], [sflag:$0x1] =	stream.indirect.gather [hbm4b:s3+s7], $0x80, s0, s7, $0xb8;
	[tilespmem:$0x1A800] =	vst v63  }
0x11a: {  	_ = 	snop  }
0x11b: {  	[tilespmem:s26], [sflag:$0x1] =	stream.indirect.gather [hbm4b:s3+s8], $0x80, s1, s8, $0xb8;
	[tilespmem:$0x1A800] =	vst v63  }
0x11c: {  	_ =	swait.ge [sflag:s13], $0x3000  }
0x11d: {  	[sflag:s13] =	ssyncset.done $0x0  }
0x11e: {  	[sflag:s13] =	ssyncadd.s32 $0xFFFFD000  }
0x11f: {  	_ =	swait.ge [sflag:s13], $0x2F00  }
0x120: {  	[sflag:s13] =	ssyncset.done $0x0  }
0x121: {  	s1 =	rddreg [dreg:$0x10];
	[sflag:s13] =	ssyncadd.s32 $0xFFFFD100  }
0x122: {  	[hbm4b:s1+s2] =	stream.linear.scatter [tilespmem:s4], [sflag:$0x8], $0x6400, $0x38;
	[tilespmem:$0x1A800] =	vst v63  }
0x123: {  	_ =	swait.ge [sflag:s12], $0x6400  }
0x124: {  	s0 =	sld [smem:$0x7D9]  }
0x125: {  	[sflag:s12] =	ssyncset.done $0x0  }
0x126: {  	s1 =	sld [smem:$0x7DA];
	[sflag:s12] =	ssyncadd.s32 $0xFFFF9C00  }
0x127: {  	[tilespmem:s22], [sflag:$0x2] =	stream.indirect.gather [hbm4b:s3+s7], $0x80, s0, s7, $0xb8;
	[tilespmem:$0x1A800] =	vst v63  }
0x128: {  	_ = 	snop  }
0x129: {  	[tilespmem:s23], [sflag:$0x2] =	stream.indirect.gather [hbm4b:s3+s8], $0x80, s1, s8, $0xb8;
	[tilespmem:$0x1A800] =	vst v63  }
0x12a: {  	_ =	swait.ge [sflag:s20], $0x3000  }
0x12b: {  	[sflag:s20] =	ssyncset.done $0x0  }
0x12c: {  	[sflag:s20] =	ssyncadd.s32 $0xFFFFD000  }
0x12d: {  	_ =	swait.ge [sflag:s20], $0x2F00  }
0x12e: {  	[sflag:s20] =	ssyncset.done $0x0  }
0x12f: {  	s1 =	rddreg [dreg:$0x11];
	[sflag:s20] =	ssyncadd.s32 $0xFFFFD100  }
0x130: {  	[hbm4b:s1+s2] =	stream.linear.scatter [tilespmem:s9], [sflag:$0x5], $0x6400, $0x38;
	[tilespmem:$0x1A800] =	vst v63  }
0x131: {  	_ =	swait.ge [sflag:s11], $0x6400  }
0x132: {  	s0 =	sld [smem:$0x7DB]  }
0x133: {  	[sflag:s11] =	ssyncset.done $0x0  }
0x134: {  	s1 =	sld [smem:$0x7DC];
	[sflag:s11] =	ssyncadd.s32 $0xFFFF9C00  }
0x135: {  	[tilespmem:s19], [sflag:$0x3] =	stream.indirect.gather [hbm4b:s3+s7], $0x80, s0, s7, $0xb8;
	[tilespmem:$0x1A800] =	vst v63  }
0x136: {  	_ = 	snop  }
0x137: {  	[tilespmem:s21], [sflag:$0x3] =	stream.indirect.gather [hbm4b:s3+s8], $0x80, s1, s8, $0xb8;
	[tilespmem:$0x1A800] =	vst v63  }
0x138: {  	_ =	swait.ge [sflag:s18], $0x3000  }
0x139: {  	[sflag:s18] =	ssyncset.done $0x0  }
0x13a: {  	[sflag:s18] =	ssyncadd.s32 $0xFFFFD000  }
0x13b: {  	_ =	swait.ge [sflag:s18], $0x2F00  }
0x13c: {  	[sflag:s18] =	ssyncset.done $0x0  }
0x13d: {  	s1 =	rddreg [dreg:$0x12];
	[sflag:s18] =	ssyncadd.s32 $0xFFFFD100  }
0x13e: {  	[hbm4b:s1+s2] =	stream.linear.scatter [tilespmem:s6], [sflag:$0x6], $0x6400, $0x38;
	[tilespmem:$0x1A800] =	vst v63  }
0x13f: {  	_ =	swait.ge [sflag:s10], $0x6400  }
0x140: {  	s0 =	sld [smem:$0x7DD]  }
0x141: {  	[sflag:s10] =	ssyncset.done $0x0  }
0x142: {  	s1 =	sld [smem:$0x7DE];
	[sflag:s10] =	ssyncadd.s32 $0xFFFF9C00  }
0x143: {  	[tilespmem:s16], [sflag:$0x4] =	stream.indirect.gather [hbm4b:s3+s7], $0x80, s0, s7, $0xb8;
	[tilespmem:$0x1A800] =	vst v63  }
0x144: {  	_ = 	snop  }
0x145: {  	[tilespmem:s17], [sflag:$0x4] =	stream.indirect.gather [hbm4b:s3+s8], $0x80, s1, s8, $0xb8;
	[tilespmem:$0x1A800] =	vst v63  }
0x146: {  	_ =	swait.ge [sflag:s14], $0x3000  }
0x147: {  	[sflag:s14] =	ssyncset.done $0x0  }
0x148: {  	[sflag:s14] =	ssyncadd.s32 $0xFFFFD000  }
0x149: {  	_ =	swait.ge [sflag:s14], $0x2F00  }
0x14a: {  	[sflag:s14] =	ssyncset.done $0x0  }
0x14b: {  	s1 =	rddreg [dreg:$0x13];
	[sflag:s14] =	ssyncadd.s32 $0xFFFFD100  }
0x14c: {  	[hbm4b:s1+s2] =	stream.linear.scatter [tilespmem:s5], [sflag:$0x7], $0x6400, $0x38;
	[tilespmem:$0x1A800] =	vst v63  }
0x14d: {  	_ =	swait.ge [sflag:s15], $0x6400  }
0x14e: {  	s0 =	sld [smem:$0x7DF]  }
0x14f: {  	[sflag:s15] =	ssyncset.done $0x0  }
0x150: {  	s1 =	sld [smem:$0x7E0];
	[sflag:s15] =	ssyncadd.s32 $0xFFFF9C00  }
0x151: {  	[tilespmem:s24], [sflag:$0x1] =	stream.indirect.gather [hbm4b:s3+s7], $0x80, s0, s7, $0xb8;
	[tilespmem:$0x1A800] =	vst v63  }
0x152: {  	_ = 	snop  }
0x153: {  	[tilespmem:s26], [sflag:$0x1] =	stream.indirect.gather [hbm4b:s3+s8], $0x80, s1, s8, $0xb8;
	[tilespmem:$0x1A800] =	vst v63  }
0x154: {  	_ =	swait.ge [sflag:s13], $0x3000  }
0x155: {  	[sflag:s13] =	ssyncset.done $0x0  }
0x156: {  	[sflag:s13] =	ssyncadd.s32 $0xFFFFD000  }
0x157: {  	_ =	swait.ge [sflag:s13], $0x2F00  }
0x158: {  	[sflag:s13] =	ssyncset.done $0x0  }
0x159: {  	s1 =	rddreg [dreg:$0x14];
	[sflag:s13] =	ssyncadd.s32 $0xFFFFD100  }
0x15a: {  	[hbm4b:s1+s2] =	stream.linear.scatter [tilespmem:s4], [sflag:$0x8], $0x6400, $0x38;
	[tilespmem:$0x1A800] =	vst v63  }
0x15b: {  	_ =	swait.ge [sflag:s12], $0x6400  }
0x15c: {  	s0 =	sld [smem:$0x7E1]  }
0x15d: {  	[sflag:s12] =	ssyncset.done $0x0  }
0x15e: {  	s1 =	sld [smem:$0x7E2];
	[sflag:s12] =	ssyncadd.s32 $0xFFFF9C00  }
0x15f: {  	[tilespmem:s22], [sflag:$0x2] =	stream.indirect.gather [hbm4b:s3+s7], $0x80, s0, s7, $0xb8;
	[tilespmem:$0x1A800] =	vst v63  }
0x160: {  	_ = 	snop  }
0x161: {  	[tilespmem:s23], [sflag:$0x2] =	stream.indirect.gather [hbm4b:s3+s8], $0x80, s1, s8, $0xb8;
	[tilespmem:$0x1A800] =	vst v63  }
0x162: {  	_ =	swait.ge [sflag:s20], $0x3000  }
0x163: {  	[sflag:s20] =	ssyncset.done $0x0  }
0x164: {  	[sflag:s20] =	ssyncadd.s32 $0xFFFFD000  }
0x165: {  	_ =	swait.ge [sflag:s20], $0x2F00  }
0x166: {  	[sflag:s20] =	ssyncset.done $0x0  }
0x167: {  	s1 =	rddreg [dreg:$0x15];
	[sflag:s20] =	ssyncadd.s32 $0xFFFFD100  }
0x168: {  	[hbm4b:s1+s2] =	stream.linear.scatter [tilespmem:s9], [sflag:$0x5], $0x6400, $0x38;
	[tilespmem:$0x1A800] =	vst v63  }
0x169: {  	_ =	swait.ge [sflag:s11], $0x6400  }
0x16a: {  	s0 =	sld [smem:$0x7E3]  }
0x16b: {  	[sflag:s11] =	ssyncset.done $0x0  }
0x16c: {  	s1 =	sld [smem:$0x7E4];
	[sflag:s11] =	ssyncadd.s32 $0xFFFF9C00  }
0x16d: {  	[tilespmem:s19], [sflag:$0x3] =	stream.indirect.gather [hbm4b:s3+s7], $0x80, s0, s7, $0xb8;
	[tilespmem:$0x1A800] =	vst v63  }
0x16e: {  	_ = 	snop  }
0x16f: {  	[tilespmem:s21], [sflag:$0x3] =	stream.indirect.gather [hbm4b:s3+s8], $0x80, s1, s8, $0xb8;
	[tilespmem:$0x1A800] =	vst v63  }
0x170: {  	_ =	swait.ge [sflag:s18], $0x3000  }
0x171: {  	[sflag:s18] =	ssyncset.done $0x0  }
0x172: {  	[sflag:s18] =	ssyncadd.s32 $0xFFFFD000  }
0x173: {  	_ =	swait.ge [sflag:s18], $0x2F00  }
0x174: {  	[sflag:s18] =	ssyncset.done $0x0  }
0x175: {  	s1 =	rddreg [dreg:$0x16];
	[sflag:s18] =	ssyncadd.s32 $0xFFFFD100  }
0x176: {  	[hbm4b:s1+s2] =	stream.linear.scatter [tilespmem:s6], [sflag:$0x6], $0x6400, $0x38;
	[tilespmem:$0x1A800] =	vst v63  }
0x177: {  	_ =	swait.ge [sflag:s10], $0x6400  }
0x178: {  	s0 =	sld [smem:$0x7E5]  }
0x179: {  	[sflag:s10] =	ssyncset.done $0x0  }
0x17a: {  	s1 =	sld [smem:$0x7E6];
	[sflag:s10] =	ssyncadd.s32 $0xFFFF9C00  }
0x17b: {  	[tilespmem:s16], [sflag:$0x4] =	stream.indirect.gather [hbm4b:s3+s7], $0x80, s0, s7, $0xb8;
	[tilespmem:$0x1A800] =	vst v63  }
0x17c: {  	_ = 	snop  }
0x17d: {  	[tilespmem:s17], [sflag:$0x4] =	stream.indirect.gather [hbm4b:s3+s8], $0x80, s1, s8, $0xb8;
	[tilespmem:$0x1A800] =	vst v63  }
0x17e: {  	_ =	swait.ge [sflag:s14], $0x3000  }
0x17f: {  	[sflag:s14] =	ssyncset.done $0x0  }
0x180: {  	[sflag:s14] =	ssyncadd.s32 $0xFFFFD000  }
0x181: {  	_ =	swait.ge [sflag:s14], $0x2F00  }
0x182: {  	[sflag:s14] =	ssyncset.done $0x0  }
0x183: {  	s1 =	rddreg [dreg:$0x17];
	[sflag:s14] =	ssyncadd.s32 $0xFFFFD100  }
0x184: {  	[hbm4b:s1+s2] =	stream.linear.scatter [tilespmem:s5], [sflag:$0x7], $0x6400, $0x38;
	[tilespmem:$0x1A800] =	vst v63  }
0x185: {  	_ =	swait.ge [sflag:s15], $0x6400  }
0x186: {  	s0 =	sld [smem:$0x7E7]  }
0x187: {  	[sflag:s15] =	ssyncset.done $0x0  }
0x188: {  	s1 =	sld [smem:$0x7E8];
	[sflag:s15] =	ssyncadd.s32 $0xFFFF9C00  }
0x189: {  	[tilespmem:s24], [sflag:$0x1] =	stream.indirect.gather [hbm4b:s3+s7], $0x80, s0, s7, $0xb8;
	[tilespmem:$0x1A800] =	vst v63  }
0x18a: {  	_ = 	snop  }
0x18b: {  	[tilespmem:s26], [sflag:$0x1] =	stream.indirect.gather [hbm4b:s3+s8], $0x80, s1, s8, $0xb8;
	[tilespmem:$0x1A800] =	vst v63  }
0x18c: {  	_ =	swait.ge [sflag:s13], $0x3000  }
0x18d: {  	[sflag:s13] =	ssyncset.done $0x0  }
0x18e: {  	[sflag:s13] =	ssyncadd.s32 $0xFFFFD000  }
0x18f: {  	_ =	swait.ge [sflag:s13], $0x2F00  }
0x190: {  	[sflag:s13] =	ssyncset.done $0x0  }
0x191: {  	s1 =	rddreg [dreg:$0x18];
	[sflag:s13] =	ssyncadd.s32 $0xFFFFD100  }
0x192: {  	[hbm4b:s1+s2] =	stream.linear.scatter [tilespmem:s4], [sflag:$0x8], $0x6400, $0x38;
	[tilespmem:$0x1A800] =	vst v63  }
0x193: {  	_ =	swait.ge [sflag:s12], $0x6400  }
0x194: {  	s0 =	sld [smem:$0x7E9]  }
0x195: {  	[sflag:s12] =	ssyncset.done $0x0  }
0x196: {  	s1 =	sld [smem:$0x7EA];
	[sflag:s12] =	ssyncadd.s32 $0xFFFF9C00  }
0x197: {  	[tilespmem:s22], [sflag:$0x2] =	stream.indirect.gather [hbm4b:s3+s7], $0x80, s0, s7, $0xb8;
	[tilespmem:$0x1A800] =	vst v63  }
0x198: {  	_ = 	snop  }
0x199: {  	[tilespmem:s23], [sflag:$0x2] =	stream.indirect.gather [hbm4b:s3+s8], $0x80, s1, s8, $0xb8;
	[tilespmem:$0x1A800] =	vst v63  }
0x19a: {  	_ =	swait.ge [sflag:s20], $0x3000  }
0x19b: {  	[sflag:s20] =	ssyncset.done $0x0  }
0x19c: {  	[sflag:s20] =	ssyncadd.s32 $0xFFFFD000  }
0x19d: {  	_ =	swait.ge [sflag:s20], $0x2F00  }
0x19e: {  	[sflag:s20] =	ssyncset.done $0x0  }
0x19f: {  	s1 =	rddreg [dreg:$0x19];
	[sflag:s20] =	ssyncadd.s32 $0xFFFFD100  }
0x1a0: {  	[hbm4b:s1+s2] =	stream.linear.scatter [tilespmem:s9], [sflag:$0x5], $0x6400, $0x38;
	[tilespmem:$0x1A800] =	vst v63  }
0x1a1: {  	_ =	swait.ge [sflag:s11], $0x6400  }
0x1a2: {  	s0 =	sld [smem:$0x7EB]  }
0x1a3: {  	[sflag:s11] =	ssyncset.done $0x0  }
0x1a4: {  	s1 =	sld [smem:$0x7EC];
	[sflag:s11] =	ssyncadd.s32 $0xFFFF9C00  }
0x1a5: {  	[tilespmem:s19], [sflag:$0x3] =	stream.indirect.gather [hbm4b:s3+s7], $0x80, s0, s7, $0xb8;
	[tilespmem:$0x1A800] =	vst v63  }
0x1a6: {  	_ = 	snop  }
0x1a7: {  	[tilespmem:s21], [sflag:$0x3] =	stream.indirect.gather [hbm4b:s3+s8], $0x80, s1, s8, $0xb8;
	[tilespmem:$0x1A800] =	vst v63  }
0x1a8: {  	_ =	swait.ge [sflag:s18], $0x3000  }
0x1a9: {  	[sflag:s18] =	ssyncset.done $0x0  }
0x1aa: {  	[sflag:s18] =	ssyncadd.s32 $0xFFFFD000  }
0x1ab: {  	_ =	swait.ge [sflag:s18], $0x2F00  }
0x1ac: {  	[sflag:s18] =	ssyncset.done $0x0  }
0x1ad: {  	s1 =	rddreg [dreg:$0x1a];
	[sflag:s18] =	ssyncadd.s32 $0xFFFFD100  }
0x1ae: {  	[hbm4b:s1+s2] =	stream.linear.scatter [tilespmem:s6], [sflag:$0x6], $0x6400, $0x38;
	[tilespmem:$0x1A800] =	vst v63  }
0x1af: {  	_ =	swait.ge [sflag:s10], $0x6400  }
0x1b0: {  	s0 =	sld [smem:$0x7ED]  }
0x1b1: {  	[sflag:s10] =	ssyncset.done $0x0  }
0x1b2: {  	s1 =	sld [smem:$0x7EE];
	[sflag:s10] =	ssyncadd.s32 $0xFFFF9C00  }
0x1b3: {  	[tilespmem:s16], [sflag:$0x4] =	stream.indirect.gather [hbm4b:s3+s7], $0x80, s0, s7, $0xb8;
	[tilespmem:$0x1A800] =	vst v63  }
0x1b4: {  	_ = 	snop  }
0x1b5: {  	[tilespmem:s17], [sflag:$0x4] =	stream.indirect.gather [hbm4b:s3+s8], $0x80, s1, s8, $0xb8;
	[tilespmem:$0x1A800] =	vst v63  }
0x1b6: {  	_ =	swait.ge [sflag:s14], $0x3000  }
0x1b7: {  	[sflag:s14] =	ssyncset.done $0x0  }
0x1b8: {  	[sflag:s14] =	ssyncadd.s32 $0xFFFFD000  }
0x1b9: {  	_ =	swait.ge [sflag:s14], $0x2F00  }
0x1ba: {  	[sflag:s14] =	ssyncset.done $0x0  }
0x1bb: {  	s1 =	rddreg [dreg:$0x1b];
	[sflag:s14] =	ssyncadd.s32 $0xFFFFD100  }
0x1bc: {  	[hbm4b:s1+s2] =	stream.linear.scatter [tilespmem:s5], [sflag:$0x7], $0x6400, $0x38;
	[tilespmem:$0x1A800] =	vst v63  }
0x1bd: {  	_ =	swait.ge [sflag:s15], $0x6400  }
0x1be: {  	s0 =	sld [smem:$0x7EF]  }
0x1bf: {  	[sflag:s15] =	ssyncset.done $0x0  }
0x1c0: {  	s1 =	sld [smem:$0x7F0];
	[sflag:s15] =	ssyncadd.s32 $0xFFFF9C00  }
0x1c1: {  	[tilespmem:s24], [sflag:$0x1] =	stream.indirect.gather [hbm4b:s3+s7], $0x80, s0, s7, $0xb8;
	[tilespmem:$0x1A800] =	vst v63  }
0x1c2: {  	_ = 	snop  }
0x1c3: {  	[tilespmem:s26], [sflag:$0x1] =	stream.indirect.gather [hbm4b:s3+s8], $0x80, s1, s8, $0xb8;
	[tilespmem:$0x1A800] =	vst v63  }
0x1c4: {  	_ =	swait.ge [sflag:s13], $0x3000  }
0x1c5: {  	[sflag:s13] =	ssyncset.done $0x0  }
0x1c6: {  	[sflag:s13] =	ssyncadd.s32 $0xFFFFD000  }
0x1c7: {  	_ =	swait.ge [sflag:s13], $0x2F00  }
0x1c8: {  	[sflag:s13] =	ssyncset.done $0x0  }
0x1c9: {  	s1 =	rddreg [dreg:$0x1c];
	[sflag:s13] =	ssyncadd.s32 $0xFFFFD100  }
0x1ca: {  	[hbm4b:s1+s2] =	stream.linear.scatter [tilespmem:s4], [sflag:$0x8], $0x6400, $0x38;
	[tilespmem:$0x1A800] =	vst v63  }
0x1cb: {  	_ =	swait.ge [sflag:s12], $0x6400  }
0x1cc: {  	s0 =	sld [smem:$0x7F1]  }
0x1cd: {  	[sflag:s12] =	ssyncset.done $0x0  }
0x1ce: {  	s1 =	sld [smem:$0x7F2];
	[sflag:s12] =	ssyncadd.s32 $0xFFFF9C00  }
0x1cf: {  	[tilespmem:s22], [sflag:$0x2] =	stream.indirect.gather [hbm4b:s3+s7], $0x80, s0, s7, $0xb8;
	[tilespmem:$0x1A800] =	vst v63  }
0x1d0: {  	_ = 	snop  }
0x1d1: {  	[tilespmem:s23], [sflag:$0x2] =	stream.indirect.gather [hbm4b:s3+s8], $0x80, s1, s8, $0xb8;
	[tilespmem:$0x1A800] =	vst v63  }
0x1d2: {  	_ =	swait.ge [sflag:s20], $0x3000  }
0x1d3: {  	[sflag:s20] =	ssyncset.done $0x0  }
0x1d4: {  	[sflag:s20] =	ssyncadd.s32 $0xFFFFD000  }
0x1d5: {  	_ =	swait.ge [sflag:s20], $0x2F00  }
0x1d6: {  	[sflag:s20] =	ssyncset.done $0x0  }
0x1d7: {  	s1 =	rddreg [dreg:$0x1d];
	[sflag:s20] =	ssyncadd.s32 $0xFFFFD100  }
0x1d8: {  	[hbm4b:s1+s2] =	stream.linear.scatter [tilespmem:s9], [sflag:$0x5], $0x6400, $0x38;
	[tilespmem:$0x1A800] =	vst v63  }
0x1d9: {  	_ =	swait.ge [sflag:s11], $0x6400  }
0x1da: {  	s0 =	sld [smem:$0x7F3]  }
0x1db: {  	[sflag:s11] =	ssyncset.done $0x0  }
0x1dc: {  	s1 =	sld [smem:$0x7F4];
	[sflag:s11] =	ssyncadd.s32 $0xFFFF9C00  }
0x1dd: {  	[tilespmem:s19], [sflag:$0x3] =	stream.indirect.gather [hbm4b:s3+s7], $0x80, s0, s7, $0xb8;
	[tilespmem:$0x1A800] =	vst v63  }
0x1de: {  	_ = 	snop  }
0x1df: {  	[tilespmem:s21], [sflag:$0x3] =	stream.indirect.gather [hbm4b:s3+s8], $0x80, s1, s8, $0xb8;
	[tilespmem:$0x1A800] =	vst v63  }
0x1e0: {  	_ =	swait.ge [sflag:s18], $0x3000  }
0x1e1: {  	[sflag:s18] =	ssyncset.done $0x0  }
0x1e2: {  	[sflag:s18] =	ssyncadd.s32 $0xFFFFD000  }
0x1e3: {  	_ =	swait.ge [sflag:s18], $0x2F00  }
0x1e4: {  	[sflag:s18] =	ssyncset.done $0x0  }
0x1e5: {  	s1 =	rddreg [dreg:$0x1e];
	[sflag:s18] =	ssyncadd.s32 $0xFFFFD100  }
0x1e6: {  	[hbm4b:s1+s2] =	stream.linear.scatter [tilespmem:s6], [sflag:$0x6], $0x6400, $0x38;
	[tilespmem:$0x1A800] =	vst v63  }
0x1e7: {  	_ =	swait.ge [sflag:s10], $0x6400  }
0x1e8: {  	s0 =	sld [smem:$0x7F5]  }
0x1e9: {  	[sflag:s10] =	ssyncset.done $0x0  }
0x1ea: {  	s1 =	sld [smem:$0x7F6];
	[sflag:s10] =	ssyncadd.s32 $0xFFFF9C00  }
0x1eb: {  	[tilespmem:s16], [sflag:$0x4] =	stream.indirect.gather [hbm4b:s3+s7], $0x80, s0, s7, $0xb8;
	[tilespmem:$0x1A800] =	vst v63  }
0x1ec: {  	_ = 	snop  }
0x1ed: {  	[tilespmem:s17], [sflag:$0x4] =	stream.indirect.gather [hbm4b:s3+s8], $0x80, s1, s8, $0xb8;
	[tilespmem:$0x1A800] =	vst v63  }
0x1ee: {  	_ =	swait.ge [sflag:s14], $0x3000  }
0x1ef: {  	[sflag:s14] =	ssyncset.done $0x0  }
0x1f0: {  	[sflag:s14] =	ssyncadd.s32 $0xFFFFD000  }
0x1f1: {  	_ =	swait.ge [sflag:s14], $0x2F00  }
0x1f2: {  	[sflag:s14] =	ssyncset.done $0x0  }
0x1f3: {  	s1 =	rddreg [dreg:$0x1f];
	[sflag:s14] =	ssyncadd.s32 $0xFFFFD100  }
0x1f4: {  	[hbm4b:s1+s2] =	stream.linear.scatter [tilespmem:s5], [sflag:$0x7], $0x6400, $0x38;
	[tilespmem:$0x1A800] =	vst v63  }
0x1f5: {  	_ =	swait.ge [sflag:s15], $0x6400  }
0x1f6: {  	s0 =	sld [smem:$0x7F7]  }
0x1f7: {  	[sflag:s15] =	ssyncset.done $0x0  }
0x1f8: {  	s1 =	sld [smem:$0x7F8];
	[sflag:s15] =	ssyncadd.s32 $0xFFFF9C00  }
0x1f9: {  	[tilespmem:s24], [sflag:$0x1] =	stream.indirect.gather [hbm4b:s3+s7], $0x80, s0, s7, $0xb8;
	[tilespmem:$0x1A800] =	vst v63  }
0x1fa: {  	_ = 	snop  }
0x1fb: {  	[tilespmem:s26], [sflag:$0x1] =	stream.indirect.gather [hbm4b:s3+s8], $0x80, s1, s8, $0xb8;
	[tilespmem:$0x1A800] =	vst v63  }
0x1fc: {  	_ =	swait.ge [sflag:s13], $0x3000  }
0x1fd: {  	[sflag:s13] =	ssyncset.done $0x0  }
0x1fe: {  	[sflag:s13] =	ssyncadd.s32 $0xFFFFD000  }
0x1ff: {  	_ =	swait.ge [sflag:s13], $0x2F00  }
0x200: {  	s1 =	sld [smem:$0x7BC]  }
0x201: {  	[sflag:s13] =	ssyncset.done $0x0  }
0x202: {  	[sflag:s13] =	ssyncadd.s32 $0xFFFFD100  }
0x203: {  	[hbm4b:s1+s2] =	stream.linear.scatter [tilespmem:s4], [sflag:$0x8], $0x6400, $0x38;
	[tilespmem:$0x1A800] =	vst v63  }
0x204: {  	_ =	swait.ge [sflag:s12], $0x6400  }
0x205: {  	s0 =	sld [smem:$0x7F9]  }
0x206: {  	[sflag:s12] =	ssyncset.done $0x0  }
0x207: {  	s1 =	sld [smem:$0x7FA];
	[sflag:s12] =	ssyncadd.s32 $0xFFFF9C00  }
0x208: {  	[tilespmem:s22], [sflag:$0x2] =	stream.indirect.gather [hbm4b:s3+s7], $0x80, s0, s7, $0xb8;
	[tilespmem:$0x1A800] =	vst v63  }
0x209: {  	_ = 	snop  }
0x20a: {  	[tilespmem:s23], [sflag:$0x2] =	stream.indirect.gather [hbm4b:s3+s8], $0x80, s1, s8, $0xb8;
	[tilespmem:$0x1A800] =	vst v63  }
0x20b: {  	_ =	swait.ge [sflag:s20], $0x3000  }
0x20c: {  	[sflag:s20] =	ssyncset.done $0x0  }
0x20d: {  	[sflag:s20] =	ssyncadd.s32 $0xFFFFD000  }
0x20e: {  	_ =	swait.ge [sflag:s20], $0x2F00  }
0x20f: {  	s1 =	sld [smem:$0x7BD]  }
0x210: {  	[sflag:s20] =	ssyncset.done $0x0  }
0x211: {  	[sflag:s20] =	ssyncadd.s32 $0xFFFFD100  }
0x212: {  	[hbm4b:s1+s2] =	stream.linear.scatter [tilespmem:s9], [sflag:$0x5], $0x6400, $0x38;
	[tilespmem:$0x1A800] =	vst v63  }
0x213: {  	_ =	swait.ge [sflag:s11], $0x6400  }
0x214: {  	s0 =	sld [smem:$0x7FB]  }
0x215: {  	[sflag:s11] =	ssyncset.done $0x0  }
0x216: {  	s1 =	sld [smem:$0x7FC];
	[sflag:s11] =	ssyncadd.s32 $0xFFFF9C00  }
0x217: {  	[tilespmem:s19], [sflag:$0x3] =	stream.indirect.gather [hbm4b:s3+s7], $0x80, s0, s7, $0xb8;
	[tilespmem:$0x1A800] =	vst v63  }
0x218: {  	_ = 	snop  }
0x219: {  	[tilespmem:s21], [sflag:$0x3] =	stream.indirect.gather [hbm4b:s3+s8], $0x80, s1, s8, $0xb8;
	[tilespmem:$0x1A800] =	vst v63  }
0x21a: {  	_ =	swait.ge [sflag:s18], $0x3000  }
0x21b: {  	[sflag:s18] =	ssyncset.done $0x0  }
0x21c: {  	[sflag:s18] =	ssyncadd.s32 $0xFFFFD000  }
0x21d: {  	_ =	swait.ge [sflag:s18], $0x2F00  }
0x21e: {  	s1 =	sld [smem:$0x7BE]  }
0x21f: {  	[sflag:s18] =	ssyncset.done $0x0  }
0x220: {  	[sflag:s18] =	ssyncadd.s32 $0xFFFFD100  }
0x221: {  	[hbm4b:s1+s2] =	stream.linear.scatter [tilespmem:s6], [sflag:$0x6], $0x6400, $0x38;
	[tilespmem:$0x1A800] =	vst v63  }
0x222: {  	_ =	swait.ge [sflag:s10], $0x6400  }
0x223: {  	s1 =	sld [smem:$0x7FD]  }
0x224: {  	[sflag:s10] =	ssyncset.done $0x0  }
0x225: {  	[sflag:s10] =	ssyncadd.s32 $0xFFFF9C00  }
0x226: {  	[tilespmem:s16], [sflag:$0x4] =	stream.indirect.gather [hbm4b:s3+s7], $0x80, s1, s7, $0xb8;
	[tilespmem:$0x1A800] =	vst v63  }
0x227: {  	s1 =	simm.s32 $0x17A0  }
0x228: {  	[tilespmem:s17], [sflag:$0x4] =	stream.indirect.gather [hbm4b:s3+s8], $0x80, s1, s8, $0xb8;
	[tilespmem:$0x1A800] =	vst v63  }
0x229: {  	_ =	swait.ge [sflag:s14], $0x3000  }
0x22a: {  	[sflag:s14] =	ssyncset.done $0x0  }
0x22b: {  	[sflag:s14] =	ssyncadd.s32 $0xFFFFD000  }
0x22c: {  	_ =	swait.ge [sflag:s14], $0x2F00  }
0x22d: {  	s1 =	sld [smem:$0x7BF]  }
0x22e: {  	[sflag:s14] =	ssyncset.done $0x0  }
0x22f: {  	[sflag:s14] =	ssyncadd.s32 $0xFFFFD100  }
0x230: {  	[hbm4b:s1+s2] =	stream.linear.scatter [tilespmem:s5], [sflag:$0x7], $0x6400, $0x38;
	[tilespmem:$0x1A800] =	vst v63  }
0x231: {  	_ =	swait.ge [sflag:s15], $0x6400  }
0x232: {  	[sflag:s15] =	ssyncset.done $0x0  }
0x233: {  	[sflag:s15] =	ssyncadd.s32 $0xFFFF9C00  }
0x234: {  	_ =	swait.ge [sflag:s13], $0x3000  }
0x235: {  	[sflag:s13] =	ssyncset.done $0x0  }
0x236: {  	[sflag:s13] =	ssyncadd.s32 $0xFFFFD000  }
0x237: {  	_ =	swait.ge [sflag:s13], $0x2F00  }
0x238: {  	s1 =	sld [smem:$0x7C0]  }
0x239: {  	[sflag:s13] =	ssyncset.done $0x0  }
0x23a: {  	[sflag:s13] =	ssyncadd.s32 $0xFFFFD100  }
0x23b: {  	[hbm4b:s1+s2] =	stream.linear.scatter [tilespmem:s4], [sflag:$0x8], $0x6400, $0x38;
	[tilespmem:$0x1A800] =	vst v63  }
0x23c: {  	_ =	swait.ge [sflag:s12], $0x6400  }
0x23d: {  	[sflag:s12] =	ssyncset.done $0x0  }
0x23e: {  	p1 =	sne.s32 s25, $0x1;
	[sflag:s12] =	ssyncadd.s32 $0xFFFF9C00  }
.Ltmp1:
0x23f: {  	_ =	swait.ge [sflag:s11], $0x6400;
	(pc) =	sbr.rel @!p1 .LBB2_2-.Ltmp1, $4  }
0x240: {  	[sflag:s11] =	ssyncset.done $0x0  }
0x241: {  	[sflag:s11] =	ssyncadd.s32 $0xFFFF9C00  }
0x242: {  	p0 =	por $0x1, $0x1;
	_ =	swait.ge [sflag:s10], $0x6400  }
0x243: {  	s1 =	sadd.s32 $0xFFFFFFFF, s25;
	s0 =	rddreg [dreg:$0x5];
	[sflag:s10] =	ssyncset.done $0x0  }
.LBB2_3:
0x244: {  	[sflag:s10] =	ssyncadd.s32 $0xFFFF9C00  }
0x245: {  	[tilespmem:s2], [sflag:$0xA] =	stream.linear.gather [hbm4b:s0+s2], $0x1800, $0x38;
	[tilespmem:$0x1A800] =	vst v63  }
0x246: {  	_ =	swait.ge [sflag:s31], $0x1800  }
0x247: {  	[sflag:s31] =	ssyncset.done $0x0  }
0x248: {  	[sflag:s31] =	ssyncadd.s32 $0xFFFFE800  }
0x249: {  	[tilespmem:s9], [sflag:$0x9] =	stream.linear.gather [hbm4b:s29+s2], $0x500, $0x38;
	[tilespmem:$0x1A800] =	vst v63  }
0x24a: {  	_ = 	snop  }
0x24b: {  	[tilespmem:s6], [sflag:$0x9] =	stream.linear.gather [hbm4b:s29+s2], $0x500, $0x38;
	[tilespmem:$0x1A800] =	vst v63  }
0x24c: {  	_ = 	snop  }
0x24d: {  	[tilespmem:s5], [sflag:$0x9] =	stream.linear.gather [hbm4b:s29+s2], $0x500, $0x38;
	[tilespmem:$0x1A800] =	vst v63  }
0x24e: {  	_ = 	snop  }
0x24f: {  	[tilespmem:s4], [sflag:$0x9] =	stream.linear.gather [hbm4b:s29+s2], $0x500, $0x38;
	[tilespmem:$0x1A800] =	vst v63  }
0x250: {  	_ = 	snop  }
0x251: {  	[tilespmem:s24], [sflag:$0x1] =	stream.indirect.gather [hbm4b:s3+s7], $0x80, s2, s7, $0xb8;
	[tilespmem:$0x1A800] =	vst v63  }
0x252: {  	s0 =	sld [smem:$0x7C1]  }
0x253: {  	[tilespmem:s26], [sflag:$0x1] =	stream.indirect.gather [hbm4b:s3+s8], $0x80, s7, s8, $0xb8;
	[tilespmem:$0x1A800] =	vst v63  }
0x254: {  	s25 =	sld [smem:$0x7C2]  }
0x255: {  	[tilespmem:s22], [sflag:$0x2] =	stream.indirect.gather [hbm4b:s3+s7], $0x80, s0, s7, $0xb8;
	[tilespmem:$0x1A800] =	vst v63  }
0x256: {  	_ = 	snop  }
0x257: {  	[tilespmem:s23], [sflag:$0x2] =	stream.indirect.gather [hbm4b:s3+s8], $0x80, s25, s8, $0xb8;
	[tilespmem:$0x1A800] =	vst v63  }
0x258: {  	_ =	swait.ge [sflag:s20], $0x3000  }
0x259: {  	[sflag:s20] =	ssyncset.done $0x0  }
0x25a: {  	[sflag:s20] =	ssyncadd.s32 $0xFFFFD000  }
0x25b: {  	_ =	swait.ge [sflag:s20], $0x2F00  }
0x25c: {  	[sflag:s20] =	ssyncset.done $0x0  }
0x25d: {  	[sflag:s20] =	ssyncadd.s32 $0xFFFFD100  }
0x25e: {  	_ =	swait.ge [sflag:s30], $0x500  }
0x25f: {  	[sflag:s30] =	ssyncset.done $0x0  }
0x260: {  	s0 =	sld [smem:$0x7C3];
	[sflag:s30] =	ssyncadd.s32 $0xFFFFFB00  }
0x261: {  	[hbm4b:s28+s2] =	stream.linear.scatter [tilespmem:s9], [sflag:$0x5], $0x6400, $0x38;
	[tilespmem:$0x1A800] =	vst v63  }
0x262: {  	s25 =	sld [smem:$0x7C4]  }
0x263: {  	[tilespmem:s19], [sflag:$0x3] =	stream.indirect.gather [hbm4b:s3+s7], $0x80, s0, s7, $0xb8;
	[tilespmem:$0x1A800] =	vst v63  }
0x264: {  	_ = 	snop  }
0x265: {  	[tilespmem:s21], [sflag:$0x3] =	stream.indirect.gather [hbm4b:s3+s8], $0x80, s25, s8, $0xb8;
	[tilespmem:$0x1A800] =	vst v63  }
0x266: {  	_ =	swait.ge [sflag:s18], $0x3000  }
0x267: {  	[sflag:s18] =	ssyncset.done $0x0  }
0x268: {  	[sflag:s18] =	ssyncadd.s32 $0xFFFFD000  }
0x269: {  	_ =	swait.ge [sflag:s18], $0x2F00  }
0x26a: {  	[sflag:s18] =	ssyncset.done $0x0  }
0x26b: {  	[sflag:s18] =	ssyncadd.s32 $0xFFFFD100  }
0x26c: {  	_ =	swait.ge [sflag:s30], $0x500  }
0x26d: {  	s0 =	rddreg [dreg:$0x6];
	[sflag:s30] =	ssyncset.done $0x0  }
0x26e: {  	s25 =	sld [smem:$0x7C5];
	[sflag:s30] =	ssyncadd.s32 $0xFFFFFB00  }
0x26f: {  	[hbm4b:s0+s2] =	stream.linear.scatter [tilespmem:s6], [sflag:$0x6], $0x6400, $0x38;
	[tilespmem:$0x1A800] =	vst v63  }
0x270: {  	s0 =	sld [smem:$0x7C6]  }
0x271: {  	[tilespmem:s16], [sflag:$0x4] =	stream.indirect.gather [hbm4b:s3+s7], $0x80, s25, s7, $0xb8;
	[tilespmem:$0x1A800] =	vst v63  }
0x272: {  	_ = 	snop  }
0x273: {  	[tilespmem:s17], [sflag:$0x4] =	stream.indirect.gather [hbm4b:s3+s8], $0x80, s0, s8, $0xb8;
	[tilespmem:$0x1A800] =	vst v63  }
0x274: {  	_ =	swait.ge [sflag:s14], $0x3000  }
0x275: {  	[sflag:s14] =	ssyncset.done $0x0  }
0x276: {  	[sflag:s14] =	ssyncadd.s32 $0xFFFFD000  }
0x277: {  	_ =	swait.ge [sflag:s14], $0x2F00  }
0x278: {  	[sflag:s14] =	ssyncset.done $0x0  }
0x279: {  	[sflag:s14] =	ssyncadd.s32 $0xFFFFD100  }
0x27a: {  	_ =	swait.ge [sflag:s30], $0x500  }
0x27b: {  	[sflag:s30] =	ssyncset.done $0x0  }
0x27c: {  	s25 =	rddreg [dreg:$0x7];
	[sflag:s30] =	ssyncadd.s32 $0xFFFFFB00  }
0x27d: {  	[hbm4b:s25+s2] =	stream.linear.scatter [tilespmem:s5], [sflag:$0x7], $0x6400, $0x38;
	[tilespmem:$0x1A800] =	vst v63  }
0x27e: {  	_ =	swait.ge [sflag:s15], $0x6400  }
0x27f: {  	s0 =	sld [smem:$0x7C7]  }
0x280: {  	[sflag:s15] =	ssyncset.done $0x0  }
0x281: {  	s25 =	sld [smem:$0x7C8];
	[sflag:s15] =	ssyncadd.s32 $0xFFFF9C00  }
0x282: {  	[tilespmem:s24], [sflag:$0x1] =	stream.indirect.gather [hbm4b:s3+s7], $0x80, s0, s7, $0xb8;
	[tilespmem:$0x1A800] =	vst v63  }
0x283: {  	_ = 	snop  }
0x284: {  	[tilespmem:s26], [sflag:$0x1] =	stream.indirect.gather [hbm4b:s3+s8], $0x80, s25, s8, $0xb8;
	[tilespmem:$0x1A800] =	vst v63  }
0x285: {  	_ =	swait.ge [sflag:s13], $0x3000  }
0x286: {  	[sflag:s13] =	ssyncset.done $0x0  }
0x287: {  	[sflag:s13] =	ssyncadd.s32 $0xFFFFD000  }
0x288: {  	_ =	swait.ge [sflag:s13], $0x2F00  }
0x289: {  	[sflag:s13] =	ssyncset.done $0x0  }
0x28a: {  	[sflag:s13] =	ssyncadd.s32 $0xFFFFD100  }
0x28b: {  	_ =	swait.ge [sflag:s30], $0x500  }
0x28c: {  	[sflag:s30] =	ssyncset.done $0x0  }
0x28d: {  	s25 =	rddreg [dreg:$0x8];
	[sflag:s30] =	ssyncadd.s32 $0xFFFFFB00  }
0x28e: {  	[hbm4b:s25+s2] =	stream.linear.scatter [tilespmem:s4], [sflag:$0x8], $0x6400, $0x38;
	[tilespmem:$0x1A800] =	vst v63  }
0x28f: {  	_ =	swait.ge [sflag:s12], $0x6400  }
0x290: {  	s0 =	sld [smem:$0x7C9]  }
0x291: {  	[sflag:s12] =	ssyncset.done $0x0  }
0x292: {  	s25 =	sld [smem:$0x7CA];
	[sflag:s12] =	ssyncadd.s32 $0xFFFF9C00  }
0x293: {  	[tilespmem:s22], [sflag:$0x2] =	stream.indirect.gather [hbm4b:s3+s7], $0x80, s0, s7, $0xb8;
	[tilespmem:$0x1A800] =	vst v63  }
0x294: {  	_ = 	snop  }
0x295: {  	[tilespmem:s23], [sflag:$0x2] =	stream.indirect.gather [hbm4b:s3+s8], $0x80, s25, s8, $0xb8;
	[tilespmem:$0x1A800] =	vst v63  }
0x296: {  	_ =	swait.ge [sflag:s20], $0x3000  }
0x297: {  	[sflag:s20] =	ssyncset.done $0x0  }
0x298: {  	[sflag:s20] =	ssyncadd.s32 $0xFFFFD000  }
0x299: {  	_ =	swait.ge [sflag:s20], $0x2F00  }
0x29a: {  	[sflag:s20] =	ssyncset.done $0x0  }
0x29b: {  	s25 =	rddreg [dreg:$0x9];
	[sflag:s20] =	ssyncadd.s32 $0xFFFFD100  }
0x29c: {  	[hbm4b:s25+s2] =	stream.linear.scatter [tilespmem:s9], [sflag:$0x5], $0x6400, $0x38;
	[tilespmem:$0x1A800] =	vst v63  }
0x29d: {  	_ =	swait.ge [sflag:s11], $0x6400  }
0x29e: {  	s0 =	sld [smem:$0x7CB]  }
0x29f: {  	[sflag:s11] =	ssyncset.done $0x0  }
0x2a0: {  	s25 =	sld [smem:$0x7CC];
	[sflag:s11] =	ssyncadd.s32 $0xFFFF9C00  }
0x2a1: {  	[tilespmem:s19], [sflag:$0x3] =	stream.indirect.gather [hbm4b:s3+s7], $0x80, s0, s7, $0xb8;
	[tilespmem:$0x1A800] =	vst v63  }
0x2a2: {  	_ = 	snop  }
0x2a3: {  	[tilespmem:s21], [sflag:$0x3] =	stream.indirect.gather [hbm4b:s3+s8], $0x80, s25, s8, $0xb8;
	[tilespmem:$0x1A800] =	vst v63  }
0x2a4: {  	_ =	swait.ge [sflag:s18], $0x3000  }
0x2a5: {  	[sflag:s18] =	ssyncset.done $0x0  }
0x2a6: {  	[sflag:s18] =	ssyncadd.s32 $0xFFFFD000  }
0x2a7: {  	_ =	swait.ge [sflag:s18], $0x2F00  }
0x2a8: {  	[sflag:s18] =	ssyncset.done $0x0  }
0x2a9: {  	s25 =	rddreg [dreg:$0xa];
	[sflag:s18] =	ssyncadd.s32 $0xFFFFD100  }
0x2aa: {  	[hbm4b:s25+s2] =	stream.linear.scatter [tilespmem:s6], [sflag:$0x6], $0x6400, $0x38;
	[tilespmem:$0x1A800] =	vst v63  }
0x2ab: {  	_ =	swait.ge [sflag:s10], $0x6400  }
0x2ac: {  	s0 =	sld [smem:$0x7CD]  }
0x2ad: {  	[sflag:s10] =	ssyncset.done $0x0  }
0x2ae: {  	s25 =	sld [smem:$0x7CE];
	[sflag:s10] =	ssyncadd.s32 $0xFFFF9C00  }
0x2af: {  	[tilespmem:s16], [sflag:$0x4] =	stream.indirect.gather [hbm4b:s3+s7], $0x80, s0, s7, $0xb8;
	[tilespmem:$0x1A800] =	vst v63  }
0x2b0: {  	_ = 	snop  }
0x2b1: {  	[tilespmem:s17], [sflag:$0x4] =	stream.indirect.gather [hbm4b:s3+s8], $0x80, s25, s8, $0xb8;
	[tilespmem:$0x1A800] =	vst v63  }
0x2b2: {  	_ =	swait.ge [sflag:s14], $0x3000  }
0x2b3: {  	[sflag:s14] =	ssyncset.done $0x0  }
0x2b4: {  	[sflag:s14] =	ssyncadd.s32 $0xFFFFD000  }
0x2b5: {  	_ =	swait.ge [sflag:s14], $0x2F00  }
0x2b6: {  	[sflag:s14] =	ssyncset.done $0x0  }
0x2b7: {  	s25 =	rddreg [dreg:$0xb];
	[sflag:s14] =	ssyncadd.s32 $0xFFFFD100  }
0x2b8: {  	[hbm4b:s25+s2] =	stream.linear.scatter [tilespmem:s5], [sflag:$0x7], $0x6400, $0x38;
	[tilespmem:$0x1A800] =	vst v63  }
0x2b9: {  	_ =	swait.ge [sflag:s15], $0x6400  }
0x2ba: {  	s0 =	sld [smem:$0x7CF]  }
0x2bb: {  	[sflag:s15] =	ssyncset.done $0x0  }
0x2bc: {  	s25 =	sld [smem:$0x7D0];
	[sflag:s15] =	ssyncadd.s32 $0xFFFF9C00  }
0x2bd: {  	[tilespmem:s24], [sflag:$0x1] =	stream.indirect.gather [hbm4b:s3+s7], $0x80, s0, s7, $0xb8;
	[tilespmem:$0x1A800] =	vst v63  }
0x2be: {  	_ = 	snop  }
0x2bf: {  	[tilespmem:s26], [sflag:$0x1] =	stream.indirect.gather [hbm4b:s3+s8], $0x80, s25, s8, $0xb8;
	[tilespmem:$0x1A800] =	vst v63  }
0x2c0: {  	_ =	swait.ge [sflag:s13], $0x3000  }
0x2c1: {  	[sflag:s13] =	ssyncset.done $0x0  }
0x2c2: {  	[sflag:s13] =	ssyncadd.s32 $0xFFFFD000  }
0x2c3: {  	_ =	swait.ge [sflag:s13], $0x2F00  }
0x2c4: {  	[sflag:s13] =	ssyncset.done $0x0  }
0x2c5: {  	s25 =	rddreg [dreg:$0xc];
	[sflag:s13] =	ssyncadd.s32 $0xFFFFD100  }
0x2c6: {  	[hbm4b:s25+s2] =	stream.linear.scatter [tilespmem:s4], [sflag:$0x8], $0x6400, $0x38;
	[tilespmem:$0x1A800] =	vst v63  }
0x2c7: {  	_ =	swait.ge [sflag:s12], $0x6400  }
0x2c8: {  	s0 =	sld [smem:$0x7D1]  }
0x2c9: {  	[sflag:s12] =	ssyncset.done $0x0  }
0x2ca: {  	s25 =	sld [smem:$0x7D2];
	[sflag:s12] =	ssyncadd.s32 $0xFFFF9C00  }
0x2cb: {  	[tilespmem:s22], [sflag:$0x2] =	stream.indirect.gather [hbm4b:s3+s7], $0x80, s0, s7, $0xb8;
	[tilespmem:$0x1A800] =	vst v63  }
0x2cc: {  	_ = 	snop  }
0x2cd: {  	[tilespmem:s23], [sflag:$0x2] =	stream.indirect.gather [hbm4b:s3+s8], $0x80, s25, s8, $0xb8;
	[tilespmem:$0x1A800] =	vst v63  }
0x2ce: {  	_ =	swait.ge [sflag:s20], $0x3000  }
0x2cf: {  	[sflag:s20] =	ssyncset.done $0x0  }
0x2d0: {  	[sflag:s20] =	ssyncadd.s32 $0xFFFFD000  }
0x2d1: {  	_ =	swait.ge [sflag:s20], $0x2F00  }
0x2d2: {  	[sflag:s20] =	ssyncset.done $0x0  }
0x2d3: {  	s25 =	rddreg [dreg:$0xd];
	[sflag:s20] =	ssyncadd.s32 $0xFFFFD100  }
0x2d4: {  	[hbm4b:s25+s2] =	stream.linear.scatter [tilespmem:s9], [sflag:$0x5], $0x6400, $0x38;
	[tilespmem:$0x1A800] =	vst v63  }
0x2d5: {  	_ =	swait.ge [sflag:s11], $0x6400  }
0x2d6: {  	s0 =	sld [smem:$0x7D3]  }
0x2d7: {  	[sflag:s11] =	ssyncset.done $0x0  }
0x2d8: {  	s25 =	sld [smem:$0x7D4];
	[sflag:s11] =	ssyncadd.s32 $0xFFFF9C00  }
0x2d9: {  	[tilespmem:s19], [sflag:$0x3] =	stream.indirect.gather [hbm4b:s3+s7], $0x80, s0, s7, $0xb8;
	[tilespmem:$0x1A800] =	vst v63  }
0x2da: {  	_ = 	snop  }
0x2db: {  	[tilespmem:s21], [sflag:$0x3] =	stream.indirect.gather [hbm4b:s3+s8], $0x80, s25, s8, $0xb8;
	[tilespmem:$0x1A800] =	vst v63  }
0x2dc: {  	_ =	swait.ge [sflag:s18], $0x3000  }
0x2dd: {  	[sflag:s18] =	ssyncset.done $0x0  }
0x2de: {  	[sflag:s18] =	ssyncadd.s32 $0xFFFFD000  }
0x2df: {  	_ =	swait.ge [sflag:s18], $0x2F00  }
0x2e0: {  	[sflag:s18] =	ssyncset.done $0x0  }
0x2e1: {  	s25 =	rddreg [dreg:$0xe];
	[sflag:s18] =	ssyncadd.s32 $0xFFFFD100  }
0x2e2: {  	[hbm4b:s25+s2] =	stream.linear.scatter [tilespmem:s6], [sflag:$0x6], $0x6400, $0x38;
	[tilespmem:$0x1A800] =	vst v63  }
0x2e3: {  	_ =	swait.ge [sflag:s10], $0x6400  }
0x2e4: {  	s0 =	sld [smem:$0x7D5]  }
0x2e5: {  	[sflag:s10] =	ssyncset.done $0x0  }
0x2e6: {  	s25 =	sld [smem:$0x7D6];
	[sflag:s10] =	ssyncadd.s32 $0xFFFF9C00  }
0x2e7: {  	[tilespmem:s16], [sflag:$0x4] =	stream.indirect.gather [hbm4b:s3+s7], $0x80, s0, s7, $0xb8;
	[tilespmem:$0x1A800] =	vst v63  }
0x2e8: {  	_ = 	snop  }
0x2e9: {  	[tilespmem:s17], [sflag:$0x4] =	stream.indirect.gather [hbm4b:s3+s8], $0x80, s25, s8, $0xb8;
	[tilespmem:$0x1A800] =	vst v63  }
0x2ea: {  	_ =	swait.ge [sflag:s14], $0x3000  }
0x2eb: {  	[sflag:s14] =	ssyncset.done $0x0  }
0x2ec: {  	[sflag:s14] =	ssyncadd.s32 $0xFFFFD000  }
0x2ed: {  	_ =	swait.ge [sflag:s14], $0x2F00  }
0x2ee: {  	[sflag:s14] =	ssyncset.done $0x0  }
0x2ef: {  	s25 =	rddreg [dreg:$0xf];
	[sflag:s14] =	ssyncadd.s32 $0xFFFFD100  }
0x2f0: {  	[hbm4b:s25+s2] =	stream.linear.scatter [tilespmem:s5], [sflag:$0x7], $0x6400, $0x38;
	[tilespmem:$0x1A800] =	vst v63  }
0x2f1: {  	_ =	swait.ge [sflag:s15], $0x6400  }
0x2f2: {  	s0 =	sld [smem:$0x7D7]  }
0x2f3: {  	[sflag:s15] =	ssyncset.done $0x0  }
0x2f4: {  	s25 =	sld [smem:$0x7D8];
	[sflag:s15] =	ssyncadd.s32 $0xFFFF9C00  }
0x2f5: {  	[tilespmem:s24], [sflag:$0x1] =	stream.indirect.gather [hbm4b:s3+s7], $0x80, s0, s7, $0xb8;
	[tilespmem:$0x1A800] =	vst v63  }
0x2f6: {  	_ = 	snop  }
0x2f7: {  	[tilespmem:s26], [sflag:$0x1] =	stream.indirect.gather [hbm4b:s3+s8], $0x80, s25, s8, $0xb8;
	[tilespmem:$0x1A800] =	vst v63  }
0x2f8: {  	_ =	swait.ge [sflag:s13], $0x3000  }
0x2f9: {  	[sflag:s13] =	ssyncset.done $0x0  }
0x2fa: {  	[sflag:s13] =	ssyncadd.s32 $0xFFFFD000  }
0x2fb: {  	_ =	swait.ge [sflag:s13], $0x2F00  }
0x2fc: {  	[sflag:s13] =	ssyncset.done $0x0  }
0x2fd: {  	s25 =	rddreg [dreg:$0x10];
	[sflag:s13] =	ssyncadd.s32 $0xFFFFD100  }
0x2fe: {  	[hbm4b:s25+s2] =	stream.linear.scatter [tilespmem:s4], [sflag:$0x8], $0x6400, $0x38;
	[tilespmem:$0x1A800] =	vst v63  }
0x2ff: {  	_ =	swait.ge [sflag:s12], $0x6400  }
0x300: {  	s0 =	sld [smem:$0x7D9]  }
0x301: {  	[sflag:s12] =	ssyncset.done $0x0  }
0x302: {  	s25 =	sld [smem:$0x7DA];
	[sflag:s12] =	ssyncadd.s32 $0xFFFF9C00  }
0x303: {  	[tilespmem:s22], [sflag:$0x2] =	stream.indirect.gather [hbm4b:s3+s7], $0x80, s0, s7, $0xb8;
	[tilespmem:$0x1A800] =	vst v63  }
0x304: {  	_ = 	snop  }
0x305: {  	[tilespmem:s23], [sflag:$0x2] =	stream.indirect.gather [hbm4b:s3+s8], $0x80, s25, s8, $0xb8;
	[tilespmem:$0x1A800] =	vst v63  }
0x306: {  	_ =	swait.ge [sflag:s20], $0x3000  }
0x307: {  	[sflag:s20] =	ssyncset.done $0x0  }
0x308: {  	[sflag:s20] =	ssyncadd.s32 $0xFFFFD000  }
0x309: {  	_ =	swait.ge [sflag:s20], $0x2F00  }
0x30a: {  	[sflag:s20] =	ssyncset.done $0x0  }
0x30b: {  	s25 =	rddreg [dreg:$0x11];
	[sflag:s20] =	ssyncadd.s32 $0xFFFFD100  }
0x30c: {  	[hbm4b:s25+s2] =	stream.linear.scatter [tilespmem:s9], [sflag:$0x5], $0x6400, $0x38;
	[tilespmem:$0x1A800] =	vst v63  }
0x30d: {  	_ =	swait.ge [sflag:s11], $0x6400  }
0x30e: {  	s0 =	sld [smem:$0x7DB]  }
0x30f: {  	[sflag:s11] =	ssyncset.done $0x0  }
0x310: {  	s25 =	sld [smem:$0x7DC];
	[sflag:s11] =	ssyncadd.s32 $0xFFFF9C00  }
0x311: {  	[tilespmem:s19], [sflag:$0x3] =	stream.indirect.gather [hbm4b:s3+s7], $0x80, s0, s7, $0xb8;
	[tilespmem:$0x1A800] =	vst v63  }
0x312: {  	_ = 	snop  }
0x313: {  	[tilespmem:s21], [sflag:$0x3] =	stream.indirect.gather [hbm4b:s3+s8], $0x80, s25, s8, $0xb8;
	[tilespmem:$0x1A800] =	vst v63  }
0x314: {  	_ =	swait.ge [sflag:s18], $0x3000  }
0x315: {  	[sflag:s18] =	ssyncset.done $0x0  }
0x316: {  	[sflag:s18] =	ssyncadd.s32 $0xFFFFD000  }
0x317: {  	_ =	swait.ge [sflag:s18], $0x2F00  }
0x318: {  	[sflag:s18] =	ssyncset.done $0x0  }
0x319: {  	s25 =	rddreg [dreg:$0x12];
	[sflag:s18] =	ssyncadd.s32 $0xFFFFD100  }
0x31a: {  	[hbm4b:s25+s2] =	stream.linear.scatter [tilespmem:s6], [sflag:$0x6], $0x6400, $0x38;
	[tilespmem:$0x1A800] =	vst v63  }
0x31b: {  	_ =	swait.ge [sflag:s10], $0x6400  }
0x31c: {  	s0 =	sld [smem:$0x7DD]  }
0x31d: {  	[sflag:s10] =	ssyncset.done $0x0  }
0x31e: {  	s25 =	sld [smem:$0x7DE];
	[sflag:s10] =	ssyncadd.s32 $0xFFFF9C00  }
0x31f: {  	[tilespmem:s16], [sflag:$0x4] =	stream.indirect.gather [hbm4b:s3+s7], $0x80, s0, s7, $0xb8;
	[tilespmem:$0x1A800] =	vst v63  }
0x320: {  	_ = 	snop  }
0x321: {  	[tilespmem:s17], [sflag:$0x4] =	stream.indirect.gather [hbm4b:s3+s8], $0x80, s25, s8, $0xb8;
	[tilespmem:$0x1A800] =	vst v63  }
0x322: {  	_ =	swait.ge [sflag:s14], $0x3000  }
0x323: {  	[sflag:s14] =	ssyncset.done $0x0  }
0x324: {  	[sflag:s14] =	ssyncadd.s32 $0xFFFFD000  }
0x325: {  	_ =	swait.ge [sflag:s14], $0x2F00  }
0x326: {  	[sflag:s14] =	ssyncset.done $0x0  }
0x327: {  	s25 =	rddreg [dreg:$0x13];
	[sflag:s14] =	ssyncadd.s32 $0xFFFFD100  }
0x328: {  	[hbm4b:s25+s2] =	stream.linear.scatter [tilespmem:s5], [sflag:$0x7], $0x6400, $0x38;
	[tilespmem:$0x1A800] =	vst v63  }
0x329: {  	_ =	swait.ge [sflag:s15], $0x6400  }
0x32a: {  	s0 =	sld [smem:$0x7DF]  }
0x32b: {  	[sflag:s15] =	ssyncset.done $0x0  }
0x32c: {  	s25 =	sld [smem:$0x7E0];
	[sflag:s15] =	ssyncadd.s32 $0xFFFF9C00  }
0x32d: {  	[tilespmem:s24], [sflag:$0x1] =	stream.indirect.gather [hbm4b:s3+s7], $0x80, s0, s7, $0xb8;
	[tilespmem:$0x1A800] =	vst v63  }
0x32e: {  	_ = 	snop  }
0x32f: {  	[tilespmem:s26], [sflag:$0x1] =	stream.indirect.gather [hbm4b:s3+s8], $0x80, s25, s8, $0xb8;
	[tilespmem:$0x1A800] =	vst v63  }
0x330: {  	_ =	swait.ge [sflag:s13], $0x3000  }
0x331: {  	[sflag:s13] =	ssyncset.done $0x0  }
0x332: {  	[sflag:s13] =	ssyncadd.s32 $0xFFFFD000  }
0x333: {  	_ =	swait.ge [sflag:s13], $0x2F00  }
0x334: {  	[sflag:s13] =	ssyncset.done $0x0  }
0x335: {  	s25 =	rddreg [dreg:$0x14];
	[sflag:s13] =	ssyncadd.s32 $0xFFFFD100  }
0x336: {  	[hbm4b:s25+s2] =	stream.linear.scatter [tilespmem:s4], [sflag:$0x8], $0x6400, $0x38;
	[tilespmem:$0x1A800] =	vst v63  }
0x337: {  	_ =	swait.ge [sflag:s12], $0x6400  }
0x338: {  	s0 =	sld [smem:$0x7E1]  }
0x339: {  	[sflag:s12] =	ssyncset.done $0x0  }
0x33a: {  	s25 =	sld [smem:$0x7E2];
	[sflag:s12] =	ssyncadd.s32 $0xFFFF9C00  }
0x33b: {  	[tilespmem:s22], [sflag:$0x2] =	stream.indirect.gather [hbm4b:s3+s7], $0x80, s0, s7, $0xb8;
	[tilespmem:$0x1A800] =	vst v63  }
0x33c: {  	_ = 	snop  }
0x33d: {  	[tilespmem:s23], [sflag:$0x2] =	stream.indirect.gather [hbm4b:s3+s8], $0x80, s25, s8, $0xb8;
	[tilespmem:$0x1A800] =	vst v63  }
0x33e: {  	_ =	swait.ge [sflag:s20], $0x3000  }
0x33f: {  	[sflag:s20] =	ssyncset.done $0x0  }
0x340: {  	[sflag:s20] =	ssyncadd.s32 $0xFFFFD000  }
0x341: {  	_ =	swait.ge [sflag:s20], $0x2F00  }
0x342: {  	[sflag:s20] =	ssyncset.done $0x0  }
0x343: {  	s25 =	rddreg [dreg:$0x15];
	[sflag:s20] =	ssyncadd.s32 $0xFFFFD100  }
0x344: {  	[hbm4b:s25+s2] =	stream.linear.scatter [tilespmem:s9], [sflag:$0x5], $0x6400, $0x38;
	[tilespmem:$0x1A800] =	vst v63  }
0x345: {  	_ =	swait.ge [sflag:s11], $0x6400  }
0x346: {  	s0 =	sld [smem:$0x7E3]  }
0x347: {  	[sflag:s11] =	ssyncset.done $0x0  }
0x348: {  	s25 =	sld [smem:$0x7E4];
	[sflag:s11] =	ssyncadd.s32 $0xFFFF9C00  }
0x349: {  	[tilespmem:s19], [sflag:$0x3] =	stream.indirect.gather [hbm4b:s3+s7], $0x80, s0, s7, $0xb8;
	[tilespmem:$0x1A800] =	vst v63  }
0x34a: {  	_ = 	snop  }
0x34b: {  	[tilespmem:s21], [sflag:$0x3] =	stream.indirect.gather [hbm4b:s3+s8], $0x80, s25, s8, $0xb8;
	[tilespmem:$0x1A800] =	vst v63  }
0x34c: {  	_ =	swait.ge [sflag:s18], $0x3000  }
0x34d: {  	[sflag:s18] =	ssyncset.done $0x0  }
0x34e: {  	[sflag:s18] =	ssyncadd.s32 $0xFFFFD000  }
0x34f: {  	_ =	swait.ge [sflag:s18], $0x2F00  }
0x350: {  	[sflag:s18] =	ssyncset.done $0x0  }
0x351: {  	s25 =	rddreg [dreg:$0x16];
	[sflag:s18] =	ssyncadd.s32 $0xFFFFD100  }
0x352: {  	[hbm4b:s25+s2] =	stream.linear.scatter [tilespmem:s6], [sflag:$0x6], $0x6400, $0x38;
	[tilespmem:$0x1A800] =	vst v63  }
0x353: {  	_ =	swait.ge [sflag:s10], $0x6400  }
0x354: {  	s0 =	sld [smem:$0x7E5]  }
0x355: {  	[sflag:s10] =	ssyncset.done $0x0  }
0x356: {  	s25 =	sld [smem:$0x7E6];
	[sflag:s10] =	ssyncadd.s32 $0xFFFF9C00  }
0x357: {  	[tilespmem:s16], [sflag:$0x4] =	stream.indirect.gather [hbm4b:s3+s7], $0x80, s0, s7, $0xb8;
	[tilespmem:$0x1A800] =	vst v63  }
0x358: {  	_ = 	snop  }
0x359: {  	[tilespmem:s17], [sflag:$0x4] =	stream.indirect.gather [hbm4b:s3+s8], $0x80, s25, s8, $0xb8;
	[tilespmem:$0x1A800] =	vst v63  }
0x35a: {  	_ =	swait.ge [sflag:s14], $0x3000  }
0x35b: {  	[sflag:s14] =	ssyncset.done $0x0  }
0x35c: {  	[sflag:s14] =	ssyncadd.s32 $0xFFFFD000  }
0x35d: {  	_ =	swait.ge [sflag:s14], $0x2F00  }
0x35e: {  	[sflag:s14] =	ssyncset.done $0x0  }
0x35f: {  	s25 =	rddreg [dreg:$0x17];
	[sflag:s14] =	ssyncadd.s32 $0xFFFFD100  }
0x360: {  	[hbm4b:s25+s2] =	stream.linear.scatter [tilespmem:s5], [sflag:$0x7], $0x6400, $0x38;
	[tilespmem:$0x1A800] =	vst v63  }
0x361: {  	_ =	swait.ge [sflag:s15], $0x6400  }
0x362: {  	s0 =	sld [smem:$0x7E7]  }
0x363: {  	[sflag:s15] =	ssyncset.done $0x0  }
0x364: {  	s25 =	sld [smem:$0x7E8];
	[sflag:s15] =	ssyncadd.s32 $0xFFFF9C00  }
0x365: {  	[tilespmem:s24], [sflag:$0x1] =	stream.indirect.gather [hbm4b:s3+s7], $0x80, s0, s7, $0xb8;
	[tilespmem:$0x1A800] =	vst v63  }
0x366: {  	_ = 	snop  }
0x367: {  	[tilespmem:s26], [sflag:$0x1] =	stream.indirect.gather [hbm4b:s3+s8], $0x80, s25, s8, $0xb8;
	[tilespmem:$0x1A800] =	vst v63  }
0x368: {  	_ =	swait.ge [sflag:s13], $0x3000  }
0x369: {  	[sflag:s13] =	ssyncset.done $0x0  }
0x36a: {  	[sflag:s13] =	ssyncadd.s32 $0xFFFFD000  }
0x36b: {  	_ =	swait.ge [sflag:s13], $0x2F00  }
0x36c: {  	[sflag:s13] =	ssyncset.done $0x0  }
0x36d: {  	s25 =	rddreg [dreg:$0x18];
	[sflag:s13] =	ssyncadd.s32 $0xFFFFD100  }
0x36e: {  	[hbm4b:s25+s2] =	stream.linear.scatter [tilespmem:s4], [sflag:$0x8], $0x6400, $0x38;
	[tilespmem:$0x1A800] =	vst v63  }
0x36f: {  	_ =	swait.ge [sflag:s12], $0x6400  }
0x370: {  	s0 =	sld [smem:$0x7E9]  }
0x371: {  	[sflag:s12] =	ssyncset.done $0x0  }
0x372: {  	s25 =	sld [smem:$0x7EA];
	[sflag:s12] =	ssyncadd.s32 $0xFFFF9C00  }
0x373: {  	[tilespmem:s22], [sflag:$0x2] =	stream.indirect.gather [hbm4b:s3+s7], $0x80, s0, s7, $0xb8;
	[tilespmem:$0x1A800] =	vst v63  }
0x374: {  	_ = 	snop  }
0x375: {  	[tilespmem:s23], [sflag:$0x2] =	stream.indirect.gather [hbm4b:s3+s8], $0x80, s25, s8, $0xb8;
	[tilespmem:$0x1A800] =	vst v63  }
0x376: {  	_ =	swait.ge [sflag:s20], $0x3000  }
0x377: {  	[sflag:s20] =	ssyncset.done $0x0  }
0x378: {  	[sflag:s20] =	ssyncadd.s32 $0xFFFFD000  }
0x379: {  	_ =	swait.ge [sflag:s20], $0x2F00  }
0x37a: {  	[sflag:s20] =	ssyncset.done $0x0  }
0x37b: {  	s25 =	rddreg [dreg:$0x19];
	[sflag:s20] =	ssyncadd.s32 $0xFFFFD100  }
0x37c: {  	[hbm4b:s25+s2] =	stream.linear.scatter [tilespmem:s9], [sflag:$0x5], $0x6400, $0x38;
	[tilespmem:$0x1A800] =	vst v63  }
0x37d: {  	_ =	swait.ge [sflag:s11], $0x6400  }
0x37e: {  	s0 =	sld [smem:$0x7EB]  }
0x37f: {  	[sflag:s11] =	ssyncset.done $0x0  }
0x380: {  	s25 =	sld [smem:$0x7EC];
	[sflag:s11] =	ssyncadd.s32 $0xFFFF9C00  }
0x381: {  	[tilespmem:s19], [sflag:$0x3] =	stream.indirect.gather [hbm4b:s3+s7], $0x80, s0, s7, $0xb8;
	[tilespmem:$0x1A800] =	vst v63  }
0x382: {  	_ = 	snop  }
0x383: {  	[tilespmem:s21], [sflag:$0x3] =	stream.indirect.gather [hbm4b:s3+s8], $0x80, s25, s8, $0xb8;
	[tilespmem:$0x1A800] =	vst v63  }
0x384: {  	_ =	swait.ge [sflag:s18], $0x3000  }
0x385: {  	[sflag:s18] =	ssyncset.done $0x0  }
0x386: {  	[sflag:s18] =	ssyncadd.s32 $0xFFFFD000  }
0x387: {  	_ =	swait.ge [sflag:s18], $0x2F00  }
0x388: {  	[sflag:s18] =	ssyncset.done $0x0  }
0x389: {  	s25 =	rddreg [dreg:$0x1a];
	[sflag:s18] =	ssyncadd.s32 $0xFFFFD100  }
0x38a: {  	[hbm4b:s25+s2] =	stream.linear.scatter [tilespmem:s6], [sflag:$0x6], $0x6400, $0x38;
	[tilespmem:$0x1A800] =	vst v63  }
0x38b: {  	_ =	swait.ge [sflag:s10], $0x6400  }
0x38c: {  	s0 =	sld [smem:$0x7ED]  }
0x38d: {  	[sflag:s10] =	ssyncset.done $0x0  }
0x38e: {  	s25 =	sld [smem:$0x7EE];
	[sflag:s10] =	ssyncadd.s32 $0xFFFF9C00  }
0x38f: {  	[tilespmem:s16], [sflag:$0x4] =	stream.indirect.gather [hbm4b:s3+s7], $0x80, s0, s7, $0xb8;
	[tilespmem:$0x1A800] =	vst v63  }
0x390: {  	_ = 	snop  }
0x391: {  	[tilespmem:s17], [sflag:$0x4] =	stream.indirect.gather [hbm4b:s3+s8], $0x80, s25, s8, $0xb8;
	[tilespmem:$0x1A800] =	vst v63  }
0x392: {  	_ =	swait.ge [sflag:s14], $0x3000  }
0x393: {  	[sflag:s14] =	ssyncset.done $0x0  }
0x394: {  	[sflag:s14] =	ssyncadd.s32 $0xFFFFD000  }
0x395: {  	_ =	swait.ge [sflag:s14], $0x2F00  }
0x396: {  	[sflag:s14] =	ssyncset.done $0x0  }
0x397: {  	s25 =	rddreg [dreg:$0x1b];
	[sflag:s14] =	ssyncadd.s32 $0xFFFFD100  }
0x398: {  	[hbm4b:s25+s2] =	stream.linear.scatter [tilespmem:s5], [sflag:$0x7], $0x6400, $0x38;
	[tilespmem:$0x1A800] =	vst v63  }
0x399: {  	_ =	swait.ge [sflag:s15], $0x6400  }
0x39a: {  	s0 =	sld [smem:$0x7EF]  }
0x39b: {  	[sflag:s15] =	ssyncset.done $0x0  }
0x39c: {  	s25 =	sld [smem:$0x7F0];
	[sflag:s15] =	ssyncadd.s32 $0xFFFF9C00  }
0x39d: {  	[tilespmem:s24], [sflag:$0x1] =	stream.indirect.gather [hbm4b:s3+s7], $0x80, s0, s7, $0xb8;
	[tilespmem:$0x1A800] =	vst v63  }
0x39e: {  	_ = 	snop  }
0x39f: {  	[tilespmem:s26], [sflag:$0x1] =	stream.indirect.gather [hbm4b:s3+s8], $0x80, s25, s8, $0xb8;
	[tilespmem:$0x1A800] =	vst v63  }
0x3a0: {  	_ =	swait.ge [sflag:s13], $0x3000  }
0x3a1: {  	[sflag:s13] =	ssyncset.done $0x0  }
0x3a2: {  	[sflag:s13] =	ssyncadd.s32 $0xFFFFD000  }
0x3a3: {  	_ =	swait.ge [sflag:s13], $0x2F00  }
0x3a4: {  	[sflag:s13] =	ssyncset.done $0x0  }
0x3a5: {  	s25 =	rddreg [dreg:$0x1c];
	[sflag:s13] =	ssyncadd.s32 $0xFFFFD100  }
0x3a6: {  	[hbm4b:s25+s2] =	stream.linear.scatter [tilespmem:s4], [sflag:$0x8], $0x6400, $0x38;
	[tilespmem:$0x1A800] =	vst v63  }
0x3a7: {  	_ =	swait.ge [sflag:s12], $0x6400  }
0x3a8: {  	s0 =	sld [smem:$0x7F1]  }
0x3a9: {  	[sflag:s12] =	ssyncset.done $0x0  }
0x3aa: {  	s25 =	sld [smem:$0x7F2];
	[sflag:s12] =	ssyncadd.s32 $0xFFFF9C00  }
0x3ab: {  	[tilespmem:s22], [sflag:$0x2] =	stream.indirect.gather [hbm4b:s3+s7], $0x80, s0, s7, $0xb8;
	[tilespmem:$0x1A800] =	vst v63  }
0x3ac: {  	_ = 	snop  }
0x3ad: {  	[tilespmem:s23], [sflag:$0x2] =	stream.indirect.gather [hbm4b:s3+s8], $0x80, s25, s8, $0xb8;
	[tilespmem:$0x1A800] =	vst v63  }
0x3ae: {  	_ =	swait.ge [sflag:s20], $0x3000  }
0x3af: {  	[sflag:s20] =	ssyncset.done $0x0  }
0x3b0: {  	[sflag:s20] =	ssyncadd.s32 $0xFFFFD000  }
0x3b1: {  	_ =	swait.ge [sflag:s20], $0x2F00  }
0x3b2: {  	[sflag:s20] =	ssyncset.done $0x0  }
0x3b3: {  	s25 =	rddreg [dreg:$0x1d];
	[sflag:s20] =	ssyncadd.s32 $0xFFFFD100  }
0x3b4: {  	[hbm4b:s25+s2] =	stream.linear.scatter [tilespmem:s9], [sflag:$0x5], $0x6400, $0x38;
	[tilespmem:$0x1A800] =	vst v63  }
0x3b5: {  	_ =	swait.ge [sflag:s11], $0x6400  }
0x3b6: {  	s0 =	sld [smem:$0x7F3]  }
0x3b7: {  	[sflag:s11] =	ssyncset.done $0x0  }
0x3b8: {  	s25 =	sld [smem:$0x7F4];
	[sflag:s11] =	ssyncadd.s32 $0xFFFF9C00  }
0x3b9: {  	[tilespmem:s19], [sflag:$0x3] =	stream.indirect.gather [hbm4b:s3+s7], $0x80, s0, s7, $0xb8;
	[tilespmem:$0x1A800] =	vst v63  }
0x3ba: {  	_ = 	snop  }
0x3bb: {  	[tilespmem:s21], [sflag:$0x3] =	stream.indirect.gather [hbm4b:s3+s8], $0x80, s25, s8, $0xb8;
	[tilespmem:$0x1A800] =	vst v63  }
0x3bc: {  	_ =	swait.ge [sflag:s18], $0x3000  }
0x3bd: {  	[sflag:s18] =	ssyncset.done $0x0  }
0x3be: {  	[sflag:s18] =	ssyncadd.s32 $0xFFFFD000  }
0x3bf: {  	_ =	swait.ge [sflag:s18], $0x2F00  }
0x3c0: {  	[sflag:s18] =	ssyncset.done $0x0  }
0x3c1: {  	s25 =	rddreg [dreg:$0x1e];
	[sflag:s18] =	ssyncadd.s32 $0xFFFFD100  }
0x3c2: {  	[hbm4b:s25+s2] =	stream.linear.scatter [tilespmem:s6], [sflag:$0x6], $0x6400, $0x38;
	[tilespmem:$0x1A800] =	vst v63  }
0x3c3: {  	_ =	swait.ge [sflag:s10], $0x6400  }
0x3c4: {  	s0 =	sld [smem:$0x7F5]  }
0x3c5: {  	[sflag:s10] =	ssyncset.done $0x0  }
0x3c6: {  	s25 =	sld [smem:$0x7F6];
	[sflag:s10] =	ssyncadd.s32 $0xFFFF9C00  }
0x3c7: {  	[tilespmem:s16], [sflag:$0x4] =	stream.indirect.gather [hbm4b:s3+s7], $0x80, s0, s7, $0xb8;
	[tilespmem:$0x1A800] =	vst v63  }
0x3c8: {  	_ = 	snop  }
0x3c9: {  	[tilespmem:s17], [sflag:$0x4] =	stream.indirect.gather [hbm4b:s3+s8], $0x80, s25, s8, $0xb8;
	[tilespmem:$0x1A800] =	vst v63  }
0x3ca: {  	_ =	swait.ge [sflag:s14], $0x3000  }
0x3cb: {  	[sflag:s14] =	ssyncset.done $0x0  }
0x3cc: {  	[sflag:s14] =	ssyncadd.s32 $0xFFFFD000  }
0x3cd: {  	_ =	swait.ge [sflag:s14], $0x2F00  }
0x3ce: {  	[sflag:s14] =	ssyncset.done $0x0  }
0x3cf: {  	s25 =	rddreg [dreg:$0x1f];
	[sflag:s14] =	ssyncadd.s32 $0xFFFFD100  }
0x3d0: {  	[hbm4b:s25+s2] =	stream.linear.scatter [tilespmem:s5], [sflag:$0x7], $0x6400, $0x38;
	[tilespmem:$0x1A800] =	vst v63  }
0x3d1: {  	_ =	swait.ge [sflag:s15], $0x6400  }
0x3d2: {  	s0 =	sld [smem:$0x7F7]  }
0x3d3: {  	[sflag:s15] =	ssyncset.done $0x0  }
0x3d4: {  	s25 =	sld [smem:$0x7F8];
	[sflag:s15] =	ssyncadd.s32 $0xFFFF9C00  }
0x3d5: {  	[tilespmem:s24], [sflag:$0x1] =	stream.indirect.gather [hbm4b:s3+s7], $0x80, s0, s7, $0xb8;
	[tilespmem:$0x1A800] =	vst v63  }
0x3d6: {  	_ = 	snop  }
0x3d7: {  	[tilespmem:s26], [sflag:$0x1] =	stream.indirect.gather [hbm4b:s3+s8], $0x80, s25, s8, $0xb8;
	[tilespmem:$0x1A800] =	vst v63  }
0x3d8: {  	_ =	swait.ge [sflag:s13], $0x3000  }
0x3d9: {  	[sflag:s13] =	ssyncset.done $0x0  }
0x3da: {  	[sflag:s13] =	ssyncadd.s32 $0xFFFFD000  }
0x3db: {  	_ =	swait.ge [sflag:s13], $0x2F00  }
0x3dc: {  	s25 =	sld [smem:$0x7BC]  }
0x3dd: {  	[sflag:s13] =	ssyncset.done $0x0  }
0x3de: {  	[sflag:s13] =	ssyncadd.s32 $0xFFFFD100  }
0x3df: {  	[hbm4b:s25+s2] =	stream.linear.scatter [tilespmem:s4], [sflag:$0x8], $0x6400, $0x38;
	[tilespmem:$0x1A800] =	vst v63  }
0x3e0: {  	_ =	swait.ge [sflag:s12], $0x6400  }
0x3e1: {  	s0 =	sld [smem:$0x7F9]  }
0x3e2: {  	[sflag:s12] =	ssyncset.done $0x0  }
0x3e3: {  	s25 =	sld [smem:$0x7FA];
	[sflag:s12] =	ssyncadd.s32 $0xFFFF9C00  }
0x3e4: {  	[tilespmem:s22], [sflag:$0x2] =	stream.indirect.gather [hbm4b:s3+s7], $0x80, s0, s7, $0xb8;
	[tilespmem:$0x1A800] =	vst v63  }
0x3e5: {  	_ = 	snop  }
0x3e6: {  	[tilespmem:s23], [sflag:$0x2] =	stream.indirect.gather [hbm4b:s3+s8], $0x80, s25, s8, $0xb8;
	[tilespmem:$0x1A800] =	vst v63  }
0x3e7: {  	_ =	swait.ge [sflag:s20], $0x3000  }
0x3e8: {  	[sflag:s20] =	ssyncset.done $0x0  }
0x3e9: {  	[sflag:s20] =	ssyncadd.s32 $0xFFFFD000  }
0x3ea: {  	_ =	swait.ge [sflag:s20], $0x2F00  }
0x3eb: {  	s25 =	sld [smem:$0x7BD]  }
0x3ec: {  	[sflag:s20] =	ssyncset.done $0x0  }
0x3ed: {  	[sflag:s20] =	ssyncadd.s32 $0xFFFFD100  }
0x3ee: {  	[hbm4b:s25+s2] =	stream.linear.scatter [tilespmem:s9], [sflag:$0x5], $0x6400, $0x38;
	[tilespmem:$0x1A800] =	vst v63  }
0x3ef: {  	_ =	swait.ge [sflag:s11], $0x6400  }
0x3f0: {  	s0 =	sld [smem:$0x7FB]  }
0x3f1: {  	[sflag:s11] =	ssyncset.done $0x0  }
0x3f2: {  	s25 =	sld [smem:$0x7FC];
	[sflag:s11] =	ssyncadd.s32 $0xFFFF9C00  }
0x3f3: {  	[tilespmem:s19], [sflag:$0x3] =	stream.indirect.gather [hbm4b:s3+s7], $0x80, s0, s7, $0xb8;
	[tilespmem:$0x1A800] =	vst v63  }
0x3f4: {  	_ = 	snop  }
0x3f5: {  	[tilespmem:s21], [sflag:$0x3] =	stream.indirect.gather [hbm4b:s3+s8], $0x80, s25, s8, $0xb8;
	[tilespmem:$0x1A800] =	vst v63  }
0x3f6: {  	_ =	swait.ge [sflag:s18], $0x3000  }
0x3f7: {  	[sflag:s18] =	ssyncset.done $0x0  }
0x3f8: {  	[sflag:s18] =	ssyncadd.s32 $0xFFFFD000  }
0x3f9: {  	_ =	swait.ge [sflag:s18], $0x2F00  }
0x3fa: {  	s25 =	sld [smem:$0x7BE]  }
0x3fb: {  	[sflag:s18] =	ssyncset.done $0x0  }
0x3fc: {  	[sflag:s18] =	ssyncadd.s32 $0xFFFFD100  }
0x3fd: {  	[hbm4b:s25+s2] =	stream.linear.scatter [tilespmem:s6], [sflag:$0x6], $0x6400, $0x38;
	[tilespmem:$0x1A800] =	vst v63  }
0x3fe: {  	_ =	swait.ge [sflag:s10], $0x6400  }
0x3ff: {  	s25 =	sld [smem:$0x7FD]  }
0x400: {  	[sflag:s10] =	ssyncset.done $0x0  }
0x401: {  	[sflag:s10] =	ssyncadd.s32 $0xFFFF9C00  }
0x402: {  	[tilespmem:s16], [sflag:$0x4] =	stream.indirect.gather [hbm4b:s3+s7], $0x80, s25, s7, $0xb8;
	[tilespmem:$0x1A800] =	vst v63  }
0x403: {  	s25 =	simm.s32 $0x17A0  }
0x404: {  	[tilespmem:s17], [sflag:$0x4] =	stream.indirect.gather [hbm4b:s3+s8], $0x80, s25, s8, $0xb8;
	[tilespmem:$0x1A800] =	vst v63  }
0x405: {  	_ =	swait.ge [sflag:s14], $0x3000  }
0x406: {  	[sflag:s14] =	ssyncset.done $0x0  }
0x407: {  	[sflag:s14] =	ssyncadd.s32 $0xFFFFD000  }
0x408: {  	_ =	swait.ge [sflag:s14], $0x2F00  }
0x409: {  	s25 =	sld [smem:$0x7BF]  }
0x40a: {  	[sflag:s14] =	ssyncset.done $0x0  }
0x40b: {  	[sflag:s14] =	ssyncadd.s32 $0xFFFFD100  }
0x40c: {  	[hbm4b:s25+s2] =	stream.linear.scatter [tilespmem:s5], [sflag:$0x7], $0x6400, $0x38;
	[tilespmem:$0x1A800] =	vst v63  }
0x40d: {  	_ =	swait.ge [sflag:s15], $0x6400  }
0x40e: {  	[sflag:s15] =	ssyncset.done $0x0  }
0x40f: {  	[sflag:s15] =	ssyncadd.s32 $0xFFFF9C00  }
0x410: {  	_ =	swait.ge [sflag:s13], $0x3000  }
0x411: {  	[sflag:s13] =	ssyncset.done $0x0  }
0x412: {  	[sflag:s13] =	ssyncadd.s32 $0xFFFFD000  }
0x413: {  	_ =	swait.ge [sflag:s13], $0x2F00  }
0x414: {  	s25 =	sld [smem:$0x7C0]  }
0x415: {  	[sflag:s13] =	ssyncset.done $0x0  }
0x416: {  	[sflag:s13] =	ssyncadd.s32 $0xFFFFD100  }
0x417: {  	[hbm4b:s25+s2] =	stream.linear.scatter [tilespmem:s4], [sflag:$0x8], $0x6400, $0x38;
	[tilespmem:$0x1A800] =	vst v63  }
0x418: {  	_ =	swait.ge [sflag:s12], $0x6400  }
0x419: {  	[sflag:s12] =	ssyncset.done $0x0  }
0x41a: {  	p1 =	sne.s32 s1, $0x1;
	[sflag:s12] =	ssyncadd.s32 $0xFFFF9C00  }
.Ltmp2:
0x41b: {  	_ =	swait.ge [sflag:s11], $0x6400;
	(pc) =	sbr.rel @p1 .LBB2_3-.Ltmp2, $4  }
0x41c: {  	[sflag:s11] =	ssyncset.done $0x0  }
0x41d: {  	[sflag:s11] =	ssyncadd.s32 $0xFFFF9C00  }
0x41e: {  	_ =	swait.ge [sflag:s10], $0x6400  }
0x41f: {  	s1 =	sadd.s32 $0xFFFFFFFF, s1;
	s0 =	rddreg [dreg:$0x5];
	[sflag:s10] =	ssyncset.done $0x0  }
0x420: {  	s25 =	stileid.u32  }
.LBB2_5:
0x421: {  	[sflag:s10] =	ssyncadd.s32 @p0 $0xFFFF9C00  }
0x422: {  	[tilespmem:s2], [sflag:$0xA] =	stream.linear.gather [hbm4b:s0+s2], $0x1800, $0x38;
	[tilespmem:$0x1A800] =	vst v63  }
0x423: {  	_ =	swait.ge [sflag:s31], $0x1800  }
0x424: {  	[sflag:s31] =	ssyncset.done $0x0  }
0x425: {  	[sflag:s31] =	ssyncadd.s32 $0xFFFFE800  }
0x426: {  	[tilespmem:s9], [sflag:$0x9] =	stream.linear.gather [hbm4b:s29+s2], $0x500, $0x38;
	[tilespmem:$0x1A800] =	vst v63  }
0x427: {  	_ = 	snop  }
0x428: {  	[tilespmem:s6], [sflag:$0x9] =	stream.linear.gather [hbm4b:s29+s2], $0x500, $0x38;
	[tilespmem:$0x1A800] =	vst v63  }
0x429: {  	_ = 	snop  }
0x42a: {  	[tilespmem:s5], [sflag:$0x9] =	stream.linear.gather [hbm4b:s29+s2], $0x500, $0x38;
	[tilespmem:$0x1A800] =	vst v63  }
0x42b: {  	_ = 	snop  }
0x42c: {  	[tilespmem:s4], [sflag:$0x9] =	stream.linear.gather [hbm4b:s29+s2], $0x500, $0x38;
	[tilespmem:$0x1A800] =	vst v63  }
0x42d: {  	_ = 	snop  }
0x42e: {  	[tilespmem:s24], [sflag:$0x1] =	stream.indirect.gather [hbm4b:s3+s7], $0x80, s2, s7, $0xb8;
	[tilespmem:$0x1A800] =	vst v63  }
0x42f: {  	s31 =	sld [smem:$0x7C1]  }
0x430: {  	[tilespmem:s26], [sflag:$0x1] =	stream.indirect.gather [hbm4b:s3+s8], $0x80, s7, s8, $0xb8;
	[tilespmem:$0x1A800] =	vst v63  }
0x431: {  	s1 =	sld [smem:$0x7C2]  }
0x432: {  	[tilespmem:s22], [sflag:$0x2] =	stream.indirect.gather [hbm4b:s3+s7], $0x80, s31, s7, $0xb8;
	[tilespmem:$0x1A800] =	vst v63  }
0x433: {  	_ = 	snop  }
0x434: {  	[tilespmem:s23], [sflag:$0x2] =	stream.indirect.gather [hbm4b:s3+s8], $0x80, s1, s8, $0xb8;
	[tilespmem:$0x1A800] =	vst v63  }
0x435: {  	_ =	swait.ge [sflag:s20], $0x3000  }
0x436: {  	[sflag:s20] =	ssyncset.done $0x0  }
0x437: {  	[sflag:s20] =	ssyncadd.s32 $0xFFFFD000  }
0x438: {  	_ =	swait.ge [sflag:s20], $0x2F00  }
0x439: {  	[sflag:s20] =	ssyncset.done $0x0  }
0x43a: {  	[sflag:s20] =	ssyncadd.s32 $0xFFFFD100  }
0x43b: {  	_ =	swait.ge [sflag:s30], $0x500  }
0x43c: {  	[sflag:s30] =	ssyncset.done $0x0  }
0x43d: {  	s29 =	sld [smem:$0x7C3];
	[sflag:s30] =	ssyncadd.s32 $0xFFFFFB00  }
0x43e: {  	[hbm4b:s28+s2] =	stream.linear.scatter [tilespmem:s9], [sflag:$0x5], $0x6400, $0x38;
	[tilespmem:$0x1A800] =	vst v63  }
0x43f: {  	s31 =	sld [smem:$0x7C4]  }
0x440: {  	[tilespmem:s19], [sflag:$0x3] =	stream.indirect.gather [hbm4b:s3+s7], $0x80, s29, s7, $0xb8;
	[tilespmem:$0x1A800] =	vst v63  }
0x441: {  	_ = 	snop  }
0x442: {  	[tilespmem:s21], [sflag:$0x3] =	stream.indirect.gather [hbm4b:s3+s8], $0x80, s31, s8, $0xb8;
	[tilespmem:$0x1A800] =	vst v63  }
0x443: {  	_ =	swait.ge [sflag:s18], $0x3000  }
0x444: {  	[sflag:s18] =	ssyncset.done $0x0  }
0x445: {  	[sflag:s18] =	ssyncadd.s32 $0xFFFFD000  }
0x446: {  	_ =	swait.ge [sflag:s18], $0x2F00  }
0x447: {  	[sflag:s18] =	ssyncset.done $0x0  }
0x448: {  	[sflag:s18] =	ssyncadd.s32 $0xFFFFD100  }
0x449: {  	_ =	swait.ge [sflag:s30], $0x500  }
0x44a: {  	s1 =	rddreg [dreg:$0x6];
	[sflag:s30] =	ssyncset.done $0x0  }
0x44b: {  	s28 =	sld [smem:$0x7C5];
	[sflag:s30] =	ssyncadd.s32 $0xFFFFFB00  }
0x44c: {  	[hbm4b:s1+s2] =	stream.linear.scatter [tilespmem:s6], [sflag:$0x6], $0x6400, $0x38;
	[tilespmem:$0x1A800] =	vst v63  }
0x44d: {  	s29 =	sld [smem:$0x7C6]  }
0x44e: {  	[tilespmem:s16], [sflag:$0x4] =	stream.indirect.gather [hbm4b:s3+s7], $0x80, s28, s7, $0xb8;
	[tilespmem:$0x1A800] =	vst v63  }
0x44f: {  	_ = 	snop  }
0x450: {  	[tilespmem:s17], [sflag:$0x4] =	stream.indirect.gather [hbm4b:s3+s8], $0x80, s29, s8, $0xb8;
	[tilespmem:$0x1A800] =	vst v63  }
0x451: {  	_ =	swait.ge [sflag:s14], $0x3000  }
0x452: {  	[sflag:s14] =	ssyncset.done $0x0  }
0x453: {  	[sflag:s14] =	ssyncadd.s32 $0xFFFFD000  }
0x454: {  	_ =	swait.ge [sflag:s14], $0x2F00  }
0x455: {  	[sflag:s14] =	ssyncset.done $0x0  }
0x456: {  	[sflag:s14] =	ssyncadd.s32 $0xFFFFD100  }
0x457: {  	_ =	swait.ge [sflag:s30], $0x500  }
0x458: {  	[sflag:s30] =	ssyncset.done $0x0  }
0x459: {  	s31 =	rddreg [dreg:$0x7];
	[sflag:s30] =	ssyncadd.s32 $0xFFFFFB00  }
0x45a: {  	[hbm4b:s31+s2] =	stream.linear.scatter [tilespmem:s5], [sflag:$0x7], $0x6400, $0x38;
	[tilespmem:$0x1A800] =	vst v63  }
0x45b: {  	_ =	swait.ge [sflag:s15], $0x6400  }
0x45c: {  	s1 =	sld [smem:$0x7C7]  }
0x45d: {  	[sflag:s15] =	ssyncset.done $0x0  }
0x45e: {  	s28 =	sld [smem:$0x7C8];
	[sflag:s15] =	ssyncadd.s32 $0xFFFF9C00  }
0x45f: {  	[tilespmem:s24], [sflag:$0x1] =	stream.indirect.gather [hbm4b:s3+s7], $0x80, s1, s7, $0xb8;
	[tilespmem:$0x1A800] =	vst v63  }
0x460: {  	_ = 	snop  }
0x461: {  	[tilespmem:s26], [sflag:$0x1] =	stream.indirect.gather [hbm4b:s3+s8], $0x80, s28, s8, $0xb8;
	[tilespmem:$0x1A800] =	vst v63  }
0x462: {  	_ =	swait.ge [sflag:s13], $0x3000  }
0x463: {  	[sflag:s13] =	ssyncset.done $0x0  }
0x464: {  	[sflag:s13] =	ssyncadd.s32 $0xFFFFD000  }
0x465: {  	_ =	swait.ge [sflag:s13], $0x2F00  }
0x466: {  	[sflag:s13] =	ssyncset.done $0x0  }
0x467: {  	[sflag:s13] =	ssyncadd.s32 $0xFFFFD100  }
0x468: {  	_ =	swait.ge [sflag:s30], $0x500  }
0x469: {  	[sflag:s30] =	ssyncset.done $0x0  }
0x46a: {  	s29 =	rddreg [dreg:$0x8];
	[sflag:s30] =	ssyncadd.s32 $0xFFFFFB00  }
0x46b: {  	[hbm4b:s29+s2] =	stream.linear.scatter [tilespmem:s4], [sflag:$0x8], $0x6400, $0x38;
	[tilespmem:$0x1A800] =	vst v63  }
0x46c: {  	_ =	swait.ge [sflag:s12], $0x6400  }
0x46d: {  	s30 =	sld [smem:$0x7C9]  }
0x46e: {  	[sflag:s12] =	ssyncset.done $0x0  }
0x46f: {  	s31 =	sld [smem:$0x7CA];
	[sflag:s12] =	ssyncadd.s32 $0xFFFF9C00  }
0x470: {  	[tilespmem:s22], [sflag:$0x2] =	stream.indirect.gather [hbm4b:s3+s7], $0x80, s30, s7, $0xb8;
	[tilespmem:$0x1A800] =	vst v63  }
0x471: {  	_ = 	snop  }
0x472: {  	[tilespmem:s23], [sflag:$0x2] =	stream.indirect.gather [hbm4b:s3+s8], $0x80, s31, s8, $0xb8;
	[tilespmem:$0x1A800] =	vst v63  }
0x473: {  	_ =	swait.ge [sflag:s20], $0x3000  }
0x474: {  	[sflag:s20] =	ssyncset.done $0x0  }
0x475: {  	[sflag:s20] =	ssyncadd.s32 $0xFFFFD000  }
0x476: {  	_ =	swait.ge [sflag:s20], $0x2F00  }
0x477: {  	[sflag:s20] =	ssyncset.done $0x0  }
0x478: {  	s28 =	rddreg [dreg:$0x9];
	[sflag:s20] =	ssyncadd.s32 $0xFFFFD100  }
0x479: {  	[hbm4b:s28+s2] =	stream.linear.scatter [tilespmem:s9], [sflag:$0x5], $0x6400, $0x38;
	[tilespmem:$0x1A800] =	vst v63  }
0x47a: {  	_ =	swait.ge [sflag:s11], $0x6400  }
0x47b: {  	s29 =	sld [smem:$0x7CB]  }
0x47c: {  	[sflag:s11] =	ssyncset.done $0x0  }
0x47d: {  	s30 =	sld [smem:$0x7CC];
	[sflag:s11] =	ssyncadd.s32 $0xFFFF9C00  }
0x47e: {  	[tilespmem:s19], [sflag:$0x3] =	stream.indirect.gather [hbm4b:s3+s7], $0x80, s29, s7, $0xb8;
	[tilespmem:$0x1A800] =	vst v63  }
0x47f: {  	_ = 	snop  }
0x480: {  	[tilespmem:s21], [sflag:$0x3] =	stream.indirect.gather [hbm4b:s3+s8], $0x80, s30, s8, $0xb8;
	[tilespmem:$0x1A800] =	vst v63  }
0x481: {  	_ =	swait.ge [sflag:s18], $0x3000  }
0x482: {  	[sflag:s18] =	ssyncset.done $0x0  }
0x483: {  	[sflag:s18] =	ssyncadd.s32 $0xFFFFD000  }
0x484: {  	_ =	swait.ge [sflag:s18], $0x2F00  }
0x485: {  	[sflag:s18] =	ssyncset.done $0x0  }
0x486: {  	s31 =	rddreg [dreg:$0xa];
	[sflag:s18] =	ssyncadd.s32 $0xFFFFD100  }
0x487: {  	[hbm4b:s31+s2] =	stream.linear.scatter [tilespmem:s6], [sflag:$0x6], $0x6400, $0x38;
	[tilespmem:$0x1A800] =	vst v63  }
0x488: {  	_ =	swait.ge [sflag:s10], $0x6400  }
0x489: {  	s1 =	sld [smem:$0x7CD]  }
0x48a: {  	[sflag:s10] =	ssyncset.done $0x0  }
0x48b: {  	s28 =	sld [smem:$0x7CE];
	[sflag:s10] =	ssyncadd.s32 $0xFFFF9C00  }
0x48c: {  	[tilespmem:s16], [sflag:$0x4] =	stream.indirect.gather [hbm4b:s3+s7], $0x80, s1, s7, $0xb8;
	[tilespmem:$0x1A800] =	vst v63  }
0x48d: {  	_ = 	snop  }
0x48e: {  	[tilespmem:s17], [sflag:$0x4] =	stream.indirect.gather [hbm4b:s3+s8], $0x80, s28, s8, $0xb8;
	[tilespmem:$0x1A800] =	vst v63  }
0x48f: {  	_ =	swait.ge [sflag:s14], $0x3000  }
0x490: {  	[sflag:s14] =	ssyncset.done $0x0  }
0x491: {  	[sflag:s14] =	ssyncadd.s32 $0xFFFFD000  }
0x492: {  	_ =	swait.ge [sflag:s14], $0x2F00  }
0x493: {  	[sflag:s14] =	ssyncset.done $0x0  }
0x494: {  	s29 =	rddreg [dreg:$0xb];
	[sflag:s14] =	ssyncadd.s32 $0xFFFFD100  }
0x495: {  	[hbm4b:s29+s2] =	stream.linear.scatter [tilespmem:s5], [sflag:$0x7], $0x6400, $0x38;
	[tilespmem:$0x1A800] =	vst v63  }
0x496: {  	_ =	swait.ge [sflag:s15], $0x6400  }
0x497: {  	s30 =	sld [smem:$0x7CF]  }
0x498: {  	[sflag:s15] =	ssyncset.done $0x0  }
0x499: {  	s31 =	sld [smem:$0x7D0];
	[sflag:s15] =	ssyncadd.s32 $0xFFFF9C00  }
0x49a: {  	[tilespmem:s24], [sflag:$0x1] =	stream.indirect.gather [hbm4b:s3+s7], $0x80, s30, s7, $0xb8;
	[tilespmem:$0x1A800] =	vst v63  }
0x49b: {  	_ = 	snop  }
0x49c: {  	[tilespmem:s26], [sflag:$0x1] =	stream.indirect.gather [hbm4b:s3+s8], $0x80, s31, s8, $0xb8;
	[tilespmem:$0x1A800] =	vst v63  }
0x49d: {  	_ =	swait.ge [sflag:s13], $0x3000  }
0x49e: {  	[sflag:s13] =	ssyncset.done $0x0  }
0x49f: {  	[sflag:s13] =	ssyncadd.s32 $0xFFFFD000  }
0x4a0: {  	_ =	swait.ge [sflag:s13], $0x2F00  }
0x4a1: {  	[sflag:s13] =	ssyncset.done $0x0  }
0x4a2: {  	s28 =	rddreg [dreg:$0xc];
	[sflag:s13] =	ssyncadd.s32 $0xFFFFD100  }
0x4a3: {  	[hbm4b:s28+s2] =	stream.linear.scatter [tilespmem:s4], [sflag:$0x8], $0x6400, $0x38;
	[tilespmem:$0x1A800] =	vst v63  }
0x4a4: {  	_ =	swait.ge [sflag:s12], $0x6400  }
0x4a5: {  	s29 =	sld [smem:$0x7D1]  }
0x4a6: {  	[sflag:s12] =	ssyncset.done $0x0  }
0x4a7: {  	s30 =	sld [smem:$0x7D2];
	[sflag:s12] =	ssyncadd.s32 $0xFFFF9C00  }
0x4a8: {  	[tilespmem:s22], [sflag:$0x2] =	stream.indirect.gather [hbm4b:s3+s7], $0x80, s29, s7, $0xb8;
	[tilespmem:$0x1A800] =	vst v63  }
0x4a9: {  	_ = 	snop  }
0x4aa: {  	[tilespmem:s23], [sflag:$0x2] =	stream.indirect.gather [hbm4b:s3+s8], $0x80, s30, s8, $0xb8;
	[tilespmem:$0x1A800] =	vst v63  }
0x4ab: {  	_ =	swait.ge [sflag:s20], $0x3000  }
0x4ac: {  	[sflag:s20] =	ssyncset.done $0x0  }
0x4ad: {  	[sflag:s20] =	ssyncadd.s32 $0xFFFFD000  }
0x4ae: {  	_ =	swait.ge [sflag:s20], $0x2F00  }
0x4af: {  	[sflag:s20] =	ssyncset.done $0x0  }
0x4b0: {  	s31 =	rddreg [dreg:$0xd];
	[sflag:s20] =	ssyncadd.s32 $0xFFFFD100  }
0x4b1: {  	[hbm4b:s31+s2] =	stream.linear.scatter [tilespmem:s9], [sflag:$0x5], $0x6400, $0x38;
	[tilespmem:$0x1A800] =	vst v63  }
0x4b2: {  	_ =	swait.ge [sflag:s11], $0x6400  }
0x4b3: {  	s1 =	sld [smem:$0x7D3]  }
0x4b4: {  	[sflag:s11] =	ssyncset.done $0x0  }
0x4b5: {  	s28 =	sld [smem:$0x7D4];
	[sflag:s11] =	ssyncadd.s32 $0xFFFF9C00  }
0x4b6: {  	[tilespmem:s19], [sflag:$0x3] =	stream.indirect.gather [hbm4b:s3+s7], $0x80, s1, s7, $0xb8;
	[tilespmem:$0x1A800] =	vst v63  }
0x4b7: {  	_ = 	snop  }
0x4b8: {  	[tilespmem:s21], [sflag:$0x3] =	stream.indirect.gather [hbm4b:s3+s8], $0x80, s28, s8, $0xb8;
	[tilespmem:$0x1A800] =	vst v63  }
0x4b9: {  	_ =	swait.ge [sflag:s18], $0x3000  }
0x4ba: {  	[sflag:s18] =	ssyncset.done $0x0  }
0x4bb: {  	[sflag:s18] =	ssyncadd.s32 $0xFFFFD000  }
0x4bc: {  	_ =	swait.ge [sflag:s18], $0x2F00  }
0x4bd: {  	[sflag:s18] =	ssyncset.done $0x0  }
0x4be: {  	s29 =	rddreg [dreg:$0xe];
	[sflag:s18] =	ssyncadd.s32 $0xFFFFD100  }
0x4bf: {  	[hbm4b:s29+s2] =	stream.linear.scatter [tilespmem:s6], [sflag:$0x6], $0x6400, $0x38;
	[tilespmem:$0x1A800] =	vst v63  }
0x4c0: {  	_ =	swait.ge [sflag:s10], $0x6400  }
0x4c1: {  	s30 =	sld [smem:$0x7D5]  }
0x4c2: {  	[sflag:s10] =	ssyncset.done $0x0  }
0x4c3: {  	s31 =	sld [smem:$0x7D6];
	[sflag:s10] =	ssyncadd.s32 $0xFFFF9C00  }
0x4c4: {  	[tilespmem:s16], [sflag:$0x4] =	stream.indirect.gather [hbm4b:s3+s7], $0x80, s30, s7, $0xb8;
	[tilespmem:$0x1A800] =	vst v63  }
0x4c5: {  	_ = 	snop  }
0x4c6: {  	[tilespmem:s17], [sflag:$0x4] =	stream.indirect.gather [hbm4b:s3+s8], $0x80, s31, s8, $0xb8;
	[tilespmem:$0x1A800] =	vst v63  }
0x4c7: {  	_ =	swait.ge [sflag:s14], $0x3000  }
0x4c8: {  	[sflag:s14] =	ssyncset.done $0x0  }
0x4c9: {  	[sflag:s14] =	ssyncadd.s32 $0xFFFFD000  }
0x4ca: {  	_ =	swait.ge [sflag:s14], $0x2F00  }
0x4cb: {  	[sflag:s14] =	ssyncset.done $0x0  }
0x4cc: {  	s28 =	rddreg [dreg:$0xf];
	[sflag:s14] =	ssyncadd.s32 $0xFFFFD100  }
0x4cd: {  	[hbm4b:s28+s2] =	stream.linear.scatter [tilespmem:s5], [sflag:$0x7], $0x6400, $0x38;
	[tilespmem:$0x1A800] =	vst v63  }
0x4ce: {  	_ =	swait.ge [sflag:s15], $0x6400  }
0x4cf: {  	s29 =	sld [smem:$0x7D7]  }
0x4d0: {  	[sflag:s15] =	ssyncset.done $0x0  }
0x4d1: {  	s30 =	sld [smem:$0x7D8];
	[sflag:s15] =	ssyncadd.s32 $0xFFFF9C00  }
0x4d2: {  	[tilespmem:s24], [sflag:$0x1] =	stream.indirect.gather [hbm4b:s3+s7], $0x80, s29, s7, $0xb8;
	[tilespmem:$0x1A800] =	vst v63  }
0x4d3: {  	_ = 	snop  }
0x4d4: {  	[tilespmem:s26], [sflag:$0x1] =	stream.indirect.gather [hbm4b:s3+s8], $0x80, s30, s8, $0xb8;
	[tilespmem:$0x1A800] =	vst v63  }
0x4d5: {  	_ =	swait.ge [sflag:s13], $0x3000  }
0x4d6: {  	[sflag:s13] =	ssyncset.done $0x0  }
0x4d7: {  	[sflag:s13] =	ssyncadd.s32 $0xFFFFD000  }
0x4d8: {  	_ =	swait.ge [sflag:s13], $0x2F00  }
0x4d9: {  	[sflag:s13] =	ssyncset.done $0x0  }
0x4da: {  	s31 =	rddreg [dreg:$0x10];
	[sflag:s13] =	ssyncadd.s32 $0xFFFFD100  }
0x4db: {  	[hbm4b:s31+s2] =	stream.linear.scatter [tilespmem:s4], [sflag:$0x8], $0x6400, $0x38;
	[tilespmem:$0x1A800] =	vst v63  }
0x4dc: {  	_ =	swait.ge [sflag:s12], $0x6400  }
0x4dd: {  	s1 =	sld [smem:$0x7D9]  }
0x4de: {  	[sflag:s12] =	ssyncset.done $0x0  }
0x4df: {  	s28 =	sld [smem:$0x7DA];
	[sflag:s12] =	ssyncadd.s32 $0xFFFF9C00  }
0x4e0: {  	[tilespmem:s22], [sflag:$0x2] =	stream.indirect.gather [hbm4b:s3+s7], $0x80, s1, s7, $0xb8;
	[tilespmem:$0x1A800] =	vst v63  }
0x4e1: {  	_ = 	snop  }
0x4e2: {  	[tilespmem:s23], [sflag:$0x2] =	stream.indirect.gather [hbm4b:s3+s8], $0x80, s28, s8, $0xb8;
	[tilespmem:$0x1A800] =	vst v63  }
0x4e3: {  	_ =	swait.ge [sflag:s20], $0x3000  }
0x4e4: {  	[sflag:s20] =	ssyncset.done $0x0  }
0x4e5: {  	[sflag:s20] =	ssyncadd.s32 $0xFFFFD000  }
0x4e6: {  	_ =	swait.ge [sflag:s20], $0x2F00  }
0x4e7: {  	[sflag:s20] =	ssyncset.done $0x0  }
0x4e8: {  	s29 =	rddreg [dreg:$0x11];
	[sflag:s20] =	ssyncadd.s32 $0xFFFFD100  }
0x4e9: {  	[hbm4b:s29+s2] =	stream.linear.scatter [tilespmem:s9], [sflag:$0x5], $0x6400, $0x38;
	[tilespmem:$0x1A800] =	vst v63  }
0x4ea: {  	_ =	swait.ge [sflag:s11], $0x6400  }
0x4eb: {  	s30 =	sld [smem:$0x7DB]  }
0x4ec: {  	[sflag:s11] =	ssyncset.done $0x0  }
0x4ed: {  	s31 =	sld [smem:$0x7DC];
	[sflag:s11] =	ssyncadd.s32 $0xFFFF9C00  }
0x4ee: {  	[tilespmem:s19], [sflag:$0x3] =	stream.indirect.gather [hbm4b:s3+s7], $0x80, s30, s7, $0xb8;
	[tilespmem:$0x1A800] =	vst v63  }
0x4ef: {  	_ = 	snop  }
0x4f0: {  	[tilespmem:s21], [sflag:$0x3] =	stream.indirect.gather [hbm4b:s3+s8], $0x80, s31, s8, $0xb8;
	[tilespmem:$0x1A800] =	vst v63  }
0x4f1: {  	_ =	swait.ge [sflag:s18], $0x3000  }
0x4f2: {  	[sflag:s18] =	ssyncset.done $0x0  }
0x4f3: {  	[sflag:s18] =	ssyncadd.s32 $0xFFFFD000  }
0x4f4: {  	_ =	swait.ge [sflag:s18], $0x2F00  }
0x4f5: {  	[sflag:s18] =	ssyncset.done $0x0  }
0x4f6: {  	s28 =	rddreg [dreg:$0x12];
	[sflag:s18] =	ssyncadd.s32 $0xFFFFD100  }
0x4f7: {  	[hbm4b:s28+s2] =	stream.linear.scatter [tilespmem:s6], [sflag:$0x6], $0x6400, $0x38;
	[tilespmem:$0x1A800] =	vst v63  }
0x4f8: {  	_ =	swait.ge [sflag:s10], $0x6400  }
0x4f9: {  	s29 =	sld [smem:$0x7DD]  }
0x4fa: {  	[sflag:s10] =	ssyncset.done $0x0  }
0x4fb: {  	s30 =	sld [smem:$0x7DE];
	[sflag:s10] =	ssyncadd.s32 $0xFFFF9C00  }
0x4fc: {  	[tilespmem:s16], [sflag:$0x4] =	stream.indirect.gather [hbm4b:s3+s7], $0x80, s29, s7, $0xb8;
	[tilespmem:$0x1A800] =	vst v63  }
0x4fd: {  	_ = 	snop  }
0x4fe: {  	[tilespmem:s17], [sflag:$0x4] =	stream.indirect.gather [hbm4b:s3+s8], $0x80, s30, s8, $0xb8;
	[tilespmem:$0x1A800] =	vst v63  }
0x4ff: {  	_ =	swait.ge [sflag:s14], $0x3000  }
0x500: {  	[sflag:s14] =	ssyncset.done $0x0  }
0x501: {  	[sflag:s14] =	ssyncadd.s32 $0xFFFFD000  }
0x502: {  	_ =	swait.ge [sflag:s14], $0x2F00  }
0x503: {  	[sflag:s14] =	ssyncset.done $0x0  }
0x504: {  	s31 =	rddreg [dreg:$0x13];
	[sflag:s14] =	ssyncadd.s32 $0xFFFFD100  }
0x505: {  	[hbm4b:s31+s2] =	stream.linear.scatter [tilespmem:s5], [sflag:$0x7], $0x6400, $0x38;
	[tilespmem:$0x1A800] =	vst v63  }
0x506: {  	_ =	swait.ge [sflag:s15], $0x6400  }
0x507: {  	s1 =	sld [smem:$0x7DF]  }
0x508: {  	[sflag:s15] =	ssyncset.done $0x0  }
0x509: {  	s28 =	sld [smem:$0x7E0];
	[sflag:s15] =	ssyncadd.s32 $0xFFFF9C00  }
0x50a: {  	[tilespmem:s24], [sflag:$0x1] =	stream.indirect.gather [hbm4b:s3+s7], $0x80, s1, s7, $0xb8;
	[tilespmem:$0x1A800] =	vst v63  }
0x50b: {  	_ = 	snop  }
0x50c: {  	[tilespmem:s26], [sflag:$0x1] =	stream.indirect.gather [hbm4b:s3+s8], $0x80, s28, s8, $0xb8;
	[tilespmem:$0x1A800] =	vst v63  }
0x50d: {  	_ =	swait.ge [sflag:s13], $0x3000  }
0x50e: {  	[sflag:s13] =	ssyncset.done $0x0  }
0x50f: {  	[sflag:s13] =	ssyncadd.s32 $0xFFFFD000  }
0x510: {  	_ =	swait.ge [sflag:s13], $0x2F00  }
0x511: {  	[sflag:s13] =	ssyncset.done $0x0  }
0x512: {  	s29 =	rddreg [dreg:$0x14];
	[sflag:s13] =	ssyncadd.s32 $0xFFFFD100  }
0x513: {  	[hbm4b:s29+s2] =	stream.linear.scatter [tilespmem:s4], [sflag:$0x8], $0x6400, $0x38;
	[tilespmem:$0x1A800] =	vst v63  }
0x514: {  	_ =	swait.ge [sflag:s12], $0x6400  }
0x515: {  	s30 =	sld [smem:$0x7E1]  }
0x516: {  	[sflag:s12] =	ssyncset.done $0x0  }
0x517: {  	s31 =	sld [smem:$0x7E2];
	[sflag:s12] =	ssyncadd.s32 $0xFFFF9C00  }
0x518: {  	[tilespmem:s22], [sflag:$0x2] =	stream.indirect.gather [hbm4b:s3+s7], $0x80, s30, s7, $0xb8;
	[tilespmem:$0x1A800] =	vst v63  }
0x519: {  	_ = 	snop  }
0x51a: {  	[tilespmem:s23], [sflag:$0x2] =	stream.indirect.gather [hbm4b:s3+s8], $0x80, s31, s8, $0xb8;
	[tilespmem:$0x1A800] =	vst v63  }
0x51b: {  	_ =	swait.ge [sflag:s20], $0x3000  }
0x51c: {  	[sflag:s20] =	ssyncset.done $0x0  }
0x51d: {  	[sflag:s20] =	ssyncadd.s32 $0xFFFFD000  }
0x51e: {  	_ =	swait.ge [sflag:s20], $0x2F00  }
0x51f: {  	[sflag:s20] =	ssyncset.done $0x0  }
0x520: {  	s28 =	rddreg [dreg:$0x15];
	[sflag:s20] =	ssyncadd.s32 $0xFFFFD100  }
0x521: {  	[hbm4b:s28+s2] =	stream.linear.scatter [tilespmem:s9], [sflag:$0x5], $0x6400, $0x38;
	[tilespmem:$0x1A800] =	vst v63  }
0x522: {  	_ =	swait.ge [sflag:s11], $0x6400  }
0x523: {  	s29 =	sld [smem:$0x7E3]  }
0x524: {  	[sflag:s11] =	ssyncset.done $0x0  }
0x525: {  	s30 =	sld [smem:$0x7E4];
	[sflag:s11] =	ssyncadd.s32 $0xFFFF9C00  }
0x526: {  	[tilespmem:s19], [sflag:$0x3] =	stream.indirect.gather [hbm4b:s3+s7], $0x80, s29, s7, $0xb8;
	[tilespmem:$0x1A800] =	vst v63  }
0x527: {  	_ = 	snop  }
0x528: {  	[tilespmem:s21], [sflag:$0x3] =	stream.indirect.gather [hbm4b:s3+s8], $0x80, s30, s8, $0xb8;
	[tilespmem:$0x1A800] =	vst v63  }
0x529: {  	_ =	swait.ge [sflag:s18], $0x3000  }
0x52a: {  	[sflag:s18] =	ssyncset.done $0x0  }
0x52b: {  	[sflag:s18] =	ssyncadd.s32 $0xFFFFD000  }
0x52c: {  	_ =	swait.ge [sflag:s18], $0x2F00  }
0x52d: {  	[sflag:s18] =	ssyncset.done $0x0  }
0x52e: {  	s31 =	rddreg [dreg:$0x16];
	[sflag:s18] =	ssyncadd.s32 $0xFFFFD100  }
0x52f: {  	[hbm4b:s31+s2] =	stream.linear.scatter [tilespmem:s6], [sflag:$0x6], $0x6400, $0x38;
	[tilespmem:$0x1A800] =	vst v63  }
0x530: {  	_ =	swait.ge [sflag:s10], $0x6400  }
0x531: {  	s1 =	sld [smem:$0x7E5]  }
0x532: {  	[sflag:s10] =	ssyncset.done $0x0  }
0x533: {  	s28 =	sld [smem:$0x7E6];
	[sflag:s10] =	ssyncadd.s32 $0xFFFF9C00  }
0x534: {  	[tilespmem:s16], [sflag:$0x4] =	stream.indirect.gather [hbm4b:s3+s7], $0x80, s1, s7, $0xb8;
	[tilespmem:$0x1A800] =	vst v63  }
0x535: {  	_ = 	snop  }
0x536: {  	[tilespmem:s17], [sflag:$0x4] =	stream.indirect.gather [hbm4b:s3+s8], $0x80, s28, s8, $0xb8;
	[tilespmem:$0x1A800] =	vst v63  }
0x537: {  	_ =	swait.ge [sflag:s14], $0x3000  }
0x538: {  	[sflag:s14] =	ssyncset.done $0x0  }
0x539: {  	[sflag:s14] =	ssyncadd.s32 $0xFFFFD000  }
0x53a: {  	_ =	swait.ge [sflag:s14], $0x2F00  }
0x53b: {  	[sflag:s14] =	ssyncset.done $0x0  }
0x53c: {  	s29 =	rddreg [dreg:$0x17];
	[sflag:s14] =	ssyncadd.s32 $0xFFFFD100  }
0x53d: {  	[hbm4b:s29+s2] =	stream.linear.scatter [tilespmem:s5], [sflag:$0x7], $0x6400, $0x38;
	[tilespmem:$0x1A800] =	vst v63  }
0x53e: {  	_ =	swait.ge [sflag:s15], $0x6400  }
0x53f: {  	s30 =	sld [smem:$0x7E7]  }
0x540: {  	[sflag:s15] =	ssyncset.done $0x0  }
0x541: {  	s31 =	sld [smem:$0x7E8];
	[sflag:s15] =	ssyncadd.s32 $0xFFFF9C00  }
0x542: {  	[tilespmem:s24], [sflag:$0x1] =	stream.indirect.gather [hbm4b:s3+s7], $0x80, s30, s7, $0xb8;
	[tilespmem:$0x1A800] =	vst v63  }
0x543: {  	_ = 	snop  }
0x544: {  	[tilespmem:s26], [sflag:$0x1] =	stream.indirect.gather [hbm4b:s3+s8], $0x80, s31, s8, $0xb8;
	[tilespmem:$0x1A800] =	vst v63  }
0x545: {  	_ =	swait.ge [sflag:s13], $0x3000  }
0x546: {  	[sflag:s13] =	ssyncset.done $0x0  }
0x547: {  	[sflag:s13] =	ssyncadd.s32 $0xFFFFD000  }
0x548: {  	_ =	swait.ge [sflag:s13], $0x2F00  }
0x549: {  	[sflag:s13] =	ssyncset.done $0x0  }
0x54a: {  	s28 =	rddreg [dreg:$0x18];
	[sflag:s13] =	ssyncadd.s32 $0xFFFFD100  }
0x54b: {  	[hbm4b:s28+s2] =	stream.linear.scatter [tilespmem:s4], [sflag:$0x8], $0x6400, $0x38;
	[tilespmem:$0x1A800] =	vst v63  }
0x54c: {  	_ =	swait.ge [sflag:s12], $0x6400  }
0x54d: {  	s29 =	sld [smem:$0x7E9]  }
0x54e: {  	[sflag:s12] =	ssyncset.done $0x0  }
0x54f: {  	s30 =	sld [smem:$0x7EA];
	[sflag:s12] =	ssyncadd.s32 $0xFFFF9C00  }
0x550: {  	[tilespmem:s22], [sflag:$0x2] =	stream.indirect.gather [hbm4b:s3+s7], $0x80, s29, s7, $0xb8;
	[tilespmem:$0x1A800] =	vst v63  }
0x551: {  	_ = 	snop  }
0x552: {  	[tilespmem:s23], [sflag:$0x2] =	stream.indirect.gather [hbm4b:s3+s8], $0x80, s30, s8, $0xb8;
	[tilespmem:$0x1A800] =	vst v63  }
0x553: {  	_ =	swait.ge [sflag:s20], $0x3000  }
0x554: {  	[sflag:s20] =	ssyncset.done $0x0  }
0x555: {  	[sflag:s20] =	ssyncadd.s32 $0xFFFFD000  }
0x556: {  	_ =	swait.ge [sflag:s20], $0x2F00  }
0x557: {  	[sflag:s20] =	ssyncset.done $0x0  }
0x558: {  	s31 =	rddreg [dreg:$0x19];
	[sflag:s20] =	ssyncadd.s32 $0xFFFFD100  }
0x559: {  	[hbm4b:s31+s2] =	stream.linear.scatter [tilespmem:s9], [sflag:$0x5], $0x6400, $0x38;
	[tilespmem:$0x1A800] =	vst v63  }
0x55a: {  	_ =	swait.ge [sflag:s11], $0x6400  }
0x55b: {  	s1 =	sld [smem:$0x7EB]  }
0x55c: {  	[sflag:s11] =	ssyncset.done $0x0  }
0x55d: {  	s28 =	sld [smem:$0x7EC];
	[sflag:s11] =	ssyncadd.s32 $0xFFFF9C00  }
0x55e: {  	[tilespmem:s19], [sflag:$0x3] =	stream.indirect.gather [hbm4b:s3+s7], $0x80, s1, s7, $0xb8;
	[tilespmem:$0x1A800] =	vst v63  }
0x55f: {  	_ = 	snop  }
0x560: {  	[tilespmem:s21], [sflag:$0x3] =	stream.indirect.gather [hbm4b:s3+s8], $0x80, s28, s8, $0xb8;
	[tilespmem:$0x1A800] =	vst v63  }
0x561: {  	_ =	swait.ge [sflag:s18], $0x3000  }
0x562: {  	[sflag:s18] =	ssyncset.done $0x0  }
0x563: {  	[sflag:s18] =	ssyncadd.s32 $0xFFFFD000  }
0x564: {  	_ =	swait.ge [sflag:s18], $0x2F00  }
0x565: {  	[sflag:s18] =	ssyncset.done $0x0  }
0x566: {  	s29 =	rddreg [dreg:$0x1a];
	[sflag:s18] =	ssyncadd.s32 $0xFFFFD100  }
0x567: {  	[hbm4b:s29+s2] =	stream.linear.scatter [tilespmem:s6], [sflag:$0x6], $0x6400, $0x38;
	[tilespmem:$0x1A800] =	vst v63  }
0x568: {  	_ =	swait.ge [sflag:s10], $0x6400  }
0x569: {  	s30 =	sld [smem:$0x7ED]  }
0x56a: {  	[sflag:s10] =	ssyncset.done $0x0  }
0x56b: {  	s31 =	sld [smem:$0x7EE];
	[sflag:s10] =	ssyncadd.s32 $0xFFFF9C00  }
0x56c: {  	[tilespmem:s16], [sflag:$0x4] =	stream.indirect.gather [hbm4b:s3+s7], $0x80, s30, s7, $0xb8;
	[tilespmem:$0x1A800] =	vst v63  }
0x56d: {  	_ = 	snop  }
0x56e: {  	[tilespmem:s17], [sflag:$0x4] =	stream.indirect.gather [hbm4b:s3+s8], $0x80, s31, s8, $0xb8;
	[tilespmem:$0x1A800] =	vst v63  }
0x56f: {  	_ =	swait.ge [sflag:s14], $0x3000  }
0x570: {  	[sflag:s14] =	ssyncset.done $0x0  }
0x571: {  	[sflag:s14] =	ssyncadd.s32 $0xFFFFD000  }
0x572: {  	_ =	swait.ge [sflag:s14], $0x2F00  }
0x573: {  	[sflag:s14] =	ssyncset.done $0x0  }
0x574: {  	s28 =	rddreg [dreg:$0x1b];
	[sflag:s14] =	ssyncadd.s32 $0xFFFFD100  }
0x575: {  	[hbm4b:s28+s2] =	stream.linear.scatter [tilespmem:s5], [sflag:$0x7], $0x6400, $0x38;
	[tilespmem:$0x1A800] =	vst v63  }
0x576: {  	_ =	swait.ge [sflag:s15], $0x6400  }
0x577: {  	s29 =	sld [smem:$0x7EF]  }
0x578: {  	[sflag:s15] =	ssyncset.done $0x0  }
0x579: {  	s30 =	sld [smem:$0x7F0];
	[sflag:s15] =	ssyncadd.s32 $0xFFFF9C00  }
0x57a: {  	[tilespmem:s24], [sflag:$0x1] =	stream.indirect.gather [hbm4b:s3+s7], $0x80, s29, s7, $0xb8;
	[tilespmem:$0x1A800] =	vst v63  }
0x57b: {  	_ = 	snop  }
0x57c: {  	[tilespmem:s26], [sflag:$0x1] =	stream.indirect.gather [hbm4b:s3+s8], $0x80, s30, s8, $0xb8;
	[tilespmem:$0x1A800] =	vst v63  }
0x57d: {  	_ =	swait.ge [sflag:s13], $0x3000  }
0x57e: {  	[sflag:s13] =	ssyncset.done $0x0  }
0x57f: {  	[sflag:s13] =	ssyncadd.s32 $0xFFFFD000  }
0x580: {  	_ =	swait.ge [sflag:s13], $0x2F00  }
0x581: {  	[sflag:s13] =	ssyncset.done $0x0  }
0x582: {  	s31 =	rddreg [dreg:$0x1c];
	[sflag:s13] =	ssyncadd.s32 $0xFFFFD100  }
0x583: {  	[hbm4b:s31+s2] =	stream.linear.scatter [tilespmem:s4], [sflag:$0x8], $0x6400, $0x38;
	[tilespmem:$0x1A800] =	vst v63  }
0x584: {  	_ =	swait.ge [sflag:s12], $0x6400  }
0x585: {  	s1 =	sld [smem:$0x7F1]  }
0x586: {  	[sflag:s12] =	ssyncset.done $0x0  }
0x587: {  	s28 =	sld [smem:$0x7F2];
	[sflag:s12] =	ssyncadd.s32 $0xFFFF9C00  }
0x588: {  	[tilespmem:s22], [sflag:$0x2] =	stream.indirect.gather [hbm4b:s3+s7], $0x80, s1, s7, $0xb8;
	[tilespmem:$0x1A800] =	vst v63  }
0x589: {  	_ = 	snop  }
0x58a: {  	[tilespmem:s23], [sflag:$0x2] =	stream.indirect.gather [hbm4b:s3+s8], $0x80, s28, s8, $0xb8;
	[tilespmem:$0x1A800] =	vst v63  }
0x58b: {  	_ =	swait.ge [sflag:s20], $0x3000  }
0x58c: {  	[sflag:s20] =	ssyncset.done $0x0  }
0x58d: {  	[sflag:s20] =	ssyncadd.s32 $0xFFFFD000  }
0x58e: {  	_ =	swait.ge [sflag:s20], $0x2F00  }
0x58f: {  	[sflag:s20] =	ssyncset.done $0x0  }
0x590: {  	s29 =	rddreg [dreg:$0x1d];
	[sflag:s20] =	ssyncadd.s32 $0xFFFFD100  }
0x591: {  	[hbm4b:s29+s2] =	stream.linear.scatter [tilespmem:s9], [sflag:$0x5], $0x6400, $0x38;
	[tilespmem:$0x1A800] =	vst v63  }
0x592: {  	_ =	swait.ge [sflag:s11], $0x6400  }
0x593: {  	s30 =	sld [smem:$0x7F3]  }
0x594: {  	[sflag:s11] =	ssyncset.done $0x0  }
0x595: {  	s31 =	sld [smem:$0x7F4];
	[sflag:s11] =	ssyncadd.s32 $0xFFFF9C00  }
0x596: {  	[tilespmem:s19], [sflag:$0x3] =	stream.indirect.gather [hbm4b:s3+s7], $0x80, s30, s7, $0xb8;
	[tilespmem:$0x1A800] =	vst v63  }
0x597: {  	_ = 	snop  }
0x598: {  	[tilespmem:s21], [sflag:$0x3] =	stream.indirect.gather [hbm4b:s3+s8], $0x80, s31, s8, $0xb8;
	[tilespmem:$0x1A800] =	vst v63  }
0x599: {  	_ =	swait.ge [sflag:s18], $0x3000  }
0x59a: {  	[sflag:s18] =	ssyncset.done $0x0  }
0x59b: {  	[sflag:s18] =	ssyncadd.s32 $0xFFFFD000  }
0x59c: {  	_ =	swait.ge [sflag:s18], $0x2F00  }
0x59d: {  	[sflag:s18] =	ssyncset.done $0x0  }
0x59e: {  	s28 =	rddreg [dreg:$0x1e];
	[sflag:s18] =	ssyncadd.s32 $0xFFFFD100  }
0x59f: {  	[hbm4b:s28+s2] =	stream.linear.scatter [tilespmem:s6], [sflag:$0x6], $0x6400, $0x38;
	[tilespmem:$0x1A800] =	vst v63  }
0x5a0: {  	_ =	swait.ge [sflag:s10], $0x6400  }
0x5a1: {  	s29 =	sld [smem:$0x7F5]  }
0x5a2: {  	[sflag:s10] =	ssyncset.done $0x0  }
0x5a3: {  	s30 =	sld [smem:$0x7F6];
	[sflag:s10] =	ssyncadd.s32 $0xFFFF9C00  }
0x5a4: {  	[tilespmem:s16], [sflag:$0x4] =	stream.indirect.gather [hbm4b:s3+s7], $0x80, s29, s7, $0xb8;
	[tilespmem:$0x1A800] =	vst v63  }
0x5a5: {  	_ = 	snop  }
0x5a6: {  	[tilespmem:s17], [sflag:$0x4] =	stream.indirect.gather [hbm4b:s3+s8], $0x80, s30, s8, $0xb8;
	[tilespmem:$0x1A800] =	vst v63  }
0x5a7: {  	_ =	swait.ge [sflag:s14], $0x3000  }
0x5a8: {  	[sflag:s14] =	ssyncset.done $0x0  }
0x5a9: {  	[sflag:s14] =	ssyncadd.s32 $0xFFFFD000  }
0x5aa: {  	_ =	swait.ge [sflag:s14], $0x2F00  }
0x5ab: {  	[sflag:s14] =	ssyncset.done $0x0  }
0x5ac: {  	s31 =	rddreg [dreg:$0x1f];
	[sflag:s14] =	ssyncadd.s32 $0xFFFFD100  }
0x5ad: {  	[hbm4b:s31+s2] =	stream.linear.scatter [tilespmem:s5], [sflag:$0x7], $0x6400, $0x38;
	[tilespmem:$0x1A800] =	vst v63  }
0x5ae: {  	_ =	swait.ge [sflag:s15], $0x6400  }
0x5af: {  	s1 =	sld [smem:$0x7F7]  }
0x5b0: {  	[sflag:s15] =	ssyncset.done $0x0  }
0x5b1: {  	s28 =	sld [smem:$0x7F8];
	[sflag:s15] =	ssyncadd.s32 $0xFFFF9C00  }
0x5b2: {  	[tilespmem:s24], [sflag:$0x1] =	stream.indirect.gather [hbm4b:s3+s7], $0x80, s1, s7, $0xb8;
	[tilespmem:$0x1A800] =	vst v63  }
0x5b3: {  	_ = 	snop  }
0x5b4: {  	[tilespmem:s26], [sflag:$0x1] =	stream.indirect.gather [hbm4b:s3+s8], $0x80, s28, s8, $0xb8;
	[tilespmem:$0x1A800] =	vst v63  }
0x5b5: {  	_ =	swait.ge [sflag:s13], $0x3000  }
0x5b6: {  	[sflag:s13] =	ssyncset.done $0x0  }
0x5b7: {  	[sflag:s13] =	ssyncadd.s32 $0xFFFFD000  }
0x5b8: {  	_ =	swait.ge [sflag:s13], $0x2F00  }
0x5b9: {  	s29 =	sld [smem:$0x7BC]  }
0x5ba: {  	[sflag:s13] =	ssyncset.done $0x0  }
0x5bb: {  	[sflag:s13] =	ssyncadd.s32 $0xFFFFD100  }
0x5bc: {  	[hbm4b:s29+s2] =	stream.linear.scatter [tilespmem:s4], [sflag:$0x8], $0x6400, $0x38;
	[tilespmem:$0x1A800] =	vst v63  }
0x5bd: {  	_ =	swait.ge [sflag:s12], $0x6400  }
0x5be: {  	s30 =	sld [smem:$0x7F9]  }
0x5bf: {  	[sflag:s12] =	ssyncset.done $0x0  }
0x5c0: {  	s31 =	sld [smem:$0x7FA];
	[sflag:s12] =	ssyncadd.s32 $0xFFFF9C00  }
0x5c1: {  	[tilespmem:s22], [sflag:$0x2] =	stream.indirect.gather [hbm4b:s3+s7], $0x80, s30, s7, $0xb8;
	[tilespmem:$0x1A800] =	vst v63  }
0x5c2: {  	_ = 	snop  }
0x5c3: {  	[tilespmem:s23], [sflag:$0x2] =	stream.indirect.gather [hbm4b:s3+s8], $0x80, s31, s8, $0xb8;
	[tilespmem:$0x1A800] =	vst v63  }
0x5c4: {  	_ =	swait.ge [sflag:s20], $0x3000  }
0x5c5: {  	[sflag:s20] =	ssyncset.done $0x0  }
0x5c6: {  	[sflag:s20] =	ssyncadd.s32 $0xFFFFD000  }
0x5c7: {  	_ =	swait.ge [sflag:s20], $0x2F00  }
0x5c8: {  	s22 =	sld [smem:$0x7BD]  }
0x5c9: {  	[sflag:s20] =	ssyncset.done $0x0  }
0x5ca: {  	[sflag:s20] =	ssyncadd.s32 $0xFFFFD100  }
0x5cb: {  	[hbm4b:s22+s2] =	stream.linear.scatter [tilespmem:s9], [sflag:$0x5], $0x6400, $0x38;
	[tilespmem:$0x1A800] =	vst v63  }
0x5cc: {  	_ =	swait.ge [sflag:s11], $0x6400  }
0x5cd: {  	s23 =	sld [smem:$0x7FB]  }
0x5ce: {  	[sflag:s11] =	ssyncset.done $0x0  }
0x5cf: {  	s24 =	sld [smem:$0x7FC];
	[sflag:s11] =	ssyncadd.s32 $0xFFFF9C00  }
0x5d0: {  	[tilespmem:s19], [sflag:$0x3] =	stream.indirect.gather [hbm4b:s3+s7], $0x80, s23, s7, $0xb8;
	[tilespmem:$0x1A800] =	vst v63  }
0x5d1: {  	_ = 	snop  }
0x5d2: {  	[tilespmem:s21], [sflag:$0x3] =	stream.indirect.gather [hbm4b:s3+s8], $0x80, s24, s8, $0xb8;
	[tilespmem:$0x1A800] =	vst v63  }
0x5d3: {  	_ =	swait.ge [sflag:s18], $0x3000  }
0x5d4: {  	[sflag:s18] =	ssyncset.done $0x0  }
0x5d5: {  	[sflag:s18] =	ssyncadd.s32 $0xFFFFD000  }
0x5d6: {  	_ =	swait.ge [sflag:s18], $0x2F00  }
0x5d7: {  	s26 =	sld [smem:$0x7BE]  }
0x5d8: {  	[sflag:s18] =	ssyncset.done $0x0  }
0x5d9: {  	[sflag:s18] =	ssyncadd.s32 $0xFFFFD100  }
0x5da: {  	[hbm4b:s26+s2] =	stream.linear.scatter [tilespmem:s6], [sflag:$0x6], $0x6400, $0x38;
	[tilespmem:$0x1A800] =	vst v63  }
0x5db: {  	_ =	swait.ge [sflag:s10], $0x6400  }
0x5dc: {  	s28 =	sld [smem:$0x7FD]  }
0x5dd: {  	[sflag:s10] =	ssyncset.done $0x0  }
0x5de: {  	[sflag:s10] =	ssyncadd.s32 $0xFFFF9C00  }
0x5df: {  	[tilespmem:s16], [sflag:$0x4] =	stream.indirect.gather [hbm4b:s3+s7], $0x80, s28, s7, $0xb8;
	[tilespmem:$0x1A800] =	vst v63  }
0x5e0: {  	s29 =	simm.s32 $0x17A0  }
0x5e1: {  	[tilespmem:s17], [sflag:$0x4] =	stream.indirect.gather [hbm4b:s3+s8], $0x80, s29, s8, $0xb8;
	[tilespmem:$0x1A800] =	vst v63  }
0x5e2: {  	_ =	swait.ge [sflag:s14], $0x3000  }
0x5e3: {  	[sflag:s14] =	ssyncset.done $0x0  }
0x5e4: {  	[sflag:s14] =	ssyncadd.s32 $0xFFFFD000  }
0x5e5: {  	_ =	swait.ge [sflag:s14], $0x2F00  }
0x5e6: {  	s30 =	sld [smem:$0x7BF]  }
0x5e7: {  	[sflag:s14] =	ssyncset.done $0x0  }
0x5e8: {  	[sflag:s14] =	ssyncadd.s32 $0xFFFFD100  }
0x5e9: {  	[hbm4b:s30+s2] =	stream.linear.scatter [tilespmem:s5], [sflag:$0x7], $0x6400, $0x38;
	[tilespmem:$0x1A800] =	vst v63  }
0x5ea: {  	_ =	swait.ge [sflag:s15], $0x6400  }
0x5eb: {  	[sflag:s15] =	ssyncset.done $0x0  }
0x5ec: {  	[sflag:s15] =	ssyncadd.s32 $0xFFFF9C00  }
0x5ed: {  	_ =	swait.ge [sflag:s13], $0x3000  }
0x5ee: {  	[sflag:s13] =	ssyncset.done $0x0  }
0x5ef: {  	[sflag:s13] =	ssyncadd.s32 $0xFFFFD000  }
0x5f0: {  	_ =	swait.ge [sflag:s13], $0x2F00  }
0x5f1: {  	s31 =	sld [smem:$0x7C0]  }
0x5f2: {  	[sflag:s13] =	ssyncset.done $0x0  }
0x5f3: {  	[sflag:s13] =	ssyncadd.s32 $0xFFFFD100  }
0x5f4: {  	[hbm4b:s31+s2] =	stream.linear.scatter [tilespmem:s4], [sflag:$0x8], $0x6400, $0x38;
	[tilespmem:$0x1A800] =	vst v63  }
0x5f5: {  	_ =	swait.ge [sflag:s12], $0x6400  }
0x5f6: {  	[sflag:s12] =	ssyncset.done $0x0  }
0x5f7: {  	[sflag:s12] =	ssyncadd.s32 $0xFFFF9C00  }
0x5f8: {  	_ =	swait.ge [sflag:s11], $0x6400  }
0x5f9: {  	[sflag:s11] =	ssyncset.done $0x0  }
0x5fa: {  	[sflag:s11] =	ssyncadd.s32 $0xFFFF9C00  }
0x5fb: {  	_ =	swait.ge [sflag:s10], $0x6400  }
0x5fc: {  	[sflag:s10] =	ssyncset.done $0x0  }
0x5fd: {  	[sflag:s10] =	ssyncadd.s32 $0xFFFF9C00  }
0x5fe: {  	_ =	sfence.sel $0x180000  }
0x5ff: {  	[bflag:$0x0] =	sbarrier.arrive $0xFFFF  }
0x600: {  	_ =	strace $0x90000047  }
0x601: {  	[bflag:$0x2] =	sbarrier.arrive $0xFFFF  }
0x602: {  	p0 =	sne.s32 s25, $0x0;
	s0 =	rddreg [dreg:$0x4]  }
0x603: {  	s0 =	sadd.s32 @!p0 $0x100000, s0  }
0x604: {  	[sflag:s0] =	ssyncadd.tile.s32 @!p0 $0x1;
	_ =	shalt  }
.LBB2_2:
.Ltmp3:
0x605: {  	(pc) =	sbr.rel .LBB2_5-.Ltmp3, $2  }
0x606: {  	_ =	sdelay $0x2  }
0x607: {  	s25 =	stileid.u32  }
.Lfunc_end2:
_tile_overlayer_lowered:
.L_overlay_start_2:
0x608: {  	(tag) =	ssettag $0x2  }
0x609: {  	s0 =	rddreg [dreg:$0x0];
	s2 =	stileid.u32  }
0x60a: {  	s1 =	rddreg [dreg:$0x1];
	p0 =	sne.s32 s2, $0x0  }
0x60b: {  	s3 =	rddreg [dreg:$0x2];
	[bflag:$0x3] =	sbarrier.arrive $0xFFFF;
	s2 =	simm.s32 @!p0 $0x1C0A  }
0x60c: {  	[timem:s3], [sflag:s2] =	dma.local @!p0 [hbm:s0], s1  }
0x60d: {  	s0 =	simm.s32 @!p0 $0xA  }
0x60e: {  	_ =	swait.ge @!p0 [sflag:s0], s1  }
0x60f: {  	s1 =	ssub.s32 @!p0 $0x0, s1;
	[sflag:s0] =	ssyncset.done @!p0 $0x0  }
0x610: {  	[sflag:s0] =	ssyncadd.s32 @!p0 s1  }
0x611: {  	[bflag:$0x3] =	sbarrier.arrive $0xFFFF  }
0x612: {  	_ =	shalt  }

</sc_bundles>
